<compile_context>
chip_gen: v7x
topology: tpu7x:2x2x1
jax: 0.10.2.dev20260603
libtpu: 0.0.44.dev20260713+nightly
codegen_flags: <defaults>
</compile_context>

<pallas_src>
import functools

import jax
import jax.numpy as jnp
from jax import lax
from jax.experimental import pallas as pl
from jax.experimental.pallas import tpu as pltpu
from jax.experimental.pallas import tpu_sc as plsc

N_NODES = 10000
N_PAD = 10240
N_EDGES = 320000
CH = 128

NC, NS = 2, 16
NW = NC * NS
C = 128
E_PAD = 327680
EPT = E_PAD // NW
NCH = EPT // C
NB = 2
KCH = 16
NGRP = NCH // KCH
ROWS_PER_TILE = N_PAD // NS
DUMMY = N_PAD - 1


DCH = CH


def _fill_vmem(ref, rows, width, val):
    v = jnp.full((16,), val, jnp.float32)

    def body(i, _):
        for k in range(width // 16):
            ref[i, pl.ds(k * 16, 16)] = v
        return 0

    lax.fori_loop(0, rows, body, 0)


def _zero_acc_slice(buf, acc, s, width):
    _fill_vmem(buf, C, width, 0.0)
    for r in range(ROWS_PER_TILE // C):
        pltpu.sync_copy(buf, acc.at[pl.ds(s * ROWS_PER_TILE + r * C, C)])


def _deg_body(dst_hbm, out_hbm, dst_v, ones_v, acc):
    c = lax.axis_index("c")
    s = lax.axis_index("s")
    g = c * NS + s

    pltpu.sync_copy(dst_hbm.at[g], dst_v)
    _zero_acc_slice(ones_v, acc, s, DCH)
    _fill_vmem(ones_v, C, DCH, 1.0)
    plsc.subcore_barrier()

    def scat(j, _):
        pltpu.sync_copy(ones_v, acc.at[dst_v.at[j]], add=True)
        return 0

    lax.fori_loop(0, NCH, scat, 0)
    plsc.subcore_barrier()

    pltpu.sync_copy(acc.at[pl.ds(s * ROWS_PER_TILE, ROWS_PER_TILE)],
                    out_hbm.at[g])


def _agg_body(t_hbm, src_hbm, dst_hbm, out_hbm, src_v, dst_v,
              b0, b1, sem_g, sem_s0, sem_s1, acc):
    c = lax.axis_index("c")
    s = lax.axis_index("s")
    g = c * NS + s
    bufs = [b0, b1]
    sems = [sem_s0, sem_s1]

    _zero_acc_slice(b0, acc, s, CH)
    plsc.subcore_barrier()

    def group(k, _):
        pltpu.sync_copy(src_hbm.at[g, pl.ds(k * KCH, KCH)], src_v)
        pltpu.sync_copy(dst_hbm.at[g, pl.ds(k * KCH, KCH)], dst_v)

        pltpu.async_copy(t_hbm.at[src_v.at[0]], bufs[0], sem_g)
        for j in range(KCH):
            b = j % 2
            ob = 1 - b
            pltpu.make_async_copy(t_hbm.at[src_v.at[0]],
                                  bufs[b], sem_g).wait()
            pltpu.async_copy(bufs[b], acc.at[dst_v.at[j]], sems[b],
                             add=True)
            if j >= 1:
                pltpu.make_async_copy(bufs[ob], acc.at[dst_v.at[0]],
                                      sems[ob]).wait()
            jn = j + 1 if j + 1 < KCH else KCH - 1
            pltpu.async_copy(t_hbm.at[src_v.at[jn]], bufs[ob], sem_g)

        pltpu.make_async_copy(t_hbm.at[src_v.at[0]], bufs[0], sem_g).wait()
        pltpu.make_async_copy(bufs[1], acc.at[dst_v.at[0]],
                              sems[1]).wait()
        return 0

    lax.fori_loop(0, NGRP, group, 0)
    plsc.subcore_barrier()

    pltpu.sync_copy(acc.at[pl.ds(s * ROWS_PER_TILE, ROWS_PER_TILE)],
                    out_hbm.at[g])


@functools.cache
def _sc_kernels():
    mesh = plsc.VectorSubcoreMesh(
        core_axis_name="c", subcore_axis_name="s",
        num_cores=NC, num_subcores=NS)
    out_sds = jax.ShapeDtypeStruct((NW, ROWS_PER_TILE, CH), jnp.float32)
    deg_kernel = pl.kernel(
        _deg_body,
        out_type=jax.ShapeDtypeStruct((NW, ROWS_PER_TILE, DCH), jnp.float32),
        mesh=mesh,
        scratch_types=[
            pltpu.VMEM((NCH, C), jnp.int32),
            pltpu.VMEM((C, DCH), jnp.float32),
            pltpu.VMEM_SHARED((N_PAD, DCH), jnp.float32),
        ],
    )
    agg_kernel = pl.kernel(
        _agg_body,
        out_type=out_sds,
        mesh=mesh,
        scratch_types=[
            pltpu.VMEM((KCH, C), jnp.int32),
            pltpu.VMEM((KCH, C), jnp.int32),
            pltpu.VMEM((C, CH), jnp.float32),
            pltpu.VMEM((C, CH), jnp.float32),
            pltpu.SemaphoreType.DMA,
            pltpu.SemaphoreType.DMA,
            pltpu.SemaphoreType.DMA,
            pltpu.VMEM_SHARED((N_PAD, CH), jnp.float32),
        ],
    )
    return deg_kernel, agg_kernel


BLK = 1024
GRID = N_PAD // BLK


def _dinv_from(deg_ref):
    d = deg_ref[0, :, 0:1] + deg_ref[1, :, 0:1] + 1.0
    return lax.rsqrt(d)


def _tc_a_body(x_ref, w_ref, deg_ref, o_ref):
    dinv = _dinv_from(deg_ref)
    h = jnp.dot(x_ref[...], w_ref[...], preferred_element_type=jnp.float32)
    o_ref[...] = h * dinv


def _tc_b_body(agg_ref, t_ref, deg_ref, w_ref, b_ref, o_ref):
    dinv = _dinv_from(deg_ref)
    z = (agg_ref[0] + agg_ref[1] + t_ref[...]) * dinv + b_ref[...]
    m = jnp.max(z, axis=1, keepdims=True)
    e = jnp.exp(z - m)
    p = e / jnp.sum(e, axis=1, keepdims=True)
    h = jnp.dot(p, w_ref[...], preferred_element_type=jnp.float32)
    o_ref[...] = h * dinv


def _tc_c_body(agg_ref, t_ref, deg_ref, b_ref, o_ref):
    dinv = _dinv_from(deg_ref)
    o_ref[...] = (agg_ref[0] + agg_ref[1] + t_ref[...]) * dinv + b_ref[...]


_row_spec = pl.BlockSpec((BLK, CH), lambda i: (i, 0))
_agg_spec = pl.BlockSpec((NC, BLK, CH), lambda i: (0, i, 0))
_deg_spec = pl.BlockSpec((NC, BLK, DCH), lambda i: (0, i, 0))
_w_spec = pl.BlockSpec((CH, CH), lambda i: (0, 0))
_b_spec = pl.BlockSpec((1, CH), lambda i: (0, 0))
_out_sds = jax.ShapeDtypeStruct((N_PAD, CH), jnp.float32)

_tc_a = pl.pallas_call(
    _tc_a_body, grid=(GRID,),
    in_specs=[_row_spec, _w_spec, _deg_spec],
    out_specs=_row_spec, out_shape=_out_sds)

_tc_b = pl.pallas_call(
    _tc_b_body, grid=(GRID,),
    in_specs=[_agg_spec, _row_spec, _deg_spec, _w_spec, _b_spec],
    out_specs=_row_spec, out_shape=_out_sds)

_tc_c = pl.pallas_call(
    _tc_c_body, grid=(GRID,),
    in_specs=[_agg_spec, _row_spec, _deg_spec, _b_spec],
    out_specs=_row_spec, out_shape=_out_sds)


@jax.jit
def kernel(x, edge_index, W1, b1, W2, b2):
    _deg_kernel, _agg_kernel = _sc_kernels()
    src = edge_index[0].astype(jnp.int32)
    dst = edge_index[1].astype(jnp.int32)
    pad = jnp.full((E_PAD - N_EDGES,), DUMMY, jnp.int32)
    src3 = jnp.concatenate([src, pad]).reshape(NW, NCH, C)
    dst3 = jnp.concatenate([dst, pad]).reshape(NW, NCH, C)

    x_p = jnp.pad(x, ((0, N_PAD - N_NODES), (0, 0)))
    b1r = b1.reshape(1, CH)
    b2r = b2.reshape(1, CH)

    degp = _deg_kernel(dst3).reshape(NC, N_PAD, DCH)
    t1 = _tc_a(x_p, W1, degp)
    agg1 = _agg_kernel(t1, src3, dst3).reshape(NC, N_PAD, CH)
    t2 = _tc_b(agg1, t1, degp, W2, b1r)
    agg2 = _agg_kernel(t2, src3, dst3).reshape(NC, N_PAD, CH)
    out = _tc_c(agg2, t2, degp, b2r)
    return out[:N_NODES]

# --- scband reference (transcript-rebuilt; emitter-appended) ---
"""Pipeline reference for scband-node-gcn-5798205849977 (READ-ONLY COPY).

The authoritative reference and input builder live on the scoring server;
editing this copy changes nothing except your own understanding.
"""

import jax, jax.numpy as jnp
import numpy as np

N_NODES = 10000
N_EDGES = 320000
IN_CH = 128
HID_CH = 128
OUT_CH = 128


def setup_inputs(seed: int = 0) -> dict:
    key = jax.random.key(seed)
    k1, k2, k3, k4, k5, k6 = jax.random.split(key, 6)
    x = jax.random.normal(k1, (N_NODES, IN_CH), dtype=jnp.float32)
    edge_index = jax.random.randint(k2, (2, N_EDGES), 0, N_NODES, dtype=jnp.int64)
    # GCNConv layer 1 params (weight stored as [in, out] for x @ W)
    W1 = jax.random.normal(k3, (IN_CH, HID_CH), dtype=jnp.float32) * (1.0 / np.sqrt(IN_CH))
    b1 = jnp.zeros((HID_CH,), dtype=jnp.float32)
    # GCNConv layer 2 params
    W2 = jax.random.normal(k4, (HID_CH, OUT_CH), dtype=jnp.float32) * (1.0 / np.sqrt(HID_CH))
    b2 = jnp.zeros((OUT_CH,), dtype=jnp.float32)
    return {"x": x, "edge_index": edge_index, "W1": W1, "b1": b1, "W2": W2, "b2": b2}


def gcn_conv(x, edge_index, W, b, num_nodes):
    # Faithful PyG GCNConv: add self-loops, symmetric normalization, x @ W, scatter-add, + bias
    src = edge_index[0]
    dst = edge_index[1]
    loop = jnp.arange(num_nodes, dtype=edge_index.dtype)
    src = jnp.concatenate([src, loop])
    dst = jnp.concatenate([dst, loop])
    ones = jnp.ones(src.shape[0], dtype=x.dtype)
    deg = jnp.zeros((num_nodes,), dtype=x.dtype).at[dst].add(ones)
    deg_inv_sqrt = jnp.where(deg > 0, jax.lax.rsqrt(jnp.where(deg > 0, deg, 1.0)), 0.0)
    norm = deg_inv_sqrt[src] * deg_inv_sqrt[dst]
    h = x @ W
    msg = h[src] * norm[:, None]
    out = jnp.zeros((num_nodes, W.shape[1]), dtype=x.dtype).at[dst].add(msg)
    return out + b


def reference(x, edge_index, W1, b1, W2, b2):
    h = gcn_conv(x, edge_index, W1, b1, N_NODES)
    h = jax.nn.softmax(h, axis=1)
    out = gcn_conv(h, edge_index, W2, b2, N_NODES)
    return out

if __name__ == "__main__":
    import jax
    _d = setup_inputs()
    print(jax.jit(kernel)(*tuple(_d.values())))

</pallas_src>

<mosaic_0001>
#map = affine_map<(d0, d1) -> (0, 0)>
#map1 = affine_map<(d0, d1) -> (0, 0, 0)>
module attributes {stable_mosaic.version = 14 : i64} {
  func.func @_agg_body(%arg0: i32, %arg1: i32, %arg2: memref<10240x128xf32, #tpu.memory_space<hbm>>, %arg3: memref<32x80x128xi32, #tpu.memory_space<hbm>>, %arg4: memref<32x80x128xi32, #tpu.memory_space<hbm>>, %arg5: memref<32x640x128xf32, #tpu.memory_space<hbm>>, %arg6: memref<16x128xi32, #tpu.memory_space<vmem>>, %arg7: memref<16x128xi32, #tpu.memory_space<vmem>>, %arg8: memref<128x128xf32, #tpu.memory_space<vmem>>, %arg9: memref<128x128xf32, #tpu.memory_space<vmem>>, %arg10: memref<!tpu.dma_semaphore, #tpu.memory_space<semaphore_mem>>, %arg11: memref<!tpu.dma_semaphore, #tpu.memory_space<semaphore_mem>>, %arg12: memref<!tpu.dma_semaphore, #tpu.memory_space<semaphore_mem>>, %arg13: memref<10240x128xf32, #tpu.memory_space<vmem_shared>>) attributes {dimension_semantics = [#tpu.dimension_semantics<core_parallel>, #tpu.dimension_semantics<subcore_parallel>], iteration_bounds = array<i64: 2, 16>, scalar_prefetch = 0 : i64, scratch_operands = 8 : i64, tpu.core_type = #tpu.core_type<sc_vector_subcore>, window_params = [{transform_indices = #map}, {transform_indices = #map1}, {transform_indices = #map1}, {transform_indices = #map1}]} {
    %mul3A = arith.constant 16 : i32
    %mul3A_0 = arith.muli %arg0, %mul3A : i32
    %add3A = arith.addi %mul3A_0, %arg1 : i32
    %broadcast_in_dim3A = arith.constant 0.000000e+00 : f32
    %broadcast_in_dim3A_1 = vector.broadcast %broadcast_in_dim3A : f32 to vector<16xf32>
    %scan3A = arith.constant 0 : i32
    %scan3A_2 = arith.constant 0 : i32
    %scan3A_3 = arith.constant 128 : i32
    %scan3A_4 = arith.addi %scan3A_2, %scan3A_3 : i32
    %scan3A_5 = arith.constant 1 : i32
    %scan3A_6 = scf.for %scan3A_38 = %scan3A_2 to %scan3A_4 step %scan3A_5 iter_args(%scan3A_39 = %scan3A) -> (i32)  : i32 {
      %swap3A = arith.index_cast %scan3A_38 : i32 to index
      %swap3A_40 = arith.constant 0 : index
      %swap3A_41 = tpu.vector_load %arg8[%swap3A, %swap3A_40] {strides = array<i32>} : memref<128x128xf32, #tpu.memory_space<vmem>>, vector<1x16xf32>,
      %swap3A_42 = vector.shape_cast %swap3A_41 : vector<1x16xf32> to vector<16xf32>
      %swap3A_43 = vector.shape_cast %broadcast_in_dim3A_1 : vector<16xf32> to vector<1x16xf32>
      tpu.vector_store %arg8[%swap3A, %swap3A_40], %swap3A_43 {strides = array<i32>} : memref<128x128xf32, #tpu.memory_space<vmem>>, vector<1x16xf32>,
      %swap3A_44 = arith.index_cast %scan3A_38 : i32 to index
      %swap3A_45 = arith.constant 16 : index
      %swap3A_46 = tpu.vector_load %arg8[%swap3A_44, %swap3A_45] {strides = array<i32>} : memref<128x128xf32, #tpu.memory_space<vmem>>, vector<1x16xf32>,
      %swap3A_47 = vector.shape_cast %swap3A_46 : vector<1x16xf32> to vector<16xf32>
      %swap3A_48 = vector.shape_cast %broadcast_in_dim3A_1 : vector<16xf32> to vector<1x16xf32>
      tpu.vector_store %arg8[%swap3A_44, %swap3A_45], %swap3A_48 {strides = array<i32>} : memref<128x128xf32, #tpu.memory_space<vmem>>, vector<1x16xf32>,
      %swap3A_49 = arith.index_cast %scan3A_38 : i32 to index
      %swap3A_50 = arith.constant 32 : index
      %swap3A_51 = tpu.vector_load %arg8[%swap3A_49, %swap3A_50] {strides = array<i32>} : memref<128x128xf32, #tpu.memory_space<vmem>>, vector<1x16xf32>,
      %swap3A_52 = vector.shape_cast %swap3A_51 : vector<1x16xf32> to vector<16xf32>
      %swap3A_53 = vector.shape_cast %broadcast_in_dim3A_1 : vector<16xf32> to vector<1x16xf32>
      tpu.vector_store %arg8[%swap3A_49, %swap3A_50], %swap3A_53 {strides = array<i32>} : memref<128x128xf32, #tpu.memory_space<vmem>>, vector<1x16xf32>,
      %swap3A_54 = arith.index_cast %scan3A_38 : i32 to index
      %swap3A_55 = arith.constant 48 : index
      %swap3A_56 = tpu.vector_load %arg8[%swap3A_54, %swap3A_55] {strides = array<i32>} : memref<128x128xf32, #tpu.memory_space<vmem>>, vector<1x16xf32>,
      %swap3A_57 = vector.shape_cast %swap3A_56 : vector<1x16xf32> to vector<16xf32>
      %swap3A_58 = vector.shape_cast %broadcast_in_dim3A_1 : vector<16xf32> to vector<1x16xf32>
      tpu.vector_store %arg8[%swap3A_54, %swap3A_55], %swap3A_58 {strides = array<i32>} : memref<128x128xf32, #tpu.memory_space<vmem>>, vector<1x16xf32>,
      %swap3A_59 = arith.index_cast %scan3A_38 : i32 to index
      %swap3A_60 = arith.constant 64 : index
      %swap3A_61 = tpu.vector_load %arg8[%swap3A_59, %swap3A_60] {strides = array<i32>} : memref<128x128xf32, #tpu.memory_space<vmem>>, vector<1x16xf32>,
      %swap3A_62 = vector.shape_cast %swap3A_61 : vector<1x16xf32> to vector<16xf32>
      %swap3A_63 = vector.shape_cast %broadcast_in_dim3A_1 : vector<16xf32> to vector<1x16xf32>
      tpu.vector_store %arg8[%swap3A_59, %swap3A_60], %swap3A_63 {strides = array<i32>} : memref<128x128xf32, #tpu.memory_space<vmem>>, vector<1x16xf32>,
      %swap3A_64 = arith.index_cast %scan3A_38 : i32 to index
      %swap3A_65 = arith.constant 80 : index
      %swap3A_66 = tpu.vector_load %arg8[%swap3A_64, %swap3A_65] {strides = array<i32>} : memref<128x128xf32, #tpu.memory_space<vmem>>, vector<1x16xf32>,
      %swap3A_67 = vector.shape_cast %swap3A_66 : vector<1x16xf32> to vector<16xf32>
      %swap3A_68 = vector.shape_cast %broadcast_in_dim3A_1 : vector<16xf32> to vector<1x16xf32>
      tpu.vector_store %arg8[%swap3A_64, %swap3A_65], %swap3A_68 {strides = array<i32>} : memref<128x128xf32, #tpu.memory_space<vmem>>, vector<1x16xf32>,
      %swap3A_69 = arith.index_cast %scan3A_38 : i32 to index
      %swap3A_70 = arith.constant 96 : index
      %swap3A_71 = tpu.vector_load %arg8[%swap3A_69, %swap3A_70] {strides = array<i32>} : memref<128x128xf32, #tpu.memory_space<vmem>>, vector<1x16xf32>,
      %swap3A_72 = vector.shape_cast %swap3A_71 : vector<1x16xf32> to vector<16xf32>
      %swap3A_73 = vector.shape_cast %broadcast_in_dim3A_1 : vector<16xf32> to vector<1x16xf32>
      tpu.vector_store %arg8[%swap3A_69, %swap3A_70], %swap3A_73 {strides = array<i32>} : memref<128x128xf32, #tpu.memory_space<vmem>>, vector<1x16xf32>,
      %swap3A_74 = arith.index_cast %scan3A_38 : i32 to index
      %swap3A_75 = arith.constant 112 : index
      %swap3A_76 = tpu.vector_load %arg8[%swap3A_74, %swap3A_75] {strides = array<i32>} : memref<128x128xf32, #tpu.memory_space<vmem>>, vector<1x16xf32>,
      %swap3A_77 = vector.shape_cast %swap3A_76 : vector<1x16xf32> to vector<16xf32>
      %swap3A_78 = vector.shape_cast %broadcast_in_dim3A_1 : vector<16xf32> to vector<1x16xf32>
      tpu.vector_store %arg8[%swap3A_74, %swap3A_75], %swap3A_78 {strides = array<i32>} : memref<128x128xf32, #tpu.memory_space<vmem>>, vector<1x16xf32>,
      %scan3A_79 = arith.constant 0 : i32
      scf.yield %scan3A_79 : i32
    }
    %scan3A_7 = arith.constant 128 : i32
    %mul3A_8 = arith.constant 640 : i32
    %mul3A_9 = arith.muli %arg1, %mul3A_8 : i32
    %add3A_10 = arith.constant 0 : i32
    %add3A_11 = arith.addi %mul3A_9, %add3A_10 : i32
    "tpu.region"() ({
      %run_scoped3A = tpu.sem_alloc : memref<!tpu.dma_semaphore, #tpu.memory_space<semaphore_mem>>
      %dma_start3A = arith.constant 0 : i32
      %dma_start3A_38 = tpu.memref_slice %arg13[%add3A_11, %dma_start3A] : memref<10240x128xf32, #tpu.memory_space<vmem_shared>> -> memref<128x128xf32, #tpu.memory_space<vmem_shared>>
      %dma_start3A_39 = arith.constant 0 : i32
      %dma_start3A_40 = tpu.memref_slice %arg13[%add3A_11, %dma_start3A_39] : memref<10240x128xf32, #tpu.memory_space<vmem_shared>> -> memref<128x128xf32, #tpu.memory_space<vmem_shared>>
      tpu.enqueue_dma source(%arg8 : memref<128x128xf32, #tpu.memory_space<vmem>>) target(%dma_start3A_40 : memref<128x128xf32, #tpu.memory_space<vmem_shared>>) target_semaphore(%run_scoped3A : memref<!tpu.dma_semaphore, #tpu.memory_space<semaphore_mem>>)
      %dma_wait3A = arith.constant 0 : i32
      %dma_wait3A_41 = tpu.memref_slice %arg13[%add3A_11, %dma_wait3A] : memref<10240x128xf32, #tpu.memory_space<vmem_shared>> -> memref<128x128xf32, #tpu.memory_space<vmem_shared>>
      %dma_wait3A_42 = arith.constant 0 : i32
      %dma_wait3A_43 = tpu.memref_slice %arg13[%add3A_11, %dma_wait3A_42] : memref<10240x128xf32, #tpu.memory_space<vmem_shared>> -> memref<128x128xf32, #tpu.memory_space<vmem_shared>>
      tpu.wait_dma2 semaphore(%run_scoped3A : memref<!tpu.dma_semaphore, #tpu.memory_space<semaphore_mem>>) src(%arg8 : memref<128x128xf32, #tpu.memory_space<vmem>>) dst(%dma_wait3A_43 : memref<128x128xf32, #tpu.memory_space<vmem_shared>>)
      tpu.yield
    }) : () -> ()
    %mul3A_12 = arith.constant 640 : i32
    %mul3A_13 = arith.muli %arg1, %mul3A_12 : i32
    %add3A_14 = arith.constant 128 : i32
    %add3A_15 = arith.addi %mul3A_13, %add3A_14 : i32
    "tpu.region"() ({
      %run_scoped3A = tpu.sem_alloc : memref<!tpu.dma_semaphore, #tpu.memory_space<semaphore_mem>>
      %dma_start3A = arith.constant 0 : i32
      %dma_start3A_38 = tpu.memref_slice %arg13[%add3A_15, %dma_start3A] : memref<10240x128xf32, #tpu.memory_space<vmem_shared>> -> memref<128x128xf32, #tpu.memory_space<vmem_shared>>
      %dma_start3A_39 = arith.constant 0 : i32
      %dma_start3A_40 = tpu.memref_slice %arg13[%add3A_15, %dma_start3A_39] : memref<10240x128xf32, #tpu.memory_space<vmem_shared>> -> memref<128x128xf32, #tpu.memory_space<vmem_shared>>
      tpu.enqueue_dma source(%arg8 : memref<128x128xf32, #tpu.memory_space<vmem>>) target(%dma_start3A_40 : memref<128x128xf32, #tpu.memory_space<vmem_shared>>) target_semaphore(%run_scoped3A : memref<!tpu.dma_semaphore, #tpu.memory_space<semaphore_mem>>)
      %dma_wait3A = arith.constant 0 : i32
      %dma_wait3A_41 = tpu.memref_slice %arg13[%add3A_15, %dma_wait3A] : memref<10240x128xf32, #tpu.memory_space<vmem_shared>> -> memref<128x128xf32, #tpu.memory_space<vmem_shared>>
      %dma_wait3A_42 = arith.constant 0 : i32
      %dma_wait3A_43 = tpu.memref_slice %arg13[%add3A_15, %dma_wait3A_42] : memref<10240x128xf32, #tpu.memory_space<vmem_shared>> -> memref<128x128xf32, #tpu.memory_space<vmem_shared>>
      tpu.wait_dma2 semaphore(%run_scoped3A : memref<!tpu.dma_semaphore, #tpu.memory_space<semaphore_mem>>) src(%arg8 : memref<128x128xf32, #tpu.memory_space<vmem>>) dst(%dma_wait3A_43 : memref<128x128xf32, #tpu.memory_space<vmem_shared>>)
      tpu.yield
    }) : () -> ()
    %mul3A_16 = arith.constant 640 : i32
    %mul3A_17 = arith.muli %arg1, %mul3A_16 : i32
    %add3A_18 = arith.constant 256 : i32
    %add3A_19 = arith.addi %mul3A_17, %add3A_18 : i32
    "tpu.region"() ({
      %run_scoped3A = tpu.sem_alloc : memref<!tpu.dma_semaphore, #tpu.memory_space<semaphore_mem>>
      %dma_start3A = arith.constant 0 : i32
      %dma_start3A_38 = tpu.memref_slice %arg13[%add3A_19, %dma_start3A] : memref<10240x128xf32, #tpu.memory_space<vmem_shared>> -> memref<128x128xf32, #tpu.memory_space<vmem_shared>>
      %dma_start3A_39 = arith.constant 0 : i32
      %dma_start3A_40 = tpu.memref_slice %arg13[%add3A_19, %dma_start3A_39] : memref<10240x128xf32, #tpu.memory_space<vmem_shared>> -> memref<128x128xf32, #tpu.memory_space<vmem_shared>>
      tpu.enqueue_dma source(%arg8 : memref<128x128xf32, #tpu.memory_space<vmem>>) target(%dma_start3A_40 : memref<128x128xf32, #tpu.memory_space<vmem_shared>>) target_semaphore(%run_scoped3A : memref<!tpu.dma_semaphore, #tpu.memory_space<semaphore_mem>>)
      %dma_wait3A = arith.constant 0 : i32
      %dma_wait3A_41 = tpu.memref_slice %arg13[%add3A_19, %dma_wait3A] : memref<10240x128xf32, #tpu.memory_space<vmem_shared>> -> memref<128x128xf32, #tpu.memory_space<vmem_shared>>
      %dma_wait3A_42 = arith.constant 0 : i32
      %dma_wait3A_43 = tpu.memref_slice %arg13[%add3A_19, %dma_wait3A_42] : memref<10240x128xf32, #tpu.memory_space<vmem_shared>> -> memref<128x128xf32, #tpu.memory_space<vmem_shared>>
      tpu.wait_dma2 semaphore(%run_scoped3A : memref<!tpu.dma_semaphore, #tpu.memory_space<semaphore_mem>>) src(%arg8 : memref<128x128xf32, #tpu.memory_space<vmem>>) dst(%dma_wait3A_43 : memref<128x128xf32, #tpu.memory_space<vmem_shared>>)
      tpu.yield
    }) : () -> ()
    %mul3A_20 = arith.constant 640 : i32
    %mul3A_21 = arith.muli %arg1, %mul3A_20 : i32
    %add3A_22 = arith.constant 384 : i32
    %add3A_23 = arith.addi %mul3A_21, %add3A_22 : i32
    "tpu.region"() ({
      %run_scoped3A = tpu.sem_alloc : memref<!tpu.dma_semaphore, #tpu.memory_space<semaphore_mem>>
      %dma_start3A = arith.constant 0 : i32
      %dma_start3A_38 = tpu.memref_slice %arg13[%add3A_23, %dma_start3A] : memref<10240x128xf32, #tpu.memory_space<vmem_shared>> -> memref<128x128xf32, #tpu.memory_space<vmem_shared>>
      %dma_start3A_39 = arith.constant 0 : i32
      %dma_start3A_40 = tpu.memref_slice %arg13[%add3A_23, %dma_start3A_39] : memref<10240x128xf32, #tpu.memory_space<vmem_shared>> -> memref<128x128xf32, #tpu.memory_space<vmem_shared>>
      tpu.enqueue_dma source(%arg8 : memref<128x128xf32, #tpu.memory_space<vmem>>) target(%dma_start3A_40 : memref<128x128xf32, #tpu.memory_space<vmem_shared>>) target_semaphore(%run_scoped3A : memref<!tpu.dma_semaphore, #tpu.memory_space<semaphore_mem>>)
      %dma_wait3A = arith.constant 0 : i32
      %dma_wait3A_41 = tpu.memref_slice %arg13[%add3A_23, %dma_wait3A] : memref<10240x128xf32, #tpu.memory_space<vmem_shared>> -> memref<128x128xf32, #tpu.memory_space<vmem_shared>>
      %dma_wait3A_42 = arith.constant 0 : i32
      %dma_wait3A_43 = tpu.memref_slice %arg13[%add3A_23, %dma_wait3A_42] : memref<10240x128xf32, #tpu.memory_space<vmem_shared>> -> memref<128x128xf32, #tpu.memory_space<vmem_shared>>
      tpu.wait_dma2 semaphore(%run_scoped3A : memref<!tpu.dma_semaphore, #tpu.memory_space<semaphore_mem>>) src(%arg8 : memref<128x128xf32, #tpu.memory_space<vmem>>) dst(%dma_wait3A_43 : memref<128x128xf32, #tpu.memory_space<vmem_shared>>)
      tpu.yield
    }) : () -> ()
    %mul3A_24 = arith.constant 640 : i32
    %mul3A_25 = arith.muli %arg1, %mul3A_24 : i32
    %add3A_26 = arith.constant 512 : i32
    %add3A_27 = arith.addi %mul3A_25, %add3A_26 : i32
    "tpu.region"() ({
      %run_scoped3A = tpu.sem_alloc : memref<!tpu.dma_semaphore, #tpu.memory_space<semaphore_mem>>
      %dma_start3A = arith.constant 0 : i32
      %dma_start3A_38 = tpu.memref_slice %arg13[%add3A_27, %dma_start3A] : memref<10240x128xf32, #tpu.memory_space<vmem_shared>> -> memref<128x128xf32, #tpu.memory_space<vmem_shared>>
      %dma_start3A_39 = arith.constant 0 : i32
      %dma_start3A_40 = tpu.memref_slice %arg13[%add3A_27, %dma_start3A_39] : memref<10240x128xf32, #tpu.memory_space<vmem_shared>> -> memref<128x128xf32, #tpu.memory_space<vmem_shared>>
      tpu.enqueue_dma source(%arg8 : memref<128x128xf32, #tpu.memory_space<vmem>>) target(%dma_start3A_40 : memref<128x128xf32, #tpu.memory_space<vmem_shared>>) target_semaphore(%run_scoped3A : memref<!tpu.dma_semaphore, #tpu.memory_space<semaphore_mem>>)
      %dma_wait3A = arith.constant 0 : i32
      %dma_wait3A_41 = tpu.memref_slice %arg13[%add3A_27, %dma_wait3A] : memref<10240x128xf32, #tpu.memory_space<vmem_shared>> -> memref<128x128xf32, #tpu.memory_space<vmem_shared>>
      %dma_wait3A_42 = arith.constant 0 : i32
      %dma_wait3A_43 = tpu.memref_slice %arg13[%add3A_27, %dma_wait3A_42] : memref<10240x128xf32, #tpu.memory_space<vmem_shared>> -> memref<128x128xf32, #tpu.memory_space<vmem_shared>>
      tpu.wait_dma2 semaphore(%run_scoped3A : memref<!tpu.dma_semaphore, #tpu.memory_space<semaphore_mem>>) src(%arg8 : memref<128x128xf32, #tpu.memory_space<vmem>>) dst(%dma_wait3A_43 : memref<128x128xf32, #tpu.memory_space<vmem_shared>>)
      tpu.yield
    }) : () -> ()
    %barrier3A = arith.constant 0 : index
    tpu.barrier barrier_id(%barrier3A)
    %scan3A_28 = arith.constant 0 : i32
    %scan3A_29 = arith.constant 0 : i32
    %scan3A_30 = arith.constant 5 : i32
    %scan3A_31 = arith.addi %scan3A_29, %scan3A_30 : i32
    %scan3A_32 = arith.constant 1 : i32
    %scan3A_33 = scf.for %scan3A_38 = %scan3A_29 to %scan3A_31 step %scan3A_32 iter_args(%scan3A_39 = %scan3A_28) -> (i32)  : i32 {
      %mul3A_40 = arith.constant 16 : i32
      %mul3A_41 = arith.muli %scan3A_38, %mul3A_40 : i32
      "tpu.region"() ({
        %run_scoped3A = tpu.sem_alloc : memref<!tpu.dma_semaphore, #tpu.memory_space<semaphore_mem>>
        %dma_start3A_505 = arith.constant 0 : i32
        %dma_start3A_506 = tpu.memref_slice %arg3[%add3A, %mul3A_41, %dma_start3A_505] : memref<32x80x128xi32, #tpu.memory_space<hbm>> -> memref<1x16x128xi32, #tpu.memory_space<hbm>>
        %dma_start3A_507 = tpu.memref_squeeze %dma_start3A_506 : memref<1x16x128xi32, #tpu.memory_space<hbm>> -> memref<16x128xi32, #tpu.memory_space<hbm>>
        %dma_start3A_508 = arith.constant 0 : i32
        %dma_start3A_509 = tpu.memref_slice %arg3[%add3A, %mul3A_41, %dma_start3A_508] : memref<32x80x128xi32, #tpu.memory_space<hbm>> -> memref<1x16x128xi32, #tpu.memory_space<hbm>>
        %dma_start3A_510 = tpu.memref_squeeze %dma_start3A_509 : memref<1x16x128xi32, #tpu.memory_space<hbm>> -> memref<16x128xi32, #tpu.memory_space<hbm>>
        tpu.enqueue_dma source(%dma_start3A_510 : memref<16x128xi32, #tpu.memory_space<hbm>>) target(%arg6 : memref<16x128xi32, #tpu.memory_space<vmem>>) target_semaphore(%run_scoped3A : memref<!tpu.dma_semaphore, #tpu.memory_space<semaphore_mem>>)
        %dma_wait3A_511 = arith.constant 0 : i32
        %dma_wait3A_512 = tpu.memref_slice %arg3[%add3A, %mul3A_41, %dma_wait3A_511] : memref<32x80x128xi32, #tpu.memory_space<hbm>> -> memref<1x16x128xi32, #tpu.memory_space<hbm>>
        %dma_wait3A_513 = tpu.memref_squeeze %dma_wait3A_512 : memref<1x16x128xi32, #tpu.memory_space<hbm>> -> memref<16x128xi32, #tpu.memory_space<hbm>>
        %dma_wait3A_514 = arith.constant 0 : i32
        %dma_wait3A_515 = tpu.memref_slice %arg3[%add3A, %mul3A_41, %dma_wait3A_514] : memref<32x80x128xi32, #tpu.memory_space<hbm>> -> memref<1x16x128xi32, #tpu.memory_space<hbm>>
        %dma_wait3A_516 = tpu.memref_squeeze %dma_wait3A_515 : memref<1x16x128xi32, #tpu.memory_space<hbm>> -> memref<16x128xi32, #tpu.memory_space<hbm>>
        tpu.wait_dma2 semaphore(%run_scoped3A : memref<!tpu.dma_semaphore, #tpu.memory_space<semaphore_mem>>) src(%dma_wait3A_516 : memref<16x128xi32, #tpu.memory_space<hbm>>) dst(%arg6 : memref<16x128xi32, #tpu.memory_space<vmem>>)
        tpu.yield
      }) : () -> ()
      %mul3A_42 = arith.constant 16 : i32
      %mul3A_43 = arith.muli %scan3A_38, %mul3A_42 : i32
      "tpu.region"() ({
        %run_scoped3A = tpu.sem_alloc : memref<!tpu.dma_semaphore, #tpu.memory_space<semaphore_mem>>
        %dma_start3A_505 = arith.constant 0 : i32
        %dma_start3A_506 = tpu.memref_slice %arg4[%add3A, %mul3A_43, %dma_start3A_505] : memref<32x80x128xi32, #tpu.memory_space<hbm>> -> memref<1x16x128xi32, #tpu.memory_space<hbm>>
        %dma_start3A_507 = tpu.memref_squeeze %dma_start3A_506 : memref<1x16x128xi32, #tpu.memory_space<hbm>> -> memref<16x128xi32, #tpu.memory_space<hbm>>
        %dma_start3A_508 = arith.constant 0 : i32
        %dma_start3A_509 = tpu.memref_slice %arg4[%add3A, %mul3A_43, %dma_start3A_508] : memref<32x80x128xi32, #tpu.memory_space<hbm>> -> memref<1x16x128xi32, #tpu.memory_space<hbm>>
        %dma_start3A_510 = tpu.memref_squeeze %dma_start3A_509 : memref<1x16x128xi32, #tpu.memory_space<hbm>> -> memref<16x128xi32, #tpu.memory_space<hbm>>
        tpu.enqueue_dma source(%dma_start3A_510 : memref<16x128xi32, #tpu.memory_space<hbm>>) target(%arg7 : memref<16x128xi32, #tpu.memory_space<vmem>>) target_semaphore(%run_scoped3A : memref<!tpu.dma_semaphore, #tpu.memory_space<semaphore_mem>>)
        %dma_wait3A_511 = arith.constant 0 : i32
        %dma_wait3A_512 = tpu.memref_slice %arg4[%add3A, %mul3A_43, %dma_wait3A_511] : memref<32x80x128xi32, #tpu.memory_space<hbm>> -> memref<1x16x128xi32, #tpu.memory_space<hbm>>
        %dma_wait3A_513 = tpu.memref_squeeze %dma_wait3A_512 : memref<1x16x128xi32, #tpu.memory_space<hbm>> -> memref<16x128xi32, #tpu.memory_space<hbm>>
        %dma_wait3A_514 = arith.constant 0 : i32
        %dma_wait3A_515 = tpu.memref_slice %arg4[%add3A, %mul3A_43, %dma_wait3A_514] : memref<32x80x128xi32, #tpu.memory_space<hbm>> -> memref<1x16x128xi32, #tpu.memory_space<hbm>>
        %dma_wait3A_516 = tpu.memref_squeeze %dma_wait3A_515 : memref<1x16x128xi32, #tpu.memory_space<hbm>> -> memref<16x128xi32, #tpu.memory_space<hbm>>
        tpu.wait_dma2 semaphore(%run_scoped3A : memref<!tpu.dma_semaphore, #tpu.memory_space<semaphore_mem>>) src(%dma_wait3A_516 : memref<16x128xi32, #tpu.memory_space<hbm>>) dst(%arg7 : memref<16x128xi32, #tpu.memory_space<vmem>>)
        tpu.yield
      }) : () -> ()
      %dma_start3A = arith.constant 0 : i32
      %dma_start3A_44 = arith.constant 0 : i32
      %dma_start3A_45 = tpu.memref_slice %arg6[%dma_start3A, %dma_start3A_44] : memref<16x128xi32, #tpu.memory_space<vmem>> -> memref<1x128xi32, #tpu.memory_space<vmem>>
      %dma_start3A_46 = tpu.memref_squeeze %dma_start3A_45 : memref<1x128xi32, #tpu.memory_space<vmem>> -> memref<128xi32, #tpu.memory_space<vmem>>
      %dma_start3A_47 = arith.constant 0 : i32
      %dma_start3A_48 = arith.constant 0 : i32
      %dma_start3A_49 = tpu.memref_slice %arg2[%dma_start3A_47, %dma_start3A_48] : memref<10240x128xf32, #tpu.memory_space<hbm>> -> memref<10240x128xf32, #tpu.memory_space<hbm>>
      tpu.enqueue_indirect_dma source(%dma_start3A_49 : memref<10240x128xf32, #tpu.memory_space<hbm>>) target(%arg8 : memref<128x128xf32, #tpu.memory_space<vmem>>) offsets(%dma_start3A_46 : memref<128xi32, #tpu.memory_space<vmem>>) semaphore(%arg10 : memref<!tpu.dma_semaphore, #tpu.memory_space<semaphore_mem>>)
      %dma_wait3A = arith.constant 0 : i32
      %dma_wait3A_50 = arith.constant 0 : i32
      %dma_wait3A_51 = tpu.memref_slice %arg6[%dma_wait3A, %dma_wait3A_50] : memref<16x128xi32, #tpu.memory_space<vmem>> -> memref<1x128xi32, #tpu.memory_space<vmem>>
      %dma_wait3A_52 = tpu.memref_squeeze %dma_wait3A_51 : memref<1x128xi32, #tpu.memory_space<vmem>> -> memref<128xi32, #tpu.memory_space<vmem>>
      %dma_wait3A_53 = arith.constant 0 : i32
      %dma_wait3A_54 = arith.constant 0 : i32
      %dma_wait3A_55 = tpu.memref_slice %arg2[%dma_wait3A_53, %dma_wait3A_54] : memref<10240x128xf32, #tpu.memory_space<hbm>> -> memref<10240x128xf32, #tpu.memory_space<hbm>>
      tpu.wait_indirect_dma semaphore(%arg10 : memref<!tpu.dma_semaphore, #tpu.memory_space<semaphore_mem>>) src(%dma_wait3A_55 : memref<10240x128xf32, #tpu.memory_space<hbm>>) dst(%arg8 : memref<128x128xf32, #tpu.memory_space<vmem>>)
      %dma_start3A_56 = arith.constant 0 : i32
      %dma_start3A_57 = arith.constant 0 : i32
      %dma_start3A_58 = tpu.memref_slice %arg7[%dma_start3A_56, %dma_start3A_57] : memref<16x128xi32, #tpu.memory_space<vmem>> -> memref<1x128xi32, #tpu.memory_space<vmem>>
      %dma_start3A_59 = tpu.memref_squeeze %dma_start3A_58 : memref<1x128xi32, #tpu.memory_space<vmem>> -> memref<128xi32, #tpu.memory_space<vmem>>
      %dma_start3A_60 = arith.constant 0 : i32
      %dma_start3A_61 = arith.constant 0 : i32
      %dma_start3A_62 = tpu.memref_slice %arg13[%dma_start3A_60, %dma_start3A_61] : memref<10240x128xf32, #tpu.memory_space<vmem_shared>> -> memref<10240x128xf32, #tpu.memory_space<vmem_shared>>
      tpu.enqueue_indirect_dma source(%arg8 : memref<128x128xf32, #tpu.memory_space<vmem>>) target(%dma_start3A_62 : memref<10240x128xf32, #tpu.memory_space<vmem_shared>>) offsets(%dma_start3A_59 : memref<128xi32, #tpu.memory_space<vmem>>) semaphore(%arg11 : memref<!tpu.dma_semaphore, #tpu.memory_space<semaphore_mem>>) {add = true}
      %dma_start3A_63 = arith.constant 1 : i32
      %dma_start3A_64 = arith.constant 0 : i32
      %dma_start3A_65 = tpu.memref_slice %arg6[%dma_start3A_63, %dma_start3A_64] : memref<16x128xi32, #tpu.memory_space<vmem>> -> memref<1x128xi32, #tpu.memory_space<vmem>>
      %dma_start3A_66 = tpu.memref_squeeze %dma_start3A_65 : memref<1x128xi32, #tpu.memory_space<vmem>> -> memref<128xi32, #tpu.memory_space<vmem>>
      %dma_start3A_67 = arith.constant 0 : i32
      %dma_start3A_68 = arith.constant 0 : i32
      %dma_start3A_69 = tpu.memref_slice %arg2[%dma_start3A_67, %dma_start3A_68] : memref<10240x128xf32, #tpu.memory_space<hbm>> -> memref<10240x128xf32, #tpu.memory_space<hbm>>
      tpu.enqueue_indirect_dma source(%dma_start3A_69 : memref<10240x128xf32, #tpu.memory_space<hbm>>) target(%arg9 : memref<128x128xf32, #tpu.memory_space<vmem>>) offsets(%dma_start3A_66 : memref<128xi32, #tpu.memory_space<vmem>>) semaphore(%arg10 : memref<!tpu.dma_semaphore, #tpu.memory_space<semaphore_mem>>)
      %dma_wait3A_70 = arith.constant 0 : i32
      %dma_wait3A_71 = arith.constant 0 : i32
      %dma_wait3A_72 = tpu.memref_slice %arg6[%dma_wait3A_70, %dma_wait3A_71] : memref<16x128xi32, #tpu.memory_space<vmem>> -> memref<1x128xi32, #tpu.memory_space<vmem>>
      %dma_wait3A_73 = tpu.memref_squeeze %dma_wait3A_72 : memref<1x128xi32, #tpu.memory_space<vmem>> -> memref<128xi32, #tpu.memory_space<vmem>>
      %dma_wait3A_74 = arith.constant 0 : i32
      %dma_wait3A_75 = arith.constant 0 : i32
      %dma_wait3A_76 = tpu.memref_slice %arg2[%dma_wait3A_74, %dma_wait3A_75] : memref<10240x128xf32, #tpu.memory_space<hbm>> -> memref<10240x128xf32, #tpu.memory_space<hbm>>
      tpu.wait_indirect_dma semaphore(%arg10 : memref<!tpu.dma_semaphore, #tpu.memory_space<semaphore_mem>>) src(%dma_wait3A_76 : memref<10240x128xf32, #tpu.memory_space<hbm>>) dst(%arg9 : memref<128x128xf32, #tpu.memory_space<vmem>>)
      %dma_start3A_77 = arith.constant 1 : i32
      %dma_start3A_78 = arith.constant 0 : i32
      %dma_start3A_79 = tpu.memref_slice %arg7[%dma_start3A_77, %dma_start3A_78] : memref<16x128xi32, #tpu.memory_space<vmem>> -> memref<1x128xi32, #tpu.memory_space<vmem>>
      %dma_start3A_80 = tpu.memref_squeeze %dma_start3A_79 : memref<1x128xi32, #tpu.memory_space<vmem>> -> memref<128xi32, #tpu.memory_space<vmem>>
      %dma_start3A_81 = arith.constant 0 : i32
      %dma_start3A_82 = arith.constant 0 : i32
      %dma_start3A_83 = tpu.memref_slice %arg13[%dma_start3A_81, %dma_start3A_82] : memref<10240x128xf32, #tpu.memory_space<vmem_shared>> -> memref<10240x128xf32, #tpu.memory_space<vmem_shared>>
      tpu.enqueue_indirect_dma source(%arg9 : memref<128x128xf32, #tpu.memory_space<vmem>>) target(%dma_start3A_83 : memref<10240x128xf32, #tpu.memory_space<vmem_shared>>) offsets(%dma_start3A_80 : memref<128xi32, #tpu.memory_space<vmem>>) semaphore(%arg12 : memref<!tpu.dma_semaphore, #tpu.memory_space<semaphore_mem>>) {add = true}
      %dma_wait3A_84 = arith.constant 0 : i32
      %dma_wait3A_85 = arith.constant 0 : i32
      %dma_wait3A_86 = tpu.memref_slice %arg7[%dma_wait3A_84, %dma_wait3A_85] : memref<16x128xi32, #tpu.memory_space<vmem>> -> memref<1x128xi32, #tpu.memory_space<vmem>>
      %dma_wait3A_87 = tpu.memref_squeeze %dma_wait3A_86 : memref<1x128xi32, #tpu.memory_space<vmem>> -> memref<128xi32, #tpu.memory_space<vmem>>
      %dma_wait3A_88 = arith.constant 0 : i32
      %dma_wait3A_89 = arith.constant 0 : i32
      %dma_wait3A_90 = tpu.memref_slice %arg13[%dma_wait3A_88, %dma_wait3A_89] : memref<10240x128xf32, #tpu.memory_space<vmem_shared>> -> memref<10240x128xf32, #tpu.memory_space<vmem_shared>>
      tpu.wait_indirect_dma semaphore(%arg11 : memref<!tpu.dma_semaphore, #tpu.memory_space<semaphore_mem>>) src(%arg8 : memref<128x128xf32, #tpu.memory_space<vmem>>) dst(%dma_wait3A_90 : memref<10240x128xf32, #tpu.memory_space<vmem_shared>>)
      %dma_start3A_91 = arith.constant 2 : i32
      %dma_start3A_92 = arith.constant 0 : i32
      %dma_start3A_93 = tpu.memref_slice %arg6[%dma_start3A_91, %dma_start3A_92] : memref<16x128xi32, #tpu.memory_space<vmem>> -> memref<1x128xi32, #tpu.memory_space<vmem>>
      %dma_start3A_94 = tpu.memref_squeeze %dma_start3A_93 : memref<1x128xi32, #tpu.memory_space<vmem>> -> memref<128xi32, #tpu.memory_space<vmem>>
      %dma_start3A_95 = arith.constant 0 : i32
      %dma_start3A_96 = arith.constant 0 : i32
      %dma_start3A_97 = tpu.memref_slice %arg2[%dma_start3A_95, %dma_start3A_96] : memref<10240x128xf32, #tpu.memory_space<hbm>> -> memref<10240x128xf32, #tpu.memory_space<hbm>>
      tpu.enqueue_indirect_dma source(%dma_start3A_97 : memref<10240x128xf32, #tpu.memory_space<hbm>>) target(%arg8 : memref<128x128xf32, #tpu.memory_space<vmem>>) offsets(%dma_start3A_94 : memref<128xi32, #tpu.memory_space<vmem>>) semaphore(%arg10 : memref<!tpu.dma_semaphore, #tpu.memory_space<semaphore_mem>>)
      %dma_wait3A_98 = arith.constant 0 : i32
      %dma_wait3A_99 = arith.constant 0 : i32
      %dma_wait3A_100 = tpu.memref_slice %arg6[%dma_wait3A_98, %dma_wait3A_99] : memref<16x128xi32, #tpu.memory_space<vmem>> -> memref<1x128xi32, #tpu.memory_space<vmem>>
      %dma_wait3A_101 = tpu.memref_squeeze %dma_wait3A_100 : memref<1x128xi32, #tpu.memory_space<vmem>> -> memref<128xi32, #tpu.memory_space<vmem>>
      %dma_wait3A_102 = arith.constant 0 : i32
      %dma_wait3A_103 = arith.constant 0 : i32
      %dma_wait3A_104 = tpu.memref_slice %arg2[%dma_wait3A_102, %dma_wait3A_103] : memref<10240x128xf32, #tpu.memory_space<hbm>> -> memref<10240x128xf32, #tpu.memory_space<hbm>>
      tpu.wait_indirect_dma semaphore(%arg10 : memref<!tpu.dma_semaphore, #tpu.memory_space<semaphore_mem>>) src(%dma_wait3A_104 : memref<10240x128xf32, #tpu.memory_space<hbm>>) dst(%arg8 : memref<128x128xf32, #tpu.memory_space<vmem>>)
      %dma_start3A_105 = arith.constant 2 : i32
      %dma_start3A_106 = arith.constant 0 : i32
      %dma_start3A_107 = tpu.memref_slice %arg7[%dma_start3A_105, %dma_start3A_106] : memref<16x128xi32, #tpu.memory_space<vmem>> -> memref<1x128xi32, #tpu.memory_space<vmem>>
      %dma_start3A_108 = tpu.memref_squeeze %dma_start3A_107 : memref<1x128xi32, #tpu.memory_space<vmem>> -> memref<128xi32, #tpu.memory_space<vmem>>
      %dma_start3A_109 = arith.constant 0 : i32
      %dma_start3A_110 = arith.constant 0 : i32
      %dma_start3A_111 = tpu.memref_slice %arg13[%dma_start3A_109, %dma_start3A_110] : memref<10240x128xf32, #tpu.memory_space<vmem_shared>> -> memref<10240x128xf32, #tpu.memory_space<vmem_shared>>
      tpu.enqueue_indirect_dma source(%arg8 : memref<128x128xf32, #tpu.memory_space<vmem>>) target(%dma_start3A_111 : memref<10240x128xf32, #tpu.memory_space<vmem_shared>>) offsets(%dma_start3A_108 : memref<128xi32, #tpu.memory_space<vmem>>) semaphore(%arg11 : memref<!tpu.dma_semaphore, #tpu.memory_space<semaphore_mem>>) {add = true}
      %dma_wait3A_112 = arith.constant 0 : i32
      %dma_wait3A_113 = arith.constant 0 : i32
      %dma_wait3A_114 = tpu.memref_slice %arg7[%dma_wait3A_112, %dma_wait3A_113] : memref<16x128xi32, #tpu.memory_space<vmem>> -> memref<1x128xi32, #tpu.memory_space<vmem>>
      %dma_wait3A_115 = tpu.memref_squeeze %dma_wait3A_114 : memref<1x128xi32, #tpu.memory_space<vmem>> -> memref<128xi32, #tpu.memory_space<vmem>>
      %dma_wait3A_116 = arith.constant 0 : i32
      %dma_wait3A_117 = arith.constant 0 : i32
      %dma_wait3A_118 = tpu.memref_slice %arg13[%dma_wait3A_116, %dma_wait3A_117] : memref<10240x128xf32, #tpu.memory_space<vmem_shared>> -> memref<10240x128xf32, #tpu.memory_space<vmem_shared>>
      tpu.wait_indirect_dma semaphore(%arg12 : memref<!tpu.dma_semaphore, #tpu.memory_space<semaphore_mem>>) src(%arg9 : memref<128x128xf32, #tpu.memory_space<vmem>>) dst(%dma_wait3A_118 : memref<10240x128xf32, #tpu.memory_space<vmem_shared>>)
      %dma_start3A_119 = arith.constant 3 : i32
      %dma_start3A_120 = arith.constant 0 : i32
      %dma_start3A_121 = tpu.memref_slice %arg6[%dma_start3A_119, %dma_start3A_120] : memref<16x128xi32, #tpu.memory_space<vmem>> -> memref<1x128xi32, #tpu.memory_space<vmem>>
      %dma_start3A_122 = tpu.memref_squeeze %dma_start3A_121 : memref<1x128xi32, #tpu.memory_space<vmem>> -> memref<128xi32, #tpu.memory_space<vmem>>
      %dma_start3A_123 = arith.constant 0 : i32
      %dma_start3A_124 = arith.constant 0 : i32
      %dma_start3A_125 = tpu.memref_slice %arg2[%dma_start3A_123, %dma_start3A_124] : memref<10240x128xf32, #tpu.memory_space<hbm>> -> memref<10240x128xf32, #tpu.memory_space<hbm>>
      tpu.enqueue_indirect_dma source(%dma_start3A_125 : memref<10240x128xf32, #tpu.memory_space<hbm>>) target(%arg9 : memref<128x128xf32, #tpu.memory_space<vmem>>) offsets(%dma_start3A_122 : memref<128xi32, #tpu.memory_space<vmem>>) semaphore(%arg10 : memref<!tpu.dma_semaphore, #tpu.memory_space<semaphore_mem>>)
      %dma_wait3A_126 = arith.constant 0 : i32
      %dma_wait3A_127 = arith.constant 0 : i32
      %dma_wait3A_128 = tpu.memref_slice %arg6[%dma_wait3A_126, %dma_wait3A_127] : memref<16x128xi32, #tpu.memory_space<vmem>> -> memref<1x128xi32, #tpu.memory_space<vmem>>
      %dma_wait3A_129 = tpu.memref_squeeze %dma_wait3A_128 : memref<1x128xi32, #tpu.memory_space<vmem>> -> memref<128xi32, #tpu.memory_space<vmem>>
      %dma_wait3A_130 = arith.constant 0 : i32
      %dma_wait3A_131 = arith.constant 0 : i32
      %dma_wait3A_132 = tpu.memref_slice %arg2[%dma_wait3A_130, %dma_wait3A_131] : memref<10240x128xf32, #tpu.memory_space<hbm>> -> memref<10240x128xf32, #tpu.memory_space<hbm>>
      tpu.wait_indirect_dma semaphore(%arg10 : memref<!tpu.dma_semaphore, #tpu.memory_space<semaphore_mem>>) src(%dma_wait3A_132 : memref<10240x128xf32, #tpu.memory_space<hbm>>) dst(%arg9 : memref<128x128xf32, #tpu.memory_space<vmem>>)
      %dma_start3A_133 = arith.constant 3 : i32
      %dma_start3A_134 = arith.constant 0 : i32
      %dma_start3A_135 = tpu.memref_slice %arg7[%dma_start3A_133, %dma_start3A_134] : memref<16x128xi32, #tpu.memory_space<vmem>> -> memref<1x128xi32, #tpu.memory_space<vmem>>
      %dma_start3A_136 = tpu.memref_squeeze %dma_start3A_135 : memref<1x128xi32, #tpu.memory_space<vmem>> -> memref<128xi32, #tpu.memory_space<vmem>>
      %dma_start3A_137 = arith.constant 0 : i32
      %dma_start3A_138 = arith.constant 0 : i32
      %dma_start3A_139 = tpu.memref_slice %arg13[%dma_start3A_137, %dma_start3A_138] : memref<10240x128xf32, #tpu.memory_space<vmem_shared>> -> memref<10240x128xf32, #tpu.memory_space<vmem_shared>>
      tpu.enqueue_indirect_dma source(%arg9 : memref<128x128xf32, #tpu.memory_space<vmem>>) target(%dma_start3A_139 : memref<10240x128xf32, #tpu.memory_space<vmem_shared>>) offsets(%dma_start3A_136 : memref<128xi32, #tpu.memory_space<vmem>>) semaphore(%arg12 : memref<!tpu.dma_semaphore, #tpu.memory_space<semaphore_mem>>) {add = true}
      %dma_wait3A_140 = arith.constant 0 : i32
      %dma_wait3A_141 = arith.constant 0 : i32
      %dma_wait3A_142 = tpu.memref_slice %arg7[%dma_wait3A_140, %dma_wait3A_141] : memref<16x128xi32, #tpu.memory_space<vmem>> -> memref<1x128xi32, #tpu.memory_space<vmem>>
      %dma_wait3A_143 = tpu.memref_squeeze %dma_wait3A_142 : memref<1x128xi32, #tpu.memory_space<vmem>> -> memref<128xi32, #tpu.memory_space<vmem>>
      %dma_wait3A_144 = arith.constant 0 : i32
      %dma_wait3A_145 = arith.constant 0 : i32
      %dma_wait3A_146 = tpu.memref_slice %arg13[%dma_wait3A_144, %dma_wait3A_145] : memref<10240x128xf32, #tpu.memory_space<vmem_shared>> -> memref<10240x128xf32, #tpu.memory_space<vmem_shared>>
      tpu.wait_indirect_dma semaphore(%arg11 : memref<!tpu.dma_semaphore, #tpu.memory_space<semaphore_mem>>) src(%arg8 : memref<128x128xf32, #tpu.memory_space<vmem>>) dst(%dma_wait3A_146 : memref<10240x128xf32, #tpu.memory_space<vmem_shared>>)
      %dma_start3A_147 = arith.constant 4 : i32
      %dma_start3A_148 = arith.constant 0 : i32
      %dma_start3A_149 = tpu.memref_slice %arg6[%dma_start3A_147, %dma_start3A_148] : memref<16x128xi32, #tpu.memory_space<vmem>> -> memref<1x128xi32, #tpu.memory_space<vmem>>
      %dma_start3A_150 = tpu.memref_squeeze %dma_start3A_149 : memref<1x128xi32, #tpu.memory_space<vmem>> -> memref<128xi32, #tpu.memory_space<vmem>>
      %dma_start3A_151 = arith.constant 0 : i32
      %dma_start3A_152 = arith.constant 0 : i32
      %dma_start3A_153 = tpu.memref_slice %arg2[%dma_start3A_151, %dma_start3A_152] : memref<10240x128xf32, #tpu.memory_space<hbm>> -> memref<10240x128xf32, #tpu.memory_space<hbm>>
      tpu.enqueue_indirect_dma source(%dma_start3A_153 : memref<10240x128xf32, #tpu.memory_space<hbm>>) target(%arg8 : memref<128x128xf32, #tpu.memory_space<vmem>>) offsets(%dma_start3A_150 : memref<128xi32, #tpu.memory_space<vmem>>) semaphore(%arg10 : memref<!tpu.dma_semaphore, #tpu.memory_space<semaphore_mem>>)
      %dma_wait3A_154 = arith.constant 0 : i32
      %dma_wait3A_155 = arith.constant 0 : i32
      %dma_wait3A_156 = tpu.memref_slice %arg6[%dma_wait3A_154, %dma_wait3A_155] : memref<16x128xi32, #tpu.memory_space<vmem>> -> memref<1x128xi32, #tpu.memory_space<vmem>>
      %dma_wait3A_157 = tpu.memref_squeeze %dma_wait3A_156 : memref<1x128xi32, #tpu.memory_space<vmem>> -> memref<128xi32, #tpu.memory_space<vmem>>
      %dma_wait3A_158 = arith.constant 0 : i32
      %dma_wait3A_159 = arith.constant 0 : i32
      %dma_wait3A_160 = tpu.memref_slice %arg2[%dma_wait3A_158, %dma_wait3A_159] : memref<10240x128xf32, #tpu.memory_space<hbm>> -> memref<10240x128xf32, #tpu.memory_space<hbm>>
      tpu.wait_indirect_dma semaphore(%arg10 : memref<!tpu.dma_semaphore, #tpu.memory_space<semaphore_mem>>) src(%dma_wait3A_160 : memref<10240x128xf32, #tpu.memory_space<hbm>>) dst(%arg8 : memref<128x128xf32, #tpu.memory_space<vmem>>)
      %dma_start3A_161 = arith.constant 4 : i32
      %dma_start3A_162 = arith.constant 0 : i32
      %dma_start3A_163 = tpu.memref_slice %arg7[%dma_start3A_161, %dma_start3A_162] : memref<16x128xi32, #tpu.memory_space<vmem>> -> memref<1x128xi32, #tpu.memory_space<vmem>>
      %dma_start3A_164 = tpu.memref_squeeze %dma_start3A_163 : memref<1x128xi32, #tpu.memory_space<vmem>> -> memref<128xi32, #tpu.memory_space<vmem>>
      %dma_start3A_165 = arith.constant 0 : i32
      %dma_start3A_166 = arith.constant 0 : i32
      %dma_start3A_167 = tpu.memref_slice %arg13[%dma_start3A_165, %dma_start3A_166] : memref<10240x128xf32, #tpu.memory_space<vmem_shared>> -> memref<10240x128xf32, #tpu.memory_space<vmem_shared>>
      tpu.enqueue_indirect_dma source(%arg8 : memref<128x128xf32, #tpu.memory_space<vmem>>) target(%dma_start3A_167 : memref<10240x128xf32, #tpu.memory_space<vmem_shared>>) offsets(%dma_start3A_164 : memref<128xi32, #tpu.memory_space<vmem>>) semaphore(%arg11 : memref<!tpu.dma_semaphore, #tpu.memory_space<semaphore_mem>>) {add = true}
      %dma_wait3A_168 = arith.constant 0 : i32
      %dma_wait3A_169 = arith.constant 0 : i32
      %dma_wait3A_170 = tpu.memref_slice %arg7[%dma_wait3A_168, %dma_wait3A_169] : memref<16x128xi32, #tpu.memory_space<vmem>> -> memref<1x128xi32, #tpu.memory_space<vmem>>
      %dma_wait3A_171 = tpu.memref_squeeze %dma_wait3A_170 : memref<1x128xi32, #tpu.memory_space<vmem>> -> memref<128xi32, #tpu.memory_space<vmem>>
      %dma_wait3A_172 = arith.constant 0 : i32
      %dma_wait3A_173 = arith.constant 0 : i32
      %dma_wait3A_174 = tpu.memref_slice %arg13[%dma_wait3A_172, %dma_wait3A_173] : memref<10240x128xf32, #tpu.memory_space<vmem_shared>> -> memref<10240x128xf32, #tpu.memory_space<vmem_shared>>
      tpu.wait_indirect_dma semaphore(%arg12 : memref<!tpu.dma_semaphore, #tpu.memory_space<semaphore_mem>>) src(%arg9 : memref<128x128xf32, #tpu.memory_space<vmem>>) dst(%dma_wait3A_174 : memref<10240x128xf32, #tpu.memory_space<vmem_shared>>)
      %dma_start3A_175 = arith.constant 5 : i32
      %dma_start3A_176 = arith.constant 0 : i32
      %dma_start3A_177 = tpu.memref_slice %arg6[%dma_start3A_175, %dma_start3A_176] : memref<16x128xi32, #tpu.memory_space<vmem>> -> memref<1x128xi32, #tpu.memory_space<vmem>>
      %dma_start3A_178 = tpu.memref_squeeze %dma_start3A_177 : memref<1x128xi32, #tpu.memory_space<vmem>> -> memref<128xi32, #tpu.memory_space<vmem>>
      %dma_start3A_179 = arith.constant 0 : i32
      %dma_start3A_180 = arith.constant 0 : i32
      %dma_start3A_181 = tpu.memref_slice %arg2[%dma_start3A_179, %dma_start3A_180] : memref<10240x128xf32, #tpu.memory_space<hbm>> -> memref<10240x128xf32, #tpu.memory_space<hbm>>
      tpu.enqueue_indirect_dma source(%dma_start3A_181 : memref<10240x128xf32, #tpu.memory_space<hbm>>) target(%arg9 : memref<128x128xf32, #tpu.memory_space<vmem>>) offsets(%dma_start3A_178 : memref<128xi32, #tpu.memory_space<vmem>>) semaphore(%arg10 : memref<!tpu.dma_semaphore, #tpu.memory_space<semaphore_mem>>)
      %dma_wait3A_182 = arith.constant 0 : i32
      %dma_wait3A_183 = arith.constant 0 : i32
      %dma_wait3A_184 = tpu.memref_slice %arg6[%dma_wait3A_182, %dma_wait3A_183] : memref<16x128xi32, #tpu.memory_space<vmem>> -> memref<1x128xi32, #tpu.memory_space<vmem>>
      %dma_wait3A_185 = tpu.memref_squeeze %dma_wait3A_184 : memref<1x128xi32, #tpu.memory_space<vmem>> -> memref<128xi32, #tpu.memory_space<vmem>>
      %dma_wait3A_186 = arith.constant 0 : i32
      %dma_wait3A_187 = arith.constant 0 : i32
      %dma_wait3A_188 = tpu.memref_slice %arg2[%dma_wait3A_186, %dma_wait3A_187] : memref<10240x128xf32, #tpu.memory_space<hbm>> -> memref<10240x128xf32, #tpu.memory_space<hbm>>
      tpu.wait_indirect_dma semaphore(%arg10 : memref<!tpu.dma_semaphore, #tpu.memory_space<semaphore_mem>>) src(%dma_wait3A_188 : memref<10240x128xf32, #tpu.memory_space<hbm>>) dst(%arg9 : memref<128x128xf32, #tpu.memory_space<vmem>>)
      %dma_start3A_189 = arith.constant 5 : i32
      %dma_start3A_190 = arith.constant 0 : i32
      %dma_start3A_191 = tpu.memref_slice %arg7[%dma_start3A_189, %dma_start3A_190] : memref<16x128xi32, #tpu.memory_space<vmem>> -> memref<1x128xi32, #tpu.memory_space<vmem>>
      %dma_start3A_192 = tpu.memref_squeeze %dma_start3A_191 : memref<1x128xi32, #tpu.memory_space<vmem>> -> memref<128xi32, #tpu.memory_space<vmem>>
      %dma_start3A_193 = arith.constant 0 : i32
      %dma_start3A_194 = arith.constant 0 : i32
      %dma_start3A_195 = tpu.memref_slice %arg13[%dma_start3A_193, %dma_start3A_194] : memref<10240x128xf32, #tpu.memory_space<vmem_shared>> -> memref<10240x128xf32, #tpu.memory_space<vmem_shared>>
      tpu.enqueue_indirect_dma source(%arg9 : memref<128x128xf32, #tpu.memory_space<vmem>>) target(%dma_start3A_195 : memref<10240x128xf32, #tpu.memory_space<vmem_shared>>) offsets(%dma_start3A_192 : memref<128xi32, #tpu.memory_space<vmem>>) semaphore(%arg12 : memref<!tpu.dma_semaphore, #tpu.memory_space<semaphore_mem>>) {add = true}
      %dma_wait3A_196 = arith.constant 0 : i32
      %dma_wait3A_197 = arith.constant 0 : i32
      %dma_wait3A_198 = tpu.memref_slice %arg7[%dma_wait3A_196, %dma_wait3A_197] : memref<16x128xi32, #tpu.memory_space<vmem>> -> memref<1x128xi32, #tpu.memory_space<vmem>>
      %dma_wait3A_199 = tpu.memref_squeeze %dma_wait3A_198 : memref<1x128xi32, #tpu.memory_space<vmem>> -> memref<128xi32, #tpu.memory_space<vmem>>
      %dma_wait3A_200 = arith.constant 0 : i32
      %dma_wait3A_201 = arith.constant 0 : i32
      %dma_wait3A_202 = tpu.memref_slice %arg13[%dma_wait3A_200, %dma_wait3A_201] : memref<10240x128xf32, #tpu.memory_space<vmem_shared>> -> memref<10240x128xf32, #tpu.memory_space<vmem_shared>>
      tpu.wait_indirect_dma semaphore(%arg11 : memref<!tpu.dma_semaphore, #tpu.memory_space<semaphore_mem>>) src(%arg8 : memref<128x128xf32, #tpu.memory_space<vmem>>) dst(%dma_wait3A_202 : memref<10240x128xf32, #tpu.memory_space<vmem_shared>>)
      %dma_start3A_203 = arith.constant 6 : i32
      %dma_start3A_204 = arith.constant 0 : i32
      %dma_start3A_205 = tpu.memref_slice %arg6[%dma_start3A_203, %dma_start3A_204] : memref<16x128xi32, #tpu.memory_space<vmem>> -> memref<1x128xi32, #tpu.memory_space<vmem>>
      %dma_start3A_206 = tpu.memref_squeeze %dma_start3A_205 : memref<1x128xi32, #tpu.memory_space<vmem>> -> memref<128xi32, #tpu.memory_space<vmem>>
      %dma_start3A_207 = arith.constant 0 : i32
      %dma_start3A_208 = arith.constant 0 : i32
      %dma_start3A_209 = tpu.memref_slice %arg2[%dma_start3A_207, %dma_start3A_208] : memref<10240x128xf32, #tpu.memory_space<hbm>> -> memref<10240x128xf32, #tpu.memory_space<hbm>>
      tpu.enqueue_indirect_dma source(%dma_start3A_209 : memref<10240x128xf32, #tpu.memory_space<hbm>>) target(%arg8 : memref<128x128xf32, #tpu.memory_space<vmem>>) offsets(%dma_start3A_206 : memref<128xi32, #tpu.memory_space<vmem>>) semaphore(%arg10 : memref<!tpu.dma_semaphore, #tpu.memory_space<semaphore_mem>>)
      %dma_wait3A_210 = arith.constant 0 : i32
      %dma_wait3A_211 = arith.constant 0 : i32
      %dma_wait3A_212 = tpu.memref_slice %arg6[%dma_wait3A_210, %dma_wait3A_211] : memref<16x128xi32, #tpu.memory_space<vmem>> -> memref<1x128xi32, #tpu.memory_space<vmem>>
      %dma_wait3A_213 = tpu.memref_squeeze %dma_wait3A_212 : memref<1x128xi32, #tpu.memory_space<vmem>> -> memref<128xi32, #tpu.memory_space<vmem>>
      %dma_wait3A_214 = arith.constant 0 : i32
      %dma_wait3A_215 = arith.constant 0 : i32
      %dma_wait3A_216 = tpu.memref_slice %arg2[%dma_wait3A_214, %dma_wait3A_215] : memref<10240x128xf32, #tpu.memory_space<hbm>> -> memref<10240x128xf32, #tpu.memory_space<hbm>>
      tpu.wait_indirect_dma semaphore(%arg10 : memref<!tpu.dma_semaphore, #tpu.memory_space<semaphore_mem>>) src(%dma_wait3A_216 : memref<10240x128xf32, #tpu.memory_space<hbm>>) dst(%arg8 : memref<128x128xf32, #tpu.memory_space<vmem>>)
      %dma_start3A_217 = arith.constant 6 : i32
      %dma_start3A_218 = arith.constant 0 : i32
      %dma_start3A_219 = tpu.memref_slice %arg7[%dma_start3A_217, %dma_start3A_218] : memref<16x128xi32, #tpu.memory_space<vmem>> -> memref<1x128xi32, #tpu.memory_space<vmem>>
      %dma_start3A_220 = tpu.memref_squeeze %dma_start3A_219 : memref<1x128xi32, #tpu.memory_space<vmem>> -> memref<128xi32, #tpu.memory_space<vmem>>
      %dma_start3A_221 = arith.constant 0 : i32
      %dma_start3A_222 = arith.constant 0 : i32
      %dma_start3A_223 = tpu.memref_slice %arg13[%dma_start3A_221, %dma_start3A_222] : memref<10240x128xf32, #tpu.memory_space<vmem_shared>> -> memref<10240x128xf32, #tpu.memory_space<vmem_shared>>
      tpu.enqueue_indirect_dma source(%arg8 : memref<128x128xf32, #tpu.memory_space<vmem>>) target(%dma_start3A_223 : memref<10240x128xf32, #tpu.memory_space<vmem_shared>>) offsets(%dma_start3A_220 : memref<128xi32, #tpu.memory_space<vmem>>) semaphore(%arg11 : memref<!tpu.dma_semaphore, #tpu.memory_space<semaphore_mem>>) {add = true}
      %dma_wait3A_224 = arith.constant 0 : i32
      %dma_wait3A_225 = arith.constant 0 : i32
      %dma_wait3A_226 = tpu.memref_slice %arg7[%dma_wait3A_224, %dma_wait3A_225] : memref<16x128xi32, #tpu.memory_space<vmem>> -> memref<1x128xi32, #tpu.memory_space<vmem>>
      %dma_wait3A_227 = tpu.memref_squeeze %dma_wait3A_226 : memref<1x128xi32, #tpu.memory_space<vmem>> -> memref<128xi32, #tpu.memory_space<vmem>>
      %dma_wait3A_228 = arith.constant 0 : i32
      %dma_wait3A_229 = arith.constant 0 : i32
      %dma_wait3A_230 = tpu.memref_slice %arg13[%dma_wait3A_228, %dma_wait3A_229] : memref<10240x128xf32, #tpu.memory_space<vmem_shared>> -> memref<10240x128xf32, #tpu.memory_space<vmem_shared>>
      tpu.wait_indirect_dma semaphore(%arg12 : memref<!tpu.dma_semaphore, #tpu.memory_space<semaphore_mem>>) src(%arg9 : memref<128x128xf32, #tpu.memory_space<vmem>>) dst(%dma_wait3A_230 : memref<10240x128xf32, #tpu.memory_space<vmem_shared>>)
      %dma_start3A_231 = arith.constant 7 : i32
      %dma_start3A_232 = arith.constant 0 : i32
      %dma_start3A_233 = tpu.memref_slice %arg6[%dma_start3A_231, %dma_start3A_232] : memref<16x128xi32, #tpu.memory_space<vmem>> -> memref<1x128xi32, #tpu.memory_space<vmem>>
      %dma_start3A_234 = tpu.memref_squeeze %dma_start3A_233 : memref<1x128xi32, #tpu.memory_space<vmem>> -> memref<128xi32, #tpu.memory_space<vmem>>
      %dma_start3A_235 = arith.constant 0 : i32
      %dma_start3A_236 = arith.constant 0 : i32
      %dma_start3A_237 = tpu.memref_slice %arg2[%dma_start3A_235, %dma_start3A_236] : memref<10240x128xf32, #tpu.memory_space<hbm>> -> memref<10240x128xf32, #tpu.memory_space<hbm>>
      tpu.enqueue_indirect_dma source(%dma_start3A_237 : memref<10240x128xf32, #tpu.memory_space<hbm>>) target(%arg9 : memref<128x128xf32, #tpu.memory_space<vmem>>) offsets(%dma_start3A_234 : memref<128xi32, #tpu.memory_space<vmem>>) semaphore(%arg10 : memref<!tpu.dma_semaphore, #tpu.memory_space<semaphore_mem>>)
      %dma_wait3A_238 = arith.constant 0 : i32
      %dma_wait3A_239 = arith.constant 0 : i32
      %dma_wait3A_240 = tpu.memref_slice %arg6[%dma_wait3A_238, %dma_wait3A_239] : memref<16x128xi32, #tpu.memory_space<vmem>> -> memref<1x128xi32, #tpu.memory_space<vmem>>
      %dma_wait3A_241 = tpu.memref_squeeze %dma_wait3A_240 : memref<1x128xi32, #tpu.memory_space<vmem>> -> memref<128xi32, #tpu.memory_space<vmem>>
      %dma_wait3A_242 = arith.constant 0 : i32
      %dma_wait3A_243 = arith.constant 0 : i32
      %dma_wait3A_244 = tpu.memref_slice %arg2[%dma_wait3A_242, %dma_wait3A_243] : memref<10240x128xf32, #tpu.memory_space<hbm>> -> memref<10240x128xf32, #tpu.memory_space<hbm>>
      tpu.wait_indirect_dma semaphore(%arg10 : memref<!tpu.dma_semaphore, #tpu.memory_space<semaphore_mem>>) src(%dma_wait3A_244 : memref<10240x128xf32, #tpu.memory_space<hbm>>) dst(%arg9 : memref<128x128xf32, #tpu.memory_space<vmem>>)
      %dma_start3A_245 = arith.constant 7 : i32
      %dma_start3A_246 = arith.constant 0 : i32
      %dma_start3A_247 = tpu.memref_slice %arg7[%dma_start3A_245, %dma_start3A_246] : memref<16x128xi32, #tpu.memory_space<vmem>> -> memref<1x128xi32, #tpu.memory_space<vmem>>
      %dma_start3A_248 = tpu.memref_squeeze %dma_start3A_247 : memref<1x128xi32, #tpu.memory_space<vmem>> -> memref<128xi32, #tpu.memory_space<vmem>>
      %dma_start3A_249 = arith.constant 0 : i32
      %dma_start3A_250 = arith.constant 0 : i32
      %dma_start3A_251 = tpu.memref_slice %arg13[%dma_start3A_249, %dma_start3A_250] : memref<10240x128xf32, #tpu.memory_space<vmem_shared>> -> memref<10240x128xf32, #tpu.memory_space<vmem_shared>>
      tpu.enqueue_indirect_dma source(%arg9 : memref<128x128xf32, #tpu.memory_space<vmem>>) target(%dma_start3A_251 : memref<10240x128xf32, #tpu.memory_space<vmem_shared>>) offsets(%dma_start3A_248 : memref<128xi32, #tpu.memory_space<vmem>>) semaphore(%arg12 : memref<!tpu.dma_semaphore, #tpu.memory_space<semaphore_mem>>) {add = true}
      %dma_wait3A_252 = arith.constant 0 : i32
      %dma_wait3A_253 = arith.constant 0 : i32
      %dma_wait3A_254 = tpu.memref_slice %arg7[%dma_wait3A_252, %dma_wait3A_253] : memref<16x128xi32, #tpu.memory_space<vmem>> -> memref<1x128xi32, #tpu.memory_space<vmem>>
      %dma_wait3A_255 = tpu.memref_squeeze %dma_wait3A_254 : memref<1x128xi32, #tpu.memory_space<vmem>> -> memref<128xi32, #tpu.memory_space<vmem>>
      %dma_wait3A_256 = arith.constant 0 : i32
      %dma_wait3A_257 = arith.constant 0 : i32
      %dma_wait3A_258 = tpu.memref_slice %arg13[%dma_wait3A_256, %dma_wait3A_257] : memref<10240x128xf32, #tpu.memory_space<vmem_shared>> -> memref<10240x128xf32, #tpu.memory_space<vmem_shared>>
      tpu.wait_indirect_dma semaphore(%arg11 : memref<!tpu.dma_semaphore, #tpu.memory_space<semaphore_mem>>) src(%arg8 : memref<128x128xf32, #tpu.memory_space<vmem>>) dst(%dma_wait3A_258 : memref<10240x128xf32, #tpu.memory_space<vmem_shared>>)
      %dma_start3A_259 = arith.constant 8 : i32
      %dma_start3A_260 = arith.constant 0 : i32
      %dma_start3A_261 = tpu.memref_slice %arg6[%dma_start3A_259, %dma_start3A_260] : memref<16x128xi32, #tpu.memory_space<vmem>> -> memref<1x128xi32, #tpu.memory_space<vmem>>
      %dma_start3A_262 = tpu.memref_squeeze %dma_start3A_261 : memref<1x128xi32, #tpu.memory_space<vmem>> -> memref<128xi32, #tpu.memory_space<vmem>>
      %dma_start3A_263 = arith.constant 0 : i32
      %dma_start3A_264 = arith.constant 0 : i32
      %dma_start3A_265 = tpu.memref_slice %arg2[%dma_start3A_263, %dma_start3A_264] : memref<10240x128xf32, #tpu.memory_space<hbm>> -> memref<10240x128xf32, #tpu.memory_space<hbm>>
      tpu.enqueue_indirect_dma source(%dma_start3A_265 : memref<10240x128xf32, #tpu.memory_space<hbm>>) target(%arg8 : memref<128x128xf32, #tpu.memory_space<vmem>>) offsets(%dma_start3A_262 : memref<128xi32, #tpu.memory_space<vmem>>) semaphore(%arg10 : memref<!tpu.dma_semaphore, #tpu.memory_space<semaphore_mem>>)
      %dma_wait3A_266 = arith.constant 0 : i32
      %dma_wait3A_267 = arith.constant 0 : i32
      %dma_wait3A_268 = tpu.memref_slice %arg6[%dma_wait3A_266, %dma_wait3A_267] : memref<16x128xi32, #tpu.memory_space<vmem>> -> memref<1x128xi32, #tpu.memory_space<vmem>>
      %dma_wait3A_269 = tpu.memref_squeeze %dma_wait3A_268 : memref<1x128xi32, #tpu.memory_space<vmem>> -> memref<128xi32, #tpu.memory_space<vmem>>
      %dma_wait3A_270 = arith.constant 0 : i32
      %dma_wait3A_271 = arith.constant 0 : i32
      %dma_wait3A_272 = tpu.memref_slice %arg2[%dma_wait3A_270, %dma_wait3A_271] : memref<10240x128xf32, #tpu.memory_space<hbm>> -> memref<10240x128xf32, #tpu.memory_space<hbm>>
      tpu.wait_indirect_dma semaphore(%arg10 : memref<!tpu.dma_semaphore, #tpu.memory_space<semaphore_mem>>) src(%dma_wait3A_272 : memref<10240x128xf32, #tpu.memory_space<hbm>>) dst(%arg8 : memref<128x128xf32, #tpu.memory_space<vmem>>)
      %dma_start3A_273 = arith.constant 8 : i32
      %dma_start3A_274 = arith.constant 0 : i32
      %dma_start3A_275 = tpu.memref_slice %arg7[%dma_start3A_273, %dma_start3A_274] : memref<16x128xi32, #tpu.memory_space<vmem>> -> memref<1x128xi32, #tpu.memory_space<vmem>>
      %dma_start3A_276 = tpu.memref_squeeze %dma_start3A_275 : memref<1x128xi32, #tpu.memory_space<vmem>> -> memref<128xi32, #tpu.memory_space<vmem>>
      %dma_start3A_277 = arith.constant 0 : i32
      %dma_start3A_278 = arith.constant 0 : i32
      %dma_start3A_279 = tpu.memref_slice %arg13[%dma_start3A_277, %dma_start3A_278] : memref<10240x128xf32, #tpu.memory_space<vmem_shared>> -> memref<10240x128xf32, #tpu.memory_space<vmem_shared>>
      tpu.enqueue_indirect_dma source(%arg8 : memref<128x128xf32, #tpu.memory_space<vmem>>) target(%dma_start3A_279 : memref<10240x128xf32, #tpu.memory_space<vmem_shared>>) offsets(%dma_start3A_276 : memref<128xi32, #tpu.memory_space<vmem>>) semaphore(%arg11 : memref<!tpu.dma_semaphore, #tpu.memory_space<semaphore_mem>>) {add = true}
      %dma_wait3A_280 = arith.constant 0 : i32
      %dma_wait3A_281 = arith.constant 0 : i32
      %dma_wait3A_282 = tpu.memref_slice %arg7[%dma_wait3A_280, %dma_wait3A_281] : memref<16x128xi32, #tpu.memory_space<vmem>> -> memref<1x128xi32, #tpu.memory_space<vmem>>
      %dma_wait3A_283 = tpu.memref_squeeze %dma_wait3A_282 : memref<1x128xi32, #tpu.memory_space<vmem>> -> memref<128xi32, #tpu.memory_space<vmem>>
      %dma_wait3A_284 = arith.constant 0 : i32
      %dma_wait3A_285 = arith.constant 0 : i32
      %dma_wait3A_286 = tpu.memref_slice %arg13[%dma_wait3A_284, %dma_wait3A_285] : memref<10240x128xf32, #tpu.memory_space<vmem_shared>> -> memref<10240x128xf32, #tpu.memory_space<vmem_shared>>
      tpu.wait_indirect_dma semaphore(%arg12 : memref<!tpu.dma_semaphore, #tpu.memory_space<semaphore_mem>>) src(%arg9 : memref<128x128xf32, #tpu.memory_space<vmem>>) dst(%dma_wait3A_286 : memref<10240x128xf32, #tpu.memory_space<vmem_shared>>)
      %dma_start3A_287 = arith.constant 9 : i32
      %dma_start3A_288 = arith.constant 0 : i32
      %dma_start3A_289 = tpu.memref_slice %arg6[%dma_start3A_287, %dma_start3A_288] : memref<16x128xi32, #tpu.memory_space<vmem>> -> memref<1x128xi32, #tpu.memory_space<vmem>>
      %dma_start3A_290 = tpu.memref_squeeze %dma_start3A_289 : memref<1x128xi32, #tpu.memory_space<vmem>> -> memref<128xi32, #tpu.memory_space<vmem>>
      %dma_start3A_291 = arith.constant 0 : i32
      %dma_start3A_292 = arith.constant 0 : i32
      %dma_start3A_293 = tpu.memref_slice %arg2[%dma_start3A_291, %dma_start3A_292] : memref<10240x128xf32, #tpu.memory_space<hbm>> -> memref<10240x128xf32, #tpu.memory_space<hbm>>
      tpu.enqueue_indirect_dma source(%dma_start3A_293 : memref<10240x128xf32, #tpu.memory_space<hbm>>) target(%arg9 : memref<128x128xf32, #tpu.memory_space<vmem>>) offsets(%dma_start3A_290 : memref<128xi32, #tpu.memory_space<vmem>>) semaphore(%arg10 : memref<!tpu.dma_semaphore, #tpu.memory_space<semaphore_mem>>)
      %dma_wait3A_294 = arith.constant 0 : i32
      %dma_wait3A_295 = arith.constant 0 : i32
      %dma_wait3A_296 = tpu.memref_slice %arg6[%dma_wait3A_294, %dma_wait3A_295] : memref<16x128xi32, #tpu.memory_space<vmem>> -> memref<1x128xi32, #tpu.memory_space<vmem>>
      %dma_wait3A_297 = tpu.memref_squeeze %dma_wait3A_296 : memref<1x128xi32, #tpu.memory_space<vmem>> -> memref<128xi32, #tpu.memory_space<vmem>>
      %dma_wait3A_298 = arith.constant 0 : i32
      %dma_wait3A_299 = arith.constant 0 : i32
      %dma_wait3A_300 = tpu.memref_slice %arg2[%dma_wait3A_298, %dma_wait3A_299] : memref<10240x128xf32, #tpu.memory_space<hbm>> -> memref<10240x128xf32, #tpu.memory_space<hbm>>
      tpu.wait_indirect_dma semaphore(%arg10 : memref<!tpu.dma_semaphore, #tpu.memory_space<semaphore_mem>>) src(%dma_wait3A_300 : memref<10240x128xf32, #tpu.memory_space<hbm>>) dst(%arg9 : memref<128x128xf32, #tpu.memory_space<vmem>>)
      %dma_start3A_301 = arith.constant 9 : i32
      %dma_start3A_302 = arith.constant 0 : i32
      %dma_start3A_303 = tpu.memref_slice %arg7[%dma_start3A_301, %dma_start3A_302] : memref<16x128xi32, #tpu.memory_space<vmem>> -> memref<1x128xi32, #tpu.memory_space<vmem>>
      %dma_start3A_304 = tpu.memref_squeeze %dma_start3A_303 : memref<1x128xi32, #tpu.memory_space<vmem>> -> memref<128xi32, #tpu.memory_space<vmem>>
      %dma_start3A_305 = arith.constant 0 : i32
      %dma_start3A_306 = arith.constant 0 : i32
      %dma_start3A_307 = tpu.memref_slice %arg13[%dma_start3A_305, %dma_start3A_306] : memref<10240x128xf32, #tpu.memory_space<vmem_shared>> -> memref<10240x128xf32, #tpu.memory_space<vmem_shared>>
      tpu.enqueue_indirect_dma source(%arg9 : memref<128x128xf32, #tpu.memory_space<vmem>>) target(%dma_start3A_307 : memref<10240x128xf32, #tpu.memory_space<vmem_shared>>) offsets(%dma_start3A_304 : memref<128xi32, #tpu.memory_space<vmem>>) semaphore(%arg12 : memref<!tpu.dma_semaphore, #tpu.memory_space<semaphore_mem>>) {add = true}
      %dma_wait3A_308 = arith.constant 0 : i32
      %dma_wait3A_309 = arith.constant 0 : i32
      %dma_wait3A_310 = tpu.memref_slice %arg7[%dma_wait3A_308, %dma_wait3A_309] : memref<16x128xi32, #tpu.memory_space<vmem>> -> memref<1x128xi32, #tpu.memory_space<vmem>>
      %dma_wait3A_311 = tpu.memref_squeeze %dma_wait3A_310 : memref<1x128xi32, #tpu.memory_space<vmem>> -> memref<128xi32, #tpu.memory_space<vmem>>
      %dma_wait3A_312 = arith.constant 0 : i32
      %dma_wait3A_313 = arith.constant 0 : i32
      %dma_wait3A_314 = tpu.memref_slice %arg13[%dma_wait3A_312, %dma_wait3A_313] : memref<10240x128xf32, #tpu.memory_space<vmem_shared>> -> memref<10240x128xf32, #tpu.memory_space<vmem_shared>>
      tpu.wait_indirect_dma semaphore(%arg11 : memref<!tpu.dma_semaphore, #tpu.memory_space<semaphore_mem>>) src(%arg8 : memref<128x128xf32, #tpu.memory_space<vmem>>) dst(%dma_wait3A_314 : memref<10240x128xf32, #tpu.memory_space<vmem_shared>>)
      %dma_start3A_315 = arith.constant 10 : i32
      %dma_start3A_316 = arith.constant 0 : i32
      %dma_start3A_317 = tpu.memref_slice %arg6[%dma_start3A_315, %dma_start3A_316] : memref<16x128xi32, #tpu.memory_space<vmem>> -> memref<1x128xi32, #tpu.memory_space<vmem>>
      %dma_start3A_318 = tpu.memref_squeeze %dma_start3A_317 : memref<1x128xi32, #tpu.memory_space<vmem>> -> memref<128xi32, #tpu.memory_space<vmem>>
      %dma_start3A_319 = arith.constant 0 : i32
      %dma_start3A_320 = arith.constant 0 : i32
      %dma_start3A_321 = tpu.memref_slice %arg2[%dma_start3A_319, %dma_start3A_320] : memref<10240x128xf32, #tpu.memory_space<hbm>> -> memref<10240x128xf32, #tpu.memory_space<hbm>>
      tpu.enqueue_indirect_dma source(%dma_start3A_321 : memref<10240x128xf32, #tpu.memory_space<hbm>>) target(%arg8 : memref<128x128xf32, #tpu.memory_space<vmem>>) offsets(%dma_start3A_318 : memref<128xi32, #tpu.memory_space<vmem>>) semaphore(%arg10 : memref<!tpu.dma_semaphore, #tpu.memory_space<semaphore_mem>>)
      %dma_wait3A_322 = arith.constant 0 : i32
      %dma_wait3A_323 = arith.constant 0 : i32
      %dma_wait3A_324 = tpu.memref_slice %arg6[%dma_wait3A_322, %dma_wait3A_323] : memref<16x128xi32, #tpu.memory_space<vmem>> -> memref<1x128xi32, #tpu.memory_space<vmem>>
      %dma_wait3A_325 = tpu.memref_squeeze %dma_wait3A_324 : memref<1x128xi32, #tpu.memory_space<vmem>> -> memref<128xi32, #tpu.memory_space<vmem>>
      %dma_wait3A_326 = arith.constant 0 : i32
      %dma_wait3A_327 = arith.constant 0 : i32
      %dma_wait3A_328 = tpu.memref_slice %arg2[%dma_wait3A_326, %dma_wait3A_327] : memref<10240x128xf32, #tpu.memory_space<hbm>> -> memref<10240x128xf32, #tpu.memory_space<hbm>>
      tpu.wait_indirect_dma semaphore(%arg10 : memref<!tpu.dma_semaphore, #tpu.memory_space<semaphore_mem>>) src(%dma_wait3A_328 : memref<10240x128xf32, #tpu.memory_space<hbm>>) dst(%arg8 : memref<128x128xf32, #tpu.memory_space<vmem>>)
      %dma_start3A_329 = arith.constant 10 : i32
      %dma_start3A_330 = arith.constant 0 : i32
      %dma_start3A_331 = tpu.memref_slice %arg7[%dma_start3A_329, %dma_start3A_330] : memref<16x128xi32, #tpu.memory_space<vmem>> -> memref<1x128xi32, #tpu.memory_space<vmem>>
      %dma_start3A_332 = tpu.memref_squeeze %dma_start3A_331 : memref<1x128xi32, #tpu.memory_space<vmem>> -> memref<128xi32, #tpu.memory_space<vmem>>
      %dma_start3A_333 = arith.constant 0 : i32
      %dma_start3A_334 = arith.constant 0 : i32
      %dma_start3A_335 = tpu.memref_slice %arg13[%dma_start3A_333, %dma_start3A_334] : memref<10240x128xf32, #tpu.memory_space<vmem_shared>> -> memref<10240x128xf32, #tpu.memory_space<vmem_shared>>
      tpu.enqueue_indirect_dma source(%arg8 : memref<128x128xf32, #tpu.memory_space<vmem>>) target(%dma_start3A_335 : memref<10240x128xf32, #tpu.memory_space<vmem_shared>>) offsets(%dma_start3A_332 : memref<128xi32, #tpu.memory_space<vmem>>) semaphore(%arg11 : memref<!tpu.dma_semaphore, #tpu.memory_space<semaphore_mem>>) {add = true}
      %dma_wait3A_336 = arith.constant 0 : i32
      %dma_wait3A_337 = arith.constant 0 : i32
      %dma_wait3A_338 = tpu.memref_slice %arg7[%dma_wait3A_336, %dma_wait3A_337] : memref<16x128xi32, #tpu.memory_space<vmem>> -> memref<1x128xi32, #tpu.memory_space<vmem>>
      %dma_wait3A_339 = tpu.memref_squeeze %dma_wait3A_338 : memref<1x128xi32, #tpu.memory_space<vmem>> -> memref<128xi32, #tpu.memory_space<vmem>>
      %dma_wait3A_340 = arith.constant 0 : i32
      %dma_wait3A_341 = arith.constant 0 : i32
      %dma_wait3A_342 = tpu.memref_slice %arg13[%dma_wait3A_340, %dma_wait3A_341] : memref<10240x128xf32, #tpu.memory_space<vmem_shared>> -> memref<10240x128xf32, #tpu.memory_space<vmem_shared>>
      tpu.wait_indirect_dma semaphore(%arg12 : memref<!tpu.dma_semaphore, #tpu.memory_space<semaphore_mem>>) src(%arg9 : memref<128x128xf32, #tpu.memory_space<vmem>>) dst(%dma_wait3A_342 : memref<10240x128xf32, #tpu.memory_space<vmem_shared>>)
      %dma_start3A_343 = arith.constant 11 : i32
      %dma_start3A_344 = arith.constant 0 : i32
      %dma_start3A_345 = tpu.memref_slice %arg6[%dma_start3A_343, %dma_start3A_344] : memref<16x128xi32, #tpu.memory_space<vmem>> -> memref<1x128xi32, #tpu.memory_space<vmem>>
      %dma_start3A_346 = tpu.memref_squeeze %dma_start3A_345 : memref<1x128xi32, #tpu.memory_space<vmem>> -> memref<128xi32, #tpu.memory_space<vmem>>
      %dma_start3A_347 = arith.constant 0 : i32
      %dma_start3A_348 = arith.constant 0 : i32
      %dma_start3A_349 = tpu.memref_slice %arg2[%dma_start3A_347, %dma_start3A_348] : memref<10240x128xf32, #tpu.memory_space<hbm>> -> memref<10240x128xf32, #tpu.memory_space<hbm>>
      tpu.enqueue_indirect_dma source(%dma_start3A_349 : memref<10240x128xf32, #tpu.memory_space<hbm>>) target(%arg9 : memref<128x128xf32, #tpu.memory_space<vmem>>) offsets(%dma_start3A_346 : memref<128xi32, #tpu.memory_space<vmem>>) semaphore(%arg10 : memref<!tpu.dma_semaphore, #tpu.memory_space<semaphore_mem>>)
      %dma_wait3A_350 = arith.constant 0 : i32
      %dma_wait3A_351 = arith.constant 0 : i32
      %dma_wait3A_352 = tpu.memref_slice %arg6[%dma_wait3A_350, %dma_wait3A_351] : memref<16x128xi32, #tpu.memory_space<vmem>> -> memref<1x128xi32, #tpu.memory_space<vmem>>
      %dma_wait3A_353 = tpu.memref_squeeze %dma_wait3A_352 : memref<1x128xi32, #tpu.memory_space<vmem>> -> memref<128xi32, #tpu.memory_space<vmem>>
      %dma_wait3A_354 = arith.constant 0 : i32
      %dma_wait3A_355 = arith.constant 0 : i32
      %dma_wait3A_356 = tpu.memref_slice %arg2[%dma_wait3A_354, %dma_wait3A_355] : memref<10240x128xf32, #tpu.memory_space<hbm>> -> memref<10240x128xf32, #tpu.memory_space<hbm>>
      tpu.wait_indirect_dma semaphore(%arg10 : memref<!tpu.dma_semaphore, #tpu.memory_space<semaphore_mem>>) src(%dma_wait3A_356 : memref<10240x128xf32, #tpu.memory_space<hbm>>) dst(%arg9 : memref<128x128xf32, #tpu.memory_space<vmem>>)
      %dma_start3A_357 = arith.constant 11 : i32
      %dma_start3A_358 = arith.constant 0 : i32
      %dma_start3A_359 = tpu.memref_slice %arg7[%dma_start3A_357, %dma_start3A_358] : memref<16x128xi32, #tpu.memory_space<vmem>> -> memref<1x128xi32, #tpu.memory_space<vmem>>
      %dma_start3A_360 = tpu.memref_squeeze %dma_start3A_359 : memref<1x128xi32, #tpu.memory_space<vmem>> -> memref<128xi32, #tpu.memory_space<vmem>>
      %dma_start3A_361 = arith.constant 0 : i32
      %dma_start3A_362 = arith.constant 0 : i32
      %dma_start3A_363 = tpu.memref_slice %arg13[%dma_start3A_361, %dma_start3A_362] : memref<10240x128xf32, #tpu.memory_space<vmem_shared>> -> memref<10240x128xf32, #tpu.memory_space<vmem_shared>>
      tpu.enqueue_indirect_dma source(%arg9 : memref<128x128xf32, #tpu.memory_space<vmem>>) target(%dma_start3A_363 : memref<10240x128xf32, #tpu.memory_space<vmem_shared>>) offsets(%dma_start3A_360 : memref<128xi32, #tpu.memory_space<vmem>>) semaphore(%arg12 : memref<!tpu.dma_semaphore, #tpu.memory_space<semaphore_mem>>) {add = true}
      %dma_wait3A_364 = arith.constant 0 : i32
      %dma_wait3A_365 = arith.constant 0 : i32
      %dma_wait3A_366 = tpu.memref_slice %arg7[%dma_wait3A_364, %dma_wait3A_365] : memref<16x128xi32, #tpu.memory_space<vmem>> -> memref<1x128xi32, #tpu.memory_space<vmem>>
      %dma_wait3A_367 = tpu.memref_squeeze %dma_wait3A_366 : memref<1x128xi32, #tpu.memory_space<vmem>> -> memref<128xi32, #tpu.memory_space<vmem>>
      %dma_wait3A_368 = arith.constant 0 : i32
      %dma_wait3A_369 = arith.constant 0 : i32
      %dma_wait3A_370 = tpu.memref_slice %arg13[%dma_wait3A_368, %dma_wait3A_369] : memref<10240x128xf32, #tpu.memory_space<vmem_shared>> -> memref<10240x128xf32, #tpu.memory_space<vmem_shared>>
      tpu.wait_indirect_dma semaphore(%arg11 : memref<!tpu.dma_semaphore, #tpu.memory_space<semaphore_mem>>) src(%arg8 : memref<128x128xf32, #tpu.memory_space<vmem>>) dst(%dma_wait3A_370 : memref<10240x128xf32, #tpu.memory_space<vmem_shared>>)
      %dma_start3A_371 = arith.constant 12 : i32
      %dma_start3A_372 = arith.constant 0 : i32
      %dma_start3A_373 = tpu.memref_slice %arg6[%dma_start3A_371, %dma_start3A_372] : memref<16x128xi32, #tpu.memory_space<vmem>> -> memref<1x128xi32, #tpu.memory_space<vmem>>
      %dma_start3A_374 = tpu.memref_squeeze %dma_start3A_373 : memref<1x128xi32, #tpu.memory_space<vmem>> -> memref<128xi32, #tpu.memory_space<vmem>>
      %dma_start3A_375 = arith.constant 0 : i32
      %dma_start3A_376 = arith.constant 0 : i32
      %dma_start3A_377 = tpu.memref_slice %arg2[%dma_start3A_375, %dma_start3A_376] : memref<10240x128xf32, #tpu.memory_space<hbm>> -> memref<10240x128xf32, #tpu.memory_space<hbm>>
      tpu.enqueue_indirect_dma source(%dma_start3A_377 : memref<10240x128xf32, #tpu.memory_space<hbm>>) target(%arg8 : memref<128x128xf32, #tpu.memory_space<vmem>>) offsets(%dma_start3A_374 : memref<128xi32, #tpu.memory_space<vmem>>) semaphore(%arg10 : memref<!tpu.dma_semaphore, #tpu.memory_space<semaphore_mem>>)
      %dma_wait3A_378 = arith.constant 0 : i32
      %dma_wait3A_379 = arith.constant 0 : i32
      %dma_wait3A_380 = tpu.memref_slice %arg6[%dma_wait3A_378, %dma_wait3A_379] : memref<16x128xi32, #tpu.memory_space<vmem>> -> memref<1x128xi32, #tpu.memory_space<vmem>>
      %dma_wait3A_381 = tpu.memref_squeeze %dma_wait3A_380 : memref<1x128xi32, #tpu.memory_space<vmem>> -> memref<128xi32, #tpu.memory_space<vmem>>
      %dma_wait3A_382 = arith.constant 0 : i32
      %dma_wait3A_383 = arith.constant 0 : i32
      %dma_wait3A_384 = tpu.memref_slice %arg2[%dma_wait3A_382, %dma_wait3A_383] : memref<10240x128xf32, #tpu.memory_space<hbm>> -> memref<10240x128xf32, #tpu.memory_space<hbm>>
      tpu.wait_indirect_dma semaphore(%arg10 : memref<!tpu.dma_semaphore, #tpu.memory_space<semaphore_mem>>) src(%dma_wait3A_384 : memref<10240x128xf32, #tpu.memory_space<hbm>>) dst(%arg8 : memref<128x128xf32, #tpu.memory_space<vmem>>)
      %dma_start3A_385 = arith.constant 12 : i32
      %dma_start3A_386 = arith.constant 0 : i32
      %dma_start3A_387 = tpu.memref_slice %arg7[%dma_start3A_385, %dma_start3A_386] : memref<16x128xi32, #tpu.memory_space<vmem>> -> memref<1x128xi32, #tpu.memory_space<vmem>>
      %dma_start3A_388 = tpu.memref_squeeze %dma_start3A_387 : memref<1x128xi32, #tpu.memory_space<vmem>> -> memref<128xi32, #tpu.memory_space<vmem>>
      %dma_start3A_389 = arith.constant 0 : i32
      %dma_start3A_390 = arith.constant 0 : i32
      %dma_start3A_391 = tpu.memref_slice %arg13[%dma_start3A_389, %dma_start3A_390] : memref<10240x128xf32, #tpu.memory_space<vmem_shared>> -> memref<10240x128xf32, #tpu.memory_space<vmem_shared>>
      tpu.enqueue_indirect_dma source(%arg8 : memref<128x128xf32, #tpu.memory_space<vmem>>) target(%dma_start3A_391 : memref<10240x128xf32, #tpu.memory_space<vmem_shared>>) offsets(%dma_start3A_388 : memref<128xi32, #tpu.memory_space<vmem>>) semaphore(%arg11 : memref<!tpu.dma_semaphore, #tpu.memory_space<semaphore_mem>>) {add = true}
      %dma_wait3A_392 = arith.constant 0 : i32
      %dma_wait3A_393 = arith.constant 0 : i32
      %dma_wait3A_394 = tpu.memref_slice %arg7[%dma_wait3A_392, %dma_wait3A_393] : memref<16x128xi32, #tpu.memory_space<vmem>> -> memref<1x128xi32, #tpu.memory_space<vmem>>
      %dma_wait3A_395 = tpu.memref_squeeze %dma_wait3A_394 : memref<1x128xi32, #tpu.memory_space<vmem>> -> memref<128xi32, #tpu.memory_space<vmem>>
      %dma_wait3A_396 = arith.constant 0 : i32
      %dma_wait3A_397 = arith.constant 0 : i32
      %dma_wait3A_398 = tpu.memref_slice %arg13[%dma_wait3A_396, %dma_wait3A_397] : memref<10240x128xf32, #tpu.memory_space<vmem_shared>> -> memref<10240x128xf32, #tpu.memory_space<vmem_shared>>
      tpu.wait_indirect_dma semaphore(%arg12 : memref<!tpu.dma_semaphore, #tpu.memory_space<semaphore_mem>>) src(%arg9 : memref<128x128xf32, #tpu.memory_space<vmem>>) dst(%dma_wait3A_398 : memref<10240x128xf32, #tpu.memory_space<vmem_shared>>)
      %dma_start3A_399 = arith.constant 13 : i32
      %dma_start3A_400 = arith.constant 0 : i32
      %dma_start3A_401 = tpu.memref_slice %arg6[%dma_start3A_399, %dma_start3A_400] : memref<16x128xi32, #tpu.memory_space<vmem>> -> memref<1x128xi32, #tpu.memory_space<vmem>>
      %dma_start3A_402 = tpu.memref_squeeze %dma_start3A_401 : memref<1x128xi32, #tpu.memory_space<vmem>> -> memref<128xi32, #tpu.memory_space<vmem>>
      %dma_start3A_403 = arith.constant 0 : i32
      %dma_start3A_404 = arith.constant 0 : i32
      %dma_start3A_405 = tpu.memref_slice %arg2[%dma_start3A_403, %dma_start3A_404] : memref<10240x128xf32, #tpu.memory_space<hbm>> -> memref<10240x128xf32, #tpu.memory_space<hbm>>
      tpu.enqueue_indirect_dma source(%dma_start3A_405 : memref<10240x128xf32, #tpu.memory_space<hbm>>) target(%arg9 : memref<128x128xf32, #tpu.memory_space<vmem>>) offsets(%dma_start3A_402 : memref<128xi32, #tpu.memory_space<vmem>>) semaphore(%arg10 : memref<!tpu.dma_semaphore, #tpu.memory_space<semaphore_mem>>)
      %dma_wait3A_406 = arith.constant 0 : i32
      %dma_wait3A_407 = arith.constant 0 : i32
      %dma_wait3A_408 = tpu.memref_slice %arg6[%dma_wait3A_406, %dma_wait3A_407] : memref<16x128xi32, #tpu.memory_space<vmem>> -> memref<1x128xi32, #tpu.memory_space<vmem>>
      %dma_wait3A_409 = tpu.memref_squeeze %dma_wait3A_408 : memref<1x128xi32, #tpu.memory_space<vmem>> -> memref<128xi32, #tpu.memory_space<vmem>>
      %dma_wait3A_410 = arith.constant 0 : i32
      %dma_wait3A_411 = arith.constant 0 : i32
      %dma_wait3A_412 = tpu.memref_slice %arg2[%dma_wait3A_410, %dma_wait3A_411] : memref<10240x128xf32, #tpu.memory_space<hbm>> -> memref<10240x128xf32, #tpu.memory_space<hbm>>
      tpu.wait_indirect_dma semaphore(%arg10 : memref<!tpu.dma_semaphore, #tpu.memory_space<semaphore_mem>>) src(%dma_wait3A_412 : memref<10240x128xf32, #tpu.memory_space<hbm>>) dst(%arg9 : memref<128x128xf32, #tpu.memory_space<vmem>>)
      %dma_start3A_413 = arith.constant 13 : i32
      %dma_start3A_414 = arith.constant 0 : i32
      %dma_start3A_415 = tpu.memref_slice %arg7[%dma_start3A_413, %dma_start3A_414] : memref<16x128xi32, #tpu.memory_space<vmem>> -> memref<1x128xi32, #tpu.memory_space<vmem>>
      %dma_start3A_416 = tpu.memref_squeeze %dma_start3A_415 : memref<1x128xi32, #tpu.memory_space<vmem>> -> memref<128xi32, #tpu.memory_space<vmem>>
      %dma_start3A_417 = arith.constant 0 : i32
      %dma_start3A_418 = arith.constant 0 : i32
      %dma_start3A_419 = tpu.memref_slice %arg13[%dma_start3A_417, %dma_start3A_418] : memref<10240x128xf32, #tpu.memory_space<vmem_shared>> -> memref<10240x128xf32, #tpu.memory_space<vmem_shared>>
      tpu.enqueue_indirect_dma source(%arg9 : memref<128x128xf32, #tpu.memory_space<vmem>>) target(%dma_start3A_419 : memref<10240x128xf32, #tpu.memory_space<vmem_shared>>) offsets(%dma_start3A_416 : memref<128xi32, #tpu.memory_space<vmem>>) semaphore(%arg12 : memref<!tpu.dma_semaphore, #tpu.memory_space<semaphore_mem>>) {add = true}
      %dma_wait3A_420 = arith.constant 0 : i32
      %dma_wait3A_421 = arith.constant 0 : i32
      %dma_wait3A_422 = tpu.memref_slice %arg7[%dma_wait3A_420, %dma_wait3A_421] : memref<16x128xi32, #tpu.memory_space<vmem>> -> memref<1x128xi32, #tpu.memory_space<vmem>>
      %dma_wait3A_423 = tpu.memref_squeeze %dma_wait3A_422 : memref<1x128xi32, #tpu.memory_space<vmem>> -> memref<128xi32, #tpu.memory_space<vmem>>
      %dma_wait3A_424 = arith.constant 0 : i32
      %dma_wait3A_425 = arith.constant 0 : i32
      %dma_wait3A_426 = tpu.memref_slice %arg13[%dma_wait3A_424, %dma_wait3A_425] : memref<10240x128xf32, #tpu.memory_space<vmem_shared>> -> memref<10240x128xf32, #tpu.memory_space<vmem_shared>>
      tpu.wait_indirect_dma semaphore(%arg11 : memref<!tpu.dma_semaphore, #tpu.memory_space<semaphore_mem>>) src(%arg8 : memref<128x128xf32, #tpu.memory_space<vmem>>) dst(%dma_wait3A_426 : memref<10240x128xf32, #tpu.memory_space<vmem_shared>>)
      %dma_start3A_427 = arith.constant 14 : i32
      %dma_start3A_428 = arith.constant 0 : i32
      %dma_start3A_429 = tpu.memref_slice %arg6[%dma_start3A_427, %dma_start3A_428] : memref<16x128xi32, #tpu.memory_space<vmem>> -> memref<1x128xi32, #tpu.memory_space<vmem>>
      %dma_start3A_430 = tpu.memref_squeeze %dma_start3A_429 : memref<1x128xi32, #tpu.memory_space<vmem>> -> memref<128xi32, #tpu.memory_space<vmem>>
      %dma_start3A_431 = arith.constant 0 : i32
      %dma_start3A_432 = arith.constant 0 : i32
      %dma_start3A_433 = tpu.memref_slice %arg2[%dma_start3A_431, %dma_start3A_432] : memref<10240x128xf32, #tpu.memory_space<hbm>> -> memref<10240x128xf32, #tpu.memory_space<hbm>>
      tpu.enqueue_indirect_dma source(%dma_start3A_433 : memref<10240x128xf32, #tpu.memory_space<hbm>>) target(%arg8 : memref<128x128xf32, #tpu.memory_space<vmem>>) offsets(%dma_start3A_430 : memref<128xi32, #tpu.memory_space<vmem>>) semaphore(%arg10 : memref<!tpu.dma_semaphore, #tpu.memory_space<semaphore_mem>>)
      %dma_wait3A_434 = arith.constant 0 : i32
      %dma_wait3A_435 = arith.constant 0 : i32
      %dma_wait3A_436 = tpu.memref_slice %arg6[%dma_wait3A_434, %dma_wait3A_435] : memref<16x128xi32, #tpu.memory_space<vmem>> -> memref<1x128xi32, #tpu.memory_space<vmem>>
      %dma_wait3A_437 = tpu.memref_squeeze %dma_wait3A_436 : memref<1x128xi32, #tpu.memory_space<vmem>> -> memref<128xi32, #tpu.memory_space<vmem>>
      %dma_wait3A_438 = arith.constant 0 : i32
      %dma_wait3A_439 = arith.constant 0 : i32
      %dma_wait3A_440 = tpu.memref_slice %arg2[%dma_wait3A_438, %dma_wait3A_439] : memref<10240x128xf32, #tpu.memory_space<hbm>> -> memref<10240x128xf32, #tpu.memory_space<hbm>>
      tpu.wait_indirect_dma semaphore(%arg10 : memref<!tpu.dma_semaphore, #tpu.memory_space<semaphore_mem>>) src(%dma_wait3A_440 : memref<10240x128xf32, #tpu.memory_space<hbm>>) dst(%arg8 : memref<128x128xf32, #tpu.memory_space<vmem>>)
      %dma_start3A_441 = arith.constant 14 : i32
      %dma_start3A_442 = arith.constant 0 : i32
      %dma_start3A_443 = tpu.memref_slice %arg7[%dma_start3A_441, %dma_start3A_442] : memref<16x128xi32, #tpu.memory_space<vmem>> -> memref<1x128xi32, #tpu.memory_space<vmem>>
      %dma_start3A_444 = tpu.memref_squeeze %dma_start3A_443 : memref<1x128xi32, #tpu.memory_space<vmem>> -> memref<128xi32, #tpu.memory_space<vmem>>
      %dma_start3A_445 = arith.constant 0 : i32
      %dma_start3A_446 = arith.constant 0 : i32
      %dma_start3A_447 = tpu.memref_slice %arg13[%dma_start3A_445, %dma_start3A_446] : memref<10240x128xf32, #tpu.memory_space<vmem_shared>> -> memref<10240x128xf32, #tpu.memory_space<vmem_shared>>
      tpu.enqueue_indirect_dma source(%arg8 : memref<128x128xf32, #tpu.memory_space<vmem>>) target(%dma_start3A_447 : memref<10240x128xf32, #tpu.memory_space<vmem_shared>>) offsets(%dma_start3A_444 : memref<128xi32, #tpu.memory_space<vmem>>) semaphore(%arg11 : memref<!tpu.dma_semaphore, #tpu.memory_space<semaphore_mem>>) {add = true}
      %dma_wait3A_448 = arith.constant 0 : i32
      %dma_wait3A_449 = arith.constant 0 : i32
      %dma_wait3A_450 = tpu.memref_slice %arg7[%dma_wait3A_448, %dma_wait3A_449] : memref<16x128xi32, #tpu.memory_space<vmem>> -> memref<1x128xi32, #tpu.memory_space<vmem>>
      %dma_wait3A_451 = tpu.memref_squeeze %dma_wait3A_450 : memref<1x128xi32, #tpu.memory_space<vmem>> -> memref<128xi32, #tpu.memory_space<vmem>>
      %dma_wait3A_452 = arith.constant 0 : i32
      %dma_wait3A_453 = arith.constant 0 : i32
      %dma_wait3A_454 = tpu.memref_slice %arg13[%dma_wait3A_452, %dma_wait3A_453] : memref<10240x128xf32, #tpu.memory_space<vmem_shared>> -> memref<10240x128xf32, #tpu.memory_space<vmem_shared>>
      tpu.wait_indirect_dma semaphore(%arg12 : memref<!tpu.dma_semaphore, #tpu.memory_space<semaphore_mem>>) src(%arg9 : memref<128x128xf32, #tpu.memory_space<vmem>>) dst(%dma_wait3A_454 : memref<10240x128xf32, #tpu.memory_space<vmem_shared>>)
      %dma_start3A_455 = arith.constant 15 : i32
      %dma_start3A_456 = arith.constant 0 : i32
      %dma_start3A_457 = tpu.memref_slice %arg6[%dma_start3A_455, %dma_start3A_456] : memref<16x128xi32, #tpu.memory_space<vmem>> -> memref<1x128xi32, #tpu.memory_space<vmem>>
      %dma_start3A_458 = tpu.memref_squeeze %dma_start3A_457 : memref<1x128xi32, #tpu.memory_space<vmem>> -> memref<128xi32, #tpu.memory_space<vmem>>
      %dma_start3A_459 = arith.constant 0 : i32
      %dma_start3A_460 = arith.constant 0 : i32
      %dma_start3A_461 = tpu.memref_slice %arg2[%dma_start3A_459, %dma_start3A_460] : memref<10240x128xf32, #tpu.memory_space<hbm>> -> memref<10240x128xf32, #tpu.memory_space<hbm>>
      tpu.enqueue_indirect_dma source(%dma_start3A_461 : memref<10240x128xf32, #tpu.memory_space<hbm>>) target(%arg9 : memref<128x128xf32, #tpu.memory_space<vmem>>) offsets(%dma_start3A_458 : memref<128xi32, #tpu.memory_space<vmem>>) semaphore(%arg10 : memref<!tpu.dma_semaphore, #tpu.memory_space<semaphore_mem>>)
      %dma_wait3A_462 = arith.constant 0 : i32
      %dma_wait3A_463 = arith.constant 0 : i32
      %dma_wait3A_464 = tpu.memref_slice %arg6[%dma_wait3A_462, %dma_wait3A_463] : memref<16x128xi32, #tpu.memory_space<vmem>> -> memref<1x128xi32, #tpu.memory_space<vmem>>
      %dma_wait3A_465 = tpu.memref_squeeze %dma_wait3A_464 : memref<1x128xi32, #tpu.memory_space<vmem>> -> memref<128xi32, #tpu.memory_space<vmem>>
      %dma_wait3A_466 = arith.constant 0 : i32
      %dma_wait3A_467 = arith.constant 0 : i32
      %dma_wait3A_468 = tpu.memref_slice %arg2[%dma_wait3A_466, %dma_wait3A_467] : memref<10240x128xf32, #tpu.memory_space<hbm>> -> memref<10240x128xf32, #tpu.memory_space<hbm>>
      tpu.wait_indirect_dma semaphore(%arg10 : memref<!tpu.dma_semaphore, #tpu.memory_space<semaphore_mem>>) src(%dma_wait3A_468 : memref<10240x128xf32, #tpu.memory_space<hbm>>) dst(%arg9 : memref<128x128xf32, #tpu.memory_space<vmem>>)
      %dma_start3A_469 = arith.constant 15 : i32
      %dma_start3A_470 = arith.constant 0 : i32
      %dma_start3A_471 = tpu.memref_slice %arg7[%dma_start3A_469, %dma_start3A_470] : memref<16x128xi32, #tpu.memory_space<vmem>> -> memref<1x128xi32, #tpu.memory_space<vmem>>
      %dma_start3A_472 = tpu.memref_squeeze %dma_start3A_471 : memref<1x128xi32, #tpu.memory_space<vmem>> -> memref<128xi32, #tpu.memory_space<vmem>>
      %dma_start3A_473 = arith.constant 0 : i32
      %dma_start3A_474 = arith.constant 0 : i32
      %dma_start3A_475 = tpu.memref_slice %arg13[%dma_start3A_473, %dma_start3A_474] : memref<10240x128xf32, #tpu.memory_space<vmem_shared>> -> memref<10240x128xf32, #tpu.memory_space<vmem_shared>>
      tpu.enqueue_indirect_dma source(%arg9 : memref<128x128xf32, #tpu.memory_space<vmem>>) target(%dma_start3A_475 : memref<10240x128xf32, #tpu.memory_space<vmem_shared>>) offsets(%dma_start3A_472 : memref<128xi32, #tpu.memory_space<vmem>>) semaphore(%arg12 : memref<!tpu.dma_semaphore, #tpu.memory_space<semaphore_mem>>) {add = true}
      %dma_wait3A_476 = arith.constant 0 : i32
      %dma_wait3A_477 = arith.constant 0 : i32
      %dma_wait3A_478 = tpu.memref_slice %arg7[%dma_wait3A_476, %dma_wait3A_477] : memref<16x128xi32, #tpu.memory_space<vmem>> -> memref<1x128xi32, #tpu.memory_space<vmem>>
      %dma_wait3A_479 = tpu.memref_squeeze %dma_wait3A_478 : memref<1x128xi32, #tpu.memory_space<vmem>> -> memref<128xi32, #tpu.memory_space<vmem>>
      %dma_wait3A_480 = arith.constant 0 : i32
      %dma_wait3A_481 = arith.constant 0 : i32
      %dma_wait3A_482 = tpu.memref_slice %arg13[%dma_wait3A_480, %dma_wait3A_481] : memref<10240x128xf32, #tpu.memory_space<vmem_shared>> -> memref<10240x128xf32, #tpu.memory_space<vmem_shared>>
      tpu.wait_indirect_dma semaphore(%arg11 : memref<!tpu.dma_semaphore, #tpu.memory_space<semaphore_mem>>) src(%arg8 : memref<128x128xf32, #tpu.memory_space<vmem>>) dst(%dma_wait3A_482 : memref<10240x128xf32, #tpu.memory_space<vmem_shared>>)
      %dma_start3A_483 = arith.constant 15 : i32
      %dma_start3A_484 = arith.constant 0 : i32
      %dma_start3A_485 = tpu.memref_slice %arg6[%dma_start3A_483, %dma_start3A_484] : memref<16x128xi32, #tpu.memory_space<vmem>> -> memref<1x128xi32, #tpu.memory_space<vmem>>
      %dma_start3A_486 = tpu.memref_squeeze %dma_start3A_485 : memref<1x128xi32, #tpu.memory_space<vmem>> -> memref<128xi32, #tpu.memory_space<vmem>>
      %dma_start3A_487 = arith.constant 0 : i32
      %dma_start3A_488 = arith.constant 0 : i32
      %dma_start3A_489 = tpu.memref_slice %arg2[%dma_start3A_487, %dma_start3A_488] : memref<10240x128xf32, #tpu.memory_space<hbm>> -> memref<10240x128xf32, #tpu.memory_space<hbm>>
      tpu.enqueue_indirect_dma source(%dma_start3A_489 : memref<10240x128xf32, #tpu.memory_space<hbm>>) target(%arg8 : memref<128x128xf32, #tpu.memory_space<vmem>>) offsets(%dma_start3A_486 : memref<128xi32, #tpu.memory_space<vmem>>) semaphore(%arg10 : memref<!tpu.dma_semaphore, #tpu.memory_space<semaphore_mem>>)
      %dma_wait3A_490 = arith.constant 0 : i32
      %dma_wait3A_491 = arith.constant 0 : i32
      %dma_wait3A_492 = tpu.memref_slice %arg6[%dma_wait3A_490, %dma_wait3A_491] : memref<16x128xi32, #tpu.memory_space<vmem>> -> memref<1x128xi32, #tpu.memory_space<vmem>>
      %dma_wait3A_493 = tpu.memref_squeeze %dma_wait3A_492 : memref<1x128xi32, #tpu.memory_space<vmem>> -> memref<128xi32, #tpu.memory_space<vmem>>
      %dma_wait3A_494 = arith.constant 0 : i32
      %dma_wait3A_495 = arith.constant 0 : i32
      %dma_wait3A_496 = tpu.memref_slice %arg2[%dma_wait3A_494, %dma_wait3A_495] : memref<10240x128xf32, #tpu.memory_space<hbm>> -> memref<10240x128xf32, #tpu.memory_space<hbm>>
      tpu.wait_indirect_dma semaphore(%arg10 : memref<!tpu.dma_semaphore, #tpu.memory_space<semaphore_mem>>) src(%dma_wait3A_496 : memref<10240x128xf32, #tpu.memory_space<hbm>>) dst(%arg8 : memref<128x128xf32, #tpu.memory_space<vmem>>)
      %dma_wait3A_497 = arith.constant 0 : i32
      %dma_wait3A_498 = arith.constant 0 : i32
      %dma_wait3A_499 = tpu.memref_slice %arg7[%dma_wait3A_497, %dma_wait3A_498] : memref<16x128xi32, #tpu.memory_space<vmem>> -> memref<1x128xi32, #tpu.memory_space<vmem>>
      %dma_wait3A_500 = tpu.memref_squeeze %dma_wait3A_499 : memref<1x128xi32, #tpu.memory_space<vmem>> -> memref<128xi32, #tpu.memory_space<vmem>>
      %dma_wait3A_501 = arith.constant 0 : i32
      %dma_wait3A_502 = arith.constant 0 : i32
      %dma_wait3A_503 = tpu.memref_slice %arg13[%dma_wait3A_501, %dma_wait3A_502] : memref<10240x128xf32, #tpu.memory_space<vmem_shared>> -> memref<10240x128xf32, #tpu.memory_space<vmem_shared>>
      tpu.wait_indirect_dma semaphore(%arg12 : memref<!tpu.dma_semaphore, #tpu.memory_space<semaphore_mem>>) src(%arg9 : memref<128x128xf32, #tpu.memory_space<vmem>>) dst(%dma_wait3A_503 : memref<10240x128xf32, #tpu.memory_space<vmem_shared>>)
      %scan3A_504 = arith.constant 0 : i32
      scf.yield %scan3A_504 : i32
    }
    %scan3A_34 = arith.constant 5 : i32
    %barrier3A_35 = arith.constant 0 : index
    tpu.barrier barrier_id(%barrier3A_35)
    %mul3A_36 = arith.constant 640 : i32
    %mul3A_37 = arith.muli %arg1, %mul3A_36 : i32
    "tpu.region"() ({
      %run_scoped3A = tpu.sem_alloc : memref<!tpu.dma_semaphore, #tpu.memory_space<semaphore_mem>>
      %dma_start3A = arith.constant 0 : i32
      %dma_start3A_38 = arith.constant 0 : i32
      %dma_start3A_39 = tpu.memref_slice %arg5[%add3A, %dma_start3A, %dma_start3A_38] : memref<32x640x128xf32, #tpu.memory_space<hbm>> -> memref<1x640x128xf32, #tpu.memory_space<hbm>>
      %dma_start3A_40 = tpu.memref_squeeze %dma_start3A_39 : memref<1x640x128xf32, #tpu.memory_space<hbm>> -> memref<640x128xf32, #tpu.memory_space<hbm>>
      %dma_start3A_41 = arith.constant 0 : i32
      %dma_start3A_42 = tpu.memref_slice %arg13[%mul3A_37, %dma_start3A_41] : memref<10240x128xf32, #tpu.memory_space<vmem_shared>> -> memref<640x128xf32, #tpu.memory_space<vmem_shared>>
      tpu.enqueue_dma source(%dma_start3A_42 : memref<640x128xf32, #tpu.memory_space<vmem_shared>>) target(%dma_start3A_40 : memref<640x128xf32, #tpu.memory_space<hbm>>) target_semaphore(%run_scoped3A : memref<!tpu.dma_semaphore, #tpu.memory_space<semaphore_mem>>)
      %dma_wait3A = arith.constant 0 : i32
      %dma_wait3A_43 = arith.constant 0 : i32
      %dma_wait3A_44 = tpu.memref_slice %arg5[%add3A, %dma_wait3A, %dma_wait3A_43] : memref<32x640x128xf32, #tpu.memory_space<hbm>> -> memref<1x640x128xf32, #tpu.memory_space<hbm>>
      %dma_wait3A_45 = tpu.memref_squeeze %dma_wait3A_44 : memref<1x640x128xf32, #tpu.memory_space<hbm>> -> memref<640x128xf32, #tpu.memory_space<hbm>>
      %dma_wait3A_46 = arith.constant 0 : i32
      %dma_wait3A_47 = tpu.memref_slice %arg13[%mul3A_37, %dma_wait3A_46] : memref<10240x128xf32, #tpu.memory_space<vmem_shared>> -> memref<640x128xf32, #tpu.memory_space<vmem_shared>>
      tpu.wait_dma2 semaphore(%run_scoped3A : memref<!tpu.dma_semaphore, #tpu.memory_space<semaphore_mem>>) src(%dma_wait3A_47 : memref<640x128xf32, #tpu.memory_space<vmem_shared>>) dst(%dma_wait3A_45 : memref<640x128xf32, #tpu.memory_space<hbm>>)
      tpu.yield
    }) : () -> ()
    return
  }
}

#map = affine_map<(d0, d1) -> (0, 0, 0)>
module attributes {stable_mosaic.version = 14 : i64} {
  func.func @_deg_body(%arg0: i32, %arg1: i32, %arg2: memref<32x80x128xi32, #tpu.memory_space<hbm>>, %arg3: memref<32x640x128xf32, #tpu.memory_space<hbm>>, %arg4: memref<80x128xi32, #tpu.memory_space<vmem>>, %arg5: memref<128x128xf32, #tpu.memory_space<vmem>>, %arg6: memref<10240x128xf32, #tpu.memory_space<vmem_shared>>) attributes {dimension_semantics = [#tpu.dimension_semantics<core_parallel>, #tpu.dimension_semantics<subcore_parallel>], iteration_bounds = array<i64: 2, 16>, scalar_prefetch = 0 : i64, scratch_operands = 3 : i64, tpu.core_type = #tpu.core_type<sc_vector_subcore>, window_params = [{transform_indices = #map}, {transform_indices = #map}]} {
    %mul3A = arith.constant 16 : i32
    %mul3A_0 = arith.muli %arg0, %mul3A : i32
    %add3A = arith.addi %mul3A_0, %arg1 : i32
    "tpu.region"() ({
      %run_scoped3A = tpu.sem_alloc : memref<!tpu.dma_semaphore, #tpu.memory_space<semaphore_mem>>
      %dma_start3A = arith.constant 0 : i32
      %dma_start3A_47 = arith.constant 0 : i32
      %dma_start3A_48 = tpu.memref_slice %arg2[%add3A, %dma_start3A, %dma_start3A_47] : memref<32x80x128xi32, #tpu.memory_space<hbm>> -> memref<1x80x128xi32, #tpu.memory_space<hbm>>
      %dma_start3A_49 = tpu.memref_squeeze %dma_start3A_48 : memref<1x80x128xi32, #tpu.memory_space<hbm>> -> memref<80x128xi32, #tpu.memory_space<hbm>>
      %dma_start3A_50 = arith.constant 0 : i32
      %dma_start3A_51 = arith.constant 0 : i32
      %dma_start3A_52 = tpu.memref_slice %arg2[%add3A, %dma_start3A_50, %dma_start3A_51] : memref<32x80x128xi32, #tpu.memory_space<hbm>> -> memref<1x80x128xi32, #tpu.memory_space<hbm>>
      %dma_start3A_53 = tpu.memref_squeeze %dma_start3A_52 : memref<1x80x128xi32, #tpu.memory_space<hbm>> -> memref<80x128xi32, #tpu.memory_space<hbm>>
      tpu.enqueue_dma source(%dma_start3A_53 : memref<80x128xi32, #tpu.memory_space<hbm>>) target(%arg4 : memref<80x128xi32, #tpu.memory_space<vmem>>) target_semaphore(%run_scoped3A : memref<!tpu.dma_semaphore, #tpu.memory_space<semaphore_mem>>)
      %dma_wait3A = arith.constant 0 : i32
      %dma_wait3A_54 = arith.constant 0 : i32
      %dma_wait3A_55 = tpu.memref_slice %arg2[%add3A, %dma_wait3A, %dma_wait3A_54] : memref<32x80x128xi32, #tpu.memory_space<hbm>> -> memref<1x80x128xi32, #tpu.memory_space<hbm>>
      %dma_wait3A_56 = tpu.memref_squeeze %dma_wait3A_55 : memref<1x80x128xi32, #tpu.memory_space<hbm>> -> memref<80x128xi32, #tpu.memory_space<hbm>>
      %dma_wait3A_57 = arith.constant 0 : i32
      %dma_wait3A_58 = arith.constant 0 : i32
      %dma_wait3A_59 = tpu.memref_slice %arg2[%add3A, %dma_wait3A_57, %dma_wait3A_58] : memref<32x80x128xi32, #tpu.memory_space<hbm>> -> memref<1x80x128xi32, #tpu.memory_space<hbm>>
      %dma_wait3A_60 = tpu.memref_squeeze %dma_wait3A_59 : memref<1x80x128xi32, #tpu.memory_space<hbm>> -> memref<80x128xi32, #tpu.memory_space<hbm>>
      tpu.wait_dma2 semaphore(%run_scoped3A : memref<!tpu.dma_semaphore, #tpu.memory_space<semaphore_mem>>) src(%dma_wait3A_60 : memref<80x128xi32, #tpu.memory_space<hbm>>) dst(%arg4 : memref<80x128xi32, #tpu.memory_space<vmem>>)
      tpu.yield
    }) : () -> ()
    %broadcast_in_dim3A = arith.constant 0.000000e+00 : f32
    %broadcast_in_dim3A_1 = vector.broadcast %broadcast_in_dim3A : f32 to vector<16xf32>
    %scan3A = arith.constant 0 : i32
    %scan3A_2 = arith.constant 0 : i32
    %scan3A_3 = arith.constant 128 : i32
    %scan3A_4 = arith.addi %scan3A_2, %scan3A_3 : i32
    %scan3A_5 = arith.constant 1 : i32
    %scan3A_6 = scf.for %scan3A_47 = %scan3A_2 to %scan3A_4 step %scan3A_5 iter_args(%scan3A_48 = %scan3A) -> (i32)  : i32 {
      %swap3A = arith.index_cast %scan3A_47 : i32 to index
      %swap3A_49 = arith.constant 0 : index
      %swap3A_50 = tpu.vector_load %arg5[%swap3A, %swap3A_49] {strides = array<i32>} : memref<128x128xf32, #tpu.memory_space<vmem>>, vector<1x16xf32>,
      %swap3A_51 = vector.shape_cast %swap3A_50 : vector<1x16xf32> to vector<16xf32>
      %swap3A_52 = vector.shape_cast %broadcast_in_dim3A_1 : vector<16xf32> to vector<1x16xf32>
      tpu.vector_store %arg5[%swap3A, %swap3A_49], %swap3A_52 {strides = array<i32>} : memref<128x128xf32, #tpu.memory_space<vmem>>, vector<1x16xf32>,
      %swap3A_53 = arith.index_cast %scan3A_47 : i32 to index
      %swap3A_54 = arith.constant 16 : index
      %swap3A_55 = tpu.vector_load %arg5[%swap3A_53, %swap3A_54] {strides = array<i32>} : memref<128x128xf32, #tpu.memory_space<vmem>>, vector<1x16xf32>,
      %swap3A_56 = vector.shape_cast %swap3A_55 : vector<1x16xf32> to vector<16xf32>
      %swap3A_57 = vector.shape_cast %broadcast_in_dim3A_1 : vector<16xf32> to vector<1x16xf32>
      tpu.vector_store %arg5[%swap3A_53, %swap3A_54], %swap3A_57 {strides = array<i32>} : memref<128x128xf32, #tpu.memory_space<vmem>>, vector<1x16xf32>,
      %swap3A_58 = arith.index_cast %scan3A_47 : i32 to index
      %swap3A_59 = arith.constant 32 : index
      %swap3A_60 = tpu.vector_load %arg5[%swap3A_58, %swap3A_59] {strides = array<i32>} : memref<128x128xf32, #tpu.memory_space<vmem>>, vector<1x16xf32>,
      %swap3A_61 = vector.shape_cast %swap3A_60 : vector<1x16xf32> to vector<16xf32>
      %swap3A_62 = vector.shape_cast %broadcast_in_dim3A_1 : vector<16xf32> to vector<1x16xf32>
      tpu.vector_store %arg5[%swap3A_58, %swap3A_59], %swap3A_62 {strides = array<i32>} : memref<128x128xf32, #tpu.memory_space<vmem>>, vector<1x16xf32>,
      %swap3A_63 = arith.index_cast %scan3A_47 : i32 to index
      %swap3A_64 = arith.constant 48 : index
      %swap3A_65 = tpu.vector_load %arg5[%swap3A_63, %swap3A_64] {strides = array<i32>} : memref<128x128xf32, #tpu.memory_space<vmem>>, vector<1x16xf32>,
      %swap3A_66 = vector.shape_cast %swap3A_65 : vector<1x16xf32> to vector<16xf32>
      %swap3A_67 = vector.shape_cast %broadcast_in_dim3A_1 : vector<16xf32> to vector<1x16xf32>
      tpu.vector_store %arg5[%swap3A_63, %swap3A_64], %swap3A_67 {strides = array<i32>} : memref<128x128xf32, #tpu.memory_space<vmem>>, vector<1x16xf32>,
      %swap3A_68 = arith.index_cast %scan3A_47 : i32 to index
      %swap3A_69 = arith.constant 64 : index
      %swap3A_70 = tpu.vector_load %arg5[%swap3A_68, %swap3A_69] {strides = array<i32>} : memref<128x128xf32, #tpu.memory_space<vmem>>, vector<1x16xf32>,
      %swap3A_71 = vector.shape_cast %swap3A_70 : vector<1x16xf32> to vector<16xf32>
      %swap3A_72 = vector.shape_cast %broadcast_in_dim3A_1 : vector<16xf32> to vector<1x16xf32>
      tpu.vector_store %arg5[%swap3A_68, %swap3A_69], %swap3A_72 {strides = array<i32>} : memref<128x128xf32, #tpu.memory_space<vmem>>, vector<1x16xf32>,
      %swap3A_73 = arith.index_cast %scan3A_47 : i32 to index
      %swap3A_74 = arith.constant 80 : index
      %swap3A_75 = tpu.vector_load %arg5[%swap3A_73, %swap3A_74] {strides = array<i32>} : memref<128x128xf32, #tpu.memory_space<vmem>>, vector<1x16xf32>,
      %swap3A_76 = vector.shape_cast %swap3A_75 : vector<1x16xf32> to vector<16xf32>
      %swap3A_77 = vector.shape_cast %broadcast_in_dim3A_1 : vector<16xf32> to vector<1x16xf32>
      tpu.vector_store %arg5[%swap3A_73, %swap3A_74], %swap3A_77 {strides = array<i32>} : memref<128x128xf32, #tpu.memory_space<vmem>>, vector<1x16xf32>,
      %swap3A_78 = arith.index_cast %scan3A_47 : i32 to index
      %swap3A_79 = arith.constant 96 : index
      %swap3A_80 = tpu.vector_load %arg5[%swap3A_78, %swap3A_79] {strides = array<i32>} : memref<128x128xf32, #tpu.memory_space<vmem>>, vector<1x16xf32>,
      %swap3A_81 = vector.shape_cast %swap3A_80 : vector<1x16xf32> to vector<16xf32>
      %swap3A_82 = vector.shape_cast %broadcast_in_dim3A_1 : vector<16xf32> to vector<1x16xf32>
      tpu.vector_store %arg5[%swap3A_78, %swap3A_79], %swap3A_82 {strides = array<i32>} : memref<128x128xf32, #tpu.memory_space<vmem>>, vector<1x16xf32>,
      %swap3A_83 = arith.index_cast %scan3A_47 : i32 to index
      %swap3A_84 = arith.constant 112 : index
      %swap3A_85 = tpu.vector_load %arg5[%swap3A_83, %swap3A_84] {strides = array<i32>} : memref<128x128xf32, #tpu.memory_space<vmem>>, vector<1x16xf32>,
      %swap3A_86 = vector.shape_cast %swap3A_85 : vector<1x16xf32> to vector<16xf32>
      %swap3A_87 = vector.shape_cast %broadcast_in_dim3A_1 : vector<16xf32> to vector<1x16xf32>
      tpu.vector_store %arg5[%swap3A_83, %swap3A_84], %swap3A_87 {strides = array<i32>} : memref<128x128xf32, #tpu.memory_space<vmem>>, vector<1x16xf32>,
      %scan3A_88 = arith.constant 0 : i32
      scf.yield %scan3A_88 : i32
    }
    %scan3A_7 = arith.constant 128 : i32
    %mul3A_8 = arith.constant 640 : i32
    %mul3A_9 = arith.muli %arg1, %mul3A_8 : i32
    %add3A_10 = arith.constant 0 : i32
    %add3A_11 = arith.addi %mul3A_9, %add3A_10 : i32
    "tpu.region"() ({
      %run_scoped3A = tpu.sem_alloc : memref<!tpu.dma_semaphore, #tpu.memory_space<semaphore_mem>>
      %dma_start3A = arith.constant 0 : i32
      %dma_start3A_47 = tpu.memref_slice %arg6[%add3A_11, %dma_start3A] : memref<10240x128xf32, #tpu.memory_space<vmem_shared>> -> memref<128x128xf32, #tpu.memory_space<vmem_shared>>
      %dma_start3A_48 = arith.constant 0 : i32
      %dma_start3A_49 = tpu.memref_slice %arg6[%add3A_11, %dma_start3A_48] : memref<10240x128xf32, #tpu.memory_space<vmem_shared>> -> memref<128x128xf32, #tpu.memory_space<vmem_shared>>
      tpu.enqueue_dma source(%arg5 : memref<128x128xf32, #tpu.memory_space<vmem>>) target(%dma_start3A_49 : memref<128x128xf32, #tpu.memory_space<vmem_shared>>) target_semaphore(%run_scoped3A : memref<!tpu.dma_semaphore, #tpu.memory_space<semaphore_mem>>)
      %dma_wait3A = arith.constant 0 : i32
      %dma_wait3A_50 = tpu.memref_slice %arg6[%add3A_11, %dma_wait3A] : memref<10240x128xf32, #tpu.memory_space<vmem_shared>> -> memref<128x128xf32, #tpu.memory_space<vmem_shared>>
      %dma_wait3A_51 = arith.constant 0 : i32
      %dma_wait3A_52 = tpu.memref_slice %arg6[%add3A_11, %dma_wait3A_51] : memref<10240x128xf32, #tpu.memory_space<vmem_shared>> -> memref<128x128xf32, #tpu.memory_space<vmem_shared>>
      tpu.wait_dma2 semaphore(%run_scoped3A : memref<!tpu.dma_semaphore, #tpu.memory_space<semaphore_mem>>) src(%arg5 : memref<128x128xf32, #tpu.memory_space<vmem>>) dst(%dma_wait3A_52 : memref<128x128xf32, #tpu.memory_space<vmem_shared>>)
      tpu.yield
    }) : () -> ()
    %mul3A_12 = arith.constant 640 : i32
    %mul3A_13 = arith.muli %arg1, %mul3A_12 : i32
    %add3A_14 = arith.constant 128 : i32
    %add3A_15 = arith.addi %mul3A_13, %add3A_14 : i32
    "tpu.region"() ({
      %run_scoped3A = tpu.sem_alloc : memref<!tpu.dma_semaphore, #tpu.memory_space<semaphore_mem>>
      %dma_start3A = arith.constant 0 : i32
      %dma_start3A_47 = tpu.memref_slice %arg6[%add3A_15, %dma_start3A] : memref<10240x128xf32, #tpu.memory_space<vmem_shared>> -> memref<128x128xf32, #tpu.memory_space<vmem_shared>>
      %dma_start3A_48 = arith.constant 0 : i32
      %dma_start3A_49 = tpu.memref_slice %arg6[%add3A_15, %dma_start3A_48] : memref<10240x128xf32, #tpu.memory_space<vmem_shared>> -> memref<128x128xf32, #tpu.memory_space<vmem_shared>>
      tpu.enqueue_dma source(%arg5 : memref<128x128xf32, #tpu.memory_space<vmem>>) target(%dma_start3A_49 : memref<128x128xf32, #tpu.memory_space<vmem_shared>>) target_semaphore(%run_scoped3A : memref<!tpu.dma_semaphore, #tpu.memory_space<semaphore_mem>>)
      %dma_wait3A = arith.constant 0 : i32
      %dma_wait3A_50 = tpu.memref_slice %arg6[%add3A_15, %dma_wait3A] : memref<10240x128xf32, #tpu.memory_space<vmem_shared>> -> memref<128x128xf32, #tpu.memory_space<vmem_shared>>
      %dma_wait3A_51 = arith.constant 0 : i32
      %dma_wait3A_52 = tpu.memref_slice %arg6[%add3A_15, %dma_wait3A_51] : memref<10240x128xf32, #tpu.memory_space<vmem_shared>> -> memref<128x128xf32, #tpu.memory_space<vmem_shared>>
      tpu.wait_dma2 semaphore(%run_scoped3A : memref<!tpu.dma_semaphore, #tpu.memory_space<semaphore_mem>>) src(%arg5 : memref<128x128xf32, #tpu.memory_space<vmem>>) dst(%dma_wait3A_52 : memref<128x128xf32, #tpu.memory_space<vmem_shared>>)
      tpu.yield
    }) : () -> ()
    %mul3A_16 = arith.constant 640 : i32
    %mul3A_17 = arith.muli %arg1, %mul3A_16 : i32
    %add3A_18 = arith.constant 256 : i32
    %add3A_19 = arith.addi %mul3A_17, %add3A_18 : i32
    "tpu.region"() ({
      %run_scoped3A = tpu.sem_alloc : memref<!tpu.dma_semaphore, #tpu.memory_space<semaphore_mem>>
      %dma_start3A = arith.constant 0 : i32
      %dma_start3A_47 = tpu.memref_slice %arg6[%add3A_19, %dma_start3A] : memref<10240x128xf32, #tpu.memory_space<vmem_shared>> -> memref<128x128xf32, #tpu.memory_space<vmem_shared>>
      %dma_start3A_48 = arith.constant 0 : i32
      %dma_start3A_49 = tpu.memref_slice %arg6[%add3A_19, %dma_start3A_48] : memref<10240x128xf32, #tpu.memory_space<vmem_shared>> -> memref<128x128xf32, #tpu.memory_space<vmem_shared>>
      tpu.enqueue_dma source(%arg5 : memref<128x128xf32, #tpu.memory_space<vmem>>) target(%dma_start3A_49 : memref<128x128xf32, #tpu.memory_space<vmem_shared>>) target_semaphore(%run_scoped3A : memref<!tpu.dma_semaphore, #tpu.memory_space<semaphore_mem>>)
      %dma_wait3A = arith.constant 0 : i32
      %dma_wait3A_50 = tpu.memref_slice %arg6[%add3A_19, %dma_wait3A] : memref<10240x128xf32, #tpu.memory_space<vmem_shared>> -> memref<128x128xf32, #tpu.memory_space<vmem_shared>>
      %dma_wait3A_51 = arith.constant 0 : i32
      %dma_wait3A_52 = tpu.memref_slice %arg6[%add3A_19, %dma_wait3A_51] : memref<10240x128xf32, #tpu.memory_space<vmem_shared>> -> memref<128x128xf32, #tpu.memory_space<vmem_shared>>
      tpu.wait_dma2 semaphore(%run_scoped3A : memref<!tpu.dma_semaphore, #tpu.memory_space<semaphore_mem>>) src(%arg5 : memref<128x128xf32, #tpu.memory_space<vmem>>) dst(%dma_wait3A_52 : memref<128x128xf32, #tpu.memory_space<vmem_shared>>)
      tpu.yield
    }) : () -> ()
    %mul3A_20 = arith.constant 640 : i32
    %mul3A_21 = arith.muli %arg1, %mul3A_20 : i32
    %add3A_22 = arith.constant 384 : i32
    %add3A_23 = arith.addi %mul3A_21, %add3A_22 : i32
    "tpu.region"() ({
      %run_scoped3A = tpu.sem_alloc : memref<!tpu.dma_semaphore, #tpu.memory_space<semaphore_mem>>
      %dma_start3A = arith.constant 0 : i32
      %dma_start3A_47 = tpu.memref_slice %arg6[%add3A_23, %dma_start3A] : memref<10240x128xf32, #tpu.memory_space<vmem_shared>> -> memref<128x128xf32, #tpu.memory_space<vmem_shared>>
      %dma_start3A_48 = arith.constant 0 : i32
      %dma_start3A_49 = tpu.memref_slice %arg6[%add3A_23, %dma_start3A_48] : memref<10240x128xf32, #tpu.memory_space<vmem_shared>> -> memref<128x128xf32, #tpu.memory_space<vmem_shared>>
      tpu.enqueue_dma source(%arg5 : memref<128x128xf32, #tpu.memory_space<vmem>>) target(%dma_start3A_49 : memref<128x128xf32, #tpu.memory_space<vmem_shared>>) target_semaphore(%run_scoped3A : memref<!tpu.dma_semaphore, #tpu.memory_space<semaphore_mem>>)
      %dma_wait3A = arith.constant 0 : i32
      %dma_wait3A_50 = tpu.memref_slice %arg6[%add3A_23, %dma_wait3A] : memref<10240x128xf32, #tpu.memory_space<vmem_shared>> -> memref<128x128xf32, #tpu.memory_space<vmem_shared>>
      %dma_wait3A_51 = arith.constant 0 : i32
      %dma_wait3A_52 = tpu.memref_slice %arg6[%add3A_23, %dma_wait3A_51] : memref<10240x128xf32, #tpu.memory_space<vmem_shared>> -> memref<128x128xf32, #tpu.memory_space<vmem_shared>>
      tpu.wait_dma2 semaphore(%run_scoped3A : memref<!tpu.dma_semaphore, #tpu.memory_space<semaphore_mem>>) src(%arg5 : memref<128x128xf32, #tpu.memory_space<vmem>>) dst(%dma_wait3A_52 : memref<128x128xf32, #tpu.memory_space<vmem_shared>>)
      tpu.yield
    }) : () -> ()
    %mul3A_24 = arith.constant 640 : i32
    %mul3A_25 = arith.muli %arg1, %mul3A_24 : i32
    %add3A_26 = arith.constant 512 : i32
    %add3A_27 = arith.addi %mul3A_25, %add3A_26 : i32
    "tpu.region"() ({
      %run_scoped3A = tpu.sem_alloc : memref<!tpu.dma_semaphore, #tpu.memory_space<semaphore_mem>>
      %dma_start3A = arith.constant 0 : i32
      %dma_start3A_47 = tpu.memref_slice %arg6[%add3A_27, %dma_start3A] : memref<10240x128xf32, #tpu.memory_space<vmem_shared>> -> memref<128x128xf32, #tpu.memory_space<vmem_shared>>
      %dma_start3A_48 = arith.constant 0 : i32
      %dma_start3A_49 = tpu.memref_slice %arg6[%add3A_27, %dma_start3A_48] : memref<10240x128xf32, #tpu.memory_space<vmem_shared>> -> memref<128x128xf32, #tpu.memory_space<vmem_shared>>
      tpu.enqueue_dma source(%arg5 : memref<128x128xf32, #tpu.memory_space<vmem>>) target(%dma_start3A_49 : memref<128x128xf32, #tpu.memory_space<vmem_shared>>) target_semaphore(%run_scoped3A : memref<!tpu.dma_semaphore, #tpu.memory_space<semaphore_mem>>)
      %dma_wait3A = arith.constant 0 : i32
      %dma_wait3A_50 = tpu.memref_slice %arg6[%add3A_27, %dma_wait3A] : memref<10240x128xf32, #tpu.memory_space<vmem_shared>> -> memref<128x128xf32, #tpu.memory_space<vmem_shared>>
      %dma_wait3A_51 = arith.constant 0 : i32
      %dma_wait3A_52 = tpu.memref_slice %arg6[%add3A_27, %dma_wait3A_51] : memref<10240x128xf32, #tpu.memory_space<vmem_shared>> -> memref<128x128xf32, #tpu.memory_space<vmem_shared>>
      tpu.wait_dma2 semaphore(%run_scoped3A : memref<!tpu.dma_semaphore, #tpu.memory_space<semaphore_mem>>) src(%arg5 : memref<128x128xf32, #tpu.memory_space<vmem>>) dst(%dma_wait3A_52 : memref<128x128xf32, #tpu.memory_space<vmem_shared>>)
      tpu.yield
    }) : () -> ()
    %broadcast_in_dim3A_28 = arith.constant 1.000000e+00 : f32
    %broadcast_in_dim3A_29 = vector.broadcast %broadcast_in_dim3A_28 : f32 to vector<16xf32>
    %scan3A_30 = arith.constant 0 : i32
    %scan3A_31 = arith.constant 0 : i32
    %scan3A_32 = arith.constant 128 : i32
    %scan3A_33 = arith.addi %scan3A_31, %scan3A_32 : i32
    %scan3A_34 = arith.constant 1 : i32
    %scan3A_35 = scf.for %scan3A_47 = %scan3A_31 to %scan3A_33 step %scan3A_34 iter_args(%scan3A_48 = %scan3A_30) -> (i32)  : i32 {
      %swap3A = arith.index_cast %scan3A_47 : i32 to index
      %swap3A_49 = arith.constant 0 : index
      %swap3A_50 = tpu.vector_load %arg5[%swap3A, %swap3A_49] {strides = array<i32>} : memref<128x128xf32, #tpu.memory_space<vmem>>, vector<1x16xf32>,
      %swap3A_51 = vector.shape_cast %swap3A_50 : vector<1x16xf32> to vector<16xf32>
      %swap3A_52 = vector.shape_cast %broadcast_in_dim3A_29 : vector<16xf32> to vector<1x16xf32>
      tpu.vector_store %arg5[%swap3A, %swap3A_49], %swap3A_52 {strides = array<i32>} : memref<128x128xf32, #tpu.memory_space<vmem>>, vector<1x16xf32>,
      %swap3A_53 = arith.index_cast %scan3A_47 : i32 to index
      %swap3A_54 = arith.constant 16 : index
      %swap3A_55 = tpu.vector_load %arg5[%swap3A_53, %swap3A_54] {strides = array<i32>} : memref<128x128xf32, #tpu.memory_space<vmem>>, vector<1x16xf32>,
      %swap3A_56 = vector.shape_cast %swap3A_55 : vector<1x16xf32> to vector<16xf32>
      %swap3A_57 = vector.shape_cast %broadcast_in_dim3A_29 : vector<16xf32> to vector<1x16xf32>
      tpu.vector_store %arg5[%swap3A_53, %swap3A_54], %swap3A_57 {strides = array<i32>} : memref<128x128xf32, #tpu.memory_space<vmem>>, vector<1x16xf32>,
      %swap3A_58 = arith.index_cast %scan3A_47 : i32 to index
      %swap3A_59 = arith.constant 32 : index
      %swap3A_60 = tpu.vector_load %arg5[%swap3A_58, %swap3A_59] {strides = array<i32>} : memref<128x128xf32, #tpu.memory_space<vmem>>, vector<1x16xf32>,
      %swap3A_61 = vector.shape_cast %swap3A_60 : vector<1x16xf32> to vector<16xf32>
      %swap3A_62 = vector.shape_cast %broadcast_in_dim3A_29 : vector<16xf32> to vector<1x16xf32>
      tpu.vector_store %arg5[%swap3A_58, %swap3A_59], %swap3A_62 {strides = array<i32>} : memref<128x128xf32, #tpu.memory_space<vmem>>, vector<1x16xf32>,
      %swap3A_63 = arith.index_cast %scan3A_47 : i32 to index
      %swap3A_64 = arith.constant 48 : index
      %swap3A_65 = tpu.vector_load %arg5[%swap3A_63, %swap3A_64] {strides = array<i32>} : memref<128x128xf32, #tpu.memory_space<vmem>>, vector<1x16xf32>,
      %swap3A_66 = vector.shape_cast %swap3A_65 : vector<1x16xf32> to vector<16xf32>
      %swap3A_67 = vector.shape_cast %broadcast_in_dim3A_29 : vector<16xf32> to vector<1x16xf32>
      tpu.vector_store %arg5[%swap3A_63, %swap3A_64], %swap3A_67 {strides = array<i32>} : memref<128x128xf32, #tpu.memory_space<vmem>>, vector<1x16xf32>,
      %swap3A_68 = arith.index_cast %scan3A_47 : i32 to index
      %swap3A_69 = arith.constant 64 : index
      %swap3A_70 = tpu.vector_load %arg5[%swap3A_68, %swap3A_69] {strides = array<i32>} : memref<128x128xf32, #tpu.memory_space<vmem>>, vector<1x16xf32>,
      %swap3A_71 = vector.shape_cast %swap3A_70 : vector<1x16xf32> to vector<16xf32>
      %swap3A_72 = vector.shape_cast %broadcast_in_dim3A_29 : vector<16xf32> to vector<1x16xf32>
      tpu.vector_store %arg5[%swap3A_68, %swap3A_69], %swap3A_72 {strides = array<i32>} : memref<128x128xf32, #tpu.memory_space<vmem>>, vector<1x16xf32>,
      %swap3A_73 = arith.index_cast %scan3A_47 : i32 to index
      %swap3A_74 = arith.constant 80 : index
      %swap3A_75 = tpu.vector_load %arg5[%swap3A_73, %swap3A_74] {strides = array<i32>} : memref<128x128xf32, #tpu.memory_space<vmem>>, vector<1x16xf32>,
      %swap3A_76 = vector.shape_cast %swap3A_75 : vector<1x16xf32> to vector<16xf32>
      %swap3A_77 = vector.shape_cast %broadcast_in_dim3A_29 : vector<16xf32> to vector<1x16xf32>
      tpu.vector_store %arg5[%swap3A_73, %swap3A_74], %swap3A_77 {strides = array<i32>} : memref<128x128xf32, #tpu.memory_space<vmem>>, vector<1x16xf32>,
      %swap3A_78 = arith.index_cast %scan3A_47 : i32 to index
      %swap3A_79 = arith.constant 96 : index
      %swap3A_80 = tpu.vector_load %arg5[%swap3A_78, %swap3A_79] {strides = array<i32>} : memref<128x128xf32, #tpu.memory_space<vmem>>, vector<1x16xf32>,
      %swap3A_81 = vector.shape_cast %swap3A_80 : vector<1x16xf32> to vector<16xf32>
      %swap3A_82 = vector.shape_cast %broadcast_in_dim3A_29 : vector<16xf32> to vector<1x16xf32>
      tpu.vector_store %arg5[%swap3A_78, %swap3A_79], %swap3A_82 {strides = array<i32>} : memref<128x128xf32, #tpu.memory_space<vmem>>, vector<1x16xf32>,
      %swap3A_83 = arith.index_cast %scan3A_47 : i32 to index
      %swap3A_84 = arith.constant 112 : index
      %swap3A_85 = tpu.vector_load %arg5[%swap3A_83, %swap3A_84] {strides = array<i32>} : memref<128x128xf32, #tpu.memory_space<vmem>>, vector<1x16xf32>,
      %swap3A_86 = vector.shape_cast %swap3A_85 : vector<1x16xf32> to vector<16xf32>
      %swap3A_87 = vector.shape_cast %broadcast_in_dim3A_29 : vector<16xf32> to vector<1x16xf32>
      tpu.vector_store %arg5[%swap3A_83, %swap3A_84], %swap3A_87 {strides = array<i32>} : memref<128x128xf32, #tpu.memory_space<vmem>>, vector<1x16xf32>,
      %scan3A_88 = arith.constant 0 : i32
      scf.yield %scan3A_88 : i32
    }
    %scan3A_36 = arith.constant 128 : i32
    %barrier3A = arith.constant 0 : index
    tpu.barrier barrier_id(%barrier3A)
    %scan3A_37 = arith.constant 0 : i32
    %scan3A_38 = arith.constant 0 : i32
    %scan3A_39 = arith.constant 80 : i32
    %scan3A_40 = arith.addi %scan3A_38, %scan3A_39 : i32
    %scan3A_41 = arith.constant 1 : i32
    %scan3A_42 = scf.for %scan3A_47 = %scan3A_38 to %scan3A_40 step %scan3A_41 iter_args(%scan3A_48 = %scan3A_37) -> (i32)  : i32 {
      "tpu.region"() ({
        %run_scoped3A = tpu.sem_alloc : memref<!tpu.dma_semaphore, #tpu.memory_space<semaphore_mem>>
        %dma_start3A = arith.constant 0 : i32
        %dma_start3A_50 = tpu.memref_slice %arg4[%scan3A_47, %dma_start3A] : memref<80x128xi32, #tpu.memory_space<vmem>> -> memref<1x128xi32, #tpu.memory_space<vmem>>
        %dma_start3A_51 = tpu.memref_squeeze %dma_start3A_50 : memref<1x128xi32, #tpu.memory_space<vmem>> -> memref<128xi32, #tpu.memory_space<vmem>>
        %dma_start3A_52 = arith.constant 0 : i32
        %dma_start3A_53 = arith.constant 0 : i32
        %dma_start3A_54 = tpu.memref_slice %arg6[%dma_start3A_52, %dma_start3A_53] : memref<10240x128xf32, #tpu.memory_space<vmem_shared>> -> memref<10240x128xf32, #tpu.memory_space<vmem_shared>>
        tpu.enqueue_indirect_dma source(%arg5 : memref<128x128xf32, #tpu.memory_space<vmem>>) target(%dma_start3A_54 : memref<10240x128xf32, #tpu.memory_space<vmem_shared>>) offsets(%dma_start3A_51 : memref<128xi32, #tpu.memory_space<vmem>>) semaphore(%run_scoped3A : memref<!tpu.dma_semaphore, #tpu.memory_space<semaphore_mem>>) {add = true}
        %dma_wait3A = arith.constant 0 : i32
        %dma_wait3A_55 = tpu.memref_slice %arg4[%scan3A_47, %dma_wait3A] : memref<80x128xi32, #tpu.memory_space<vmem>> -> memref<1x128xi32, #tpu.memory_space<vmem>>
        %dma_wait3A_56 = tpu.memref_squeeze %dma_wait3A_55 : memref<1x128xi32, #tpu.memory_space<vmem>> -> memref<128xi32, #tpu.memory_space<vmem>>
        %dma_wait3A_57 = arith.constant 0 : i32
        %dma_wait3A_58 = arith.constant 0 : i32
        %dma_wait3A_59 = tpu.memref_slice %arg6[%dma_wait3A_57, %dma_wait3A_58] : memref<10240x128xf32, #tpu.memory_space<vmem_shared>> -> memref<10240x128xf32, #tpu.memory_space<vmem_shared>>
        tpu.wait_indirect_dma semaphore(%run_scoped3A : memref<!tpu.dma_semaphore, #tpu.memory_space<semaphore_mem>>) src(%arg5 : memref<128x128xf32, #tpu.memory_space<vmem>>) dst(%dma_wait3A_59 : memref<10240x128xf32, #tpu.memory_space<vmem_shared>>)
        tpu.yield
      }) : () -> ()
      %scan3A_49 = arith.constant 0 : i32
      scf.yield %scan3A_49 : i32
    }
    %scan3A_43 = arith.constant 80 : i32
    %barrier3A_44 = arith.constant 0 : index
    tpu.barrier barrier_id(%barrier3A_44)
    %mul3A_45 = arith.constant 640 : i32
    %mul3A_46 = arith.muli %arg1, %mul3A_45 : i32
    "tpu.region"() ({
      %run_scoped3A = tpu.sem_alloc : memref<!tpu.dma_semaphore, #tpu.memory_space<semaphore_mem>>
      %dma_start3A = arith.constant 0 : i32
      %dma_start3A_47 = arith.constant 0 : i32
      %dma_start3A_48 = tpu.memref_slice %arg3[%add3A, %dma_start3A, %dma_start3A_47] : memref<32x640x128xf32, #tpu.memory_space<hbm>> -> memref<1x640x128xf32, #tpu.memory_space<hbm>>
      %dma_start3A_49 = tpu.memref_squeeze %dma_start3A_48 : memref<1x640x128xf32, #tpu.memory_space<hbm>> -> memref<640x128xf32, #tpu.memory_space<hbm>>
      %dma_start3A_50 = arith.constant 0 : i32
      %dma_start3A_51 = tpu.memref_slice %arg6[%mul3A_46, %dma_start3A_50] : memref<10240x128xf32, #tpu.memory_space<vmem_shared>> -> memref<640x128xf32, #tpu.memory_space<vmem_shared>>
      tpu.enqueue_dma source(%dma_start3A_51 : memref<640x128xf32, #tpu.memory_space<vmem_shared>>) target(%dma_start3A_49 : memref<640x128xf32, #tpu.memory_space<hbm>>) target_semaphore(%run_scoped3A : memref<!tpu.dma_semaphore, #tpu.memory_space<semaphore_mem>>)
      %dma_wait3A = arith.constant 0 : i32
      %dma_wait3A_52 = arith.constant 0 : i32
      %dma_wait3A_53 = tpu.memref_slice %arg3[%add3A, %dma_wait3A, %dma_wait3A_52] : memref<32x640x128xf32, #tpu.memory_space<hbm>> -> memref<1x640x128xf32, #tpu.memory_space<hbm>>
      %dma_wait3A_54 = tpu.memref_squeeze %dma_wait3A_53 : memref<1x640x128xf32, #tpu.memory_space<hbm>> -> memref<640x128xf32, #tpu.memory_space<hbm>>
      %dma_wait3A_55 = arith.constant 0 : i32
      %dma_wait3A_56 = tpu.memref_slice %arg6[%mul3A_46, %dma_wait3A_55] : memref<10240x128xf32, #tpu.memory_space<vmem_shared>> -> memref<640x128xf32, #tpu.memory_space<vmem_shared>>
      tpu.wait_dma2 semaphore(%run_scoped3A : memref<!tpu.dma_semaphore, #tpu.memory_space<semaphore_mem>>) src(%dma_wait3A_56 : memref<640x128xf32, #tpu.memory_space<vmem_shared>>) dst(%dma_wait3A_54 : memref<640x128xf32, #tpu.memory_space<hbm>>)
      tpu.yield
    }) : () -> ()
    return
  }
}

#map = affine_map<(d0, d1) -> (0, 0)>
#map1 = affine_map<(d0, d1) -> (0, 0, 0)>
module attributes {stable_mosaic.version = 14 : i64} {
  func.func @_agg_body(%arg0: i32, %arg1: i32, %arg2: memref<10240x128xf32, #tpu.memory_space<hbm>>, %arg3: memref<32x80x128xi32, #tpu.memory_space<hbm>>, %arg4: memref<32x80x128xi32, #tpu.memory_space<hbm>>, %arg5: memref<32x640x128xf32, #tpu.memory_space<hbm>>, %arg6: memref<16x128xi32, #tpu.memory_space<vmem>>, %arg7: memref<16x128xi32, #tpu.memory_space<vmem>>, %arg8: memref<128x128xf32, #tpu.memory_space<vmem>>, %arg9: memref<128x128xf32, #tpu.memory_space<vmem>>, %arg10: memref<!tpu.dma_semaphore, #tpu.memory_space<semaphore_mem>>, %arg11: memref<!tpu.dma_semaphore, #tpu.memory_space<semaphore_mem>>, %arg12: memref<!tpu.dma_semaphore, #tpu.memory_space<semaphore_mem>>, %arg13: memref<10240x128xf32, #tpu.memory_space<vmem_shared>>) attributes {dimension_semantics = [#tpu.dimension_semantics<core_parallel>, #tpu.dimension_semantics<subcore_parallel>], iteration_bounds = array<i64: 2, 16>, scalar_prefetch = 0 : i64, scratch_operands = 8 : i64, tpu.core_type = #tpu.core_type<sc_vector_subcore>, window_params = [{transform_indices = #map}, {transform_indices = #map1}, {transform_indices = #map1}, {transform_indices = #map1}]} {
    %mul3A = arith.constant 16 : i32
    %mul3A_0 = arith.muli %arg0, %mul3A : i32
    %add3A = arith.addi %mul3A_0, %arg1 : i32
    %broadcast_in_dim3A = arith.constant 0.000000e+00 : f32
    %broadcast_in_dim3A_1 = vector.broadcast %broadcast_in_dim3A : f32 to vector<16xf32>
    %scan3A = arith.constant 0 : i32
    %scan3A_2 = arith.constant 0 : i32
    %scan3A_3 = arith.constant 128 : i32
    %scan3A_4 = arith.addi %scan3A_2, %scan3A_3 : i32
    %scan3A_5 = arith.constant 1 : i32
    %scan3A_6 = scf.for %scan3A_38 = %scan3A_2 to %scan3A_4 step %scan3A_5 iter_args(%scan3A_39 = %scan3A) -> (i32)  : i32 {
      %swap3A = arith.index_cast %scan3A_38 : i32 to index
      %swap3A_40 = arith.constant 0 : index
      %swap3A_41 = tpu.vector_load %arg8[%swap3A, %swap3A_40] {strides = array<i32>} : memref<128x128xf32, #tpu.memory_space<vmem>>, vector<1x16xf32>,
      %swap3A_42 = vector.shape_cast %swap3A_41 : vector<1x16xf32> to vector<16xf32>
      %swap3A_43 = vector.shape_cast %broadcast_in_dim3A_1 : vector<16xf32> to vector<1x16xf32>
      tpu.vector_store %arg8[%swap3A, %swap3A_40], %swap3A_43 {strides = array<i32>} : memref<128x128xf32, #tpu.memory_space<vmem>>, vector<1x16xf32>,
      %swap3A_44 = arith.index_cast %scan3A_38 : i32 to index
      %swap3A_45 = arith.constant 16 : index
      %swap3A_46 = tpu.vector_load %arg8[%swap3A_44, %swap3A_45] {strides = array<i32>} : memref<128x128xf32, #tpu.memory_space<vmem>>, vector<1x16xf32>,
      %swap3A_47 = vector.shape_cast %swap3A_46 : vector<1x16xf32> to vector<16xf32>
      %swap3A_48 = vector.shape_cast %broadcast_in_dim3A_1 : vector<16xf32> to vector<1x16xf32>
      tpu.vector_store %arg8[%swap3A_44, %swap3A_45], %swap3A_48 {strides = array<i32>} : memref<128x128xf32, #tpu.memory_space<vmem>>, vector<1x16xf32>,
      %swap3A_49 = arith.index_cast %scan3A_38 : i32 to index
      %swap3A_50 = arith.constant 32 : index
      %swap3A_51 = tpu.vector_load %arg8[%swap3A_49, %swap3A_50] {strides = array<i32>} : memref<128x128xf32, #tpu.memory_space<vmem>>, vector<1x16xf32>,
      %swap3A_52 = vector.shape_cast %swap3A_51 : vector<1x16xf32> to vector<16xf32>
      %swap3A_53 = vector.shape_cast %broadcast_in_dim3A_1 : vector<16xf32> to vector<1x16xf32>
      tpu.vector_store %arg8[%swap3A_49, %swap3A_50], %swap3A_53 {strides = array<i32>} : memref<128x128xf32, #tpu.memory_space<vmem>>, vector<1x16xf32>,
      %swap3A_54 = arith.index_cast %scan3A_38 : i32 to index
      %swap3A_55 = arith.constant 48 : index
      %swap3A_56 = tpu.vector_load %arg8[%swap3A_54, %swap3A_55] {strides = array<i32>} : memref<128x128xf32, #tpu.memory_space<vmem>>, vector<1x16xf32>,
      %swap3A_57 = vector.shape_cast %swap3A_56 : vector<1x16xf32> to vector<16xf32>
      %swap3A_58 = vector.shape_cast %broadcast_in_dim3A_1 : vector<16xf32> to vector<1x16xf32>
      tpu.vector_store %arg8[%swap3A_54, %swap3A_55], %swap3A_58 {strides = array<i32>} : memref<128x128xf32, #tpu.memory_space<vmem>>, vector<1x16xf32>,
      %swap3A_59 = arith.index_cast %scan3A_38 : i32 to index
      %swap3A_60 = arith.constant 64 : index
      %swap3A_61 = tpu.vector_load %arg8[%swap3A_59, %swap3A_60] {strides = array<i32>} : memref<128x128xf32, #tpu.memory_space<vmem>>, vector<1x16xf32>,
      %swap3A_62 = vector.shape_cast %swap3A_61 : vector<1x16xf32> to vector<16xf32>
      %swap3A_63 = vector.shape_cast %broadcast_in_dim3A_1 : vector<16xf32> to vector<1x16xf32>
      tpu.vector_store %arg8[%swap3A_59, %swap3A_60], %swap3A_63 {strides = array<i32>} : memref<128x128xf32, #tpu.memory_space<vmem>>, vector<1x16xf32>,
      %swap3A_64 = arith.index_cast %scan3A_38 : i32 to index
      %swap3A_65 = arith.constant 80 : index
      %swap3A_66 = tpu.vector_load %arg8[%swap3A_64, %swap3A_65] {strides = array<i32>} : memref<128x128xf32, #tpu.memory_space<vmem>>, vector<1x16xf32>,
      %swap3A_67 = vector.shape_cast %swap3A_66 : vector<1x16xf32> to vector<16xf32>
      %swap3A_68 = vector.shape_cast %broadcast_in_dim3A_1 : vector<16xf32> to vector<1x16xf32>
      tpu.vector_store %arg8[%swap3A_64, %swap3A_65], %swap3A_68 {strides = array<i32>} : memref<128x128xf32, #tpu.memory_space<vmem>>, vector<1x16xf32>,
      %swap3A_69 = arith.index_cast %scan3A_38 : i32 to index
      %swap3A_70 = arith.constant 96 : index
      %swap3A_71 = tpu.vector_load %arg8[%swap3A_69, %swap3A_70] {strides = array<i32>} : memref<128x128xf32, #tpu.memory_space<vmem>>, vector<1x16xf32>,
      %swap3A_72 = vector.shape_cast %swap3A_71 : vector<1x16xf32> to vector<16xf32>
      %swap3A_73 = vector.shape_cast %broadcast_in_dim3A_1 : vector<16xf32> to vector<1x16xf32>
      tpu.vector_store %arg8[%swap3A_69, %swap3A_70], %swap3A_73 {strides = array<i32>} : memref<128x128xf32, #tpu.memory_space<vmem>>, vector<1x16xf32>,
      %swap3A_74 = arith.index_cast %scan3A_38 : i32 to index
      %swap3A_75 = arith.constant 112 : index
      %swap3A_76 = tpu.vector_load %arg8[%swap3A_74, %swap3A_75] {strides = array<i32>} : memref<128x128xf32, #tpu.memory_space<vmem>>, vector<1x16xf32>,
      %swap3A_77 = vector.shape_cast %swap3A_76 : vector<1x16xf32> to vector<16xf32>
      %swap3A_78 = vector.shape_cast %broadcast_in_dim3A_1 : vector<16xf32> to vector<1x16xf32>
      tpu.vector_store %arg8[%swap3A_74, %swap3A_75], %swap3A_78 {strides = array<i32>} : memref<128x128xf32, #tpu.memory_space<vmem>>, vector<1x16xf32>,
      %scan3A_79 = arith.constant 0 : i32
      scf.yield %scan3A_79 : i32
    }
    %scan3A_7 = arith.constant 128 : i32
    %mul3A_8 = arith.constant 640 : i32
    %mul3A_9 = arith.muli %arg1, %mul3A_8 : i32
    %add3A_10 = arith.constant 0 : i32
    %add3A_11 = arith.addi %mul3A_9, %add3A_10 : i32
    "tpu.region"() ({
      %run_scoped3A = tpu.sem_alloc : memref<!tpu.dma_semaphore, #tpu.memory_space<semaphore_mem>>
      %dma_start3A = arith.constant 0 : i32
      %dma_start3A_38 = tpu.memref_slice %arg13[%add3A_11, %dma_start3A] : memref<10240x128xf32, #tpu.memory_space<vmem_shared>> -> memref<128x128xf32, #tpu.memory_space<vmem_shared>>
      %dma_start3A_39 = arith.constant 0 : i32
      %dma_start3A_40 = tpu.memref_slice %arg13[%add3A_11, %dma_start3A_39] : memref<10240x128xf32, #tpu.memory_space<vmem_shared>> -> memref<128x128xf32, #tpu.memory_space<vmem_shared>>
      tpu.enqueue_dma source(%arg8 : memref<128x128xf32, #tpu.memory_space<vmem>>) target(%dma_start3A_40 : memref<128x128xf32, #tpu.memory_space<vmem_shared>>) target_semaphore(%run_scoped3A : memref<!tpu.dma_semaphore, #tpu.memory_space<semaphore_mem>>)
      %dma_wait3A = arith.constant 0 : i32
      %dma_wait3A_41 = tpu.memref_slice %arg13[%add3A_11, %dma_wait3A] : memref<10240x128xf32, #tpu.memory_space<vmem_shared>> -> memref<128x128xf32, #tpu.memory_space<vmem_shared>>
      %dma_wait3A_42 = arith.constant 0 : i32
      %dma_wait3A_43 = tpu.memref_slice %arg13[%add3A_11, %dma_wait3A_42] : memref<10240x128xf32, #tpu.memory_space<vmem_shared>> -> memref<128x128xf32, #tpu.memory_space<vmem_shared>>
      tpu.wait_dma2 semaphore(%run_scoped3A : memref<!tpu.dma_semaphore, #tpu.memory_space<semaphore_mem>>) src(%arg8 : memref<128x128xf32, #tpu.memory_space<vmem>>) dst(%dma_wait3A_43 : memref<128x128xf32, #tpu.memory_space<vmem_shared>>)
      tpu.yield
    }) : () -> ()
    %mul3A_12 = arith.constant 640 : i32
    %mul3A_13 = arith.muli %arg1, %mul3A_12 : i32
    %add3A_14 = arith.constant 128 : i32
    %add3A_15 = arith.addi %mul3A_13, %add3A_14 : i32
    "tpu.region"() ({
      %run_scoped3A = tpu.sem_alloc : memref<!tpu.dma_semaphore, #tpu.memory_space<semaphore_mem>>
      %dma_start3A = arith.constant 0 : i32
      %dma_start3A_38 = tpu.memref_slice %arg13[%add3A_15, %dma_start3A] : memref<10240x128xf32, #tpu.memory_space<vmem_shared>> -> memref<128x128xf32, #tpu.memory_space<vmem_shared>>
      %dma_start3A_39 = arith.constant 0 : i32
      %dma_start3A_40 = tpu.memref_slice %arg13[%add3A_15, %dma_start3A_39] : memref<10240x128xf32, #tpu.memory_space<vmem_shared>> -> memref<128x128xf32, #tpu.memory_space<vmem_shared>>
      tpu.enqueue_dma source(%arg8 : memref<128x128xf32, #tpu.memory_space<vmem>>) target(%dma_start3A_40 : memref<128x128xf32, #tpu.memory_space<vmem_shared>>) target_semaphore(%run_scoped3A : memref<!tpu.dma_semaphore, #tpu.memory_space<semaphore_mem>>)
      %dma_wait3A = arith.constant 0 : i32
      %dma_wait3A_41 = tpu.memref_slice %arg13[%add3A_15, %dma_wait3A] : memref<10240x128xf32, #tpu.memory_space<vmem_shared>> -> memref<128x128xf32, #tpu.memory_space<vmem_shared>>
      %dma_wait3A_42 = arith.constant 0 : i32
      %dma_wait3A_43 = tpu.memref_slice %arg13[%add3A_15, %dma_wait3A_42] : memref<10240x128xf32, #tpu.memory_space<vmem_shared>> -> memref<128x128xf32, #tpu.memory_space<vmem_shared>>
      tpu.wait_dma2 semaphore(%run_scoped3A : memref<!tpu.dma_semaphore, #tpu.memory_space<semaphore_mem>>) src(%arg8 : memref<128x128xf32, #tpu.memory_space<vmem>>) dst(%dma_wait3A_43 : memref<128x128xf32, #tpu.memory_space<vmem_shared>>)
      tpu.yield
    }) : () -> ()
    %mul3A_16 = arith.constant 640 : i32
    %mul3A_17 = arith.muli %arg1, %mul3A_16 : i32
    %add3A_18 = arith.constant 256 : i32
    %add3A_19 = arith.addi %mul3A_17, %add3A_18 : i32
    "tpu.region"() ({
      %run_scoped3A = tpu.sem_alloc : memref<!tpu.dma_semaphore, #tpu.memory_space<semaphore_mem>>
      %dma_start3A = arith.constant 0 : i32
      %dma_start3A_38 = tpu.memref_slice %arg13[%add3A_19, %dma_start3A] : memref<10240x128xf32, #tpu.memory_space<vmem_shared>> -> memref<128x128xf32, #tpu.memory_space<vmem_shared>>
      %dma_start3A_39 = arith.constant 0 : i32
      %dma_start3A_40 = tpu.memref_slice %arg13[%add3A_19, %dma_start3A_39] : memref<10240x128xf32, #tpu.memory_space<vmem_shared>> -> memref<128x128xf32, #tpu.memory_space<vmem_shared>>
      tpu.enqueue_dma source(%arg8 : memref<128x128xf32, #tpu.memory_space<vmem>>) target(%dma_start3A_40 : memref<128x128xf32, #tpu.memory_space<vmem_shared>>) target_semaphore(%run_scoped3A : memref<!tpu.dma_semaphore, #tpu.memory_space<semaphore_mem>>)
      %dma_wait3A = arith.constant 0 : i32
      %dma_wait3A_41 = tpu.memref_slice %arg13[%add3A_19, %dma_wait3A] : memref<10240x128xf32, #tpu.memory_space<vmem_shared>> -> memref<128x128xf32, #tpu.memory_space<vmem_shared>>
      %dma_wait3A_42 = arith.constant 0 : i32
      %dma_wait3A_43 = tpu.memref_slice %arg13[%add3A_19, %dma_wait3A_42] : memref<10240x128xf32, #tpu.memory_space<vmem_shared>> -> memref<128x128xf32, #tpu.memory_space<vmem_shared>>
      tpu.wait_dma2 semaphore(%run_scoped3A : memref<!tpu.dma_semaphore, #tpu.memory_space<semaphore_mem>>) src(%arg8 : memref<128x128xf32, #tpu.memory_space<vmem>>) dst(%dma_wait3A_43 : memref<128x128xf32, #tpu.memory_space<vmem_shared>>)
      tpu.yield
    }) : () -> ()
    %mul3A_20 = arith.constant 640 : i32
    %mul3A_21 = arith.muli %arg1, %mul3A_20 : i32
    %add3A_22 = arith.constant 384 : i32
    %add3A_23 = arith.addi %mul3A_21, %add3A_22 : i32
    "tpu.region"() ({
      %run_scoped3A = tpu.sem_alloc : memref<!tpu.dma_semaphore, #tpu.memory_space<semaphore_mem>>
      %dma_start3A = arith.constant 0 : i32
      %dma_start3A_38 = tpu.memref_slice %arg13[%add3A_23, %dma_start3A] : memref<10240x128xf32, #tpu.memory_space<vmem_shared>> -> memref<128x128xf32, #tpu.memory_space<vmem_shared>>
      %dma_start3A_39 = arith.constant 0 : i32
      %dma_start3A_40 = tpu.memref_slice %arg13[%add3A_23, %dma_start3A_39] : memref<10240x128xf32, #tpu.memory_space<vmem_shared>> -> memref<128x128xf32, #tpu.memory_space<vmem_shared>>
      tpu.enqueue_dma source(%arg8 : memref<128x128xf32, #tpu.memory_space<vmem>>) target(%dma_start3A_40 : memref<128x128xf32, #tpu.memory_space<vmem_shared>>) target_semaphore(%run_scoped3A : memref<!tpu.dma_semaphore, #tpu.memory_space<semaphore_mem>>)
      %dma_wait3A = arith.constant 0 : i32
      %dma_wait3A_41 = tpu.memref_slice %arg13[%add3A_23, %dma_wait3A] : memref<10240x128xf32, #tpu.memory_space<vmem_shared>> -> memref<128x128xf32, #tpu.memory_space<vmem_shared>>
      %dma_wait3A_42 = arith.constant 0 : i32
      %dma_wait3A_43 = tpu.memref_slice %arg13[%add3A_23, %dma_wait3A_42] : memref<10240x128xf32, #tpu.memory_space<vmem_shared>> -> memref<128x128xf32, #tpu.memory_space<vmem_shared>>
      tpu.wait_dma2 semaphore(%run_scoped3A : memref<!tpu.dma_semaphore, #tpu.memory_space<semaphore_mem>>) src(%arg8 : memref<128x128xf32, #tpu.memory_space<vmem>>) dst(%dma_wait3A_43 : memref<128x128xf32, #tpu.memory_space<vmem_shared>>)
      tpu.yield
    }) : () -> ()
    %mul3A_24 = arith.constant 640 : i32
    %mul3A_25 = arith.muli %arg1, %mul3A_24 : i32
    %add3A_26 = arith.constant 512 : i32
    %add3A_27 = arith.addi %mul3A_25, %add3A_26 : i32
    "tpu.region"() ({
      %run_scoped3A = tpu.sem_alloc : memref<!tpu.dma_semaphore, #tpu.memory_space<semaphore_mem>>
      %dma_start3A = arith.constant 0 : i32
      %dma_start3A_38 = tpu.memref_slice %arg13[%add3A_27, %dma_start3A] : memref<10240x128xf32, #tpu.memory_space<vmem_shared>> -> memref<128x128xf32, #tpu.memory_space<vmem_shared>>
      %dma_start3A_39 = arith.constant 0 : i32
      %dma_start3A_40 = tpu.memref_slice %arg13[%add3A_27, %dma_start3A_39] : memref<10240x128xf32, #tpu.memory_space<vmem_shared>> -> memref<128x128xf32, #tpu.memory_space<vmem_shared>>
      tpu.enqueue_dma source(%arg8 : memref<128x128xf32, #tpu.memory_space<vmem>>) target(%dma_start3A_40 : memref<128x128xf32, #tpu.memory_space<vmem_shared>>) target_semaphore(%run_scoped3A : memref<!tpu.dma_semaphore, #tpu.memory_space<semaphore_mem>>)
      %dma_wait3A = arith.constant 0 : i32
      %dma_wait3A_41 = tpu.memref_slice %arg13[%add3A_27, %dma_wait3A] : memref<10240x128xf32, #tpu.memory_space<vmem_shared>> -> memref<128x128xf32, #tpu.memory_space<vmem_shared>>
      %dma_wait3A_42 = arith.constant 0 : i32
      %dma_wait3A_43 = tpu.memref_slice %arg13[%add3A_27, %dma_wait3A_42] : memref<10240x128xf32, #tpu.memory_space<vmem_shared>> -> memref<128x128xf32, #tpu.memory_space<vmem_shared>>
      tpu.wait_dma2 semaphore(%run_scoped3A : memref<!tpu.dma_semaphore, #tpu.memory_space<semaphore_mem>>) src(%arg8 : memref<128x128xf32, #tpu.memory_space<vmem>>) dst(%dma_wait3A_43 : memref<128x128xf32, #tpu.memory_space<vmem_shared>>)
      tpu.yield
    }) : () -> ()
    %barrier3A = arith.constant 0 : index
    tpu.barrier barrier_id(%barrier3A)
    %scan3A_28 = arith.constant 0 : i32
    %scan3A_29 = arith.constant 0 : i32
    %scan3A_30 = arith.constant 5 : i32
    %scan3A_31 = arith.addi %scan3A_29, %scan3A_30 : i32
    %scan3A_32 = arith.constant 1 : i32
    %scan3A_33 = scf.for %scan3A_38 = %scan3A_29 to %scan3A_31 step %scan3A_32 iter_args(%scan3A_39 = %scan3A_28) -> (i32)  : i32 {
      %mul3A_40 = arith.constant 16 : i32
      %mul3A_41 = arith.muli %scan3A_38, %mul3A_40 : i32
      "tpu.region"() ({
        %run_scoped3A = tpu.sem_alloc : memref<!tpu.dma_semaphore, #tpu.memory_space<semaphore_mem>>
        %dma_start3A_505 = arith.constant 0 : i32
        %dma_start3A_506 = tpu.memref_slice %arg3[%add3A, %mul3A_41, %dma_start3A_505] : memref<32x80x128xi32, #tpu.memory_space<hbm>> -> memref<1x16x128xi32, #tpu.memory_space<hbm>>
        %dma_start3A_507 = tpu.memref_squeeze %dma_start3A_506 : memref<1x16x128xi32, #tpu.memory_space<hbm>> -> memref<16x128xi32, #tpu.memory_space<hbm>>
        %dma_start3A_508 = arith.constant 0 : i32
        %dma_start3A_509 = tpu.memref_slice %arg3[%add3A, %mul3A_41, %dma_start3A_508] : memref<32x80x128xi32, #tpu.memory_space<hbm>> -> memref<1x16x128xi32, #tpu.memory_space<hbm>>
        %dma_start3A_510 = tpu.memref_squeeze %dma_start3A_509 : memref<1x16x128xi32, #tpu.memory_space<hbm>> -> memref<16x128xi32, #tpu.memory_space<hbm>>
        tpu.enqueue_dma source(%dma_start3A_510 : memref<16x128xi32, #tpu.memory_space<hbm>>) target(%arg6 : memref<16x128xi32, #tpu.memory_space<vmem>>) target_semaphore(%run_scoped3A : memref<!tpu.dma_semaphore, #tpu.memory_space<semaphore_mem>>)
        %dma_wait3A_511 = arith.constant 0 : i32
        %dma_wait3A_512 = tpu.memref_slice %arg3[%add3A, %mul3A_41, %dma_wait3A_511] : memref<32x80x128xi32, #tpu.memory_space<hbm>> -> memref<1x16x128xi32, #tpu.memory_space<hbm>>
        %dma_wait3A_513 = tpu.memref_squeeze %dma_wait3A_512 : memref<1x16x128xi32, #tpu.memory_space<hbm>> -> memref<16x128xi32, #tpu.memory_space<hbm>>
        %dma_wait3A_514 = arith.constant 0 : i32
        %dma_wait3A_515 = tpu.memref_slice %arg3[%add3A, %mul3A_41, %dma_wait3A_514] : memref<32x80x128xi32, #tpu.memory_space<hbm>> -> memref<1x16x128xi32, #tpu.memory_space<hbm>>
        %dma_wait3A_516 = tpu.memref_squeeze %dma_wait3A_515 : memref<1x16x128xi32, #tpu.memory_space<hbm>> -> memref<16x128xi32, #tpu.memory_space<hbm>>
        tpu.wait_dma2 semaphore(%run_scoped3A : memref<!tpu.dma_semaphore, #tpu.memory_space<semaphore_mem>>) src(%dma_wait3A_516 : memref<16x128xi32, #tpu.memory_space<hbm>>) dst(%arg6 : memref<16x128xi32, #tpu.memory_space<vmem>>)
        tpu.yield
      }) : () -> ()
      %mul3A_42 = arith.constant 16 : i32
      %mul3A_43 = arith.muli %scan3A_38, %mul3A_42 : i32
      "tpu.region"() ({
        %run_scoped3A = tpu.sem_alloc : memref<!tpu.dma_semaphore, #tpu.memory_space<semaphore_mem>>
        %dma_start3A_505 = arith.constant 0 : i32
        %dma_start3A_506 = tpu.memref_slice %arg4[%add3A, %mul3A_43, %dma_start3A_505] : memref<32x80x128xi32, #tpu.memory_space<hbm>> -> memref<1x16x128xi32, #tpu.memory_space<hbm>>
        %dma_start3A_507 = tpu.memref_squeeze %dma_start3A_506 : memref<1x16x128xi32, #tpu.memory_space<hbm>> -> memref<16x128xi32, #tpu.memory_space<hbm>>
        %dma_start3A_508 = arith.constant 0 : i32
        %dma_start3A_509 = tpu.memref_slice %arg4[%add3A, %mul3A_43, %dma_start3A_508] : memref<32x80x128xi32, #tpu.memory_space<hbm>> -> memref<1x16x128xi32, #tpu.memory_space<hbm>>
        %dma_start3A_510 = tpu.memref_squeeze %dma_start3A_509 : memref<1x16x128xi32, #tpu.memory_space<hbm>> -> memref<16x128xi32, #tpu.memory_space<hbm>>
        tpu.enqueue_dma source(%dma_start3A_510 : memref<16x128xi32, #tpu.memory_space<hbm>>) target(%arg7 : memref<16x128xi32, #tpu.memory_space<vmem>>) target_semaphore(%run_scoped3A : memref<!tpu.dma_semaphore, #tpu.memory_space<semaphore_mem>>)
        %dma_wait3A_511 = arith.constant 0 : i32
        %dma_wait3A_512 = tpu.memref_slice %arg4[%add3A, %mul3A_43, %dma_wait3A_511] : memref<32x80x128xi32, #tpu.memory_space<hbm>> -> memref<1x16x128xi32, #tpu.memory_space<hbm>>
        %dma_wait3A_513 = tpu.memref_squeeze %dma_wait3A_512 : memref<1x16x128xi32, #tpu.memory_space<hbm>> -> memref<16x128xi32, #tpu.memory_space<hbm>>
        %dma_wait3A_514 = arith.constant 0 : i32
        %dma_wait3A_515 = tpu.memref_slice %arg4[%add3A, %mul3A_43, %dma_wait3A_514] : memref<32x80x128xi32, #tpu.memory_space<hbm>> -> memref<1x16x128xi32, #tpu.memory_space<hbm>>
        %dma_wait3A_516 = tpu.memref_squeeze %dma_wait3A_515 : memref<1x16x128xi32, #tpu.memory_space<hbm>> -> memref<16x128xi32, #tpu.memory_space<hbm>>
        tpu.wait_dma2 semaphore(%run_scoped3A : memref<!tpu.dma_semaphore, #tpu.memory_space<semaphore_mem>>) src(%dma_wait3A_516 : memref<16x128xi32, #tpu.memory_space<hbm>>) dst(%arg7 : memref<16x128xi32, #tpu.memory_space<vmem>>)
        tpu.yield
      }) : () -> ()
      %dma_start3A = arith.constant 0 : i32
      %dma_start3A_44 = arith.constant 0 : i32
      %dma_start3A_45 = tpu.memref_slice %arg6[%dma_start3A, %dma_start3A_44] : memref<16x128xi32, #tpu.memory_space<vmem>> -> memref<1x128xi32, #tpu.memory_space<vmem>>
      %dma_start3A_46 = tpu.memref_squeeze %dma_start3A_45 : memref<1x128xi32, #tpu.memory_space<vmem>> -> memref<128xi32, #tpu.memory_space<vmem>>
      %dma_start3A_47 = arith.constant 0 : i32
      %dma_start3A_48 = arith.constant 0 : i32
      %dma_start3A_49 = tpu.memref_slice %arg2[%dma_start3A_47, %dma_start3A_48] : memref<10240x128xf32, #tpu.memory_space<hbm>> -> memref<10240x128xf32, #tpu.memory_space<hbm>>
      tpu.enqueue_indirect_dma source(%dma_start3A_49 : memref<10240x128xf32, #tpu.memory_space<hbm>>) target(%arg8 : memref<128x128xf32, #tpu.memory_space<vmem>>) offsets(%dma_start3A_46 : memref<128xi32, #tpu.memory_space<vmem>>) semaphore(%arg10 : memref<!tpu.dma_semaphore, #tpu.memory_space<semaphore_mem>>)
      %dma_wait3A = arith.constant 0 : i32
      %dma_wait3A_50 = arith.constant 0 : i32
      %dma_wait3A_51 = tpu.memref_slice %arg6[%dma_wait3A, %dma_wait3A_50] : memref<16x128xi32, #tpu.memory_space<vmem>> -> memref<1x128xi32, #tpu.memory_space<vmem>>
      %dma_wait3A_52 = tpu.memref_squeeze %dma_wait3A_51 : memref<1x128xi32, #tpu.memory_space<vmem>> -> memref<128xi32, #tpu.memory_space<vmem>>
      %dma_wait3A_53 = arith.constant 0 : i32
      %dma_wait3A_54 = arith.constant 0 : i32
      %dma_wait3A_55 = tpu.memref_slice %arg2[%dma_wait3A_53, %dma_wait3A_54] : memref<10240x128xf32, #tpu.memory_space<hbm>> -> memref<10240x128xf32, #tpu.memory_space<hbm>>
      tpu.wait_indirect_dma semaphore(%arg10 : memref<!tpu.dma_semaphore, #tpu.memory_space<semaphore_mem>>) src(%dma_wait3A_55 : memref<10240x128xf32, #tpu.memory_space<hbm>>) dst(%arg8 : memref<128x128xf32, #tpu.memory_space<vmem>>)
      %dma_start3A_56 = arith.constant 0 : i32
      %dma_start3A_57 = arith.constant 0 : i32
      %dma_start3A_58 = tpu.memref_slice %arg7[%dma_start3A_56, %dma_start3A_57] : memref<16x128xi32, #tpu.memory_space<vmem>> -> memref<1x128xi32, #tpu.memory_space<vmem>>
      %dma_start3A_59 = tpu.memref_squeeze %dma_start3A_58 : memref<1x128xi32, #tpu.memory_space<vmem>> -> memref<128xi32, #tpu.memory_space<vmem>>
      %dma_start3A_60 = arith.constant 0 : i32
      %dma_start3A_61 = arith.constant 0 : i32
      %dma_start3A_62 = tpu.memref_slice %arg13[%dma_start3A_60, %dma_start3A_61] : memref<10240x128xf32, #tpu.memory_space<vmem_shared>> -> memref<10240x128xf32, #tpu.memory_space<vmem_shared>>
      tpu.enqueue_indirect_dma source(%arg8 : memref<128x128xf32, #tpu.memory_space<vmem>>) target(%dma_start3A_62 : memref<10240x128xf32, #tpu.memory_space<vmem_shared>>) offsets(%dma_start3A_59 : memref<128xi32, #tpu.memory_space<vmem>>) semaphore(%arg11 : memref<!tpu.dma_semaphore, #tpu.memory_space<semaphore_mem>>) {add = true}
      %dma_start3A_63 = arith.constant 1 : i32
      %dma_start3A_64 = arith.constant 0 : i32
      %dma_start3A_65 = tpu.memref_slice %arg6[%dma_start3A_63, %dma_start3A_64] : memref<16x128xi32, #tpu.memory_space<vmem>> -> memref<1x128xi32, #tpu.memory_space<vmem>>
      %dma_start3A_66 = tpu.memref_squeeze %dma_start3A_65 : memref<1x128xi32, #tpu.memory_space<vmem>> -> memref<128xi32, #tpu.memory_space<vmem>>
      %dma_start3A_67 = arith.constant 0 : i32
      %dma_start3A_68 = arith.constant 0 : i32
      %dma_start3A_69 = tpu.memref_slice %arg2[%dma_start3A_67, %dma_start3A_68] : memref<10240x128xf32, #tpu.memory_space<hbm>> -> memref<10240x128xf32, #tpu.memory_space<hbm>>
      tpu.enqueue_indirect_dma source(%dma_start3A_69 : memref<10240x128xf32, #tpu.memory_space<hbm>>) target(%arg9 : memref<128x128xf32, #tpu.memory_space<vmem>>) offsets(%dma_start3A_66 : memref<128xi32, #tpu.memory_space<vmem>>) semaphore(%arg10 : memref<!tpu.dma_semaphore, #tpu.memory_space<semaphore_mem>>)
      %dma_wait3A_70 = arith.constant 0 : i32
      %dma_wait3A_71 = arith.constant 0 : i32
      %dma_wait3A_72 = tpu.memref_slice %arg6[%dma_wait3A_70, %dma_wait3A_71] : memref<16x128xi32, #tpu.memory_space<vmem>> -> memref<1x128xi32, #tpu.memory_space<vmem>>
      %dma_wait3A_73 = tpu.memref_squeeze %dma_wait3A_72 : memref<1x128xi32, #tpu.memory_space<vmem>> -> memref<128xi32, #tpu.memory_space<vmem>>
      %dma_wait3A_74 = arith.constant 0 : i32
      %dma_wait3A_75 = arith.constant 0 : i32
      %dma_wait3A_76 = tpu.memref_slice %arg2[%dma_wait3A_74, %dma_wait3A_75] : memref<10240x128xf32, #tpu.memory_space<hbm>> -> memref<10240x128xf32, #tpu.memory_space<hbm>>
      tpu.wait_indirect_dma semaphore(%arg10 : memref<!tpu.dma_semaphore, #tpu.memory_space<semaphore_mem>>) src(%dma_wait3A_76 : memref<10240x128xf32, #tpu.memory_space<hbm>>) dst(%arg9 : memref<128x128xf32, #tpu.memory_space<vmem>>)
      %dma_start3A_77 = arith.constant 1 : i32
      %dma_start3A_78 = arith.constant 0 : i32
      %dma_start3A_79 = tpu.memref_slice %arg7[%dma_start3A_77, %dma_start3A_78] : memref<16x128xi32, #tpu.memory_space<vmem>> -> memref<1x128xi32, #tpu.memory_space<vmem>>
      %dma_start3A_80 = tpu.memref_squeeze %dma_start3A_79 : memref<1x128xi32, #tpu.memory_space<vmem>> -> memref<128xi32, #tpu.memory_space<vmem>>
      %dma_start3A_81 = arith.constant 0 : i32
      %dma_start3A_82 = arith.constant 0 : i32
      %dma_start3A_83 = tpu.memref_slice %arg13[%dma_start3A_81, %dma_start3A_82] : memref<10240x128xf32, #tpu.memory_space<vmem_shared>> -> memref<10240x128xf32, #tpu.memory_space<vmem_shared>>
      tpu.enqueue_indirect_dma source(%arg9 : memref<128x128xf32, #tpu.memory_space<vmem>>) target(%dma_start3A_83 : memref<10240x128xf32, #tpu.memory_space<vmem_shared>>) offsets(%dma_start3A_80 : memref<128xi32, #tpu.memory_space<vmem>>) semaphore(%arg12 : memref<!tpu.dma_semaphore, #tpu.memory_space<semaphore_mem>>) {add = true}
      %dma_wait3A_84 = arith.constant 0 : i32
      %dma_wait3A_85 = arith.constant 0 : i32
      %dma_wait3A_86 = tpu.memref_slice %arg7[%dma_wait3A_84, %dma_wait3A_85] : memref<16x128xi32, #tpu.memory_space<vmem>> -> memref<1x128xi32, #tpu.memory_space<vmem>>
      %dma_wait3A_87 = tpu.memref_squeeze %dma_wait3A_86 : memref<1x128xi32, #tpu.memory_space<vmem>> -> memref<128xi32, #tpu.memory_space<vmem>>
      %dma_wait3A_88 = arith.constant 0 : i32
      %dma_wait3A_89 = arith.constant 0 : i32
      %dma_wait3A_90 = tpu.memref_slice %arg13[%dma_wait3A_88, %dma_wait3A_89] : memref<10240x128xf32, #tpu.memory_space<vmem_shared>> -> memref<10240x128xf32, #tpu.memory_space<vmem_shared>>
      tpu.wait_indirect_dma semaphore(%arg11 : memref<!tpu.dma_semaphore, #tpu.memory_space<semaphore_mem>>) src(%arg8 : memref<128x128xf32, #tpu.memory_space<vmem>>) dst(%dma_wait3A_90 : memref<10240x128xf32, #tpu.memory_space<vmem_shared>>)
      %dma_start3A_91 = arith.constant 2 : i32
      %dma_start3A_92 = arith.constant 0 : i32
      %dma_start3A_93 = tpu.memref_slice %arg6[%dma_start3A_91, %dma_start3A_92] : memref<16x128xi32, #tpu.memory_space<vmem>> -> memref<1x128xi32, #tpu.memory_space<vmem>>
      %dma_start3A_94 = tpu.memref_squeeze %dma_start3A_93 : memref<1x128xi32, #tpu.memory_space<vmem>> -> memref<128xi32, #tpu.memory_space<vmem>>
      %dma_start3A_95 = arith.constant 0 : i32
      %dma_start3A_96 = arith.constant 0 : i32
      %dma_start3A_97 = tpu.memref_slice %arg2[%dma_start3A_95, %dma_start3A_96] : memref<10240x128xf32, #tpu.memory_space<hbm>> -> memref<10240x128xf32, #tpu.memory_space<hbm>>
      tpu.enqueue_indirect_dma source(%dma_start3A_97 : memref<10240x128xf32, #tpu.memory_space<hbm>>) target(%arg8 : memref<128x128xf32, #tpu.memory_space<vmem>>) offsets(%dma_start3A_94 : memref<128xi32, #tpu.memory_space<vmem>>) semaphore(%arg10 : memref<!tpu.dma_semaphore, #tpu.memory_space<semaphore_mem>>)
      %dma_wait3A_98 = arith.constant 0 : i32
      %dma_wait3A_99 = arith.constant 0 : i32
      %dma_wait3A_100 = tpu.memref_slice %arg6[%dma_wait3A_98, %dma_wait3A_99] : memref<16x128xi32, #tpu.memory_space<vmem>> -> memref<1x128xi32, #tpu.memory_space<vmem>>
      %dma_wait3A_101 = tpu.memref_squeeze %dma_wait3A_100 : memref<1x128xi32, #tpu.memory_space<vmem>> -> memref<128xi32, #tpu.memory_space<vmem>>
      %dma_wait3A_102 = arith.constant 0 : i32
      %dma_wait3A_103 = arith.constant 0 : i32
      %dma_wait3A_104 = tpu.memref_slice %arg2[%dma_wait3A_102, %dma_wait3A_103] : memref<10240x128xf32, #tpu.memory_space<hbm>> -> memref<10240x128xf32, #tpu.memory_space<hbm>>
      tpu.wait_indirect_dma semaphore(%arg10 : memref<!tpu.dma_semaphore, #tpu.memory_space<semaphore_mem>>) src(%dma_wait3A_104 : memref<10240x128xf32, #tpu.memory_space<hbm>>) dst(%arg8 : memref<128x128xf32, #tpu.memory_space<vmem>>)
      %dma_start3A_105 = arith.constant 2 : i32
      %dma_start3A_106 = arith.constant 0 : i32
      %dma_start3A_107 = tpu.memref_slice %arg7[%dma_start3A_105, %dma_start3A_106] : memref<16x128xi32, #tpu.memory_space<vmem>> -> memref<1x128xi32, #tpu.memory_space<vmem>>
      %dma_start3A_108 = tpu.memref_squeeze %dma_start3A_107 : memref<1x128xi32, #tpu.memory_space<vmem>> -> memref<128xi32, #tpu.memory_space<vmem>>
      %dma_start3A_109 = arith.constant 0 : i32
      %dma_start3A_110 = arith.constant 0 : i32
      %dma_start3A_111 = tpu.memref_slice %arg13[%dma_start3A_109, %dma_start3A_110] : memref<10240x128xf32, #tpu.memory_space<vmem_shared>> -> memref<10240x128xf32, #tpu.memory_space<vmem_shared>>
      tpu.enqueue_indirect_dma source(%arg8 : memref<128x128xf32, #tpu.memory_space<vmem>>) target(%dma_start3A_111 : memref<10240x128xf32, #tpu.memory_space<vmem_shared>>) offsets(%dma_start3A_108 : memref<128xi32, #tpu.memory_space<vmem>>) semaphore(%arg11 : memref<!tpu.dma_semaphore, #tpu.memory_space<semaphore_mem>>) {add = true}
      %dma_wait3A_112 = arith.constant 0 : i32
      %dma_wait3A_113 = arith.constant 0 : i32
      %dma_wait3A_114 = tpu.memref_slice %arg7[%dma_wait3A_112, %dma_wait3A_113] : memref<16x128xi32, #tpu.memory_space<vmem>> -> memref<1x128xi32, #tpu.memory_space<vmem>>
      %dma_wait3A_115 = tpu.memref_squeeze %dma_wait3A_114 : memref<1x128xi32, #tpu.memory_space<vmem>> -> memref<128xi32, #tpu.memory_space<vmem>>
      %dma_wait3A_116 = arith.constant 0 : i32
      %dma_wait3A_117 = arith.constant 0 : i32
      %dma_wait3A_118 = tpu.memref_slice %arg13[%dma_wait3A_116, %dma_wait3A_117] : memref<10240x128xf32, #tpu.memory_space<vmem_shared>> -> memref<10240x128xf32, #tpu.memory_space<vmem_shared>>
      tpu.wait_indirect_dma semaphore(%arg12 : memref<!tpu.dma_semaphore, #tpu.memory_space<semaphore_mem>>) src(%arg9 : memref<128x128xf32, #tpu.memory_space<vmem>>) dst(%dma_wait3A_118 : memref<10240x128xf32, #tpu.memory_space<vmem_shared>>)
      %dma_start3A_119 = arith.constant 3 : i32
      %dma_start3A_120 = arith.constant 0 : i32
      %dma_start3A_121 = tpu.memref_slice %arg6[%dma_start3A_119, %dma_start3A_120] : memref<16x128xi32, #tpu.memory_space<vmem>> -> memref<1x128xi32, #tpu.memory_space<vmem>>
      %dma_start3A_122 = tpu.memref_squeeze %dma_start3A_121 : memref<1x128xi32, #tpu.memory_space<vmem>> -> memref<128xi32, #tpu.memory_space<vmem>>
      %dma_start3A_123 = arith.constant 0 : i32
      %dma_start3A_124 = arith.constant 0 : i32
      %dma_start3A_125 = tpu.memref_slice %arg2[%dma_start3A_123, %dma_start3A_124] : memref<10240x128xf32, #tpu.memory_space<hbm>> -> memref<10240x128xf32, #tpu.memory_space<hbm>>
      tpu.enqueue_indirect_dma source(%dma_start3A_125 : memref<10240x128xf32, #tpu.memory_space<hbm>>) target(%arg9 : memref<128x128xf32, #tpu.memory_space<vmem>>) offsets(%dma_start3A_122 : memref<128xi32, #tpu.memory_space<vmem>>) semaphore(%arg10 : memref<!tpu.dma_semaphore, #tpu.memory_space<semaphore_mem>>)
      %dma_wait3A_126 = arith.constant 0 : i32
      %dma_wait3A_127 = arith.constant 0 : i32
      %dma_wait3A_128 = tpu.memref_slice %arg6[%dma_wait3A_126, %dma_wait3A_127] : memref<16x128xi32, #tpu.memory_space<vmem>> -> memref<1x128xi32, #tpu.memory_space<vmem>>
      %dma_wait3A_129 = tpu.memref_squeeze %dma_wait3A_128 : memref<1x128xi32, #tpu.memory_space<vmem>> -> memref<128xi32, #tpu.memory_space<vmem>>
      %dma_wait3A_130 = arith.constant 0 : i32
      %dma_wait3A_131 = arith.constant 0 : i32
      %dma_wait3A_132 = tpu.memref_slice %arg2[%dma_wait3A_130, %dma_wait3A_131] : memref<10240x128xf32, #tpu.memory_space<hbm>> -> memref<10240x128xf32, #tpu.memory_space<hbm>>
      tpu.wait_indirect_dma semaphore(%arg10 : memref<!tpu.dma_semaphore, #tpu.memory_space<semaphore_mem>>) src(%dma_wait3A_132 : memref<10240x128xf32, #tpu.memory_space<hbm>>) dst(%arg9 : memref<128x128xf32, #tpu.memory_space<vmem>>)
      %dma_start3A_133 = arith.constant 3 : i32
      %dma_start3A_134 = arith.constant 0 : i32
      %dma_start3A_135 = tpu.memref_slice %arg7[%dma_start3A_133, %dma_start3A_134] : memref<16x128xi32, #tpu.memory_space<vmem>> -> memref<1x128xi32, #tpu.memory_space<vmem>>
      %dma_start3A_136 = tpu.memref_squeeze %dma_start3A_135 : memref<1x128xi32, #tpu.memory_space<vmem>> -> memref<128xi32, #tpu.memory_space<vmem>>
      %dma_start3A_137 = arith.constant 0 : i32
      %dma_start3A_138 = arith.constant 0 : i32
      %dma_start3A_139 = tpu.memref_slice %arg13[%dma_start3A_137, %dma_start3A_138] : memref<10240x128xf32, #tpu.memory_space<vmem_shared>> -> memref<10240x128xf32, #tpu.memory_space<vmem_shared>>
      tpu.enqueue_indirect_dma source(%arg9 : memref<128x128xf32, #tpu.memory_space<vmem>>) target(%dma_start3A_139 : memref<10240x128xf32, #tpu.memory_space<vmem_shared>>) offsets(%dma_start3A_136 : memref<128xi32, #tpu.memory_space<vmem>>) semaphore(%arg12 : memref<!tpu.dma_semaphore, #tpu.memory_space<semaphore_mem>>) {add = true}
      %dma_wait3A_140 = arith.constant 0 : i32
      %dma_wait3A_141 = arith.constant 0 : i32
      %dma_wait3A_142 = tpu.memref_slice %arg7[%dma_wait3A_140, %dma_wait3A_141] : memref<16x128xi32, #tpu.memory_space<vmem>> -> memref<1x128xi32, #tpu.memory_space<vmem>>
      %dma_wait3A_143 = tpu.memref_squeeze %dma_wait3A_142 : memref<1x128xi32, #tpu.memory_space<vmem>> -> memref<128xi32, #tpu.memory_space<vmem>>
      %dma_wait3A_144 = arith.constant 0 : i32
      %dma_wait3A_145 = arith.constant 0 : i32
      %dma_wait3A_146 = tpu.memref_slice %arg13[%dma_wait3A_144, %dma_wait3A_145] : memref<10240x128xf32, #tpu.memory_space<vmem_shared>> -> memref<10240x128xf32, #tpu.memory_space<vmem_shared>>
      tpu.wait_indirect_dma semaphore(%arg11 : memref<!tpu.dma_semaphore, #tpu.memory_space<semaphore_mem>>) src(%arg8 : memref<128x128xf32, #tpu.memory_space<vmem>>) dst(%dma_wait3A_146 : memref<10240x128xf32, #tpu.memory_space<vmem_shared>>)
      %dma_start3A_147 = arith.constant 4 : i32
      %dma_start3A_148 = arith.constant 0 : i32
      %dma_start3A_149 = tpu.memref_slice %arg6[%dma_start3A_147, %dma_start3A_148] : memref<16x128xi32, #tpu.memory_space<vmem>> -> memref<1x128xi32, #tpu.memory_space<vmem>>
      %dma_start3A_150 = tpu.memref_squeeze %dma_start3A_149 : memref<1x128xi32, #tpu.memory_space<vmem>> -> memref<128xi32, #tpu.memory_space<vmem>>
      %dma_start3A_151 = arith.constant 0 : i32
      %dma_start3A_152 = arith.constant 0 : i32
      %dma_start3A_153 = tpu.memref_slice %arg2[%dma_start3A_151, %dma_start3A_152] : memref<10240x128xf32, #tpu.memory_space<hbm>> -> memref<10240x128xf32, #tpu.memory_space<hbm>>
      tpu.enqueue_indirect_dma source(%dma_start3A_153 : memref<10240x128xf32, #tpu.memory_space<hbm>>) target(%arg8 : memref<128x128xf32, #tpu.memory_space<vmem>>) offsets(%dma_start3A_150 : memref<128xi32, #tpu.memory_space<vmem>>) semaphore(%arg10 : memref<!tpu.dma_semaphore, #tpu.memory_space<semaphore_mem>>)
      %dma_wait3A_154 = arith.constant 0 : i32
      %dma_wait3A_155 = arith.constant 0 : i32
      %dma_wait3A_156 = tpu.memref_slice %arg6[%dma_wait3A_154, %dma_wait3A_155] : memref<16x128xi32, #tpu.memory_space<vmem>> -> memref<1x128xi32, #tpu.memory_space<vmem>>
      %dma_wait3A_157 = tpu.memref_squeeze %dma_wait3A_156 : memref<1x128xi32, #tpu.memory_space<vmem>> -> memref<128xi32, #tpu.memory_space<vmem>>
      %dma_wait3A_158 = arith.constant 0 : i32
      %dma_wait3A_159 = arith.constant 0 : i32
      %dma_wait3A_160 = tpu.memref_slice %arg2[%dma_wait3A_158, %dma_wait3A_159] : memref<10240x128xf32, #tpu.memory_space<hbm>> -> memref<10240x128xf32, #tpu.memory_space<hbm>>
      tpu.wait_indirect_dma semaphore(%arg10 : memref<!tpu.dma_semaphore, #tpu.memory_space<semaphore_mem>>) src(%dma_wait3A_160 : memref<10240x128xf32, #tpu.memory_space<hbm>>) dst(%arg8 : memref<128x128xf32, #tpu.memory_space<vmem>>)
      %dma_start3A_161 = arith.constant 4 : i32
      %dma_start3A_162 = arith.constant 0 : i32
      %dma_start3A_163 = tpu.memref_slice %arg7[%dma_start3A_161, %dma_start3A_162] : memref<16x128xi32, #tpu.memory_space<vmem>> -> memref<1x128xi32, #tpu.memory_space<vmem>>
      %dma_start3A_164 = tpu.memref_squeeze %dma_start3A_163 : memref<1x128xi32, #tpu.memory_space<vmem>> -> memref<128xi32, #tpu.memory_space<vmem>>
      %dma_start3A_165 = arith.constant 0 : i32
      %dma_start3A_166 = arith.constant 0 : i32
      %dma_start3A_167 = tpu.memref_slice %arg13[%dma_start3A_165, %dma_start3A_166] : memref<10240x128xf32, #tpu.memory_space<vmem_shared>> -> memref<10240x128xf32, #tpu.memory_space<vmem_shared>>
      tpu.enqueue_indirect_dma source(%arg8 : memref<128x128xf32, #tpu.memory_space<vmem>>) target(%dma_start3A_167 : memref<10240x128xf32, #tpu.memory_space<vmem_shared>>) offsets(%dma_start3A_164 : memref<128xi32, #tpu.memory_space<vmem>>) semaphore(%arg11 : memref<!tpu.dma_semaphore, #tpu.memory_space<semaphore_mem>>) {add = true}
      %dma_wait3A_168 = arith.constant 0 : i32
      %dma_wait3A_169 = arith.constant 0 : i32
      %dma_wait3A_170 = tpu.memref_slice %arg7[%dma_wait3A_168, %dma_wait3A_169] : memref<16x128xi32, #tpu.memory_space<vmem>> -> memref<1x128xi32, #tpu.memory_space<vmem>>
      %dma_wait3A_171 = tpu.memref_squeeze %dma_wait3A_170 : memref<1x128xi32, #tpu.memory_space<vmem>> -> memref<128xi32, #tpu.memory_space<vmem>>
      %dma_wait3A_172 = arith.constant 0 : i32
      %dma_wait3A_173 = arith.constant 0 : i32
      %dma_wait3A_174 = tpu.memref_slice %arg13[%dma_wait3A_172, %dma_wait3A_173] : memref<10240x128xf32, #tpu.memory_space<vmem_shared>> -> memref<10240x128xf32, #tpu.memory_space<vmem_shared>>
      tpu.wait_indirect_dma semaphore(%arg12 : memref<!tpu.dma_semaphore, #tpu.memory_space<semaphore_mem>>) src(%arg9 : memref<128x128xf32, #tpu.memory_space<vmem>>) dst(%dma_wait3A_174 : memref<10240x128xf32, #tpu.memory_space<vmem_shared>>)
      %dma_start3A_175 = arith.constant 5 : i32
      %dma_start3A_176 = arith.constant 0 : i32
      %dma_start3A_177 = tpu.memref_slice %arg6[%dma_start3A_175, %dma_start3A_176] : memref<16x128xi32, #tpu.memory_space<vmem>> -> memref<1x128xi32, #tpu.memory_space<vmem>>
      %dma_start3A_178 = tpu.memref_squeeze %dma_start3A_177 : memref<1x128xi32, #tpu.memory_space<vmem>> -> memref<128xi32, #tpu.memory_space<vmem>>
      %dma_start3A_179 = arith.constant 0 : i32
      %dma_start3A_180 = arith.constant 0 : i32
      %dma_start3A_181 = tpu.memref_slice %arg2[%dma_start3A_179, %dma_start3A_180] : memref<10240x128xf32, #tpu.memory_space<hbm>> -> memref<10240x128xf32, #tpu.memory_space<hbm>>
      tpu.enqueue_indirect_dma source(%dma_start3A_181 : memref<10240x128xf32, #tpu.memory_space<hbm>>) target(%arg9 : memref<128x128xf32, #tpu.memory_space<vmem>>) offsets(%dma_start3A_178 : memref<128xi32, #tpu.memory_space<vmem>>) semaphore(%arg10 : memref<!tpu.dma_semaphore, #tpu.memory_space<semaphore_mem>>)
      %dma_wait3A_182 = arith.constant 0 : i32
      %dma_wait3A_183 = arith.constant 0 : i32
      %dma_wait3A_184 = tpu.memref_slice %arg6[%dma_wait3A_182, %dma_wait3A_183] : memref<16x128xi32, #tpu.memory_space<vmem>> -> memref<1x128xi32, #tpu.memory_space<vmem>>
      %dma_wait3A_185 = tpu.memref_squeeze %dma_wait3A_184 : memref<1x128xi32, #tpu.memory_space<vmem>> -> memref<128xi32, #tpu.memory_space<vmem>>
      %dma_wait3A_186 = arith.constant 0 : i32
      %dma_wait3A_187 = arith.constant 0 : i32
      %dma_wait3A_188 = tpu.memref_slice %arg2[%dma_wait3A_186, %dma_wait3A_187] : memref<10240x128xf32, #tpu.memory_space<hbm>> -> memref<10240x128xf32, #tpu.memory_space<hbm>>
      tpu.wait_indirect_dma semaphore(%arg10 : memref<!tpu.dma_semaphore, #tpu.memory_space<semaphore_mem>>) src(%dma_wait3A_188 : memref<10240x128xf32, #tpu.memory_space<hbm>>) dst(%arg9 : memref<128x128xf32, #tpu.memory_space<vmem>>)
      %dma_start3A_189 = arith.constant 5 : i32
      %dma_start3A_190 = arith.constant 0 : i32
      %dma_start3A_191 = tpu.memref_slice %arg7[%dma_start3A_189, %dma_start3A_190] : memref<16x128xi32, #tpu.memory_space<vmem>> -> memref<1x128xi32, #tpu.memory_space<vmem>>
      %dma_start3A_192 = tpu.memref_squeeze %dma_start3A_191 : memref<1x128xi32, #tpu.memory_space<vmem>> -> memref<128xi32, #tpu.memory_space<vmem>>
      %dma_start3A_193 = arith.constant 0 : i32
      %dma_start3A_194 = arith.constant 0 : i32
      %dma_start3A_195 = tpu.memref_slice %arg13[%dma_start3A_193, %dma_start3A_194] : memref<10240x128xf32, #tpu.memory_space<vmem_shared>> -> memref<10240x128xf32, #tpu.memory_space<vmem_shared>>
      tpu.enqueue_indirect_dma source(%arg9 : memref<128x128xf32, #tpu.memory_space<vmem>>) target(%dma_start3A_195 : memref<10240x128xf32, #tpu.memory_space<vmem_shared>>) offsets(%dma_start3A_192 : memref<128xi32, #tpu.memory_space<vmem>>) semaphore(%arg12 : memref<!tpu.dma_semaphore, #tpu.memory_space<semaphore_mem>>) {add = true}
      %dma_wait3A_196 = arith.constant 0 : i32
      %dma_wait3A_197 = arith.constant 0 : i32
      %dma_wait3A_198 = tpu.memref_slice %arg7[%dma_wait3A_196, %dma_wait3A_197] : memref<16x128xi32, #tpu.memory_space<vmem>> -> memref<1x128xi32, #tpu.memory_space<vmem>>
      %dma_wait3A_199 = tpu.memref_squeeze %dma_wait3A_198 : memref<1x128xi32, #tpu.memory_space<vmem>> -> memref<128xi32, #tpu.memory_space<vmem>>
      %dma_wait3A_200 = arith.constant 0 : i32
      %dma_wait3A_201 = arith.constant 0 : i32
      %dma_wait3A_202 = tpu.memref_slice %arg13[%dma_wait3A_200, %dma_wait3A_201] : memref<10240x128xf32, #tpu.memory_space<vmem_shared>> -> memref<10240x128xf32, #tpu.memory_space<vmem_shared>>
      tpu.wait_indirect_dma semaphore(%arg11 : memref<!tpu.dma_semaphore, #tpu.memory_space<semaphore_mem>>) src(%arg8 : memref<128x128xf32, #tpu.memory_space<vmem>>) dst(%dma_wait3A_202 : memref<10240x128xf32, #tpu.memory_space<vmem_shared>>)
      %dma_start3A_203 = arith.constant 6 : i32
      %dma_start3A_204 = arith.constant 0 : i32
      %dma_start3A_205 = tpu.memref_slice %arg6[%dma_start3A_203, %dma_start3A_204] : memref<16x128xi32, #tpu.memory_space<vmem>> -> memref<1x128xi32, #tpu.memory_space<vmem>>
      %dma_start3A_206 = tpu.memref_squeeze %dma_start3A_205 : memref<1x128xi32, #tpu.memory_space<vmem>> -> memref<128xi32, #tpu.memory_space<vmem>>
      %dma_start3A_207 = arith.constant 0 : i32
      %dma_start3A_208 = arith.constant 0 : i32
      %dma_start3A_209 = tpu.memref_slice %arg2[%dma_start3A_207, %dma_start3A_208] : memref<10240x128xf32, #tpu.memory_space<hbm>> -> memref<10240x128xf32, #tpu.memory_space<hbm>>
      tpu.enqueue_indirect_dma source(%dma_start3A_209 : memref<10240x128xf32, #tpu.memory_space<hbm>>) target(%arg8 : memref<128x128xf32, #tpu.memory_space<vmem>>) offsets(%dma_start3A_206 : memref<128xi32, #tpu.memory_space<vmem>>) semaphore(%arg10 : memref<!tpu.dma_semaphore, #tpu.memory_space<semaphore_mem>>)
      %dma_wait3A_210 = arith.constant 0 : i32
      %dma_wait3A_211 = arith.constant 0 : i32
      %dma_wait3A_212 = tpu.memref_slice %arg6[%dma_wait3A_210, %dma_wait3A_211] : memref<16x128xi32, #tpu.memory_space<vmem>> -> memref<1x128xi32, #tpu.memory_space<vmem>>
      %dma_wait3A_213 = tpu.memref_squeeze %dma_wait3A_212 : memref<1x128xi32, #tpu.memory_space<vmem>> -> memref<128xi32, #tpu.memory_space<vmem>>
      %dma_wait3A_214 = arith.constant 0 : i32
      %dma_wait3A_215 = arith.constant 0 : i32
      %dma_wait3A_216 = tpu.memref_slice %arg2[%dma_wait3A_214, %dma_wait3A_215] : memref<10240x128xf32, #tpu.memory_space<hbm>> -> memref<10240x128xf32, #tpu.memory_space<hbm>>
      tpu.wait_indirect_dma semaphore(%arg10 : memref<!tpu.dma_semaphore, #tpu.memory_space<semaphore_mem>>) src(%dma_wait3A_216 : memref<10240x128xf32, #tpu.memory_space<hbm>>) dst(%arg8 : memref<128x128xf32, #tpu.memory_space<vmem>>)
      %dma_start3A_217 = arith.constant 6 : i32
      %dma_start3A_218 = arith.constant 0 : i32
      %dma_start3A_219 = tpu.memref_slice %arg7[%dma_start3A_217, %dma_start3A_218] : memref<16x128xi32, #tpu.memory_space<vmem>> -> memref<1x128xi32, #tpu.memory_space<vmem>>
      %dma_start3A_220 = tpu.memref_squeeze %dma_start3A_219 : memref<1x128xi32, #tpu.memory_space<vmem>> -> memref<128xi32, #tpu.memory_space<vmem>>
      %dma_start3A_221 = arith.constant 0 : i32
      %dma_start3A_222 = arith.constant 0 : i32
      %dma_start3A_223 = tpu.memref_slice %arg13[%dma_start3A_221, %dma_start3A_222] : memref<10240x128xf32, #tpu.memory_space<vmem_shared>> -> memref<10240x128xf32, #tpu.memory_space<vmem_shared>>
      tpu.enqueue_indirect_dma source(%arg8 : memref<128x128xf32, #tpu.memory_space<vmem>>) target(%dma_start3A_223 : memref<10240x128xf32, #tpu.memory_space<vmem_shared>>) offsets(%dma_start3A_220 : memref<128xi32, #tpu.memory_space<vmem>>) semaphore(%arg11 : memref<!tpu.dma_semaphore, #tpu.memory_space<semaphore_mem>>) {add = true}
      %dma_wait3A_224 = arith.constant 0 : i32
      %dma_wait3A_225 = arith.constant 0 : i32
      %dma_wait3A_226 = tpu.memref_slice %arg7[%dma_wait3A_224, %dma_wait3A_225] : memref<16x128xi32, #tpu.memory_space<vmem>> -> memref<1x128xi32, #tpu.memory_space<vmem>>
      %dma_wait3A_227 = tpu.memref_squeeze %dma_wait3A_226 : memref<1x128xi32, #tpu.memory_space<vmem>> -> memref<128xi32, #tpu.memory_space<vmem>>
      %dma_wait3A_228 = arith.constant 0 : i32
      %dma_wait3A_229 = arith.constant 0 : i32
      %dma_wait3A_230 = tpu.memref_slice %arg13[%dma_wait3A_228, %dma_wait3A_229] : memref<10240x128xf32, #tpu.memory_space<vmem_shared>> -> memref<10240x128xf32, #tpu.memory_space<vmem_shared>>
      tpu.wait_indirect_dma semaphore(%arg12 : memref<!tpu.dma_semaphore, #tpu.memory_space<semaphore_mem>>) src(%arg9 : memref<128x128xf32, #tpu.memory_space<vmem>>) dst(%dma_wait3A_230 : memref<10240x128xf32, #tpu.memory_space<vmem_shared>>)
      %dma_start3A_231 = arith.constant 7 : i32
      %dma_start3A_232 = arith.constant 0 : i32
      %dma_start3A_233 = tpu.memref_slice %arg6[%dma_start3A_231, %dma_start3A_232] : memref<16x128xi32, #tpu.memory_space<vmem>> -> memref<1x128xi32, #tpu.memory_space<vmem>>
      %dma_start3A_234 = tpu.memref_squeeze %dma_start3A_233 : memref<1x128xi32, #tpu.memory_space<vmem>> -> memref<128xi32, #tpu.memory_space<vmem>>
      %dma_start3A_235 = arith.constant 0 : i32
      %dma_start3A_236 = arith.constant 0 : i32
      %dma_start3A_237 = tpu.memref_slice %arg2[%dma_start3A_235, %dma_start3A_236] : memref<10240x128xf32, #tpu.memory_space<hbm>> -> memref<10240x128xf32, #tpu.memory_space<hbm>>
      tpu.enqueue_indirect_dma source(%dma_start3A_237 : memref<10240x128xf32, #tpu.memory_space<hbm>>) target(%arg9 : memref<128x128xf32, #tpu.memory_space<vmem>>) offsets(%dma_start3A_234 : memref<128xi32, #tpu.memory_space<vmem>>) semaphore(%arg10 : memref<!tpu.dma_semaphore, #tpu.memory_space<semaphore_mem>>)
      %dma_wait3A_238 = arith.constant 0 : i32
      %dma_wait3A_239 = arith.constant 0 : i32
      %dma_wait3A_240 = tpu.memref_slice %arg6[%dma_wait3A_238, %dma_wait3A_239] : memref<16x128xi32, #tpu.memory_space<vmem>> -> memref<1x128xi32, #tpu.memory_space<vmem>>
      %dma_wait3A_241 = tpu.memref_squeeze %dma_wait3A_240 : memref<1x128xi32, #tpu.memory_space<vmem>> -> memref<128xi32, #tpu.memory_space<vmem>>
      %dma_wait3A_242 = arith.constant 0 : i32
      %dma_wait3A_243 = arith.constant 0 : i32
      %dma_wait3A_244 = tpu.memref_slice %arg2[%dma_wait3A_242, %dma_wait3A_243] : memref<10240x128xf32, #tpu.memory_space<hbm>> -> memref<10240x128xf32, #tpu.memory_space<hbm>>
      tpu.wait_indirect_dma semaphore(%arg10 : memref<!tpu.dma_semaphore, #tpu.memory_space<semaphore_mem>>) src(%dma_wait3A_244 : memref<10240x128xf32, #tpu.memory_space<hbm>>) dst(%arg9 : memref<128x128xf32, #tpu.memory_space<vmem>>)
      %dma_start3A_245 = arith.constant 7 : i32
      %dma_start3A_246 = arith.constant 0 : i32
      %dma_start3A_247 = tpu.memref_slice %arg7[%dma_start3A_245, %dma_start3A_246] : memref<16x128xi32, #tpu.memory_space<vmem>> -> memref<1x128xi32, #tpu.memory_space<vmem>>
      %dma_start3A_248 = tpu.memref_squeeze %dma_start3A_247 : memref<1x128xi32, #tpu.memory_space<vmem>> -> memref<128xi32, #tpu.memory_space<vmem>>
      %dma_start3A_249 = arith.constant 0 : i32
      %dma_start3A_250 = arith.constant 0 : i32
      %dma_start3A_251 = tpu.memref_slice %arg13[%dma_start3A_249, %dma_start3A_250] : memref<10240x128xf32, #tpu.memory_space<vmem_shared>> -> memref<10240x128xf32, #tpu.memory_space<vmem_shared>>
      tpu.enqueue_indirect_dma source(%arg9 : memref<128x128xf32, #tpu.memory_space<vmem>>) target(%dma_start3A_251 : memref<10240x128xf32, #tpu.memory_space<vmem_shared>>) offsets(%dma_start3A_248 : memref<128xi32, #tpu.memory_space<vmem>>) semaphore(%arg12 : memref<!tpu.dma_semaphore, #tpu.memory_space<semaphore_mem>>) {add = true}
      %dma_wait3A_252 = arith.constant 0 : i32
      %dma_wait3A_253 = arith.constant 0 : i32
      %dma_wait3A_254 = tpu.memref_slice %arg7[%dma_wait3A_252, %dma_wait3A_253] : memref<16x128xi32, #tpu.memory_space<vmem>> -> memref<1x128xi32, #tpu.memory_space<vmem>>
      %dma_wait3A_255 = tpu.memref_squeeze %dma_wait3A_254 : memref<1x128xi32, #tpu.memory_space<vmem>> -> memref<128xi32, #tpu.memory_space<vmem>>
      %dma_wait3A_256 = arith.constant 0 : i32
      %dma_wait3A_257 = arith.constant 0 : i32
      %dma_wait3A_258 = tpu.memref_slice %arg13[%dma_wait3A_256, %dma_wait3A_257] : memref<10240x128xf32, #tpu.memory_space<vmem_shared>> -> memref<10240x128xf32, #tpu.memory_space<vmem_shared>>
      tpu.wait_indirect_dma semaphore(%arg11 : memref<!tpu.dma_semaphore, #tpu.memory_space<semaphore_mem>>) src(%arg8 : memref<128x128xf32, #tpu.memory_space<vmem>>) dst(%dma_wait3A_258 : memref<10240x128xf32, #tpu.memory_space<vmem_shared>>)
      %dma_start3A_259 = arith.constant 8 : i32
      %dma_start3A_260 = arith.constant 0 : i32
      %dma_start3A_261 = tpu.memref_slice %arg6[%dma_start3A_259, %dma_start3A_260] : memref<16x128xi32, #tpu.memory_space<vmem>> -> memref<1x128xi32, #tpu.memory_space<vmem>>
      %dma_start3A_262 = tpu.memref_squeeze %dma_start3A_261 : memref<1x128xi32, #tpu.memory_space<vmem>> -> memref<128xi32, #tpu.memory_space<vmem>>
      %dma_start3A_263 = arith.constant 0 : i32
      %dma_start3A_264 = arith.constant 0 : i32
      %dma_start3A_265 = tpu.memref_slice %arg2[%dma_start3A_263, %dma_start3A_264] : memref<10240x128xf32, #tpu.memory_space<hbm>> -> memref<10240x128xf32, #tpu.memory_space<hbm>>
      tpu.enqueue_indirect_dma source(%dma_start3A_265 : memref<10240x128xf32, #tpu.memory_space<hbm>>) target(%arg8 : memref<128x128xf32, #tpu.memory_space<vmem>>) offsets(%dma_start3A_262 : memref<128xi32, #tpu.memory_space<vmem>>) semaphore(%arg10 : memref<!tpu.dma_semaphore, #tpu.memory_space<semaphore_mem>>)
      %dma_wait3A_266 = arith.constant 0 : i32
      %dma_wait3A_267 = arith.constant 0 : i32
      %dma_wait3A_268 = tpu.memref_slice %arg6[%dma_wait3A_266, %dma_wait3A_267] : memref<16x128xi32, #tpu.memory_space<vmem>> -> memref<1x128xi32, #tpu.memory_space<vmem>>
      %dma_wait3A_269 = tpu.memref_squeeze %dma_wait3A_268 : memref<1x128xi32, #tpu.memory_space<vmem>> -> memref<128xi32, #tpu.memory_space<vmem>>
      %dma_wait3A_270 = arith.constant 0 : i32
      %dma_wait3A_271 = arith.constant 0 : i32
      %dma_wait3A_272 = tpu.memref_slice %arg2[%dma_wait3A_270, %dma_wait3A_271] : memref<10240x128xf32, #tpu.memory_space<hbm>> -> memref<10240x128xf32, #tpu.memory_space<hbm>>
      tpu.wait_indirect_dma semaphore(%arg10 : memref<!tpu.dma_semaphore, #tpu.memory_space<semaphore_mem>>) src(%dma_wait3A_272 : memref<10240x128xf32, #tpu.memory_space<hbm>>) dst(%arg8 : memref<128x128xf32, #tpu.memory_space<vmem>>)
      %dma_start3A_273 = arith.constant 8 : i32
      %dma_start3A_274 = arith.constant 0 : i32
      %dma_start3A_275 = tpu.memref_slice %arg7[%dma_start3A_273, %dma_start3A_274] : memref<16x128xi32, #tpu.memory_space<vmem>> -> memref<1x128xi32, #tpu.memory_space<vmem>>
      %dma_start3A_276 = tpu.memref_squeeze %dma_start3A_275 : memref<1x128xi32, #tpu.memory_space<vmem>> -> memref<128xi32, #tpu.memory_space<vmem>>
      %dma_start3A_277 = arith.constant 0 : i32
      %dma_start3A_278 = arith.constant 0 : i32
      %dma_start3A_279 = tpu.memref_slice %arg13[%dma_start3A_277, %dma_start3A_278] : memref<10240x128xf32, #tpu.memory_space<vmem_shared>> -> memref<10240x128xf32, #tpu.memory_space<vmem_shared>>
      tpu.enqueue_indirect_dma source(%arg8 : memref<128x128xf32, #tpu.memory_space<vmem>>) target(%dma_start3A_279 : memref<10240x128xf32, #tpu.memory_space<vmem_shared>>) offsets(%dma_start3A_276 : memref<128xi32, #tpu.memory_space<vmem>>) semaphore(%arg11 : memref<!tpu.dma_semaphore, #tpu.memory_space<semaphore_mem>>) {add = true}
      %dma_wait3A_280 = arith.constant 0 : i32
      %dma_wait3A_281 = arith.constant 0 : i32
      %dma_wait3A_282 = tpu.memref_slice %arg7[%dma_wait3A_280, %dma_wait3A_281] : memref<16x128xi32, #tpu.memory_space<vmem>> -> memref<1x128xi32, #tpu.memory_space<vmem>>
      %dma_wait3A_283 = tpu.memref_squeeze %dma_wait3A_282 : memref<1x128xi32, #tpu.memory_space<vmem>> -> memref<128xi32, #tpu.memory_space<vmem>>
      %dma_wait3A_284 = arith.constant 0 : i32
      %dma_wait3A_285 = arith.constant 0 : i32
      %dma_wait3A_286 = tpu.memref_slice %arg13[%dma_wait3A_284, %dma_wait3A_285] : memref<10240x128xf32, #tpu.memory_space<vmem_shared>> -> memref<10240x128xf32, #tpu.memory_space<vmem_shared>>
      tpu.wait_indirect_dma semaphore(%arg12 : memref<!tpu.dma_semaphore, #tpu.memory_space<semaphore_mem>>) src(%arg9 : memref<128x128xf32, #tpu.memory_space<vmem>>) dst(%dma_wait3A_286 : memref<10240x128xf32, #tpu.memory_space<vmem_shared>>)
      %dma_start3A_287 = arith.constant 9 : i32
      %dma_start3A_288 = arith.constant 0 : i32
      %dma_start3A_289 = tpu.memref_slice %arg6[%dma_start3A_287, %dma_start3A_288] : memref<16x128xi32, #tpu.memory_space<vmem>> -> memref<1x128xi32, #tpu.memory_space<vmem>>
      %dma_start3A_290 = tpu.memref_squeeze %dma_start3A_289 : memref<1x128xi32, #tpu.memory_space<vmem>> -> memref<128xi32, #tpu.memory_space<vmem>>
      %dma_start3A_291 = arith.constant 0 : i32
      %dma_start3A_292 = arith.constant 0 : i32
      %dma_start3A_293 = tpu.memref_slice %arg2[%dma_start3A_291, %dma_start3A_292] : memref<10240x128xf32, #tpu.memory_space<hbm>> -> memref<10240x128xf32, #tpu.memory_space<hbm>>
      tpu.enqueue_indirect_dma source(%dma_start3A_293 : memref<10240x128xf32, #tpu.memory_space<hbm>>) target(%arg9 : memref<128x128xf32, #tpu.memory_space<vmem>>) offsets(%dma_start3A_290 : memref<128xi32, #tpu.memory_space<vmem>>) semaphore(%arg10 : memref<!tpu.dma_semaphore, #tpu.memory_space<semaphore_mem>>)
      %dma_wait3A_294 = arith.constant 0 : i32
      %dma_wait3A_295 = arith.constant 0 : i32
      %dma_wait3A_296 = tpu.memref_slice %arg6[%dma_wait3A_294, %dma_wait3A_295] : memref<16x128xi32, #tpu.memory_space<vmem>> -> memref<1x128xi32, #tpu.memory_space<vmem>>
      %dma_wait3A_297 = tpu.memref_squeeze %dma_wait3A_296 : memref<1x128xi32, #tpu.memory_space<vmem>> -> memref<128xi32, #tpu.memory_space<vmem>>
      %dma_wait3A_298 = arith.constant 0 : i32
      %dma_wait3A_299 = arith.constant 0 : i32
      %dma_wait3A_300 = tpu.memref_slice %arg2[%dma_wait3A_298, %dma_wait3A_299] : memref<10240x128xf32, #tpu.memory_space<hbm>> -> memref<10240x128xf32, #tpu.memory_space<hbm>>
      tpu.wait_indirect_dma semaphore(%arg10 : memref<!tpu.dma_semaphore, #tpu.memory_space<semaphore_mem>>) src(%dma_wait3A_300 : memref<10240x128xf32, #tpu.memory_space<hbm>>) dst(%arg9 : memref<128x128xf32, #tpu.memory_space<vmem>>)
      %dma_start3A_301 = arith.constant 9 : i32
      %dma_start3A_302 = arith.constant 0 : i32
      %dma_start3A_303 = tpu.memref_slice %arg7[%dma_start3A_301, %dma_start3A_302] : memref<16x128xi32, #tpu.memory_space<vmem>> -> memref<1x128xi32, #tpu.memory_space<vmem>>
      %dma_start3A_304 = tpu.memref_squeeze %dma_start3A_303 : memref<1x128xi32, #tpu.memory_space<vmem>> -> memref<128xi32, #tpu.memory_space<vmem>>
      %dma_start3A_305 = arith.constant 0 : i32
      %dma_start3A_306 = arith.constant 0 : i32
      %dma_start3A_307 = tpu.memref_slice %arg13[%dma_start3A_305, %dma_start3A_306] : memref<10240x128xf32, #tpu.memory_space<vmem_shared>> -> memref<10240x128xf32, #tpu.memory_space<vmem_shared>>
      tpu.enqueue_indirect_dma source(%arg9 : memref<128x128xf32, #tpu.memory_space<vmem>>) target(%dma_start3A_307 : memref<10240x128xf32, #tpu.memory_space<vmem_shared>>) offsets(%dma_start3A_304 : memref<128xi32, #tpu.memory_space<vmem>>) semaphore(%arg12 : memref<!tpu.dma_semaphore, #tpu.memory_space<semaphore_mem>>) {add = true}
      %dma_wait3A_308 = arith.constant 0 : i32
      %dma_wait3A_309 = arith.constant 0 : i32
      %dma_wait3A_310 = tpu.memref_slice %arg7[%dma_wait3A_308, %dma_wait3A_309] : memref<16x128xi32, #tpu.memory_space<vmem>> -> memref<1x128xi32, #tpu.memory_space<vmem>>
      %dma_wait3A_311 = tpu.memref_squeeze %dma_wait3A_310 : memref<1x128xi32, #tpu.memory_space<vmem>> -> memref<128xi32, #tpu.memory_space<vmem>>
      %dma_wait3A_312 = arith.constant 0 : i32
      %dma_wait3A_313 = arith.constant 0 : i32
      %dma_wait3A_314 = tpu.memref_slice %arg13[%dma_wait3A_312, %dma_wait3A_313] : memref<10240x128xf32, #tpu.memory_space<vmem_shared>> -> memref<10240x128xf32, #tpu.memory_space<vmem_shared>>
      tpu.wait_indirect_dma semaphore(%arg11 : memref<!tpu.dma_semaphore, #tpu.memory_space<semaphore_mem>>) src(%arg8 : memref<128x128xf32, #tpu.memory_space<vmem>>) dst(%dma_wait3A_314 : memref<10240x128xf32, #tpu.memory_space<vmem_shared>>)
      %dma_start3A_315 = arith.constant 10 : i32
      %dma_start3A_316 = arith.constant 0 : i32
      %dma_start3A_317 = tpu.memref_slice %arg6[%dma_start3A_315, %dma_start3A_316] : memref<16x128xi32, #tpu.memory_space<vmem>> -> memref<1x128xi32, #tpu.memory_space<vmem>>
      %dma_start3A_318 = tpu.memref_squeeze %dma_start3A_317 : memref<1x128xi32, #tpu.memory_space<vmem>> -> memref<128xi32, #tpu.memory_space<vmem>>
      %dma_start3A_319 = arith.constant 0 : i32
      %dma_start3A_320 = arith.constant 0 : i32
      %dma_start3A_321 = tpu.memref_slice %arg2[%dma_start3A_319, %dma_start3A_320] : memref<10240x128xf32, #tpu.memory_space<hbm>> -> memref<10240x128xf32, #tpu.memory_space<hbm>>
      tpu.enqueue_indirect_dma source(%dma_start3A_321 : memref<10240x128xf32, #tpu.memory_space<hbm>>) target(%arg8 : memref<128x128xf32, #tpu.memory_space<vmem>>) offsets(%dma_start3A_318 : memref<128xi32, #tpu.memory_space<vmem>>) semaphore(%arg10 : memref<!tpu.dma_semaphore, #tpu.memory_space<semaphore_mem>>)
      %dma_wait3A_322 = arith.constant 0 : i32
      %dma_wait3A_323 = arith.constant 0 : i32
      %dma_wait3A_324 = tpu.memref_slice %arg6[%dma_wait3A_322, %dma_wait3A_323] : memref<16x128xi32, #tpu.memory_space<vmem>> -> memref<1x128xi32, #tpu.memory_space<vmem>>
      %dma_wait3A_325 = tpu.memref_squeeze %dma_wait3A_324 : memref<1x128xi32, #tpu.memory_space<vmem>> -> memref<128xi32, #tpu.memory_space<vmem>>
      %dma_wait3A_326 = arith.constant 0 : i32
      %dma_wait3A_327 = arith.constant 0 : i32
      %dma_wait3A_328 = tpu.memref_slice %arg2[%dma_wait3A_326, %dma_wait3A_327] : memref<10240x128xf32, #tpu.memory_space<hbm>> -> memref<10240x128xf32, #tpu.memory_space<hbm>>
      tpu.wait_indirect_dma semaphore(%arg10 : memref<!tpu.dma_semaphore, #tpu.memory_space<semaphore_mem>>) src(%dma_wait3A_328 : memref<10240x128xf32, #tpu.memory_space<hbm>>) dst(%arg8 : memref<128x128xf32, #tpu.memory_space<vmem>>)
      %dma_start3A_329 = arith.constant 10 : i32
      %dma_start3A_330 = arith.constant 0 : i32
      %dma_start3A_331 = tpu.memref_slice %arg7[%dma_start3A_329, %dma_start3A_330] : memref<16x128xi32, #tpu.memory_space<vmem>> -> memref<1x128xi32, #tpu.memory_space<vmem>>
      %dma_start3A_332 = tpu.memref_squeeze %dma_start3A_331 : memref<1x128xi32, #tpu.memory_space<vmem>> -> memref<128xi32, #tpu.memory_space<vmem>>
      %dma_start3A_333 = arith.constant 0 : i32
      %dma_start3A_334 = arith.constant 0 : i32
      %dma_start3A_335 = tpu.memref_slice %arg13[%dma_start3A_333, %dma_start3A_334] : memref<10240x128xf32, #tpu.memory_space<vmem_shared>> -> memref<10240x128xf32, #tpu.memory_space<vmem_shared>>
      tpu.enqueue_indirect_dma source(%arg8 : memref<128x128xf32, #tpu.memory_space<vmem>>) target(%dma_start3A_335 : memref<10240x128xf32, #tpu.memory_space<vmem_shared>>) offsets(%dma_start3A_332 : memref<128xi32, #tpu.memory_space<vmem>>) semaphore(%arg11 : memref<!tpu.dma_semaphore, #tpu.memory_space<semaphore_mem>>) {add = true}
      %dma_wait3A_336 = arith.constant 0 : i32
      %dma_wait3A_337 = arith.constant 0 : i32
      %dma_wait3A_338 = tpu.memref_slice %arg7[%dma_wait3A_336, %dma_wait3A_337] : memref<16x128xi32, #tpu.memory_space<vmem>> -> memref<1x128xi32, #tpu.memory_space<vmem>>
      %dma_wait3A_339 = tpu.memref_squeeze %dma_wait3A_338 : memref<1x128xi32, #tpu.memory_space<vmem>> -> memref<128xi32, #tpu.memory_space<vmem>>
      %dma_wait3A_340 = arith.constant 0 : i32
      %dma_wait3A_341 = arith.constant 0 : i32
      %dma_wait3A_342 = tpu.memref_slice %arg13[%dma_wait3A_340, %dma_wait3A_341] : memref<10240x128xf32, #tpu.memory_space<vmem_shared>> -> memref<10240x128xf32, #tpu.memory_space<vmem_shared>>
      tpu.wait_indirect_dma semaphore(%arg12 : memref<!tpu.dma_semaphore, #tpu.memory_space<semaphore_mem>>) src(%arg9 : memref<128x128xf32, #tpu.memory_space<vmem>>) dst(%dma_wait3A_342 : memref<10240x128xf32, #tpu.memory_space<vmem_shared>>)
      %dma_start3A_343 = arith.constant 11 : i32
      %dma_start3A_344 = arith.constant 0 : i32
      %dma_start3A_345 = tpu.memref_slice %arg6[%dma_start3A_343, %dma_start3A_344] : memref<16x128xi32, #tpu.memory_space<vmem>> -> memref<1x128xi32, #tpu.memory_space<vmem>>
      %dma_start3A_346 = tpu.memref_squeeze %dma_start3A_345 : memref<1x128xi32, #tpu.memory_space<vmem>> -> memref<128xi32, #tpu.memory_space<vmem>>
      %dma_start3A_347 = arith.constant 0 : i32
      %dma_start3A_348 = arith.constant 0 : i32
      %dma_start3A_349 = tpu.memref_slice %arg2[%dma_start3A_347, %dma_start3A_348] : memref<10240x128xf32, #tpu.memory_space<hbm>> -> memref<10240x128xf32, #tpu.memory_space<hbm>>
      tpu.enqueue_indirect_dma source(%dma_start3A_349 : memref<10240x128xf32, #tpu.memory_space<hbm>>) target(%arg9 : memref<128x128xf32, #tpu.memory_space<vmem>>) offsets(%dma_start3A_346 : memref<128xi32, #tpu.memory_space<vmem>>) semaphore(%arg10 : memref<!tpu.dma_semaphore, #tpu.memory_space<semaphore_mem>>)
      %dma_wait3A_350 = arith.constant 0 : i32
      %dma_wait3A_351 = arith.constant 0 : i32
      %dma_wait3A_352 = tpu.memref_slice %arg6[%dma_wait3A_350, %dma_wait3A_351] : memref<16x128xi32, #tpu.memory_space<vmem>> -> memref<1x128xi32, #tpu.memory_space<vmem>>
      %dma_wait3A_353 = tpu.memref_squeeze %dma_wait3A_352 : memref<1x128xi32, #tpu.memory_space<vmem>> -> memref<128xi32, #tpu.memory_space<vmem>>
      %dma_wait3A_354 = arith.constant 0 : i32
      %dma_wait3A_355 = arith.constant 0 : i32
      %dma_wait3A_356 = tpu.memref_slice %arg2[%dma_wait3A_354, %dma_wait3A_355] : memref<10240x128xf32, #tpu.memory_space<hbm>> -> memref<10240x128xf32, #tpu.memory_space<hbm>>
      tpu.wait_indirect_dma semaphore(%arg10 : memref<!tpu.dma_semaphore, #tpu.memory_space<semaphore_mem>>) src(%dma_wait3A_356 : memref<10240x128xf32, #tpu.memory_space<hbm>>) dst(%arg9 : memref<128x128xf32, #tpu.memory_space<vmem>>)
      %dma_start3A_357 = arith.constant 11 : i32
      %dma_start3A_358 = arith.constant 0 : i32
      %dma_start3A_359 = tpu.memref_slice %arg7[%dma_start3A_357, %dma_start3A_358] : memref<16x128xi32, #tpu.memory_space<vmem>> -> memref<1x128xi32, #tpu.memory_space<vmem>>
      %dma_start3A_360 = tpu.memref_squeeze %dma_start3A_359 : memref<1x128xi32, #tpu.memory_space<vmem>> -> memref<128xi32, #tpu.memory_space<vmem>>
      %dma_start3A_361 = arith.constant 0 : i32
      %dma_start3A_362 = arith.constant 0 : i32
      %dma_start3A_363 = tpu.memref_slice %arg13[%dma_start3A_361, %dma_start3A_362] : memref<10240x128xf32, #tpu.memory_space<vmem_shared>> -> memref<10240x128xf32, #tpu.memory_space<vmem_shared>>
      tpu.enqueue_indirect_dma source(%arg9 : memref<128x128xf32, #tpu.memory_space<vmem>>) target(%dma_start3A_363 : memref<10240x128xf32, #tpu.memory_space<vmem_shared>>) offsets(%dma_start3A_360 : memref<128xi32, #tpu.memory_space<vmem>>) semaphore(%arg12 : memref<!tpu.dma_semaphore, #tpu.memory_space<semaphore_mem>>) {add = true}
      %dma_wait3A_364 = arith.constant 0 : i32
      %dma_wait3A_365 = arith.constant 0 : i32
      %dma_wait3A_366 = tpu.memref_slice %arg7[%dma_wait3A_364, %dma_wait3A_365] : memref<16x128xi32, #tpu.memory_space<vmem>> -> memref<1x128xi32, #tpu.memory_space<vmem>>
      %dma_wait3A_367 = tpu.memref_squeeze %dma_wait3A_366 : memref<1x128xi32, #tpu.memory_space<vmem>> -> memref<128xi32, #tpu.memory_space<vmem>>
      %dma_wait3A_368 = arith.constant 0 : i32
      %dma_wait3A_369 = arith.constant 0 : i32
      %dma_wait3A_370 = tpu.memref_slice %arg13[%dma_wait3A_368, %dma_wait3A_369] : memref<10240x128xf32, #tpu.memory_space<vmem_shared>> -> memref<10240x128xf32, #tpu.memory_space<vmem_shared>>
      tpu.wait_indirect_dma semaphore(%arg11 : memref<!tpu.dma_semaphore, #tpu.memory_space<semaphore_mem>>) src(%arg8 : memref<128x128xf32, #tpu.memory_space<vmem>>) dst(%dma_wait3A_370 : memref<10240x128xf32, #tpu.memory_space<vmem_shared>>)
      %dma_start3A_371 = arith.constant 12 : i32
      %dma_start3A_372 = arith.constant 0 : i32
      %dma_start3A_373 = tpu.memref_slice %arg6[%dma_start3A_371, %dma_start3A_372] : memref<16x128xi32, #tpu.memory_space<vmem>> -> memref<1x128xi32, #tpu.memory_space<vmem>>
      %dma_start3A_374 = tpu.memref_squeeze %dma_start3A_373 : memref<1x128xi32, #tpu.memory_space<vmem>> -> memref<128xi32, #tpu.memory_space<vmem>>
      %dma_start3A_375 = arith.constant 0 : i32
      %dma_start3A_376 = arith.constant 0 : i32
      %dma_start3A_377 = tpu.memref_slice %arg2[%dma_start3A_375, %dma_start3A_376] : memref<10240x128xf32, #tpu.memory_space<hbm>> -> memref<10240x128xf32, #tpu.memory_space<hbm>>
      tpu.enqueue_indirect_dma source(%dma_start3A_377 : memref<10240x128xf32, #tpu.memory_space<hbm>>) target(%arg8 : memref<128x128xf32, #tpu.memory_space<vmem>>) offsets(%dma_start3A_374 : memref<128xi32, #tpu.memory_space<vmem>>) semaphore(%arg10 : memref<!tpu.dma_semaphore, #tpu.memory_space<semaphore_mem>>)
      %dma_wait3A_378 = arith.constant 0 : i32
      %dma_wait3A_379 = arith.constant 0 : i32
      %dma_wait3A_380 = tpu.memref_slice %arg6[%dma_wait3A_378, %dma_wait3A_379] : memref<16x128xi32, #tpu.memory_space<vmem>> -> memref<1x128xi32, #tpu.memory_space<vmem>>
      %dma_wait3A_381 = tpu.memref_squeeze %dma_wait3A_380 : memref<1x128xi32, #tpu.memory_space<vmem>> -> memref<128xi32, #tpu.memory_space<vmem>>
      %dma_wait3A_382 = arith.constant 0 : i32
      %dma_wait3A_383 = arith.constant 0 : i32
      %dma_wait3A_384 = tpu.memref_slice %arg2[%dma_wait3A_382, %dma_wait3A_383] : memref<10240x128xf32, #tpu.memory_space<hbm>> -> memref<10240x128xf32, #tpu.memory_space<hbm>>
      tpu.wait_indirect_dma semaphore(%arg10 : memref<!tpu.dma_semaphore, #tpu.memory_space<semaphore_mem>>) src(%dma_wait3A_384 : memref<10240x128xf32, #tpu.memory_space<hbm>>) dst(%arg8 : memref<128x128xf32, #tpu.memory_space<vmem>>)
      %dma_start3A_385 = arith.constant 12 : i32
      %dma_start3A_386 = arith.constant 0 : i32
      %dma_start3A_387 = tpu.memref_slice %arg7[%dma_start3A_385, %dma_start3A_386] : memref<16x128xi32, #tpu.memory_space<vmem>> -> memref<1x128xi32, #tpu.memory_space<vmem>>
      %dma_start3A_388 = tpu.memref_squeeze %dma_start3A_387 : memref<1x128xi32, #tpu.memory_space<vmem>> -> memref<128xi32, #tpu.memory_space<vmem>>
      %dma_start3A_389 = arith.constant 0 : i32
      %dma_start3A_390 = arith.constant 0 : i32
      %dma_start3A_391 = tpu.memref_slice %arg13[%dma_start3A_389, %dma_start3A_390] : memref<10240x128xf32, #tpu.memory_space<vmem_shared>> -> memref<10240x128xf32, #tpu.memory_space<vmem_shared>>
      tpu.enqueue_indirect_dma source(%arg8 : memref<128x128xf32, #tpu.memory_space<vmem>>) target(%dma_start3A_391 : memref<10240x128xf32, #tpu.memory_space<vmem_shared>>) offsets(%dma_start3A_388 : memref<128xi32, #tpu.memory_space<vmem>>) semaphore(%arg11 : memref<!tpu.dma_semaphore, #tpu.memory_space<semaphore_mem>>) {add = true}
      %dma_wait3A_392 = arith.constant 0 : i32
      %dma_wait3A_393 = arith.constant 0 : i32
      %dma_wait3A_394 = tpu.memref_slice %arg7[%dma_wait3A_392, %dma_wait3A_393] : memref<16x128xi32, #tpu.memory_space<vmem>> -> memref<1x128xi32, #tpu.memory_space<vmem>>
      %dma_wait3A_395 = tpu.memref_squeeze %dma_wait3A_394 : memref<1x128xi32, #tpu.memory_space<vmem>> -> memref<128xi32, #tpu.memory_space<vmem>>
      %dma_wait3A_396 = arith.constant 0 : i32
      %dma_wait3A_397 = arith.constant 0 : i32
      %dma_wait3A_398 = tpu.memref_slice %arg13[%dma_wait3A_396, %dma_wait3A_397] : memref<10240x128xf32, #tpu.memory_space<vmem_shared>> -> memref<10240x128xf32, #tpu.memory_space<vmem_shared>>
      tpu.wait_indirect_dma semaphore(%arg12 : memref<!tpu.dma_semaphore, #tpu.memory_space<semaphore_mem>>) src(%arg9 : memref<128x128xf32, #tpu.memory_space<vmem>>) dst(%dma_wait3A_398 : memref<10240x128xf32, #tpu.memory_space<vmem_shared>>)
      %dma_start3A_399 = arith.constant 13 : i32
      %dma_start3A_400 = arith.constant 0 : i32
      %dma_start3A_401 = tpu.memref_slice %arg6[%dma_start3A_399, %dma_start3A_400] : memref<16x128xi32, #tpu.memory_space<vmem>> -> memref<1x128xi32, #tpu.memory_space<vmem>>
      %dma_start3A_402 = tpu.memref_squeeze %dma_start3A_401 : memref<1x128xi32, #tpu.memory_space<vmem>> -> memref<128xi32, #tpu.memory_space<vmem>>
      %dma_start3A_403 = arith.constant 0 : i32
      %dma_start3A_404 = arith.constant 0 : i32
      %dma_start3A_405 = tpu.memref_slice %arg2[%dma_start3A_403, %dma_start3A_404] : memref<10240x128xf32, #tpu.memory_space<hbm>> -> memref<10240x128xf32, #tpu.memory_space<hbm>>
      tpu.enqueue_indirect_dma source(%dma_start3A_405 : memref<10240x128xf32, #tpu.memory_space<hbm>>) target(%arg9 : memref<128x128xf32, #tpu.memory_space<vmem>>) offsets(%dma_start3A_402 : memref<128xi32, #tpu.memory_space<vmem>>) semaphore(%arg10 : memref<!tpu.dma_semaphore, #tpu.memory_space<semaphore_mem>>)
      %dma_wait3A_406 = arith.constant 0 : i32
      %dma_wait3A_407 = arith.constant 0 : i32
      %dma_wait3A_408 = tpu.memref_slice %arg6[%dma_wait3A_406, %dma_wait3A_407] : memref<16x128xi32, #tpu.memory_space<vmem>> -> memref<1x128xi32, #tpu.memory_space<vmem>>
      %dma_wait3A_409 = tpu.memref_squeeze %dma_wait3A_408 : memref<1x128xi32, #tpu.memory_space<vmem>> -> memref<128xi32, #tpu.memory_space<vmem>>
      %dma_wait3A_410 = arith.constant 0 : i32
      %dma_wait3A_411 = arith.constant 0 : i32
      %dma_wait3A_412 = tpu.memref_slice %arg2[%dma_wait3A_410, %dma_wait3A_411] : memref<10240x128xf32, #tpu.memory_space<hbm>> -> memref<10240x128xf32, #tpu.memory_space<hbm>>
      tpu.wait_indirect_dma semaphore(%arg10 : memref<!tpu.dma_semaphore, #tpu.memory_space<semaphore_mem>>) src(%dma_wait3A_412 : memref<10240x128xf32, #tpu.memory_space<hbm>>) dst(%arg9 : memref<128x128xf32, #tpu.memory_space<vmem>>)
      %dma_start3A_413 = arith.constant 13 : i32
      %dma_start3A_414 = arith.constant 0 : i32
      %dma_start3A_415 = tpu.memref_slice %arg7[%dma_start3A_413, %dma_start3A_414] : memref<16x128xi32, #tpu.memory_space<vmem>> -> memref<1x128xi32, #tpu.memory_space<vmem>>
      %dma_start3A_416 = tpu.memref_squeeze %dma_start3A_415 : memref<1x128xi32, #tpu.memory_space<vmem>> -> memref<128xi32, #tpu.memory_space<vmem>>
      %dma_start3A_417 = arith.constant 0 : i32
      %dma_start3A_418 = arith.constant 0 : i32
      %dma_start3A_419 = tpu.memref_slice %arg13[%dma_start3A_417, %dma_start3A_418] : memref<10240x128xf32, #tpu.memory_space<vmem_shared>> -> memref<10240x128xf32, #tpu.memory_space<vmem_shared>>
      tpu.enqueue_indirect_dma source(%arg9 : memref<128x128xf32, #tpu.memory_space<vmem>>) target(%dma_start3A_419 : memref<10240x128xf32, #tpu.memory_space<vmem_shared>>) offsets(%dma_start3A_416 : memref<128xi32, #tpu.memory_space<vmem>>) semaphore(%arg12 : memref<!tpu.dma_semaphore, #tpu.memory_space<semaphore_mem>>) {add = true}
      %dma_wait3A_420 = arith.constant 0 : i32
      %dma_wait3A_421 = arith.constant 0 : i32
      %dma_wait3A_422 = tpu.memref_slice %arg7[%dma_wait3A_420, %dma_wait3A_421] : memref<16x128xi32, #tpu.memory_space<vmem>> -> memref<1x128xi32, #tpu.memory_space<vmem>>
      %dma_wait3A_423 = tpu.memref_squeeze %dma_wait3A_422 : memref<1x128xi32, #tpu.memory_space<vmem>> -> memref<128xi32, #tpu.memory_space<vmem>>
      %dma_wait3A_424 = arith.constant 0 : i32
      %dma_wait3A_425 = arith.constant 0 : i32
      %dma_wait3A_426 = tpu.memref_slice %arg13[%dma_wait3A_424, %dma_wait3A_425] : memref<10240x128xf32, #tpu.memory_space<vmem_shared>> -> memref<10240x128xf32, #tpu.memory_space<vmem_shared>>
      tpu.wait_indirect_dma semaphore(%arg11 : memref<!tpu.dma_semaphore, #tpu.memory_space<semaphore_mem>>) src(%arg8 : memref<128x128xf32, #tpu.memory_space<vmem>>) dst(%dma_wait3A_426 : memref<10240x128xf32, #tpu.memory_space<vmem_shared>>)
      %dma_start3A_427 = arith.constant 14 : i32
      %dma_start3A_428 = arith.constant 0 : i32
      %dma_start3A_429 = tpu.memref_slice %arg6[%dma_start3A_427, %dma_start3A_428] : memref<16x128xi32, #tpu.memory_space<vmem>> -> memref<1x128xi32, #tpu.memory_space<vmem>>
      %dma_start3A_430 = tpu.memref_squeeze %dma_start3A_429 : memref<1x128xi32, #tpu.memory_space<vmem>> -> memref<128xi32, #tpu.memory_space<vmem>>
      %dma_start3A_431 = arith.constant 0 : i32
      %dma_start3A_432 = arith.constant 0 : i32
      %dma_start3A_433 = tpu.memref_slice %arg2[%dma_start3A_431, %dma_start3A_432] : memref<10240x128xf32, #tpu.memory_space<hbm>> -> memref<10240x128xf32, #tpu.memory_space<hbm>>
      tpu.enqueue_indirect_dma source(%dma_start3A_433 : memref<10240x128xf32, #tpu.memory_space<hbm>>) target(%arg8 : memref<128x128xf32, #tpu.memory_space<vmem>>) offsets(%dma_start3A_430 : memref<128xi32, #tpu.memory_space<vmem>>) semaphore(%arg10 : memref<!tpu.dma_semaphore, #tpu.memory_space<semaphore_mem>>)
      %dma_wait3A_434 = arith.constant 0 : i32
      %dma_wait3A_435 = arith.constant 0 : i32
      %dma_wait3A_436 = tpu.memref_slice %arg6[%dma_wait3A_434, %dma_wait3A_435] : memref<16x128xi32, #tpu.memory_space<vmem>> -> memref<1x128xi32, #tpu.memory_space<vmem>>
      %dma_wait3A_437 = tpu.memref_squeeze %dma_wait3A_436 : memref<1x128xi32, #tpu.memory_space<vmem>> -> memref<128xi32, #tpu.memory_space<vmem>>
      %dma_wait3A_438 = arith.constant 0 : i32
      %dma_wait3A_439 = arith.constant 0 : i32
      %dma_wait3A_440 = tpu.memref_slice %arg2[%dma_wait3A_438, %dma_wait3A_439] : memref<10240x128xf32, #tpu.memory_space<hbm>> -> memref<10240x128xf32, #tpu.memory_space<hbm>>
      tpu.wait_indirect_dma semaphore(%arg10 : memref<!tpu.dma_semaphore, #tpu.memory_space<semaphore_mem>>) src(%dma_wait3A_440 : memref<10240x128xf32, #tpu.memory_space<hbm>>) dst(%arg8 : memref<128x128xf32, #tpu.memory_space<vmem>>)
      %dma_start3A_441 = arith.constant 14 : i32
      %dma_start3A_442 = arith.constant 0 : i32
      %dma_start3A_443 = tpu.memref_slice %arg7[%dma_start3A_441, %dma_start3A_442] : memref<16x128xi32, #tpu.memory_space<vmem>> -> memref<1x128xi32, #tpu.memory_space<vmem>>
      %dma_start3A_444 = tpu.memref_squeeze %dma_start3A_443 : memref<1x128xi32, #tpu.memory_space<vmem>> -> memref<128xi32, #tpu.memory_space<vmem>>
      %dma_start3A_445 = arith.constant 0 : i32
      %dma_start3A_446 = arith.constant 0 : i32
      %dma_start3A_447 = tpu.memref_slice %arg13[%dma_start3A_445, %dma_start3A_446] : memref<10240x128xf32, #tpu.memory_space<vmem_shared>> -> memref<10240x128xf32, #tpu.memory_space<vmem_shared>>
      tpu.enqueue_indirect_dma source(%arg8 : memref<128x128xf32, #tpu.memory_space<vmem>>) target(%dma_start3A_447 : memref<10240x128xf32, #tpu.memory_space<vmem_shared>>) offsets(%dma_start3A_444 : memref<128xi32, #tpu.memory_space<vmem>>) semaphore(%arg11 : memref<!tpu.dma_semaphore, #tpu.memory_space<semaphore_mem>>) {add = true}
      %dma_wait3A_448 = arith.constant 0 : i32
      %dma_wait3A_449 = arith.constant 0 : i32
      %dma_wait3A_450 = tpu.memref_slice %arg7[%dma_wait3A_448, %dma_wait3A_449] : memref<16x128xi32, #tpu.memory_space<vmem>> -> memref<1x128xi32, #tpu.memory_space<vmem>>
      %dma_wait3A_451 = tpu.memref_squeeze %dma_wait3A_450 : memref<1x128xi32, #tpu.memory_space<vmem>> -> memref<128xi32, #tpu.memory_space<vmem>>
      %dma_wait3A_452 = arith.constant 0 : i32
      %dma_wait3A_453 = arith.constant 0 : i32
      %dma_wait3A_454 = tpu.memref_slice %arg13[%dma_wait3A_452, %dma_wait3A_453] : memref<10240x128xf32, #tpu.memory_space<vmem_shared>> -> memref<10240x128xf32, #tpu.memory_space<vmem_shared>>
      tpu.wait_indirect_dma semaphore(%arg12 : memref<!tpu.dma_semaphore, #tpu.memory_space<semaphore_mem>>) src(%arg9 : memref<128x128xf32, #tpu.memory_space<vmem>>) dst(%dma_wait3A_454 : memref<10240x128xf32, #tpu.memory_space<vmem_shared>>)
      %dma_start3A_455 = arith.constant 15 : i32
      %dma_start3A_456 = arith.constant 0 : i32
      %dma_start3A_457 = tpu.memref_slice %arg6[%dma_start3A_455, %dma_start3A_456] : memref<16x128xi32, #tpu.memory_space<vmem>> -> memref<1x128xi32, #tpu.memory_space<vmem>>
      %dma_start3A_458 = tpu.memref_squeeze %dma_start3A_457 : memref<1x128xi32, #tpu.memory_space<vmem>> -> memref<128xi32, #tpu.memory_space<vmem>>
      %dma_start3A_459 = arith.constant 0 : i32
      %dma_start3A_460 = arith.constant 0 : i32
      %dma_start3A_461 = tpu.memref_slice %arg2[%dma_start3A_459, %dma_start3A_460] : memref<10240x128xf32, #tpu.memory_space<hbm>> -> memref<10240x128xf32, #tpu.memory_space<hbm>>
      tpu.enqueue_indirect_dma source(%dma_start3A_461 : memref<10240x128xf32, #tpu.memory_space<hbm>>) target(%arg9 : memref<128x128xf32, #tpu.memory_space<vmem>>) offsets(%dma_start3A_458 : memref<128xi32, #tpu.memory_space<vmem>>) semaphore(%arg10 : memref<!tpu.dma_semaphore, #tpu.memory_space<semaphore_mem>>)
      %dma_wait3A_462 = arith.constant 0 : i32
      %dma_wait3A_463 = arith.constant 0 : i32
      %dma_wait3A_464 = tpu.memref_slice %arg6[%dma_wait3A_462, %dma_wait3A_463] : memref<16x128xi32, #tpu.memory_space<vmem>> -> memref<1x128xi32, #tpu.memory_space<vmem>>
      %dma_wait3A_465 = tpu.memref_squeeze %dma_wait3A_464 : memref<1x128xi32, #tpu.memory_space<vmem>> -> memref<128xi32, #tpu.memory_space<vmem>>
      %dma_wait3A_466 = arith.constant 0 : i32
      %dma_wait3A_467 = arith.constant 0 : i32
      %dma_wait3A_468 = tpu.memref_slice %arg2[%dma_wait3A_466, %dma_wait3A_467] : memref<10240x128xf32, #tpu.memory_space<hbm>> -> memref<10240x128xf32, #tpu.memory_space<hbm>>
      tpu.wait_indirect_dma semaphore(%arg10 : memref<!tpu.dma_semaphore, #tpu.memory_space<semaphore_mem>>) src(%dma_wait3A_468 : memref<10240x128xf32, #tpu.memory_space<hbm>>) dst(%arg9 : memref<128x128xf32, #tpu.memory_space<vmem>>)
      %dma_start3A_469 = arith.constant 15 : i32
      %dma_start3A_470 = arith.constant 0 : i32
      %dma_start3A_471 = tpu.memref_slice %arg7[%dma_start3A_469, %dma_start3A_470] : memref<16x128xi32, #tpu.memory_space<vmem>> -> memref<1x128xi32, #tpu.memory_space<vmem>>
      %dma_start3A_472 = tpu.memref_squeeze %dma_start3A_471 : memref<1x128xi32, #tpu.memory_space<vmem>> -> memref<128xi32, #tpu.memory_space<vmem>>
      %dma_start3A_473 = arith.constant 0 : i32
      %dma_start3A_474 = arith.constant 0 : i32
      %dma_start3A_475 = tpu.memref_slice %arg13[%dma_start3A_473, %dma_start3A_474] : memref<10240x128xf32, #tpu.memory_space<vmem_shared>> -> memref<10240x128xf32, #tpu.memory_space<vmem_shared>>
      tpu.enqueue_indirect_dma source(%arg9 : memref<128x128xf32, #tpu.memory_space<vmem>>) target(%dma_start3A_475 : memref<10240x128xf32, #tpu.memory_space<vmem_shared>>) offsets(%dma_start3A_472 : memref<128xi32, #tpu.memory_space<vmem>>) semaphore(%arg12 : memref<!tpu.dma_semaphore, #tpu.memory_space<semaphore_mem>>) {add = true}
      %dma_wait3A_476 = arith.constant 0 : i32
      %dma_wait3A_477 = arith.constant 0 : i32
      %dma_wait3A_478 = tpu.memref_slice %arg7[%dma_wait3A_476, %dma_wait3A_477] : memref<16x128xi32, #tpu.memory_space<vmem>> -> memref<1x128xi32, #tpu.memory_space<vmem>>
      %dma_wait3A_479 = tpu.memref_squeeze %dma_wait3A_478 : memref<1x128xi32, #tpu.memory_space<vmem>> -> memref<128xi32, #tpu.memory_space<vmem>>
      %dma_wait3A_480 = arith.constant 0 : i32
      %dma_wait3A_481 = arith.constant 0 : i32
      %dma_wait3A_482 = tpu.memref_slice %arg13[%dma_wait3A_480, %dma_wait3A_481] : memref<10240x128xf32, #tpu.memory_space<vmem_shared>> -> memref<10240x128xf32, #tpu.memory_space<vmem_shared>>
      tpu.wait_indirect_dma semaphore(%arg11 : memref<!tpu.dma_semaphore, #tpu.memory_space<semaphore_mem>>) src(%arg8 : memref<128x128xf32, #tpu.memory_space<vmem>>) dst(%dma_wait3A_482 : memref<10240x128xf32, #tpu.memory_space<vmem_shared>>)
      %dma_start3A_483 = arith.constant 15 : i32
      %dma_start3A_484 = arith.constant 0 : i32
      %dma_start3A_485 = tpu.memref_slice %arg6[%dma_start3A_483, %dma_start3A_484] : memref<16x128xi32, #tpu.memory_space<vmem>> -> memref<1x128xi32, #tpu.memory_space<vmem>>
      %dma_start3A_486 = tpu.memref_squeeze %dma_start3A_485 : memref<1x128xi32, #tpu.memory_space<vmem>> -> memref<128xi32, #tpu.memory_space<vmem>>
      %dma_start3A_487 = arith.constant 0 : i32
      %dma_start3A_488 = arith.constant 0 : i32
      %dma_start3A_489 = tpu.memref_slice %arg2[%dma_start3A_487, %dma_start3A_488] : memref<10240x128xf32, #tpu.memory_space<hbm>> -> memref<10240x128xf32, #tpu.memory_space<hbm>>
      tpu.enqueue_indirect_dma source(%dma_start3A_489 : memref<10240x128xf32, #tpu.memory_space<hbm>>) target(%arg8 : memref<128x128xf32, #tpu.memory_space<vmem>>) offsets(%dma_start3A_486 : memref<128xi32, #tpu.memory_space<vmem>>) semaphore(%arg10 : memref<!tpu.dma_semaphore, #tpu.memory_space<semaphore_mem>>)
      %dma_wait3A_490 = arith.constant 0 : i32
      %dma_wait3A_491 = arith.constant 0 : i32
      %dma_wait3A_492 = tpu.memref_slice %arg6[%dma_wait3A_490, %dma_wait3A_491] : memref<16x128xi32, #tpu.memory_space<vmem>> -> memref<1x128xi32, #tpu.memory_space<vmem>>
      %dma_wait3A_493 = tpu.memref_squeeze %dma_wait3A_492 : memref<1x128xi32, #tpu.memory_space<vmem>> -> memref<128xi32, #tpu.memory_space<vmem>>
      %dma_wait3A_494 = arith.constant 0 : i32
      %dma_wait3A_495 = arith.constant 0 : i32
      %dma_wait3A_496 = tpu.memref_slice %arg2[%dma_wait3A_494, %dma_wait3A_495] : memref<10240x128xf32, #tpu.memory_space<hbm>> -> memref<10240x128xf32, #tpu.memory_space<hbm>>
      tpu.wait_indirect_dma semaphore(%arg10 : memref<!tpu.dma_semaphore, #tpu.memory_space<semaphore_mem>>) src(%dma_wait3A_496 : memref<10240x128xf32, #tpu.memory_space<hbm>>) dst(%arg8 : memref<128x128xf32, #tpu.memory_space<vmem>>)
      %dma_wait3A_497 = arith.constant 0 : i32
      %dma_wait3A_498 = arith.constant 0 : i32
      %dma_wait3A_499 = tpu.memref_slice %arg7[%dma_wait3A_497, %dma_wait3A_498] : memref<16x128xi32, #tpu.memory_space<vmem>> -> memref<1x128xi32, #tpu.memory_space<vmem>>
      %dma_wait3A_500 = tpu.memref_squeeze %dma_wait3A_499 : memref<1x128xi32, #tpu.memory_space<vmem>> -> memref<128xi32, #tpu.memory_space<vmem>>
      %dma_wait3A_501 = arith.constant 0 : i32
      %dma_wait3A_502 = arith.constant 0 : i32
      %dma_wait3A_503 = tpu.memref_slice %arg13[%dma_wait3A_501, %dma_wait3A_502] : memref<10240x128xf32, #tpu.memory_space<vmem_shared>> -> memref<10240x128xf32, #tpu.memory_space<vmem_shared>>
      tpu.wait_indirect_dma semaphore(%arg12 : memref<!tpu.dma_semaphore, #tpu.memory_space<semaphore_mem>>) src(%arg9 : memref<128x128xf32, #tpu.memory_space<vmem>>) dst(%dma_wait3A_503 : memref<10240x128xf32, #tpu.memory_space<vmem_shared>>)
      %scan3A_504 = arith.constant 0 : i32
      scf.yield %scan3A_504 : i32
    }
    %scan3A_34 = arith.constant 5 : i32
    %barrier3A_35 = arith.constant 0 : index
    tpu.barrier barrier_id(%barrier3A_35)
    %mul3A_36 = arith.constant 640 : i32
    %mul3A_37 = arith.muli %arg1, %mul3A_36 : i32
    "tpu.region"() ({
      %run_scoped3A = tpu.sem_alloc : memref<!tpu.dma_semaphore, #tpu.memory_space<semaphore_mem>>
      %dma_start3A = arith.constant 0 : i32
      %dma_start3A_38 = arith.constant 0 : i32
      %dma_start3A_39 = tpu.memref_slice %arg5[%add3A, %dma_start3A, %dma_start3A_38] : memref<32x640x128xf32, #tpu.memory_space<hbm>> -> memref<1x640x128xf32, #tpu.memory_space<hbm>>
      %dma_start3A_40 = tpu.memref_squeeze %dma_start3A_39 : memref<1x640x128xf32, #tpu.memory_space<hbm>> -> memref<640x128xf32, #tpu.memory_space<hbm>>
      %dma_start3A_41 = arith.constant 0 : i32
      %dma_start3A_42 = tpu.memref_slice %arg13[%mul3A_37, %dma_start3A_41] : memref<10240x128xf32, #tpu.memory_space<vmem_shared>> -> memref<640x128xf32, #tpu.memory_space<vmem_shared>>
      tpu.enqueue_dma source(%dma_start3A_42 : memref<640x128xf32, #tpu.memory_space<vmem_shared>>) target(%dma_start3A_40 : memref<640x128xf32, #tpu.memory_space<hbm>>) target_semaphore(%run_scoped3A : memref<!tpu.dma_semaphore, #tpu.memory_space<semaphore_mem>>)
      %dma_wait3A = arith.constant 0 : i32
      %dma_wait3A_43 = arith.constant 0 : i32
      %dma_wait3A_44 = tpu.memref_slice %arg5[%add3A, %dma_wait3A, %dma_wait3A_43] : memref<32x640x128xf32, #tpu.memory_space<hbm>> -> memref<1x640x128xf32, #tpu.memory_space<hbm>>
      %dma_wait3A_45 = tpu.memref_squeeze %dma_wait3A_44 : memref<1x640x128xf32, #tpu.memory_space<hbm>> -> memref<640x128xf32, #tpu.memory_space<hbm>>
      %dma_wait3A_46 = arith.constant 0 : i32
      %dma_wait3A_47 = tpu.memref_slice %arg13[%mul3A_37, %dma_wait3A_46] : memref<10240x128xf32, #tpu.memory_space<vmem_shared>> -> memref<640x128xf32, #tpu.memory_space<vmem_shared>>
      tpu.wait_dma2 semaphore(%run_scoped3A : memref<!tpu.dma_semaphore, #tpu.memory_space<semaphore_mem>>) src(%dma_wait3A_47 : memref<640x128xf32, #tpu.memory_space<vmem_shared>>) dst(%dma_wait3A_45 : memref<640x128xf32, #tpu.memory_space<hbm>>)
      tpu.yield
    }) : () -> ()
    return
  }
}

module attributes {stable_mosaic.version = 14 : i64} {
  func.func @_tc_a_body(%arg0: i32, %arg1: memref<1024x128xf32, #tpu.memory_space<vmem>>, %arg2: memref<128x128xf32, #tpu.memory_space<vmem>>, %arg3: memref<2x1024x128xf32, #tpu.memory_space<vmem>>, %arg4: memref<1024x128xf32, #tpu.memory_space<vmem>>) attributes {dimension_semantics = [#tpu.dimension_semantics<arbitrary>], iteration_bounds = array<i64: 10>, scalar_prefetch = 0 : i64, scratch_operands = 0 : i64, tpu.core_type = #tpu.core_type<tc>, window_params = [{transform_indices = @transform_0, window_bounds = array<i64: 1024, 128>}, {pipeline_mode = #tpu.pipeline_mode<synchronous>, transform_indices = @transform_1, window_bounds = array<i64: 128, 128>}, {transform_indices = @transform_2, window_bounds = array<i64: 2, 1024, 128>}, {transform_indices = @transform_3, window_bounds = array<i64: 1024, 128>}]} {
    %get3A = arith.constant 0 : index
    %get3A_0 = arith.constant 0 : index
    %get3A_1 = arith.constant 0 : index
    %get3A_2 = vector.load %arg3[%get3A, %get3A_0, %get3A_1] : memref<2x1024x128xf32, #tpu.memory_space<vmem>>, vector<1x1024x1xf32>
    %get3A_3 = vector.shape_cast %get3A_2 : vector<1x1024x1xf32> to vector<1024x1xf32>
    %get3A_4 = arith.constant 1 : index
    %get3A_5 = arith.constant 0 : index
    %get3A_6 = arith.constant 0 : index
    %get3A_7 = vector.load %arg3[%get3A_4, %get3A_5, %get3A_6] : memref<2x1024x128xf32, #tpu.memory_space<vmem>>, vector<1x1024x1xf32>
    %get3A_8 = vector.shape_cast %get3A_7 : vector<1x1024x1xf32> to vector<1024x1xf32>
    %add3A = arith.addf %get3A_3, %get3A_8 : vector<1024x1xf32>
    %add3A_9 = arith.constant 1.000000e+00 : f32
    %add3A_10 = vector.broadcast %add3A_9 : f32 to vector<1024x1xf32>
    %add3A_11 = arith.addf %add3A, %add3A_10 : vector<1024x1xf32>
    %rsqrt3A = math.rsqrt %add3A_11 : vector<1024x1xf32>
    %get3A_12 = arith.constant 0 : index
    %get3A_13 = arith.constant 0 : index
    %get3A_14 = vector.load %arg1[%get3A_12, %get3A_13] : memref<1024x128xf32, #tpu.memory_space<vmem>>, vector<1024x128xf32>
    %get3A_15 = arith.constant 0 : index
    %get3A_16 = arith.constant 0 : index
    %get3A_17 = vector.load %arg2[%get3A_15, %get3A_16] : memref<128x128xf32, #tpu.memory_space<vmem>>, vector<128x128xf32>
    %dot_general3A = arith.constant dense<0.000000e+00> : vector<1024x128xf32>
    %dot_general3A_18 = tpu.matmul %get3A_14, %get3A_17, %dot_general3A {dimension_numbers = #tpu.dot_dimension_numbers<[1], [0], [0], [1], [0, 0, 1, 1], [], []>, transpose_lhs_hint = false} : vector<1024x128xf32>, vector<128x128xf32>, vector<1024x128xf32> -> vector<1024x128xf32>
    %mul3A = vector.broadcast %rsqrt3A : vector<1024x1xf32> to vector<1024x128xf32>
    %mul3A_19 = arith.mulf %dot_general3A_18, %mul3A : vector<1024x128xf32>
    %swap3A = arith.constant 0 : index
    %swap3A_20 = arith.constant 0 : index
    %swap3A_21 = vector.load %arg4[%swap3A, %swap3A_20] : memref<1024x128xf32, #tpu.memory_space<vmem>>, vector<1024x128xf32>
    tpu.vector_store %arg4[%swap3A, %swap3A_20], %mul3A_19 {strides = array<i32>} : memref<1024x128xf32, #tpu.memory_space<vmem>>, vector<1024x128xf32>,
    return
  }
  func.func @transform_0(%arg0: i32) -> (i32, i32) {
    %c0_i32 = arith.constant 0 : i32
    %c0_i32_0 = arith.constant 0 : i32
    return %arg0, %c0_i32 : i32, i32
  }
  func.func @transform_1(%arg0: i32) -> (i32, i32) {
    %c0_i32 = arith.constant 0 : i32
    %c0_i32_0 = arith.constant 0 : i32
    %c0_i32_1 = arith.constant 0 : i32
    return %c0_i32, %c0_i32_0 : i32, i32
  }
  func.func @transform_2(%arg0: i32) -> (i32, i32, i32) {
    %c0_i32 = arith.constant 0 : i32
    %c0_i32_0 = arith.constant 0 : i32
    %c0_i32_1 = arith.constant 0 : i32
    return %c0_i32, %arg0, %c0_i32_0 : i32, i32, i32
  }
  func.func @transform_3(%arg0: i32) -> (i32, i32) {
    %c0_i32 = arith.constant 0 : i32
    %c0_i32_0 = arith.constant 0 : i32
    return %arg0, %c0_i32 : i32, i32
  }
}

module attributes {stable_mosaic.version = 14 : i64} {
  func.func @_tc_b_body(%arg0: i32, %arg1: memref<2x1024x128xf32, #tpu.memory_space<vmem>>, %arg2: memref<1024x128xf32, #tpu.memory_space<vmem>>, %arg3: memref<2x1024x128xf32, #tpu.memory_space<vmem>>, %arg4: memref<128x128xf32, #tpu.memory_space<vmem>>, %arg5: memref<1x128xf32, #tpu.memory_space<vmem>>, %arg6: memref<1024x128xf32, #tpu.memory_space<vmem>>) attributes {dimension_semantics = [#tpu.dimension_semantics<arbitrary>], iteration_bounds = array<i64: 10>, scalar_prefetch = 0 : i64, scratch_operands = 0 : i64, tpu.core_type = #tpu.core_type<tc>, window_params = [{transform_indices = @transform_0, window_bounds = array<i64: 2, 1024, 128>}, {transform_indices = @transform_1, window_bounds = array<i64: 1024, 128>}, {transform_indices = @transform_2, window_bounds = array<i64: 2, 1024, 128>}, {pipeline_mode = #tpu.pipeline_mode<synchronous>, transform_indices = @transform_3, window_bounds = array<i64: 128, 128>}, {pipeline_mode = #tpu.pipeline_mode<synchronous>, transform_indices = @transform_4, window_bounds = array<i64: 1, 128>}, {transform_indices = @transform_5, window_bounds = array<i64: 1024, 128>}]} {
    %get3A = arith.constant 0 : index
    %get3A_0 = arith.constant 0 : index
    %get3A_1 = arith.constant 0 : index
    %get3A_2 = vector.load %arg3[%get3A, %get3A_0, %get3A_1] : memref<2x1024x128xf32, #tpu.memory_space<vmem>>, vector<1x1024x1xf32>
    %get3A_3 = vector.shape_cast %get3A_2 : vector<1x1024x1xf32> to vector<1024x1xf32>
    %get3A_4 = arith.constant 1 : index
    %get3A_5 = arith.constant 0 : index
    %get3A_6 = arith.constant 0 : index
    %get3A_7 = vector.load %arg3[%get3A_4, %get3A_5, %get3A_6] : memref<2x1024x128xf32, #tpu.memory_space<vmem>>, vector<1x1024x1xf32>
    %get3A_8 = vector.shape_cast %get3A_7 : vector<1x1024x1xf32> to vector<1024x1xf32>
    %add3A = arith.addf %get3A_3, %get3A_8 : vector<1024x1xf32>
    %add3A_9 = arith.constant 1.000000e+00 : f32
    %add3A_10 = vector.broadcast %add3A_9 : f32 to vector<1024x1xf32>
    %add3A_11 = arith.addf %add3A, %add3A_10 : vector<1024x1xf32>
    %rsqrt3A = math.rsqrt %add3A_11 : vector<1024x1xf32>
    %get3A_12 = arith.constant 0 : index
    %get3A_13 = arith.constant 0 : index
    %get3A_14 = arith.constant 0 : index
    %get3A_15 = vector.load %arg1[%get3A_12, %get3A_13, %get3A_14] : memref<2x1024x128xf32, #tpu.memory_space<vmem>>, vector<1x1024x128xf32>
    %get3A_16 = vector.shape_cast %get3A_15 : vector<1x1024x128xf32> to vector<1024x128xf32>
    %get3A_17 = arith.constant 1 : index
    %get3A_18 = arith.constant 0 : index
    %get3A_19 = arith.constant 0 : index
    %get3A_20 = vector.load %arg1[%get3A_17, %get3A_18, %get3A_19] : memref<2x1024x128xf32, #tpu.memory_space<vmem>>, vector<1x1024x128xf32>
    %get3A_21 = vector.shape_cast %get3A_20 : vector<1x1024x128xf32> to vector<1024x128xf32>
    %add3A_22 = arith.addf %get3A_16, %get3A_21 : vector<1024x128xf32>
    %get3A_23 = arith.constant 0 : index
    %get3A_24 = arith.constant 0 : index
    %get3A_25 = vector.load %arg2[%get3A_23, %get3A_24] : memref<1024x128xf32, #tpu.memory_space<vmem>>, vector<1024x128xf32>
    %add3A_26 = arith.addf %add3A_22, %get3A_25 : vector<1024x128xf32>
    %mul3A = vector.broadcast %rsqrt3A : vector<1024x1xf32> to vector<1024x128xf32>
    %mul3A_27 = arith.mulf %add3A_26, %mul3A : vector<1024x128xf32>
    %get3A_28 = arith.constant 0 : index
    %get3A_29 = arith.constant 0 : index
    %get3A_30 = vector.load %arg5[%get3A_28, %get3A_29] : memref<1x128xf32, #tpu.memory_space<vmem>>, vector<1x128xf32>
    %add3A_31 = vector.broadcast %get3A_30 : vector<1x128xf32> to vector<1024x128xf32>
    %add3A_32 = arith.addf %mul3A_27, %add3A_31 : vector<1024x128xf32>
    %reduce_max3A = arith.constant dense<0xFF800000> : vector<1024xf32>
    %reduce_max3A_33 = vector.multi_reduction <maximumf>, %add3A_32, %reduce_max3A [1] : vector<1024x128xf32> to vector<1024xf32>
    %broadcast_in_dim3A = vector.shape_cast %reduce_max3A_33 : vector<1024xf32> to vector<1024x1xf32>
    %sub3A = vector.broadcast %broadcast_in_dim3A : vector<1024x1xf32> to vector<1024x128xf32>
    %sub3A_34 = arith.subf %add3A_32, %sub3A : vector<1024x128xf32>
    %exp3A = math.exp %sub3A_34 : vector<1024x128xf32>
    %reduce_sum3A = arith.constant dense<0.000000e+00> : vector<1024xf32>
    %reduce_sum3A_35 = vector.multi_reduction <add>, %exp3A, %reduce_sum3A [1] : vector<1024x128xf32> to vector<1024xf32>
    %broadcast_in_dim3A_36 = vector.shape_cast %reduce_sum3A_35 : vector<1024xf32> to vector<1024x1xf32>
    %div3A = vector.broadcast %broadcast_in_dim3A_36 : vector<1024x1xf32> to vector<1024x128xf32>
    %div3A_37 = arith.divf %exp3A, %div3A : vector<1024x128xf32>
    %get3A_38 = arith.constant 0 : index
    %get3A_39 = arith.constant 0 : index
    %get3A_40 = vector.load %arg4[%get3A_38, %get3A_39] : memref<128x128xf32, #tpu.memory_space<vmem>>, vector<128x128xf32>
    %dot_general3A = arith.constant dense<0.000000e+00> : vector<1024x128xf32>
    %dot_general3A_41 = tpu.matmul %div3A_37, %get3A_40, %dot_general3A {dimension_numbers = #tpu.dot_dimension_numbers<[1], [0], [0], [1], [0, 0, 1, 1], [], []>, transpose_lhs_hint = false} : vector<1024x128xf32>, vector<128x128xf32>, vector<1024x128xf32> -> vector<1024x128xf32>
    %mul3A_42 = vector.broadcast %rsqrt3A : vector<1024x1xf32> to vector<1024x128xf32>
    %mul3A_43 = arith.mulf %dot_general3A_41, %mul3A_42 : vector<1024x128xf32>
    %swap3A = arith.constant 0 : index
    %swap3A_44 = arith.constant 0 : index
    %swap3A_45 = vector.load %arg6[%swap3A, %swap3A_44] : memref<1024x128xf32, #tpu.memory_space<vmem>>, vector<1024x128xf32>
    tpu.vector_store %arg6[%swap3A, %swap3A_44], %mul3A_43 {strides = array<i32>} : memref<1024x128xf32, #tpu.memory_space<vmem>>, vector<1024x128xf32>,
    return
  }
  func.func @transform_0(%arg0: i32) -> (i32, i32, i32) {
    %c0_i32 = arith.constant 0 : i32
    %c0_i32_0 = arith.constant 0 : i32
    %c0_i32_1 = arith.constant 0 : i32
    return %c0_i32, %arg0, %c0_i32_0 : i32, i32, i32
  }
  func.func @transform_1(%arg0: i32) -> (i32, i32) {
    %c0_i32 = arith.constant 0 : i32
    %c0_i32_0 = arith.constant 0 : i32
    return %arg0, %c0_i32 : i32, i32
  }
  func.func @transform_2(%arg0: i32) -> (i32, i32, i32) {
    %c0_i32 = arith.constant 0 : i32
    %c0_i32_0 = arith.constant 0 : i32
    %c0_i32_1 = arith.constant 0 : i32
    return %c0_i32, %arg0, %c0_i32_0 : i32, i32, i32
  }
  func.func @transform_3(%arg0: i32) -> (i32, i32) {
    %c0_i32 = arith.constant 0 : i32
    %c0_i32_0 = arith.constant 0 : i32
    %c0_i32_1 = arith.constant 0 : i32
    return %c0_i32, %c0_i32_0 : i32, i32
  }
  func.func @transform_4(%arg0: i32) -> (i32, i32) {
    %c0_i32 = arith.constant 0 : i32
    %c0_i32_0 = arith.constant 0 : i32
    %c0_i32_1 = arith.constant 0 : i32
    return %c0_i32, %c0_i32_0 : i32, i32
  }
  func.func @transform_5(%arg0: i32) -> (i32, i32) {
    %c0_i32 = arith.constant 0 : i32
    %c0_i32_0 = arith.constant 0 : i32
    return %arg0, %c0_i32 : i32, i32
  }
}

module attributes {stable_mosaic.version = 14 : i64} {
  func.func @_tc_c_body(%arg0: i32, %arg1: memref<2x1024x128xf32, #tpu.memory_space<vmem>>, %arg2: memref<1024x128xf32, #tpu.memory_space<vmem>>, %arg3: memref<2x1024x128xf32, #tpu.memory_space<vmem>>, %arg4: memref<1x128xf32, #tpu.memory_space<vmem>>, %arg5: memref<1024x128xf32, #tpu.memory_space<vmem>>) attributes {dimension_semantics = [#tpu.dimension_semantics<arbitrary>], iteration_bounds = array<i64: 10>, scalar_prefetch = 0 : i64, scratch_operands = 0 : i64, tpu.core_type = #tpu.core_type<tc>, window_params = [{transform_indices = @transform_0, window_bounds = array<i64: 2, 1024, 128>}, {transform_indices = @transform_1, window_bounds = array<i64: 1024, 128>}, {transform_indices = @transform_2, window_bounds = array<i64: 2, 1024, 128>}, {pipeline_mode = #tpu.pipeline_mode<synchronous>, transform_indices = @transform_3, window_bounds = array<i64: 1, 128>}, {transform_indices = @transform_4, window_bounds = array<i64: 1024, 128>}]} {
    %get3A = arith.constant 0 : index
    %get3A_0 = arith.constant 0 : index
    %get3A_1 = arith.constant 0 : index
    %get3A_2 = vector.load %arg3[%get3A, %get3A_0, %get3A_1] : memref<2x1024x128xf32, #tpu.memory_space<vmem>>, vector<1x1024x1xf32>
    %get3A_3 = vector.shape_cast %get3A_2 : vector<1x1024x1xf32> to vector<1024x1xf32>
    %get3A_4 = arith.constant 1 : index
    %get3A_5 = arith.constant 0 : index
    %get3A_6 = arith.constant 0 : index
    %get3A_7 = vector.load %arg3[%get3A_4, %get3A_5, %get3A_6] : memref<2x1024x128xf32, #tpu.memory_space<vmem>>, vector<1x1024x1xf32>
    %get3A_8 = vector.shape_cast %get3A_7 : vector<1x1024x1xf32> to vector<1024x1xf32>
    %add3A = arith.addf %get3A_3, %get3A_8 : vector<1024x1xf32>
    %add3A_9 = arith.constant 1.000000e+00 : f32
    %add3A_10 = vector.broadcast %add3A_9 : f32 to vector<1024x1xf32>
    %add3A_11 = arith.addf %add3A, %add3A_10 : vector<1024x1xf32>
    %rsqrt3A = math.rsqrt %add3A_11 : vector<1024x1xf32>
    %get3A_12 = arith.constant 0 : index
    %get3A_13 = arith.constant 0 : index
    %get3A_14 = arith.constant 0 : index
    %get3A_15 = vector.load %arg1[%get3A_12, %get3A_13, %get3A_14] : memref<2x1024x128xf32, #tpu.memory_space<vmem>>, vector<1x1024x128xf32>
    %get3A_16 = vector.shape_cast %get3A_15 : vector<1x1024x128xf32> to vector<1024x128xf32>
    %get3A_17 = arith.constant 1 : index
    %get3A_18 = arith.constant 0 : index
    %get3A_19 = arith.constant 0 : index
    %get3A_20 = vector.load %arg1[%get3A_17, %get3A_18, %get3A_19] : memref<2x1024x128xf32, #tpu.memory_space<vmem>>, vector<1x1024x128xf32>
    %get3A_21 = vector.shape_cast %get3A_20 : vector<1x1024x128xf32> to vector<1024x128xf32>
    %add3A_22 = arith.addf %get3A_16, %get3A_21 : vector<1024x128xf32>
    %get3A_23 = arith.constant 0 : index
    %get3A_24 = arith.constant 0 : index
    %get3A_25 = vector.load %arg2[%get3A_23, %get3A_24] : memref<1024x128xf32, #tpu.memory_space<vmem>>, vector<1024x128xf32>
    %add3A_26 = arith.addf %add3A_22, %get3A_25 : vector<1024x128xf32>
    %mul3A = vector.broadcast %rsqrt3A : vector<1024x1xf32> to vector<1024x128xf32>
    %mul3A_27 = arith.mulf %add3A_26, %mul3A : vector<1024x128xf32>
    %get3A_28 = arith.constant 0 : index
    %get3A_29 = arith.constant 0 : index
    %get3A_30 = vector.load %arg4[%get3A_28, %get3A_29] : memref<1x128xf32, #tpu.memory_space<vmem>>, vector<1x128xf32>
    %add3A_31 = vector.broadcast %get3A_30 : vector<1x128xf32> to vector<1024x128xf32>
    %add3A_32 = arith.addf %mul3A_27, %add3A_31 : vector<1024x128xf32>
    %swap3A = arith.constant 0 : index
    %swap3A_33 = arith.constant 0 : index
    %swap3A_34 = vector.load %arg5[%swap3A, %swap3A_33] : memref<1024x128xf32, #tpu.memory_space<vmem>>, vector<1024x128xf32>
    tpu.vector_store %arg5[%swap3A, %swap3A_33], %add3A_32 {strides = array<i32>} : memref<1024x128xf32, #tpu.memory_space<vmem>>, vector<1024x128xf32>,
    return
  }
  func.func @transform_0(%arg0: i32) -> (i32, i32, i32) {
    %c0_i32 = arith.constant 0 : i32
    %c0_i32_0 = arith.constant 0 : i32
    %c0_i32_1 = arith.constant 0 : i32
    return %c0_i32, %arg0, %c0_i32_0 : i32, i32, i32
  }
  func.func @transform_1(%arg0: i32) -> (i32, i32) {
    %c0_i32 = arith.constant 0 : i32
    %c0_i32_0 = arith.constant 0 : i32
    return %arg0, %c0_i32 : i32, i32
  }
  func.func @transform_2(%arg0: i32) -> (i32, i32, i32) {
    %c0_i32 = arith.constant 0 : i32
    %c0_i32_0 = arith.constant 0 : i32
    %c0_i32_1 = arith.constant 0 : i32
    return %c0_i32, %arg0, %c0_i32_0 : i32, i32, i32
  }
  func.func @transform_3(%arg0: i32) -> (i32, i32) {
    %c0_i32 = arith.constant 0 : i32
    %c0_i32_0 = arith.constant 0 : i32
    %c0_i32_1 = arith.constant 0 : i32
    return %c0_i32, %c0_i32_0 : i32, i32
  }
  func.func @transform_4(%arg0: i32) -> (i32, i32) {
    %c0_i32 = arith.constant 0 : i32
    %c0_i32_0 = arith.constant 0 : i32
    return %arg0, %c0_i32 : i32, i32
  }
}

</mosaic_0001>

<sc_bundles>
// kernel: kernel.11.cloned.1.call-start
scs
__scs_entry_jumppad:
0x0: {  	(pc) =	sbr.rel $0x88, $3  }
0x1: {  	(tag) =	ssettag $0x0;
	lr =	simm.s32 $0x1  }
0x2: {  	[smem:$0x3F9B] =	sst lr;
	_ =	strace $0xD0000000  }
0x3: {  	_ = 	snop  }
0x4: {  	_ = 	snop  }
0x5: {  	_ = 	snop  }
0x6: {  	_ = 	snop  }
0x7: {  	_ = 	snop  }
__scs_overlays_trampoline_lowered:
0x8: {  	[smem:$0x3FAA] =	sst s0  }
0x9: {  	[smem:$0x3FAB] =	sst s1  }
0xa: {  	[smem:$0x3FAC] =	sst s2  }
0xb: {  	[smem:$0x3FAD] =	sst s3  }
0xc: {  	[smem:$0x3FAE] =	sst s4  }
0xd: {  	[smem:$0x3FAF] =	sst s5  }
0xe: {  	[smem:$0x3FB0] =	sst s6  }
0xf: {  	[smem:$0x3FB1] =	sst s7  }
0x10: {  	[smem:$0x3FB2] =	sst s8  }
0x11: {  	[smem:$0x3FB3] =	sst s9;
	s0 =	simm.s32 @!p0 $0x0  }
0x12: {  	s1 =	sld [smem:$0x3F99];
	s0 =	simm.s32 @p0 $0x1  }
0x13: {  	[smem:$0x3FB4] =	sst s0;
	s0 =	simm.s32 @!p1 $0x0  }
0x14: {  	s2 =	sld [smem:$0x3F98];
	s0 =	simm.s32 @p1 $0x1  }
0x15: {  	[smem:$0x3FB5] =	sst s0;
	s0 =	simm.s32 @!p2 $0x0  }
0x16: {  	s3 =	sld [smem:$0x3FDB];
	s0 =	simm.s32 @p2 $0x1  }
0x17: {  	s4 =	simm.s32 $0x1BF5;
	[smem:$0x3FB7] =	sst s0  }
0x18: {  	s0 =	sld [smem:$0x3F9A];
	_ =	swait.ge [sflag:s4], $0x0  }
0x19: {  	s7 =	sld [smem:$0x3F9B]  }
0x1a: {  	s8 =	sadd.s32 $0xFFFFE003, lr  }
0x1b: {  	s9 =	sadd.s32 $0xFFFFFEF7, lr;
	s5 =	simm.s32 $0xFFFFFFFF;
	p2 =	slt.u32 s8, $0xFFFFF086  }
0x1c: {  	p1 =	slt.u32 s9, $0xF7A;
	s5 =	simm.s32 @!p2 $0x0  }
0x1d: {  	s5 =	simm.s32 @p1 $0x1;
	p0 =	seq.s32 s7, s2  }
0x1e: {  	s7 =	smul.u32 @!p0 $0xF7A, s2;
	p2 =	seq.s32 @!p0 s5, $0x0  }
0x1f: {  	s9 =	smul.u32 $0xF7A, s1;
	s8 =	simm.s32 @!p0 $0x1BF5;
	p2 =	por !p2, p0  }
0x20: {  	[sflag:s8] =	ssyncset.s32 @!p0 $0xFFFFF086;
	s6 =	sadd.s32 @!p0 s3, s7;
	s7 =	simm.s32 @!p0 $0x108  }
0x21: {  	s3 =	sadd.s32 s3, s9;
	s6 =	sadd.s32 @!p0 $0x88, s6;
	s7 =	simm.s32 @p2 $0x1082  }
0x22: {  	[simem:s7], [sflag:s8] =	dma.local @!p0 [hbm:s6], $0xF7A  }
0x23: {  	s9 =	sor.u32 $0xD0000000, s2;
	s6 =	simm.s32 $0x108;
	_ =	swait.ge @!p0 [sflag:s8], $0x0  }
0x24: {  	s3 =	sadd.s32 $0x88, s3;
	s6 =	simm.s32 @!p1 $0x1082;
	[sflag:s4] =	ssyncset.s32 $0xFFFFF086  }
0x25: {  	[simem:s6], [sflag:s4] =	dma.local [hbm:s3], $0xF7A  }
0x26: {  	[smem:$0x3F9B] =	sst s1;
	(tag) =	ssettag s2;
	_ =	strace s9  }
0x27: {  	s1 =	sld [smem:$0x3FAB]  }
0x28: {  	s2 =	sld [smem:$0x3FAC]  }
0x29: {  	s4 =	sld [smem:$0x3FAE]  }
0x2a: {  	p0 =	seq.s32 s5, $0x0;
	s5 =	sld [smem:$0x3FAF]  }
0x2b: {  	s6 =	sld [smem:$0x3FB0]  }
0x2c: {  	s7 =	sld [smem:$0x3FB1]  }
0x2d: {  	s3 =	simm.s32 $0x108;
	s8 =	sld [smem:$0x3FB2]  }
0x2e: {  	s3 =	simm.s32 @!p0 $0x1082;
	s9 =	sld [smem:$0x3FB3]  }
0x2f: {  	lr =	sadd.s32 s0, s3;
	s0 =	sld [smem:$0x3FAA]  }
0x30: {  	s3 =	sld [smem:$0x3FAD]  }
0x31: {  	[smem:$0x3FB6] =	sst s10  }
0x32: {  	s10 =	sld [smem:$0x3FB4];
	_ =	sdelay $0x3  }
0x33: {  	p0 =	seq.s32 s10, $0x1;
	s10 =	sld [smem:$0x3FB6];
	_ =	sdelay $0x3  }
0x34: {  	[smem:$0x3FB6] =	sst s10  }
0x35: {  	s10 =	sld [smem:$0x3FB5];
	_ =	sdelay $0x3  }
0x36: {  	p1 =	seq.s32 s10, $0x1;
	s10 =	sld [smem:$0x3FB6];
	_ =	sdelay $0x3  }
0x37: {  	[smem:$0x3FB6] =	sst s10  }
0x38: {  	s10 =	sld [smem:$0x3FB7]  }
0x39: {  	_ = 	snop;
	(pc) =	sbr.ind lr, $3  }
0x3a: {  	_ = 	snop  }
0x3b: {  	_ = 	snop  }
0x3c: {  	p2 =	seq.s32 s10, $0x1;
	s10 =	sld [smem:$0x3FB6]  }
0x3d: {  	_ =	shalt  }
0x3e: {  	_ =	shalt  }
0x3f: {  	_ =	shalt  }
0x40: {  	_ =	shalt  }
0x41: {  	_ =	shalt  }
0x42: {  	_ =	shalt  }
0x43: {  	_ =	shalt  }
0x44: {  	_ =	shalt  }
0x45: {  	_ =	shalt  }
0x46: {  	_ =	shalt  }
0x47: {  	_ =	shalt  }
0x48: {  	_ =	shalt  }
0x49: {  	_ =	shalt  }
0x4a: {  	_ =	shalt  }
0x4b: {  	_ =	shalt  }
0x4c: {  	_ =	shalt  }
0x4d: {  	_ =	shalt  }
0x4e: {  	_ =	shalt  }
0x4f: {  	_ =	shalt  }
0x50: {  	_ =	shalt  }
0x51: {  	_ =	shalt  }
0x52: {  	_ =	shalt  }
0x53: {  	_ =	shalt  }
0x54: {  	_ =	shalt  }
0x55: {  	_ =	shalt  }
0x56: {  	_ =	shalt  }
0x57: {  	_ =	shalt  }
0x58: {  	_ =	shalt  }
0x59: {  	_ =	shalt  }
0x5a: {  	_ =	shalt  }
0x5b: {  	_ =	shalt  }
0x5c: {  	_ =	shalt  }
0x5d: {  	_ =	shalt  }
0x5e: {  	_ =	shalt  }
0x5f: {  	_ =	shalt  }
0x60: {  	_ =	shalt  }
0x61: {  	_ =	shalt  }
0x62: {  	_ =	shalt  }
0x63: {  	_ =	shalt  }
0x64: {  	_ =	shalt  }
0x65: {  	_ =	shalt  }
0x66: {  	_ =	shalt  }
0x67: {  	_ =	shalt  }
0x68: {  	_ =	shalt  }
0x69: {  	_ =	shalt  }
0x6a: {  	_ =	shalt  }
0x6b: {  	_ =	shalt  }
0x6c: {  	_ =	shalt  }
0x6d: {  	_ =	shalt  }
0x6e: {  	_ =	shalt  }
0x6f: {  	_ =	shalt  }
0x70: {  	_ =	shalt  }
0x71: {  	_ =	shalt  }
0x72: {  	_ =	shalt  }
0x73: {  	_ =	shalt  }
0x74: {  	_ =	shalt  }
0x75: {  	_ =	shalt  }
0x76: {  	_ =	shalt  }
0x77: {  	_ =	shalt  }
0x78: {  	_ =	shalt  }
0x79: {  	_ =	shalt  }
0x7a: {  	_ =	shalt  }
0x7b: {  	_ =	shalt  }
0x7c: {  	_ =	shalt  }
0x7d: {  	_ =	shalt  }
0x7e: {  	_ =	shalt  }
0x7f: {  	_ =	shalt  }
0x80: {  	_ =	shalt  }
0x81: {  	_ =	shalt  }
0x82: {  	_ =	shalt  }
0x83: {  	_ =	shalt  }
0x84: {  	_ =	shalt  }
0x85: {  	_ =	shalt  }
0x86: {  	_ =	shalt  }
0x87: {  	_ =	shalt  }
.Lfunc_end0:
.L_simem_size_0:
called_computation.1_lowered:
.L_overlay_start_0:
0x88: {  	s2 =	sld [smem:$0x3FD9]  }
0x89: {  	s3 =	sld [smem:$0x3FFE];
	_ =	sdelay $0x1  }
0x8a: {  	s1 =	srdreg.scid  }
0x8b: {  	s0 =	sand.u32 $0x1, s1  }
0x8c: {  	s17 =	sshll.u32 s0, $0xA;
	s2 =	sadd.s32 s3, s2  }
0x8d: {  	s2 =	sadd.s32 s2, s17  }
0x8e: {  	[smem:$0x3FC2] =	sst s2  }
0x8f: {  	_ = 	snop  }
0x90: {  	s2 =	sld [smem:$0x3FD0];
	(tm) =	ssettm $0x1  }
0x91: {  	s18 =	sld [smem:$0x3FFB];
	_ =	sdelay $0x3  }
0x92: {  	_ =	strace s18  }
0x93: {  	s3 =	sld [smem:$0x3FFC];
	_ =	sdelay $0x3  }
0x94: {  	_ =	strace s3  }
0x95: {  	s3 =	sld [smem:$0x3FFD];
	_ =	sdelay $0x3  }
0x96: {  	_ =	strace s3  }
0x97: {  	_ =	strace $0x8FFFFFFF  }
0x98: {  	s19 =	sld [smem:$0x3FDB];
	_ =	sdelay $0x1  }
0x99: {  	s4 =	simm.s32 $_scs_section_size  }
0x9a: {  	s5 =	simm.s32 $_size__tile_overlayer_lowered;
	s6 =	simm.s32 $_tile_overlayer_lowered  }
0x9b: {  	s22 =	simm.s32 $0x1BFF;
	s21 =	sshll.u32 s6, $0x1;
	s3 =	sadd.s32 s4, s19  }
0x9c: {  	s7 =	simm.s32 $0x0;
	s20 =	sshll.u32 s5, $0x1;
	s5 =	sadd.s32 s21, s3  }
0x9d: {  	[timem:s7], [sflag:s22] =	dma.local [hbm:s5], s20  }
0x9e: {  	_ =	swait.ge [sflag:s22], s20  }
0x9f: {  	s4 =	ssub.s32 $0x0, s20;
	[sflag:s22] =	ssyncset.done $0x0  }
0xa0: {  	[sflag:s22] =	ssyncadd.s32 s4;
	_ =	sdelay $0x1  }
0xa1: {  	s23 =	simm.s32 $0x1B8B  }
0xa2: {  	_ =	swait.ge [sflag:s23], $0x1  }
0xa3: {  	[sflag:s23] =	ssyncset.done $0x0  }
0xa4: {  	s25 =	simm.s32 $0x1B8E;
	s24 =	sld [smem:$0x3FFE];
	[sflag:s23] =	ssyncadd.s32 $0xFFFFFFFF  }
0xa5: {  	s26 =	simm.s32 $execute0_lowered;
	[smem:$0x3FD2] =	sst s25  }
0xa6: {  	s5 =	sshll.u32 s26, $0x1;
	_ =	strace $0x80000049;
	[dreg:$0x1] =	wrdreg $0xFFFFFFFF  }
0xa7: {  	s28 =	simm.s32 $_size_execute0_lowered;
	s3 =	sadd.s32 s3, s5;
	[dreg:$0x0] =	wrdreg $0x0  }
0xa8: {  	s5 =	sshll.u32 s28, $0x1;
	[dreg:$0x2] =	wrdreg s3  }
0xa9: {  	[dreg:$0x3] =	wrdreg s5  }
0xaa: {  	[dreg:$0x4] =	wrdreg $0xC0  }
0xab: {  	_ =	task [dreg:s7], $0x5FFFF  }
0xac: {  	[dreg:$0x1] =	wrdreg $0xFFFFFFFF  }
0xad: {  	[dreg:$0x0] =	wrdreg $0x60  }
0xae: {  	[dreg:$0x2] =	wrdreg s24  }
0xaf: {  	[dreg:$0x3] =	wrdreg s2  }
0xb0: {  	[dreg:$0x4] =	wrdreg $0x90000  }
0xb1: {  	[dreg:$0x5] =	wrdreg $0x9  }
0xb2: {  	_ =	task.clear_ibuf [dreg:s7], $0x6FFFF;
	_ =	strace $0x90000049  }
0xb3: {  	s29 =	simm.s32 $0x9;
	_ =	strace $0x8000004B  }
0xb4: {  	_ =	swait.ge [sflag:s29], $0x1  }
0xb5: {  	[sflag:s29] =	ssyncadd.s32 $0xFFFFFFFF  }
0xb6: {  	_ =	strace $0x9000004B  }
0xb7: {  	_ =	sfence  }
0xb8: {  	s30 =	sld [smem:$0x0];
	_ =	sdelay $0x2  }
0xb9: {  	s31 =	sshll.u32 s1, $0xD;
	s1 =	sshrl.u32 s1, $0x2  }
0xba: {  	s3 =	sand.u32 $0x4000, s31;
	s1 =	sadd.s32 s1, s30  }
0xbb: {  	s0 =	sor.u32 s3, s0;
	s1 =	sshll.u32 s1, $0x11  }
0xbc: {  	s0 =	sor.u32 s1, s0  }
0xbd: {  	s0 =	sadd.s32 $0x8F2B, s0  }
0xbe: {  	[sflag:s0] =	ssyncadd.remote.s32 $0x1  }
0xbf: {  	_ =	sfence.sel $0xFFFF  }
0xc0: {  	[dreg:$0x0] =	wrdreg $0xFFFFFFFF;
	(pc) =	sbr.abs _section_cstart, $3  }
0xc1: {  	[dreg:$0x1] =	wrdreg $0xFFFFFFFF  }
0xc2: {  	_ =	task.clear_ibuf [dreg:s7], $0x2FFFF;
	_ =	strace $0x9FFFFFFF  }
0xc3: {  	(tm) =	ssettm $0x7FFFFFFF  }
tec
execute0_lowered:
.L_overlay_start_1:
0x0: {  	(tag) =	ssettag $0x1  }
0x1: {  	s0 =	rddreg [dreg:$0x0]  }
0x2: {  	s1 =	srdreg.scid;
	s5 =	rddreg [dreg:$0x1]  }
0x3: {  	s8 =	stileid.u32;
	s2 =	rddreg [dreg:$0x2];
	s3 =	simm.s32 $0x0  }
0x4: {  	s13 =	simm.s32 $0x880;
	s15 =	simm.s32 $0x100;
	s16 =	simm.s32 $0x900  }
0x5: {  	s17 =	simm.s32 $0x180;
	s18 =	simm.s32 $0x980;
	[smem:$0x7FF] =	sst s3  }
0x6: {  	s19 =	simm.s32 $0x200;
	_ =	strace $0x8000004A;
	[dreg:$0x6] =	wrdreg s13  }
0x7: {  	s20 =	simm.s32 $0xA00;
	s21 =	simm.s32 $0x280;
	[dreg:$0x7] =	wrdreg s15  }
0x8: {  	s22 =	simm.s32 $0xA80;
	s23 =	simm.s32 $0x300;
	[dreg:$0x8] =	wrdreg s16  }
0x9: {  	s28 =	simm.s32 $0xD80;
	s29 =	simm.s32 $0x600;
	[dreg:$0x9] =	wrdreg s17  }
0xa: {  	s30 =	simm.s32 $0xE00;
	s31 =	simm.s32 $0x680;
	[dreg:$0xa] =	wrdreg s18  }
0xb: {  	s1 =	sand.u32 $0x1, s1;
	s6 =	smul.u32 $0x2800, s8;
	[dreg:$0xb] =	wrdreg s19  }
0xc: {  	s4 =	smul.u32 $0x28000, s1;
	s7 =	sshll.u32 s1, $0x4;
	[dreg:$0xc] =	wrdreg s20  }
0xd: {  	s1 =	ssub.s32 $0x2, s1;
	s13 =	simm.s32 $0x4;
	[dreg:$0xd] =	wrdreg s21  }
0xe: {  	s15 =	simm.s32 $0x80;
	s16 =	simm.s32 $0x1;
	[dreg:$0xe] =	wrdreg s22  }
0xf: {  	s17 =	simm.s32 $0x5000;
	[dreg:$0xf] =	wrdreg s23;
	s18 =	simm.s32 $0x2  }
0x10: {  	s19 =	simm.s32 $0x3;
	s20 =	simm.s32 $0x400;
	s21 =	simm.s32 $0xC00  }
0x11: {  	s22 =	simm.s32 $0x480;
	s7 =	sor.u32 s8, s7;
	s8 =	smul.u32 $0x50000, s8  }
0x12: {  	s26 =	sshrl.u32 s1, $0x1;
	s4 =	sadd.s32 s6, s4;
	s24 =	smul.u32 $0x2800, s7  }
0x13: {  	s1 =	ssub.s32 s1, s26;
	s26 =	simm.s32 $0xB80;
	s25 =	sshrl.u32 s4, $0x3  }
0x14: {  	s4 =	sadd.s32 $0x5C800, s0;
	s1 =	smax.u32 s1, $0x1;
	[dreg:$0x12] =	wrdreg s26  }
0x15: {  	s8 =	sshrl.u32 s8, $0x2;
	s5 =	sadd.s32 s25, s5;
	[dreg:$0x19] =	wrdreg s1  }
0x16: {  	s9 =	sadd.s32 s25, s0;
	s8 =	sadd.s32 s8, s2;
	[dreg:$0x4] =	wrdreg s5  }
0x17: {  	s0 =	sadd.s32 s24, s0;
	s24 =	simm.s32 $0xB00;
	[dreg:$0x13] =	wrdreg s8  }
0x18: {  	s23 =	simm.s32 $0xC80;
	s25 =	simm.s32 $0x380;
	[dreg:$0x10] =	wrdreg s24  }
0x19: {  	s7 =	simm.s32 $0x780;
	s10 =	sadd.s32 $0x4000, s8;
	[dreg:$0x11] =	wrdreg s25  }
0x1a: {  	s26 =	simm.s32 $0x580;
	s12 =	sadd.s32 $0x8000, s8;
	[dreg:$0x14] =	wrdreg s10  }
0x1b: {  	s1 =	simm.s32 $0xE80;
	s11 =	sadd.s32 $0x52800, s9;
	[dreg:$0x15] =	wrdreg s12  }
0x1c: {  	s14 =	sadd.s32 $0xC000, s8;
	s6 =	sadd.s32 $0x10000, s8;
	[dreg:$0x5] =	wrdreg s11  }
0x1d: {  	s0 =	sadd.s32 $0x84800, s0;
	s24 =	simm.s32 $0x500;
	[dreg:$0x16] =	wrdreg s14  }
0x1e: {  	s25 =	simm.s32 $0xD00;
	s8 =	simm.s32 $0xF80;
	[dreg:$0x17] =	wrdreg s6  }
0x1f: {  	s9 =	simm.s32 $0x0;
	[dreg:$0x18] =	wrdreg s0;
	s12 =	simm.s32 $0x1000  }
0x20: {  	v0 =	vimm.f32 $0.0e+00;
	s14 =	simm.s32 $0x800;
	s0 =	simm.s32 $0x700;
	s6 =	simm.s32 $0xF00  }
.LBB2_1:
0x21: {  	s10 =	simm.s32 $0x0;
	s11 =	simm.s32 $0x200  }
.LBB2_2:
0x22: {  	p0 =	sne.s32 s11, $0xFE00;
	[tilespmem:s10+$0x1070] =	vst v0  }
0x23: {  	[tilespmem:s10+$0x1000] =	vst v0  }
0x24: {  	[tilespmem:s10+$0x1010] =	vst v0  }
.Ltmp0:
0x25: {  	[tilespmem:s10+$0x1020] =	vst v0;
	(pc) =	sbr.rel @p0 .LBB2_2-.Ltmp0, $4  }
0x26: {  	[tilespmem:s10+$0x1030] =	vst v0  }
0x27: {  	[tilespmem:s10+$0x1040] =	vst v0  }
0x28: {  	[tilespmem:s10+$0x1050] =	vst v0  }
0x29: {  	[tilespmem:s10+$0x1060] =	vst v0;
	s10 =	sshra.s32 s11, $0x2;
	s11 =	sadd.s32 $0x200, s11  }
0x2a: {  	[tilespmem:s10+$0x1070] =	vst v0  }
0x2b: {  	[tilespmem:s10+$0x1000] =	vst v0  }
0x2c: {  	[tilespmem:s10+$0x1010] =	vst v0  }
0x2d: {  	[tilespmem:s10+$0x1020] =	vst v0  }
0x2e: {  	[tilespmem:s10+$0x1030] =	vst v0  }
0x2f: {  	[tilespmem:s10+$0x1040] =	vst v0  }
0x30: {  	[dreg:$0x1a] =	wrdreg s9;
	[tilespmem:s10+$0x1050] =	vst v0  }
0x31: {  	[tilespmem:s10+$0x1060] =	vst v0;
	s5 =	rddreg [dreg:$0x13]  }
0x32: {  	[spmem:s5] =	stream.linear.scatter [tilespmem:s12], [sflag:$0x4], $0x4000, $0x38;
	[tilespmem:$0x1D000] =	vst v63  }
0x33: {  	_ =	swait.ge [sflag:s13], $0x4000  }
0x34: {  	[sflag:s13] =	ssyncset.done $0x0  }
0x35: {  	s11 =	rddreg [dreg:$0x14];
	[sflag:s13] =	ssyncadd.s32 $0xFFFFC000  }
0x36: {  	[spmem:s11] =	stream.linear.scatter [tilespmem:s12], [sflag:$0x4], $0x4000, $0x38;
	[tilespmem:$0x1D000] =	vst v63  }
0x37: {  	_ =	swait.ge [sflag:s13], $0x4000  }
0x38: {  	[sflag:s13] =	ssyncset.done $0x0  }
0x39: {  	s9 =	rddreg [dreg:$0x15];
	[sflag:s13] =	ssyncadd.s32 $0xFFFFC000  }
0x3a: {  	[spmem:s9] =	stream.linear.scatter [tilespmem:s12], [sflag:$0x4], $0x4000, $0x38;
	[tilespmem:$0x1D000] =	vst v63  }
0x3b: {  	_ =	swait.ge [sflag:s13], $0x4000  }
0x3c: {  	[sflag:s13] =	ssyncset.done $0x0  }
0x3d: {  	s10 =	rddreg [dreg:$0x16];
	[sflag:s13] =	ssyncadd.s32 $0xFFFFC000  }
0x3e: {  	[spmem:s10] =	stream.linear.scatter [tilespmem:s12], [sflag:$0x4], $0x4000, $0x38;
	[tilespmem:$0x1D000] =	vst v63  }
0x3f: {  	_ =	swait.ge [sflag:s13], $0x4000  }
0x40: {  	[sflag:s13] =	ssyncset.done $0x0  }
0x41: {  	s11 =	rddreg [dreg:$0x17];
	[sflag:s13] =	ssyncadd.s32 $0xFFFFC000  }
0x42: {  	[spmem:s11] =	stream.linear.scatter [tilespmem:s12], [sflag:$0x4], $0x4000, $0x38;
	[tilespmem:$0x1D000] =	vst v63  }
0x43: {  	_ =	swait.ge [sflag:s13], $0x4000  }
0x44: {  	[sflag:s13] =	ssyncset.done $0x0  }
0x45: {  	[sflag:s13] =	ssyncadd.s32 $0xFFFFC000  }
0x46: {  	[bflag:$0x0] =	sbarrier.arrive $0xFFFF  }
0x47: {  	s9 =	rddreg [dreg:$0x5]  }
0x48: {  	s5 =	sadd.s32 $0x0, s9  }
0x49: {  	[tilespmem:s3], [sflag:$0x4] =	stream.linear.gather [hbm4b:s5+s3], $0x800, $0x38;
	[tilespmem:$0x1D000] =	vst v63  }
0x4a: {  	_ =	swait.ge [sflag:s13], $0x800  }
0x4b: {  	s10 =	rddreg [dreg:$0x4];
	[sflag:s13] =	ssyncset.done $0x0  }
0x4c: {  	[sflag:s13] =	ssyncadd.s32 $0xFFFFF800;
	s5 =	sadd.s32 $0x0, s10  }
0x4d: {  	[tilespmem:s14], [sflag:$0x4] =	stream.linear.gather [hbm4b:s5+s3], $0x800, $0x38;
	[tilespmem:$0x1D000] =	vst v63  }
0x4e: {  	_ =	swait.ge [sflag:s13], $0x800  }
0x4f: {  	[sflag:s13] =	ssyncset.done $0x0  }
0x50: {  	[sflag:s13] =	ssyncadd.s32 $0xFFFFF800  }
0x51: {  	[tilespmem:s12], [sflag:$0x1] =	stream.indirect.gather [hbm4b:s4+s15], $0x80, s3, s15, $0xb8;
	[tilespmem:$0x1D000] =	vst v63  }
0x52: {  	_ =	swait.ge [sflag:s16], $0x4000  }
0x53: {  	[sflag:s16] =	ssyncset.done $0x0  }
0x54: {  	[sflag:s16] =	ssyncadd.s32 $0xFFFFC000  }
0x55: {  	[spmem:s2] =	stream.indirect.scatter.add.f32 [tilespmem:s12], [sflag:$0x2], $0x80, s14, s15, $0xb8;
	[tilespmem:$0x1D000] =	vst v63  }
0x56: {  	_ = 	snop  }
0x57: {  	[tilespmem:s17], [sflag:$0x1] =	stream.indirect.gather [hbm4b:s4+s15], $0x80, s15, s15, $0xb8;
	[tilespmem:$0x1D000] =	vst v63  }
0x58: {  	_ =	swait.ge [sflag:s16], $0x4000  }
0x59: {  	[sflag:s16] =	ssyncset.done $0x0  }
0x5a: {  	s11 =	rddreg [dreg:$0x6];
	[sflag:s16] =	ssyncadd.s32 $0xFFFFC000  }
0x5b: {  	[spmem:s2] =	stream.indirect.scatter.add.f32 [tilespmem:s17], [sflag:$0x3], $0x80, s11, s15, $0xb8;
	[tilespmem:$0x1D000] =	vst v63  }
0x5c: {  	_ =	swait.ge [sflag:s18], $0x4000  }
0x5d: {  	[sflag:s18] =	ssyncset.done $0x0  }
0x5e: {  	s9 =	rddreg [dreg:$0x7];
	[sflag:s18] =	ssyncadd.s32 $0xFFFFC000  }
0x5f: {  	[tilespmem:s12], [sflag:$0x1] =	stream.indirect.gather [hbm4b:s4+s15], $0x80, s9, s15, $0xb8;
	[tilespmem:$0x1D000] =	vst v63  }
0x60: {  	_ =	swait.ge [sflag:s16], $0x4000  }
0x61: {  	[sflag:s16] =	ssyncset.done $0x0  }
0x62: {  	s10 =	rddreg [dreg:$0x8];
	[sflag:s16] =	ssyncadd.s32 $0xFFFFC000  }
0x63: {  	[spmem:s2] =	stream.indirect.scatter.add.f32 [tilespmem:s12], [sflag:$0x2], $0x80, s10, s15, $0xb8;
	[tilespmem:$0x1D000] =	vst v63  }
0x64: {  	_ =	swait.ge [sflag:s19], $0x4000  }
0x65: {  	[sflag:s19] =	ssyncset.done $0x0  }
0x66: {  	s11 =	rddreg [dreg:$0x9];
	[sflag:s19] =	ssyncadd.s32 $0xFFFFC000  }
0x67: {  	[tilespmem:s17], [sflag:$0x1] =	stream.indirect.gather [hbm4b:s4+s15], $0x80, s11, s15, $0xb8;
	[tilespmem:$0x1D000] =	vst v63  }
0x68: {  	_ =	swait.ge [sflag:s16], $0x4000  }
0x69: {  	[sflag:s16] =	ssyncset.done $0x0  }
0x6a: {  	s9 =	rddreg [dreg:$0xa];
	[sflag:s16] =	ssyncadd.s32 $0xFFFFC000  }
0x6b: {  	[spmem:s2] =	stream.indirect.scatter.add.f32 [tilespmem:s17], [sflag:$0x3], $0x80, s9, s15, $0xb8;
	[tilespmem:$0x1D000] =	vst v63  }
0x6c: {  	_ =	swait.ge [sflag:s18], $0x4000  }
0x6d: {  	[sflag:s18] =	ssyncset.done $0x0  }
0x6e: {  	s10 =	rddreg [dreg:$0xb];
	[sflag:s18] =	ssyncadd.s32 $0xFFFFC000  }
0x6f: {  	[tilespmem:s12], [sflag:$0x1] =	stream.indirect.gather [hbm4b:s4+s15], $0x80, s10, s15, $0xb8;
	[tilespmem:$0x1D000] =	vst v63  }
0x70: {  	_ =	swait.ge [sflag:s16], $0x4000  }
0x71: {  	[sflag:s16] =	ssyncset.done $0x0  }
0x72: {  	s11 =	rddreg [dreg:$0xc];
	[sflag:s16] =	ssyncadd.s32 $0xFFFFC000  }
0x73: {  	[spmem:s2] =	stream.indirect.scatter.add.f32 [tilespmem:s12], [sflag:$0x2], $0x80, s11, s15, $0xb8;
	[tilespmem:$0x1D000] =	vst v63  }
0x74: {  	_ =	swait.ge [sflag:s19], $0x4000  }
0x75: {  	[sflag:s19] =	ssyncset.done $0x0  }
0x76: {  	s9 =	rddreg [dreg:$0xd];
	[sflag:s19] =	ssyncadd.s32 $0xFFFFC000  }
0x77: {  	[tilespmem:s17], [sflag:$0x1] =	stream.indirect.gather [hbm4b:s4+s15], $0x80, s9, s15, $0xb8;
	[tilespmem:$0x1D000] =	vst v63  }
0x78: {  	_ =	swait.ge [sflag:s16], $0x4000  }
0x79: {  	[sflag:s16] =	ssyncset.done $0x0  }
0x7a: {  	s10 =	rddreg [dreg:$0xe];
	[sflag:s16] =	ssyncadd.s32 $0xFFFFC000  }
0x7b: {  	[spmem:s2] =	stream.indirect.scatter.add.f32 [tilespmem:s17], [sflag:$0x3], $0x80, s10, s15, $0xb8;
	[tilespmem:$0x1D000] =	vst v63  }
0x7c: {  	_ =	swait.ge [sflag:s18], $0x4000  }
0x7d: {  	[sflag:s18] =	ssyncset.done $0x0  }
0x7e: {  	s11 =	rddreg [dreg:$0xf];
	[sflag:s18] =	ssyncadd.s32 $0xFFFFC000  }
0x7f: {  	[tilespmem:s12], [sflag:$0x1] =	stream.indirect.gather [hbm4b:s4+s15], $0x80, s11, s15, $0xb8;
	[tilespmem:$0x1D000] =	vst v63  }
0x80: {  	_ =	swait.ge [sflag:s16], $0x4000  }
0x81: {  	[sflag:s16] =	ssyncset.done $0x0  }
0x82: {  	s9 =	rddreg [dreg:$0x10];
	[sflag:s16] =	ssyncadd.s32 $0xFFFFC000  }
0x83: {  	[spmem:s2] =	stream.indirect.scatter.add.f32 [tilespmem:s12], [sflag:$0x2], $0x80, s9, s15, $0xb8;
	[tilespmem:$0x1D000] =	vst v63  }
0x84: {  	_ =	swait.ge [sflag:s19], $0x4000  }
0x85: {  	[sflag:s19] =	ssyncset.done $0x0  }
0x86: {  	s10 =	rddreg [dreg:$0x11];
	[sflag:s19] =	ssyncadd.s32 $0xFFFFC000  }
0x87: {  	[tilespmem:s17], [sflag:$0x1] =	stream.indirect.gather [hbm4b:s4+s15], $0x80, s10, s15, $0xb8;
	[tilespmem:$0x1D000] =	vst v63  }
0x88: {  	_ =	swait.ge [sflag:s16], $0x4000  }
0x89: {  	[sflag:s16] =	ssyncset.done $0x0  }
0x8a: {  	s11 =	rddreg [dreg:$0x12];
	[sflag:s16] =	ssyncadd.s32 $0xFFFFC000  }
0x8b: {  	[spmem:s2] =	stream.indirect.scatter.add.f32 [tilespmem:s17], [sflag:$0x3], $0x80, s11, s15, $0xb8;
	[tilespmem:$0x1D000] =	vst v63  }
0x8c: {  	_ =	swait.ge [sflag:s18], $0x4000  }
0x8d: {  	[sflag:s18] =	ssyncset.done $0x0  }
0x8e: {  	[sflag:s18] =	ssyncadd.s32 $0xFFFFC000  }
0x8f: {  	[tilespmem:s12], [sflag:$0x1] =	stream.indirect.gather [hbm4b:s4+s15], $0x80, s20, s15, $0xb8;
	[tilespmem:$0x1D000] =	vst v63  }
0x90: {  	_ =	swait.ge [sflag:s16], $0x4000  }
0x91: {  	[sflag:s16] =	ssyncset.done $0x0  }
0x92: {  	[sflag:s16] =	ssyncadd.s32 $0xFFFFC000  }
0x93: {  	[spmem:s2] =	stream.indirect.scatter.add.f32 [tilespmem:s12], [sflag:$0x2], $0x80, s21, s15, $0xb8;
	[tilespmem:$0x1D000] =	vst v63  }
0x94: {  	_ =	swait.ge [sflag:s19], $0x4000  }
0x95: {  	[sflag:s19] =	ssyncset.done $0x0  }
0x96: {  	[sflag:s19] =	ssyncadd.s32 $0xFFFFC000  }
0x97: {  	[tilespmem:s17], [sflag:$0x1] =	stream.indirect.gather [hbm4b:s4+s15], $0x80, s22, s15, $0xb8;
	[tilespmem:$0x1D000] =	vst v63  }
0x98: {  	_ =	swait.ge [sflag:s16], $0x4000  }
0x99: {  	[sflag:s16] =	ssyncset.done $0x0  }
0x9a: {  	[sflag:s16] =	ssyncadd.s32 $0xFFFFC000  }
0x9b: {  	[spmem:s2] =	stream.indirect.scatter.add.f32 [tilespmem:s17], [sflag:$0x3], $0x80, s23, s15, $0xb8;
	[tilespmem:$0x1D000] =	vst v63  }
0x9c: {  	_ =	swait.ge [sflag:s18], $0x4000  }
0x9d: {  	[sflag:s18] =	ssyncset.done $0x0  }
0x9e: {  	[sflag:s18] =	ssyncadd.s32 $0xFFFFC000  }
0x9f: {  	[tilespmem:s12], [sflag:$0x1] =	stream.indirect.gather [hbm4b:s4+s15], $0x80, s24, s15, $0xb8;
	[tilespmem:$0x1D000] =	vst v63  }
0xa0: {  	_ =	swait.ge [sflag:s16], $0x4000  }
0xa1: {  	[sflag:s16] =	ssyncset.done $0x0  }
0xa2: {  	[sflag:s16] =	ssyncadd.s32 $0xFFFFC000  }
0xa3: {  	[spmem:s2] =	stream.indirect.scatter.add.f32 [tilespmem:s12], [sflag:$0x2], $0x80, s25, s15, $0xb8;
	[tilespmem:$0x1D000] =	vst v63  }
0xa4: {  	_ =	swait.ge [sflag:s19], $0x4000  }
0xa5: {  	[sflag:s19] =	ssyncset.done $0x0  }
0xa6: {  	[sflag:s19] =	ssyncadd.s32 $0xFFFFC000  }
0xa7: {  	[tilespmem:s17], [sflag:$0x1] =	stream.indirect.gather [hbm4b:s4+s15], $0x80, s26, s15, $0xb8;
	[tilespmem:$0x1D000] =	vst v63  }
0xa8: {  	_ =	swait.ge [sflag:s16], $0x4000  }
0xa9: {  	[sflag:s16] =	ssyncset.done $0x0  }
0xaa: {  	[sflag:s16] =	ssyncadd.s32 $0xFFFFC000  }
0xab: {  	[spmem:s2] =	stream.indirect.scatter.add.f32 [tilespmem:s17], [sflag:$0x3], $0x80, s28, s15, $0xb8;
	[tilespmem:$0x1D000] =	vst v63  }
0xac: {  	_ =	swait.ge [sflag:s18], $0x4000  }
0xad: {  	[sflag:s18] =	ssyncset.done $0x0  }
0xae: {  	[sflag:s18] =	ssyncadd.s32 $0xFFFFC000  }
0xaf: {  	[tilespmem:s12], [sflag:$0x1] =	stream.indirect.gather [hbm4b:s4+s15], $0x80, s29, s15, $0xb8;
	[tilespmem:$0x1D000] =	vst v63  }
0xb0: {  	_ =	swait.ge [sflag:s16], $0x4000  }
0xb1: {  	[sflag:s16] =	ssyncset.done $0x0  }
0xb2: {  	[sflag:s16] =	ssyncadd.s32 $0xFFFFC000  }
0xb3: {  	[spmem:s2] =	stream.indirect.scatter.add.f32 [tilespmem:s12], [sflag:$0x2], $0x80, s30, s15, $0xb8;
	[tilespmem:$0x1D000] =	vst v63  }
0xb4: {  	_ =	swait.ge [sflag:s19], $0x4000  }
0xb5: {  	[sflag:s19] =	ssyncset.done $0x0  }
0xb6: {  	[sflag:s19] =	ssyncadd.s32 $0xFFFFC000  }
0xb7: {  	[tilespmem:s17], [sflag:$0x1] =	stream.indirect.gather [hbm4b:s4+s15], $0x80, s31, s15, $0xb8;
	[tilespmem:$0x1D000] =	vst v63  }
0xb8: {  	_ =	swait.ge [sflag:s16], $0x4000  }
0xb9: {  	[sflag:s16] =	ssyncset.done $0x0  }
0xba: {  	[sflag:s16] =	ssyncadd.s32 $0xFFFFC000  }
0xbb: {  	[spmem:s2] =	stream.indirect.scatter.add.f32 [tilespmem:s17], [sflag:$0x3], $0x80, s1, s15, $0xb8;
	[tilespmem:$0x1D000] =	vst v63  }
0xbc: {  	_ =	swait.ge [sflag:s18], $0x4000  }
0xbd: {  	[sflag:s18] =	ssyncset.done $0x0  }
0xbe: {  	[sflag:s18] =	ssyncadd.s32 $0xFFFFC000  }
0xbf: {  	[tilespmem:s12], [sflag:$0x1] =	stream.indirect.gather [hbm4b:s4+s15], $0x80, s0, s15, $0xb8;
	[tilespmem:$0x1D000] =	vst v63  }
0xc0: {  	_ =	swait.ge [sflag:s16], $0x4000  }
0xc1: {  	[sflag:s16] =	ssyncset.done $0x0  }
0xc2: {  	[sflag:s16] =	ssyncadd.s32 $0xFFFFC000  }
0xc3: {  	[spmem:s2] =	stream.indirect.scatter.add.f32 [tilespmem:s12], [sflag:$0x2], $0x80, s6, s15, $0xb8;
	[tilespmem:$0x1D000] =	vst v63  }
0xc4: {  	_ =	swait.ge [sflag:s19], $0x4000  }
0xc5: {  	[sflag:s19] =	ssyncset.done $0x0  }
0xc6: {  	[sflag:s19] =	ssyncadd.s32 $0xFFFFC000  }
0xc7: {  	[tilespmem:s17], [sflag:$0x1] =	stream.indirect.gather [hbm4b:s4+s15], $0x80, s7, s15, $0xb8;
	[tilespmem:$0x1D000] =	vst v63  }
0xc8: {  	_ =	swait.ge [sflag:s16], $0x4000  }
0xc9: {  	[sflag:s16] =	ssyncset.done $0x0  }
0xca: {  	[sflag:s16] =	ssyncadd.s32 $0xFFFFC000  }
0xcb: {  	[spmem:s2] =	stream.indirect.scatter.add.f32 [tilespmem:s17], [sflag:$0x3], $0x80, s8, s15, $0xb8;
	[tilespmem:$0x1D000] =	vst v63  }
0xcc: {  	_ =	swait.ge [sflag:s18], $0x4000  }
0xcd: {  	[sflag:s18] =	ssyncset.done $0x0  }
0xce: {  	[sflag:s18] =	ssyncadd.s32 $0xFFFFC000  }
0xcf: {  	[tilespmem:s12], [sflag:$0x1] =	stream.indirect.gather [hbm4b:s4+s15], $0x80, s7, s15, $0xb8;
	[tilespmem:$0x1D000] =	vst v63  }
0xd0: {  	_ =	swait.ge [sflag:s16], $0x4000  }
0xd1: {  	[sflag:s16] =	ssyncset.done $0x0  }
0xd2: {  	[sflag:s16] =	ssyncadd.s32 $0xFFFFC000  }
0xd3: {  	s10 =	simm.s32 $0x100;
	_ =	swait.ge [sflag:s19], $0x4000  }
0xd4: {  	s11 =	simm.s32 $0x200;
	s5 =	rddreg [dreg:$0x5];
	[sflag:s19] =	ssyncset.done $0x0  }
.LBB2_4:
0xd5: {  	[sflag:s19] =	ssyncadd.s32 $0xFFFFC000;
	s5 =	sadd.s32 s10, s5  }
0xd6: {  	[tilespmem:s3], [sflag:$0x4] =	stream.linear.gather [hbm4b:s5+s3], $0x800, $0x38;
	[tilespmem:$0x1D000] =	vst v63  }
0xd7: {  	_ =	swait.ge [sflag:s13], $0x800  }
0xd8: {  	s5 =	rddreg [dreg:$0x4];
	[sflag:s13] =	ssyncset.done $0x0  }
0xd9: {  	[sflag:s13] =	ssyncadd.s32 $0xFFFFF800;
	s5 =	sadd.s32 s10, s5  }
0xda: {  	[tilespmem:s14], [sflag:$0x4] =	stream.linear.gather [hbm4b:s5+s3], $0x800, $0x38;
	[tilespmem:$0x1D000] =	vst v63  }
0xdb: {  	_ =	swait.ge [sflag:s13], $0x800  }
0xdc: {  	[sflag:s13] =	ssyncset.done $0x0  }
0xdd: {  	[sflag:s13] =	ssyncadd.s32 $0xFFFFF800  }
0xde: {  	[tilespmem:s12], [sflag:$0x1] =	stream.indirect.gather [hbm4b:s4+s15], $0x80, s3, s15, $0xb8;
	[tilespmem:$0x1D000] =	vst v63  }
0xdf: {  	_ =	swait.ge [sflag:s16], $0x4000  }
0xe0: {  	[sflag:s16] =	ssyncset.done $0x0  }
0xe1: {  	[sflag:s16] =	ssyncadd.s32 $0xFFFFC000  }
0xe2: {  	[spmem:s2] =	stream.indirect.scatter.add.f32 [tilespmem:s12], [sflag:$0x2], $0x80, s14, s15, $0xb8;
	[tilespmem:$0x1D000] =	vst v63  }
0xe3: {  	_ = 	snop  }
0xe4: {  	[tilespmem:s17], [sflag:$0x1] =	stream.indirect.gather [hbm4b:s4+s15], $0x80, s15, s15, $0xb8;
	[tilespmem:$0x1D000] =	vst v63  }
0xe5: {  	_ =	swait.ge [sflag:s16], $0x4000  }
0xe6: {  	s9 =	smov.u32 s11;
	[sflag:s16] =	ssyncset.done $0x0  }
0xe7: {  	s10 =	smov.u32 s9;
	s9 =	rddreg [dreg:$0x6];
	[sflag:s16] =	ssyncadd.s32 $0xFFFFC000  }
0xe8: {  	[spmem:s2] =	stream.indirect.scatter.add.f32 [tilespmem:s17], [sflag:$0x3], $0x80, s9, s15, $0xb8;
	[tilespmem:$0x1D000] =	vst v63  }
0xe9: {  	_ =	swait.ge [sflag:s18], $0x4000  }
0xea: {  	[sflag:s18] =	ssyncset.done $0x0  }
0xeb: {  	s9 =	rddreg [dreg:$0x7];
	[sflag:s18] =	ssyncadd.s32 $0xFFFFC000  }
0xec: {  	[tilespmem:s12], [sflag:$0x1] =	stream.indirect.gather [hbm4b:s4+s15], $0x80, s9, s15, $0xb8;
	[tilespmem:$0x1D000] =	vst v63  }
0xed: {  	_ =	swait.ge [sflag:s16], $0x4000  }
0xee: {  	[sflag:s16] =	ssyncset.done $0x0  }
0xef: {  	s9 =	rddreg [dreg:$0x8];
	[sflag:s16] =	ssyncadd.s32 $0xFFFFC000  }
0xf0: {  	[spmem:s2] =	stream.indirect.scatter.add.f32 [tilespmem:s12], [sflag:$0x2], $0x80, s9, s15, $0xb8;
	[tilespmem:$0x1D000] =	vst v63  }
0xf1: {  	_ =	swait.ge [sflag:s19], $0x4000  }
0xf2: {  	[sflag:s19] =	ssyncset.done $0x0  }
0xf3: {  	s9 =	rddreg [dreg:$0x9];
	[sflag:s19] =	ssyncadd.s32 $0xFFFFC000  }
0xf4: {  	[tilespmem:s17], [sflag:$0x1] =	stream.indirect.gather [hbm4b:s4+s15], $0x80, s9, s15, $0xb8;
	[tilespmem:$0x1D000] =	vst v63  }
0xf5: {  	_ =	swait.ge [sflag:s16], $0x4000  }
0xf6: {  	[sflag:s16] =	ssyncset.done $0x0  }
0xf7: {  	s9 =	rddreg [dreg:$0xa];
	[sflag:s16] =	ssyncadd.s32 $0xFFFFC000  }
0xf8: {  	[spmem:s2] =	stream.indirect.scatter.add.f32 [tilespmem:s17], [sflag:$0x3], $0x80, s9, s15, $0xb8;
	[tilespmem:$0x1D000] =	vst v63  }
0xf9: {  	_ =	swait.ge [sflag:s18], $0x4000  }
0xfa: {  	[sflag:s18] =	ssyncset.done $0x0  }
0xfb: {  	s9 =	rddreg [dreg:$0xb];
	[sflag:s18] =	ssyncadd.s32 $0xFFFFC000  }
0xfc: {  	[tilespmem:s12], [sflag:$0x1] =	stream.indirect.gather [hbm4b:s4+s15], $0x80, s9, s15, $0xb8;
	[tilespmem:$0x1D000] =	vst v63  }
0xfd: {  	_ =	swait.ge [sflag:s16], $0x4000  }
0xfe: {  	[sflag:s16] =	ssyncset.done $0x0  }
0xff: {  	s9 =	rddreg [dreg:$0xc];
	[sflag:s16] =	ssyncadd.s32 $0xFFFFC000  }
0x100: {  	[spmem:s2] =	stream.indirect.scatter.add.f32 [tilespmem:s12], [sflag:$0x2], $0x80, s9, s15, $0xb8;
	[tilespmem:$0x1D000] =	vst v63  }
0x101: {  	_ =	swait.ge [sflag:s19], $0x4000  }
0x102: {  	[sflag:s19] =	ssyncset.done $0x0  }
0x103: {  	s9 =	rddreg [dreg:$0xd];
	[sflag:s19] =	ssyncadd.s32 $0xFFFFC000  }
0x104: {  	[tilespmem:s17], [sflag:$0x1] =	stream.indirect.gather [hbm4b:s4+s15], $0x80, s9, s15, $0xb8;
	[tilespmem:$0x1D000] =	vst v63  }
0x105: {  	_ =	swait.ge [sflag:s16], $0x4000  }
0x106: {  	[sflag:s16] =	ssyncset.done $0x0  }
0x107: {  	s9 =	rddreg [dreg:$0xe];
	[sflag:s16] =	ssyncadd.s32 $0xFFFFC000  }
0x108: {  	[spmem:s2] =	stream.indirect.scatter.add.f32 [tilespmem:s17], [sflag:$0x3], $0x80, s9, s15, $0xb8;
	[tilespmem:$0x1D000] =	vst v63  }
0x109: {  	_ =	swait.ge [sflag:s18], $0x4000  }
0x10a: {  	[sflag:s18] =	ssyncset.done $0x0  }
0x10b: {  	s9 =	rddreg [dreg:$0xf];
	[sflag:s18] =	ssyncadd.s32 $0xFFFFC000  }
0x10c: {  	[tilespmem:s12], [sflag:$0x1] =	stream.indirect.gather [hbm4b:s4+s15], $0x80, s9, s15, $0xb8;
	[tilespmem:$0x1D000] =	vst v63  }
0x10d: {  	_ =	swait.ge [sflag:s16], $0x4000  }
0x10e: {  	[sflag:s16] =	ssyncset.done $0x0  }
0x10f: {  	s9 =	rddreg [dreg:$0x10];
	[sflag:s16] =	ssyncadd.s32 $0xFFFFC000  }
0x110: {  	[spmem:s2] =	stream.indirect.scatter.add.f32 [tilespmem:s12], [sflag:$0x2], $0x80, s9, s15, $0xb8;
	[tilespmem:$0x1D000] =	vst v63  }
0x111: {  	_ =	swait.ge [sflag:s19], $0x4000  }
0x112: {  	[sflag:s19] =	ssyncset.done $0x0  }
0x113: {  	s9 =	rddreg [dreg:$0x11];
	[sflag:s19] =	ssyncadd.s32 $0xFFFFC000  }
0x114: {  	[tilespmem:s17], [sflag:$0x1] =	stream.indirect.gather [hbm4b:s4+s15], $0x80, s9, s15, $0xb8;
	[tilespmem:$0x1D000] =	vst v63  }
0x115: {  	_ =	swait.ge [sflag:s16], $0x4000  }
0x116: {  	[sflag:s16] =	ssyncset.done $0x0  }
0x117: {  	s9 =	rddreg [dreg:$0x12];
	[sflag:s16] =	ssyncadd.s32 $0xFFFFC000  }
0x118: {  	[spmem:s2] =	stream.indirect.scatter.add.f32 [tilespmem:s17], [sflag:$0x3], $0x80, s9, s15, $0xb8;
	[tilespmem:$0x1D000] =	vst v63  }
0x119: {  	_ =	swait.ge [sflag:s18], $0x4000  }
0x11a: {  	[sflag:s18] =	ssyncset.done $0x0  }
0x11b: {  	[sflag:s18] =	ssyncadd.s32 $0xFFFFC000  }
0x11c: {  	[tilespmem:s12], [sflag:$0x1] =	stream.indirect.gather [hbm4b:s4+s15], $0x80, s20, s15, $0xb8;
	[tilespmem:$0x1D000] =	vst v63  }
0x11d: {  	_ =	swait.ge [sflag:s16], $0x4000  }
0x11e: {  	[sflag:s16] =	ssyncset.done $0x0  }
0x11f: {  	[sflag:s16] =	ssyncadd.s32 $0xFFFFC000  }
0x120: {  	[spmem:s2] =	stream.indirect.scatter.add.f32 [tilespmem:s12], [sflag:$0x2], $0x80, s21, s15, $0xb8;
	[tilespmem:$0x1D000] =	vst v63  }
0x121: {  	_ =	swait.ge [sflag:s19], $0x4000  }
0x122: {  	[sflag:s19] =	ssyncset.done $0x0  }
0x123: {  	[sflag:s19] =	ssyncadd.s32 $0xFFFFC000  }
0x124: {  	[tilespmem:s17], [sflag:$0x1] =	stream.indirect.gather [hbm4b:s4+s15], $0x80, s22, s15, $0xb8;
	[tilespmem:$0x1D000] =	vst v63  }
0x125: {  	_ =	swait.ge [sflag:s16], $0x4000  }
0x126: {  	[sflag:s16] =	ssyncset.done $0x0  }
0x127: {  	[sflag:s16] =	ssyncadd.s32 $0xFFFFC000  }
0x128: {  	[spmem:s2] =	stream.indirect.scatter.add.f32 [tilespmem:s17], [sflag:$0x3], $0x80, s23, s15, $0xb8;
	[tilespmem:$0x1D000] =	vst v63  }
0x129: {  	_ =	swait.ge [sflag:s18], $0x4000  }
0x12a: {  	[sflag:s18] =	ssyncset.done $0x0  }
0x12b: {  	[sflag:s18] =	ssyncadd.s32 $0xFFFFC000  }
0x12c: {  	[tilespmem:s12], [sflag:$0x1] =	stream.indirect.gather [hbm4b:s4+s15], $0x80, s24, s15, $0xb8;
	[tilespmem:$0x1D000] =	vst v63  }
0x12d: {  	_ =	swait.ge [sflag:s16], $0x4000  }
0x12e: {  	[sflag:s16] =	ssyncset.done $0x0  }
0x12f: {  	[sflag:s16] =	ssyncadd.s32 $0xFFFFC000  }
0x130: {  	[spmem:s2] =	stream.indirect.scatter.add.f32 [tilespmem:s12], [sflag:$0x2], $0x80, s25, s15, $0xb8;
	[tilespmem:$0x1D000] =	vst v63  }
0x131: {  	_ =	swait.ge [sflag:s19], $0x4000  }
0x132: {  	[sflag:s19] =	ssyncset.done $0x0  }
0x133: {  	[sflag:s19] =	ssyncadd.s32 $0xFFFFC000  }
0x134: {  	[tilespmem:s17], [sflag:$0x1] =	stream.indirect.gather [hbm4b:s4+s15], $0x80, s26, s15, $0xb8;
	[tilespmem:$0x1D000] =	vst v63  }
0x135: {  	_ =	swait.ge [sflag:s16], $0x4000  }
0x136: {  	[sflag:s16] =	ssyncset.done $0x0  }
0x137: {  	[sflag:s16] =	ssyncadd.s32 $0xFFFFC000  }
0x138: {  	[spmem:s2] =	stream.indirect.scatter.add.f32 [tilespmem:s17], [sflag:$0x3], $0x80, s28, s15, $0xb8;
	[tilespmem:$0x1D000] =	vst v63  }
0x139: {  	_ =	swait.ge [sflag:s18], $0x4000  }
0x13a: {  	[sflag:s18] =	ssyncset.done $0x0  }
0x13b: {  	[sflag:s18] =	ssyncadd.s32 $0xFFFFC000  }
0x13c: {  	[tilespmem:s12], [sflag:$0x1] =	stream.indirect.gather [hbm4b:s4+s15], $0x80, s29, s15, $0xb8;
	[tilespmem:$0x1D000] =	vst v63  }
0x13d: {  	_ =	swait.ge [sflag:s16], $0x4000  }
0x13e: {  	[sflag:s16] =	ssyncset.done $0x0  }
0x13f: {  	[sflag:s16] =	ssyncadd.s32 $0xFFFFC000  }
0x140: {  	[spmem:s2] =	stream.indirect.scatter.add.f32 [tilespmem:s12], [sflag:$0x2], $0x80, s30, s15, $0xb8;
	[tilespmem:$0x1D000] =	vst v63  }
0x141: {  	_ =	swait.ge [sflag:s19], $0x4000  }
0x142: {  	[sflag:s19] =	ssyncset.done $0x0  }
0x143: {  	[sflag:s19] =	ssyncadd.s32 $0xFFFFC000  }
0x144: {  	[tilespmem:s17], [sflag:$0x1] =	stream.indirect.gather [hbm4b:s4+s15], $0x80, s31, s15, $0xb8;
	[tilespmem:$0x1D000] =	vst v63  }
0x145: {  	_ =	swait.ge [sflag:s16], $0x4000  }
0x146: {  	[sflag:s16] =	ssyncset.done $0x0  }
0x147: {  	[sflag:s16] =	ssyncadd.s32 $0xFFFFC000  }
0x148: {  	[spmem:s2] =	stream.indirect.scatter.add.f32 [tilespmem:s17], [sflag:$0x3], $0x80, s1, s15, $0xb8;
	[tilespmem:$0x1D000] =	vst v63  }
0x149: {  	_ =	swait.ge [sflag:s18], $0x4000  }
0x14a: {  	[sflag:s18] =	ssyncset.done $0x0  }
0x14b: {  	[sflag:s18] =	ssyncadd.s32 $0xFFFFC000  }
0x14c: {  	[tilespmem:s12], [sflag:$0x1] =	stream.indirect.gather [hbm4b:s4+s15], $0x80, s0, s15, $0xb8;
	[tilespmem:$0x1D000] =	vst v63  }
0x14d: {  	_ =	swait.ge [sflag:s16], $0x4000  }
0x14e: {  	[sflag:s16] =	ssyncset.done $0x0  }
0x14f: {  	[sflag:s16] =	ssyncadd.s32 $0xFFFFC000  }
0x150: {  	[spmem:s2] =	stream.indirect.scatter.add.f32 [tilespmem:s12], [sflag:$0x2], $0x80, s6, s15, $0xb8;
	[tilespmem:$0x1D000] =	vst v63  }
0x151: {  	_ =	swait.ge [sflag:s19], $0x4000  }
0x152: {  	[sflag:s19] =	ssyncset.done $0x0  }
0x153: {  	[sflag:s19] =	ssyncadd.s32 $0xFFFFC000  }
0x154: {  	[tilespmem:s17], [sflag:$0x1] =	stream.indirect.gather [hbm4b:s4+s15], $0x80, s7, s15, $0xb8;
	[tilespmem:$0x1D000] =	vst v63  }
0x155: {  	_ =	swait.ge [sflag:s16], $0x4000  }
0x156: {  	[sflag:s16] =	ssyncset.done $0x0  }
0x157: {  	[sflag:s16] =	ssyncadd.s32 $0xFFFFC000  }
0x158: {  	[spmem:s2] =	stream.indirect.scatter.add.f32 [tilespmem:s17], [sflag:$0x3], $0x80, s8, s15, $0xb8;
	[tilespmem:$0x1D000] =	vst v63  }
0x159: {  	_ =	swait.ge [sflag:s18], $0x4000  }
0x15a: {  	[sflag:s18] =	ssyncset.done $0x0  }
0x15b: {  	p0 =	sne.s32 s11, $0x400;
	[sflag:s18] =	ssyncadd.s32 $0xFFFFC000  }
0x15c: {  	[tilespmem:s12], [sflag:$0x1] =	stream.indirect.gather [hbm4b:s4+s15], $0x80, s7, s15, $0xb8;
	[tilespmem:$0x1D000] =	vst v63  }
.Ltmp1:
0x15d: {  	_ =	swait.ge [sflag:s16], $0x4000;
	(pc) =	sbr.rel @p0 .LBB2_4-.Ltmp1, $4  }
0x15e: {  	[sflag:s16] =	ssyncset.done $0x0  }
0x15f: {  	[sflag:s16] =	ssyncadd.s32 $0xFFFFC000  }
0x160: {  	_ =	swait.ge [sflag:s19], $0x4000  }
0x161: {  	s11 =	sadd.s32 $0x100, s11;
	s5 =	rddreg [dreg:$0x5];
	[sflag:s19] =	ssyncset.done $0x0  }
0x162: {  	[sflag:s19] =	ssyncadd.s32 $0xFFFFC000;
	s5 =	sadd.s32 s10, s5  }
0x163: {  	[tilespmem:s3], [sflag:$0x4] =	stream.linear.gather [hbm4b:s5+s3], $0x800, $0x38;
	[tilespmem:$0x1D000] =	vst v63  }
0x164: {  	_ =	swait.ge [sflag:s13], $0x800  }
0x165: {  	s11 =	rddreg [dreg:$0x4];
	[sflag:s13] =	ssyncset.done $0x0  }
0x166: {  	[sflag:s13] =	ssyncadd.s32 $0xFFFFF800;
	s5 =	sadd.s32 s10, s11  }
0x167: {  	[tilespmem:s14], [sflag:$0x4] =	stream.linear.gather [hbm4b:s5+s3], $0x800, $0x38;
	[tilespmem:$0x1D000] =	vst v63  }
0x168: {  	_ =	swait.ge [sflag:s13], $0x800  }
0x169: {  	[sflag:s13] =	ssyncset.done $0x0  }
0x16a: {  	[sflag:s13] =	ssyncadd.s32 $0xFFFFF800  }
0x16b: {  	[tilespmem:s12], [sflag:$0x1] =	stream.indirect.gather [hbm4b:s4+s15], $0x80, s3, s15, $0xb8;
	[tilespmem:$0x1D000] =	vst v63  }
0x16c: {  	_ =	swait.ge [sflag:s16], $0x4000  }
0x16d: {  	[sflag:s16] =	ssyncset.done $0x0  }
0x16e: {  	[sflag:s16] =	ssyncadd.s32 $0xFFFFC000  }
0x16f: {  	[spmem:s2] =	stream.indirect.scatter.add.f32 [tilespmem:s12], [sflag:$0x2], $0x80, s14, s15, $0xb8;
	[tilespmem:$0x1D000] =	vst v63  }
0x170: {  	_ = 	snop  }
0x171: {  	[tilespmem:s17], [sflag:$0x1] =	stream.indirect.gather [hbm4b:s4+s15], $0x80, s15, s15, $0xb8;
	[tilespmem:$0x1D000] =	vst v63  }
0x172: {  	_ =	swait.ge [sflag:s16], $0x4000  }
0x173: {  	[sflag:s16] =	ssyncset.done $0x0  }
0x174: {  	s9 =	rddreg [dreg:$0x6];
	[sflag:s16] =	ssyncadd.s32 $0xFFFFC000  }
0x175: {  	[spmem:s2] =	stream.indirect.scatter.add.f32 [tilespmem:s17], [sflag:$0x3], $0x80, s9, s15, $0xb8;
	[tilespmem:$0x1D000] =	vst v63  }
0x176: {  	_ =	swait.ge [sflag:s18], $0x4000  }
0x177: {  	[sflag:s18] =	ssyncset.done $0x0  }
0x178: {  	s10 =	rddreg [dreg:$0x7];
	[sflag:s18] =	ssyncadd.s32 $0xFFFFC000  }
0x179: {  	[tilespmem:s12], [sflag:$0x1] =	stream.indirect.gather [hbm4b:s4+s15], $0x80, s10, s15, $0xb8;
	[tilespmem:$0x1D000] =	vst v63  }
0x17a: {  	_ =	swait.ge [sflag:s16], $0x4000  }
0x17b: {  	[sflag:s16] =	ssyncset.done $0x0  }
0x17c: {  	s11 =	rddreg [dreg:$0x8];
	[sflag:s16] =	ssyncadd.s32 $0xFFFFC000  }
0x17d: {  	[spmem:s2] =	stream.indirect.scatter.add.f32 [tilespmem:s12], [sflag:$0x2], $0x80, s11, s15, $0xb8;
	[tilespmem:$0x1D000] =	vst v63  }
0x17e: {  	_ =	swait.ge [sflag:s19], $0x4000  }
0x17f: {  	[sflag:s19] =	ssyncset.done $0x0  }
0x180: {  	s9 =	rddreg [dreg:$0x9];
	[sflag:s19] =	ssyncadd.s32 $0xFFFFC000  }
0x181: {  	[tilespmem:s17], [sflag:$0x1] =	stream.indirect.gather [hbm4b:s4+s15], $0x80, s9, s15, $0xb8;
	[tilespmem:$0x1D000] =	vst v63  }
0x182: {  	_ =	swait.ge [sflag:s16], $0x4000  }
0x183: {  	[sflag:s16] =	ssyncset.done $0x0  }
0x184: {  	s10 =	rddreg [dreg:$0xa];
	[sflag:s16] =	ssyncadd.s32 $0xFFFFC000  }
0x185: {  	[spmem:s2] =	stream.indirect.scatter.add.f32 [tilespmem:s17], [sflag:$0x3], $0x80, s10, s15, $0xb8;
	[tilespmem:$0x1D000] =	vst v63  }
0x186: {  	_ =	swait.ge [sflag:s18], $0x4000  }
0x187: {  	[sflag:s18] =	ssyncset.done $0x0  }
0x188: {  	s11 =	rddreg [dreg:$0xb];
	[sflag:s18] =	ssyncadd.s32 $0xFFFFC000  }
0x189: {  	[tilespmem:s12], [sflag:$0x1] =	stream.indirect.gather [hbm4b:s4+s15], $0x80, s11, s15, $0xb8;
	[tilespmem:$0x1D000] =	vst v63  }
0x18a: {  	_ =	swait.ge [sflag:s16], $0x4000  }
0x18b: {  	[sflag:s16] =	ssyncset.done $0x0  }
0x18c: {  	s9 =	rddreg [dreg:$0xc];
	[sflag:s16] =	ssyncadd.s32 $0xFFFFC000  }
0x18d: {  	[spmem:s2] =	stream.indirect.scatter.add.f32 [tilespmem:s12], [sflag:$0x2], $0x80, s9, s15, $0xb8;
	[tilespmem:$0x1D000] =	vst v63  }
0x18e: {  	_ =	swait.ge [sflag:s19], $0x4000  }
0x18f: {  	[sflag:s19] =	ssyncset.done $0x0  }
0x190: {  	s10 =	rddreg [dreg:$0xd];
	[sflag:s19] =	ssyncadd.s32 $0xFFFFC000  }
0x191: {  	[tilespmem:s17], [sflag:$0x1] =	stream.indirect.gather [hbm4b:s4+s15], $0x80, s10, s15, $0xb8;
	[tilespmem:$0x1D000] =	vst v63  }
0x192: {  	_ =	swait.ge [sflag:s16], $0x4000  }
0x193: {  	[sflag:s16] =	ssyncset.done $0x0  }
0x194: {  	s11 =	rddreg [dreg:$0xe];
	[sflag:s16] =	ssyncadd.s32 $0xFFFFC000  }
0x195: {  	[spmem:s2] =	stream.indirect.scatter.add.f32 [tilespmem:s17], [sflag:$0x3], $0x80, s11, s15, $0xb8;
	[tilespmem:$0x1D000] =	vst v63  }
0x196: {  	_ =	swait.ge [sflag:s18], $0x4000  }
0x197: {  	[sflag:s18] =	ssyncset.done $0x0  }
0x198: {  	s9 =	rddreg [dreg:$0xf];
	[sflag:s18] =	ssyncadd.s32 $0xFFFFC000  }
0x199: {  	[tilespmem:s12], [sflag:$0x1] =	stream.indirect.gather [hbm4b:s4+s15], $0x80, s9, s15, $0xb8;
	[tilespmem:$0x1D000] =	vst v63  }
0x19a: {  	_ =	swait.ge [sflag:s16], $0x4000  }
0x19b: {  	[sflag:s16] =	ssyncset.done $0x0  }
0x19c: {  	s10 =	rddreg [dreg:$0x10];
	[sflag:s16] =	ssyncadd.s32 $0xFFFFC000  }
0x19d: {  	[spmem:s2] =	stream.indirect.scatter.add.f32 [tilespmem:s12], [sflag:$0x2], $0x80, s10, s15, $0xb8;
	[tilespmem:$0x1D000] =	vst v63  }
0x19e: {  	_ =	swait.ge [sflag:s19], $0x4000  }
0x19f: {  	[sflag:s19] =	ssyncset.done $0x0  }
0x1a0: {  	s11 =	rddreg [dreg:$0x11];
	[sflag:s19] =	ssyncadd.s32 $0xFFFFC000  }
0x1a1: {  	[tilespmem:s17], [sflag:$0x1] =	stream.indirect.gather [hbm4b:s4+s15], $0x80, s11, s15, $0xb8;
	[tilespmem:$0x1D000] =	vst v63  }
0x1a2: {  	_ =	swait.ge [sflag:s16], $0x4000  }
0x1a3: {  	[sflag:s16] =	ssyncset.done $0x0  }
0x1a4: {  	s9 =	rddreg [dreg:$0x12];
	[sflag:s16] =	ssyncadd.s32 $0xFFFFC000  }
0x1a5: {  	[spmem:s2] =	stream.indirect.scatter.add.f32 [tilespmem:s17], [sflag:$0x3], $0x80, s9, s15, $0xb8;
	[tilespmem:$0x1D000] =	vst v63  }
0x1a6: {  	_ =	swait.ge [sflag:s18], $0x4000  }
0x1a7: {  	[sflag:s18] =	ssyncset.done $0x0  }
0x1a8: {  	[sflag:s18] =	ssyncadd.s32 $0xFFFFC000  }
0x1a9: {  	[tilespmem:s12], [sflag:$0x1] =	stream.indirect.gather [hbm4b:s4+s15], $0x80, s20, s15, $0xb8;
	[tilespmem:$0x1D000] =	vst v63  }
0x1aa: {  	_ =	swait.ge [sflag:s16], $0x4000  }
0x1ab: {  	[sflag:s16] =	ssyncset.done $0x0  }
0x1ac: {  	[sflag:s16] =	ssyncadd.s32 $0xFFFFC000  }
0x1ad: {  	[spmem:s2] =	stream.indirect.scatter.add.f32 [tilespmem:s12], [sflag:$0x2], $0x80, s21, s15, $0xb8;
	[tilespmem:$0x1D000] =	vst v63  }
0x1ae: {  	_ =	swait.ge [sflag:s19], $0x4000  }
0x1af: {  	[sflag:s19] =	ssyncset.done $0x0  }
0x1b0: {  	[sflag:s19] =	ssyncadd.s32 $0xFFFFC000  }
0x1b1: {  	[tilespmem:s17], [sflag:$0x1] =	stream.indirect.gather [hbm4b:s4+s15], $0x80, s22, s15, $0xb8;
	[tilespmem:$0x1D000] =	vst v63  }
0x1b2: {  	_ =	swait.ge [sflag:s16], $0x4000  }
0x1b3: {  	[sflag:s16] =	ssyncset.done $0x0  }
0x1b4: {  	[sflag:s16] =	ssyncadd.s32 $0xFFFFC000  }
0x1b5: {  	[spmem:s2] =	stream.indirect.scatter.add.f32 [tilespmem:s17], [sflag:$0x3], $0x80, s23, s15, $0xb8;
	[tilespmem:$0x1D000] =	vst v63  }
0x1b6: {  	_ =	swait.ge [sflag:s18], $0x4000  }
0x1b7: {  	[sflag:s18] =	ssyncset.done $0x0  }
0x1b8: {  	[sflag:s18] =	ssyncadd.s32 $0xFFFFC000  }
0x1b9: {  	[tilespmem:s12], [sflag:$0x1] =	stream.indirect.gather [hbm4b:s4+s15], $0x80, s24, s15, $0xb8;
	[tilespmem:$0x1D000] =	vst v63  }
0x1ba: {  	_ =	swait.ge [sflag:s16], $0x4000  }
0x1bb: {  	[sflag:s16] =	ssyncset.done $0x0  }
0x1bc: {  	[sflag:s16] =	ssyncadd.s32 $0xFFFFC000  }
0x1bd: {  	[spmem:s2] =	stream.indirect.scatter.add.f32 [tilespmem:s12], [sflag:$0x2], $0x80, s25, s15, $0xb8;
	[tilespmem:$0x1D000] =	vst v63  }
0x1be: {  	_ =	swait.ge [sflag:s19], $0x4000  }
0x1bf: {  	[sflag:s19] =	ssyncset.done $0x0  }
0x1c0: {  	[sflag:s19] =	ssyncadd.s32 $0xFFFFC000  }
0x1c1: {  	[tilespmem:s17], [sflag:$0x1] =	stream.indirect.gather [hbm4b:s4+s15], $0x80, s26, s15, $0xb8;
	[tilespmem:$0x1D000] =	vst v63  }
0x1c2: {  	_ =	swait.ge [sflag:s16], $0x4000  }
0x1c3: {  	[sflag:s16] =	ssyncset.done $0x0  }
0x1c4: {  	[sflag:s16] =	ssyncadd.s32 $0xFFFFC000  }
0x1c5: {  	[spmem:s2] =	stream.indirect.scatter.add.f32 [tilespmem:s17], [sflag:$0x3], $0x80, s28, s15, $0xb8;
	[tilespmem:$0x1D000] =	vst v63  }
0x1c6: {  	_ =	swait.ge [sflag:s18], $0x4000  }
0x1c7: {  	[sflag:s18] =	ssyncset.done $0x0  }
0x1c8: {  	[sflag:s18] =	ssyncadd.s32 $0xFFFFC000  }
0x1c9: {  	[tilespmem:s12], [sflag:$0x1] =	stream.indirect.gather [hbm4b:s4+s15], $0x80, s29, s15, $0xb8;
	[tilespmem:$0x1D000] =	vst v63  }
0x1ca: {  	_ =	swait.ge [sflag:s16], $0x4000  }
0x1cb: {  	[sflag:s16] =	ssyncset.done $0x0  }
0x1cc: {  	[sflag:s16] =	ssyncadd.s32 $0xFFFFC000  }
0x1cd: {  	[spmem:s2] =	stream.indirect.scatter.add.f32 [tilespmem:s12], [sflag:$0x2], $0x80, s30, s15, $0xb8;
	[tilespmem:$0x1D000] =	vst v63  }
0x1ce: {  	_ =	swait.ge [sflag:s19], $0x4000  }
0x1cf: {  	[sflag:s19] =	ssyncset.done $0x0  }
0x1d0: {  	[sflag:s19] =	ssyncadd.s32 $0xFFFFC000  }
0x1d1: {  	[tilespmem:s17], [sflag:$0x1] =	stream.indirect.gather [hbm4b:s4+s15], $0x80, s31, s15, $0xb8;
	[tilespmem:$0x1D000] =	vst v63  }
0x1d2: {  	_ =	swait.ge [sflag:s16], $0x4000  }
0x1d3: {  	[sflag:s16] =	ssyncset.done $0x0  }
0x1d4: {  	[sflag:s16] =	ssyncadd.s32 $0xFFFFC000  }
0x1d5: {  	[spmem:s2] =	stream.indirect.scatter.add.f32 [tilespmem:s17], [sflag:$0x3], $0x80, s1, s15, $0xb8;
	[tilespmem:$0x1D000] =	vst v63  }
0x1d6: {  	_ =	swait.ge [sflag:s18], $0x4000  }
0x1d7: {  	[sflag:s18] =	ssyncset.done $0x0  }
0x1d8: {  	[sflag:s18] =	ssyncadd.s32 $0xFFFFC000  }
0x1d9: {  	[tilespmem:s12], [sflag:$0x1] =	stream.indirect.gather [hbm4b:s4+s15], $0x80, s0, s15, $0xb8;
	[tilespmem:$0x1D000] =	vst v63  }
0x1da: {  	_ =	swait.ge [sflag:s16], $0x4000  }
0x1db: {  	[sflag:s16] =	ssyncset.done $0x0  }
0x1dc: {  	[sflag:s16] =	ssyncadd.s32 $0xFFFFC000  }
0x1dd: {  	[spmem:s2] =	stream.indirect.scatter.add.f32 [tilespmem:s12], [sflag:$0x2], $0x80, s6, s15, $0xb8;
	[tilespmem:$0x1D000] =	vst v63  }
0x1de: {  	_ =	swait.ge [sflag:s19], $0x4000  }
0x1df: {  	[sflag:s19] =	ssyncset.done $0x0  }
0x1e0: {  	[sflag:s19] =	ssyncadd.s32 $0xFFFFC000  }
0x1e1: {  	[tilespmem:s17], [sflag:$0x1] =	stream.indirect.gather [hbm4b:s4+s15], $0x80, s7, s15, $0xb8;
	[tilespmem:$0x1D000] =	vst v63  }
0x1e2: {  	_ =	swait.ge [sflag:s16], $0x4000  }
0x1e3: {  	[sflag:s16] =	ssyncset.done $0x0  }
0x1e4: {  	[sflag:s16] =	ssyncadd.s32 $0xFFFFC000  }
0x1e5: {  	[spmem:s2] =	stream.indirect.scatter.add.f32 [tilespmem:s17], [sflag:$0x3], $0x80, s8, s15, $0xb8;
	[tilespmem:$0x1D000] =	vst v63  }
0x1e6: {  	_ =	swait.ge [sflag:s18], $0x4000  }
0x1e7: {  	[sflag:s18] =	ssyncset.done $0x0  }
0x1e8: {  	[sflag:s18] =	ssyncadd.s32 $0xFFFFC000  }
0x1e9: {  	[tilespmem:s12], [sflag:$0x1] =	stream.indirect.gather [hbm4b:s4+s15], $0x80, s7, s15, $0xb8;
	[tilespmem:$0x1D000] =	vst v63  }
0x1ea: {  	_ =	swait.ge [sflag:s16], $0x4000  }
0x1eb: {  	[sflag:s16] =	ssyncset.done $0x0  }
0x1ec: {  	[sflag:s16] =	ssyncadd.s32 $0xFFFFC000  }
0x1ed: {  	_ =	swait.ge [sflag:s19], $0x4000  }
0x1ee: {  	[sflag:s19] =	ssyncset.done $0x0  }
0x1ef: {  	[sflag:s19] =	ssyncadd.s32 $0xFFFFC000  }
0x1f0: {  	s10 =	stileid.u32;
	[bflag:$0x0] =	sbarrier.arrive $0xFFFF  }
0x1f1: {  	s5 =	sshll.u32 s10, $0x6;
	s9 =	rddreg [dreg:$0x13]  }
0x1f2: {  	s5 =	sor.u32 $0x1C04, s5;
	s11 =	rddreg [dreg:$0x18];
	s9 =	sshrl.u32 s9, $0x3  }
0x1f3: {  	[hbm:s11], [sflag:s5] =	dma.local [spmem:s9], $0x2800  }
0x1f4: {  	_ =	swait.ge [sflag:s13], $0x2800  }
0x1f5: {  	s10 =	rddreg [dreg:$0x1a]  }
0x1f6: {  	s11 =	rddreg [dreg:$0x19];
	s9 =	sadd.s32 $0x1, s10  }
0x1f7: {  	p0 =	sne.s32 s9, s11  }
.Ltmp2:
0x1f8: {  	_ = 	snop;
	(pc) =	sbr.rel @p0 .LBB2_1-.Ltmp2, $3  }
0x1f9: {  	_ =	sdelay $0x1  }
0x1fa: {  	[sflag:s13] =	ssyncset.done $0x0  }
0x1fb: {  	[sflag:s13] =	ssyncadd.s32 $0xFFFFD800  }
0x1fc: {  	_ =	sfence.sel $0x180000  }
0x1fd: {  	[bflag:$0x0] =	sbarrier.arrive $0xFFFF  }
0x1fe: {  	_ =	strace $0x9000004A  }
0x1ff: {  	s0 =	stileid.u32;
	[bflag:$0x2] =	sbarrier.arrive $0xFFFF  }
0x200: {  	p0 =	sne.s32 s0, $0x0;
	s0 =	rddreg [dreg:$0x3]  }
0x201: {  	s0 =	sadd.s32 @!p0 $0x100000, s0  }
0x202: {  	[sflag:s0] =	ssyncadd.tile.s32 @!p0 $0x1;
	_ =	shalt  }
.Lfunc_end2:
_tile_overlayer_lowered:
.L_overlay_start_2:
0x203: {  	(tag) =	ssettag $0x2  }
0x204: {  	s0 =	rddreg [dreg:$0x0];
	s2 =	stileid.u32  }
0x205: {  	s1 =	rddreg [dreg:$0x1];
	p0 =	sne.s32 s2, $0x0  }
0x206: {  	s3 =	rddreg [dreg:$0x2];
	[bflag:$0x3] =	sbarrier.arrive $0xFFFF;
	s2 =	simm.s32 @!p0 $0x1C04  }
0x207: {  	[timem:s3], [sflag:s2] =	dma.local @!p0 [hbm:s0], s1  }
0x208: {  	s0 =	simm.s32 @!p0 $0x4  }
0x209: {  	_ =	swait.ge @!p0 [sflag:s0], s1  }
0x20a: {  	s1 =	ssub.s32 @!p0 $0x0, s1;
	[sflag:s0] =	ssyncset.done @!p0 $0x0  }
0x20b: {  	[sflag:s0] =	ssyncadd.s32 @!p0 s1  }
0x20c: {  	[bflag:$0x3] =	sbarrier.arrive $0xFFFF  }
0x20d: {  	_ =	shalt  }

// kernel: kernel.14.cloned.1.call-start
scs
__scs_entry_jumppad:
0x0: {  	(pc) =	sbr.rel $0x88, $3  }
0x1: {  	(tag) =	ssettag $0x0;
	lr =	simm.s32 $0x1  }
0x2: {  	[smem:$0x3F9B] =	sst lr;
	_ =	strace $0xD0000000  }
0x3: {  	_ = 	snop  }
0x4: {  	_ = 	snop  }
0x5: {  	_ = 	snop  }
0x6: {  	_ = 	snop  }
0x7: {  	_ = 	snop  }
__scs_overlays_trampoline_lowered:
0x8: {  	[smem:$0x3FAA] =	sst s0  }
0x9: {  	[smem:$0x3FAB] =	sst s1  }
0xa: {  	[smem:$0x3FAC] =	sst s2  }
0xb: {  	[smem:$0x3FAD] =	sst s3  }
0xc: {  	[smem:$0x3FAE] =	sst s4  }
0xd: {  	[smem:$0x3FAF] =	sst s5  }
0xe: {  	[smem:$0x3FB0] =	sst s6  }
0xf: {  	[smem:$0x3FB1] =	sst s7  }
0x10: {  	[smem:$0x3FB2] =	sst s8  }
0x11: {  	[smem:$0x3FB3] =	sst s9;
	s0 =	simm.s32 @!p0 $0x0  }
0x12: {  	s1 =	sld [smem:$0x3F99];
	s0 =	simm.s32 @p0 $0x1  }
0x13: {  	[smem:$0x3FB4] =	sst s0;
	s0 =	simm.s32 @!p1 $0x0  }
0x14: {  	s2 =	sld [smem:$0x3F98];
	s0 =	simm.s32 @p1 $0x1  }
0x15: {  	[smem:$0x3FB5] =	sst s0;
	s0 =	simm.s32 @!p2 $0x0  }
0x16: {  	s3 =	sld [smem:$0x3FDB];
	s0 =	simm.s32 @p2 $0x1  }
0x17: {  	s4 =	simm.s32 $0x1BF5;
	[smem:$0x3FB7] =	sst s0  }
0x18: {  	s0 =	sld [smem:$0x3F9A];
	_ =	swait.ge [sflag:s4], $0x0  }
0x19: {  	s7 =	sld [smem:$0x3F9B]  }
0x1a: {  	s8 =	sadd.s32 $0xFFFFE003, lr  }
0x1b: {  	s9 =	sadd.s32 $0xFFFFFEF7, lr;
	s5 =	simm.s32 $0xFFFFFFFF;
	p2 =	slt.u32 s8, $0xFFFFF086  }
0x1c: {  	p1 =	slt.u32 s9, $0xF7A;
	s5 =	simm.s32 @!p2 $0x0  }
0x1d: {  	s5 =	simm.s32 @p1 $0x1;
	p0 =	seq.s32 s7, s2  }
0x1e: {  	s7 =	smul.u32 @!p0 $0xF7A, s2;
	p2 =	seq.s32 @!p0 s5, $0x0  }
0x1f: {  	s9 =	smul.u32 $0xF7A, s1;
	s8 =	simm.s32 @!p0 $0x1BF5;
	p2 =	por !p2, p0  }
0x20: {  	[sflag:s8] =	ssyncset.s32 @!p0 $0xFFFFF086;
	s6 =	sadd.s32 @!p0 s3, s7;
	s7 =	simm.s32 @!p0 $0x108  }
0x21: {  	s3 =	sadd.s32 s3, s9;
	s6 =	sadd.s32 @!p0 $0x88, s6;
	s7 =	simm.s32 @p2 $0x1082  }
0x22: {  	[simem:s7], [sflag:s8] =	dma.local @!p0 [hbm:s6], $0xF7A  }
0x23: {  	s9 =	sor.u32 $0xD0000000, s2;
	s6 =	simm.s32 $0x108;
	_ =	swait.ge @!p0 [sflag:s8], $0x0  }
0x24: {  	s3 =	sadd.s32 $0x88, s3;
	s6 =	simm.s32 @!p1 $0x1082;
	[sflag:s4] =	ssyncset.s32 $0xFFFFF086  }
0x25: {  	[simem:s6], [sflag:s4] =	dma.local [hbm:s3], $0xF7A  }
0x26: {  	[smem:$0x3F9B] =	sst s1;
	(tag) =	ssettag s2;
	_ =	strace s9  }
0x27: {  	s1 =	sld [smem:$0x3FAB]  }
0x28: {  	s2 =	sld [smem:$0x3FAC]  }
0x29: {  	s4 =	sld [smem:$0x3FAE]  }
0x2a: {  	p0 =	seq.s32 s5, $0x0;
	s5 =	sld [smem:$0x3FAF]  }
0x2b: {  	s6 =	sld [smem:$0x3FB0]  }
0x2c: {  	s7 =	sld [smem:$0x3FB1]  }
0x2d: {  	s3 =	simm.s32 $0x108;
	s8 =	sld [smem:$0x3FB2]  }
0x2e: {  	s3 =	simm.s32 @!p0 $0x1082;
	s9 =	sld [smem:$0x3FB3]  }
0x2f: {  	lr =	sadd.s32 s0, s3;
	s0 =	sld [smem:$0x3FAA]  }
0x30: {  	s3 =	sld [smem:$0x3FAD]  }
0x31: {  	[smem:$0x3FB6] =	sst s10  }
0x32: {  	s10 =	sld [smem:$0x3FB4];
	_ =	sdelay $0x3  }
0x33: {  	p0 =	seq.s32 s10, $0x1;
	s10 =	sld [smem:$0x3FB6];
	_ =	sdelay $0x3  }
0x34: {  	[smem:$0x3FB6] =	sst s10  }
0x35: {  	s10 =	sld [smem:$0x3FB5];
	_ =	sdelay $0x3  }
0x36: {  	p1 =	seq.s32 s10, $0x1;
	s10 =	sld [smem:$0x3FB6];
	_ =	sdelay $0x3  }
0x37: {  	[smem:$0x3FB6] =	sst s10  }
0x38: {  	s10 =	sld [smem:$0x3FB7]  }
0x39: {  	_ = 	snop;
	(pc) =	sbr.ind lr, $3  }
0x3a: {  	_ = 	snop  }
0x3b: {  	_ = 	snop  }
0x3c: {  	p2 =	seq.s32 s10, $0x1;
	s10 =	sld [smem:$0x3FB6]  }
0x3d: {  	_ =	shalt  }
0x3e: {  	_ =	shalt  }
0x3f: {  	_ =	shalt  }
0x40: {  	_ =	shalt  }
0x41: {  	_ =	shalt  }
0x42: {  	_ =	shalt  }
0x43: {  	_ =	shalt  }
0x44: {  	_ =	shalt  }
0x45: {  	_ =	shalt  }
0x46: {  	_ =	shalt  }
0x47: {  	_ =	shalt  }
0x48: {  	_ =	shalt  }
0x49: {  	_ =	shalt  }
0x4a: {  	_ =	shalt  }
0x4b: {  	_ =	shalt  }
0x4c: {  	_ =	shalt  }
0x4d: {  	_ =	shalt  }
0x4e: {  	_ =	shalt  }
0x4f: {  	_ =	shalt  }
0x50: {  	_ =	shalt  }
0x51: {  	_ =	shalt  }
0x52: {  	_ =	shalt  }
0x53: {  	_ =	shalt  }
0x54: {  	_ =	shalt  }
0x55: {  	_ =	shalt  }
0x56: {  	_ =	shalt  }
0x57: {  	_ =	shalt  }
0x58: {  	_ =	shalt  }
0x59: {  	_ =	shalt  }
0x5a: {  	_ =	shalt  }
0x5b: {  	_ =	shalt  }
0x5c: {  	_ =	shalt  }
0x5d: {  	_ =	shalt  }
0x5e: {  	_ =	shalt  }
0x5f: {  	_ =	shalt  }
0x60: {  	_ =	shalt  }
0x61: {  	_ =	shalt  }
0x62: {  	_ =	shalt  }
0x63: {  	_ =	shalt  }
0x64: {  	_ =	shalt  }
0x65: {  	_ =	shalt  }
0x66: {  	_ =	shalt  }
0x67: {  	_ =	shalt  }
0x68: {  	_ =	shalt  }
0x69: {  	_ =	shalt  }
0x6a: {  	_ =	shalt  }
0x6b: {  	_ =	shalt  }
0x6c: {  	_ =	shalt  }
0x6d: {  	_ =	shalt  }
0x6e: {  	_ =	shalt  }
0x6f: {  	_ =	shalt  }
0x70: {  	_ =	shalt  }
0x71: {  	_ =	shalt  }
0x72: {  	_ =	shalt  }
0x73: {  	_ =	shalt  }
0x74: {  	_ =	shalt  }
0x75: {  	_ =	shalt  }
0x76: {  	_ =	shalt  }
0x77: {  	_ =	shalt  }
0x78: {  	_ =	shalt  }
0x79: {  	_ =	shalt  }
0x7a: {  	_ =	shalt  }
0x7b: {  	_ =	shalt  }
0x7c: {  	_ =	shalt  }
0x7d: {  	_ =	shalt  }
0x7e: {  	_ =	shalt  }
0x7f: {  	_ =	shalt  }
0x80: {  	_ =	shalt  }
0x81: {  	_ =	shalt  }
0x82: {  	_ =	shalt  }
0x83: {  	_ =	shalt  }
0x84: {  	_ =	shalt  }
0x85: {  	_ =	shalt  }
0x86: {  	_ =	shalt  }
0x87: {  	_ =	shalt  }
.Lfunc_end0:
.L_simem_size_0:
called_computation.2_lowered:
.L_overlay_start_0:
0x88: {  	s2 =	sld [smem:$0x3FD9]  }
0x89: {  	s3 =	sld [smem:$0x3FFE];
	_ =	sdelay $0x1  }
0x8a: {  	s1 =	srdreg.scid  }
0x8b: {  	s0 =	sand.u32 $0x1, s1  }
0x8c: {  	s17 =	sshll.u32 s0, $0xA;
	s2 =	sadd.s32 s3, s2  }
0x8d: {  	s2 =	sadd.s32 s2, s17  }
0x8e: {  	[smem:$0x3FC2] =	sst s2  }
0x8f: {  	_ = 	snop  }
0x90: {  	s2 =	sld [smem:$0x3FD0];
	(tm) =	ssettm $0x1  }
0x91: {  	s18 =	sld [smem:$0x3FFB];
	_ =	sdelay $0x3  }
0x92: {  	_ =	strace s18  }
0x93: {  	s3 =	sld [smem:$0x3FFC];
	_ =	sdelay $0x3  }
0x94: {  	_ =	strace s3  }
0x95: {  	s3 =	sld [smem:$0x3FFD];
	_ =	sdelay $0x3  }
0x96: {  	_ =	strace s3  }
0x97: {  	_ =	strace $0x8FFFFFFF  }
0x98: {  	s19 =	sld [smem:$0x3FDB];
	_ =	sdelay $0x1  }
0x99: {  	s4 =	simm.s32 $_scs_section_size  }
0x9a: {  	s5 =	simm.s32 $_size__tile_overlayer_lowered;
	s6 =	simm.s32 $_tile_overlayer_lowered  }
0x9b: {  	s22 =	simm.s32 $0x1BFF;
	s21 =	sshll.u32 s6, $0x1;
	s3 =	sadd.s32 s4, s19  }
0x9c: {  	s7 =	simm.s32 $0x0;
	s20 =	sshll.u32 s5, $0x1;
	s5 =	sadd.s32 s21, s3  }
0x9d: {  	[timem:s7], [sflag:s22] =	dma.local [hbm:s5], s20  }
0x9e: {  	_ =	swait.ge [sflag:s22], s20  }
0x9f: {  	s4 =	ssub.s32 $0x0, s20;
	[sflag:s22] =	ssyncset.done $0x0  }
0xa0: {  	[sflag:s22] =	ssyncadd.s32 s4;
	_ =	sdelay $0x1  }
0xa1: {  	s23 =	simm.s32 $0x1B8B  }
0xa2: {  	_ =	swait.ge [sflag:s23], $0x1  }
0xa3: {  	[sflag:s23] =	ssyncset.done $0x0  }
0xa4: {  	s25 =	simm.s32 $0x1B8E;
	s24 =	sld [smem:$0x3FFE];
	[sflag:s23] =	ssyncadd.s32 $0xFFFFFFFF  }
0xa5: {  	s26 =	simm.s32 $execute0_lowered;
	[smem:$0x3FD2] =	sst s25  }
0xa6: {  	s5 =	sshll.u32 s26, $0x1;
	_ =	strace $0x8000004C;
	[dreg:$0x1] =	wrdreg $0xFFFFFFFF  }
0xa7: {  	s28 =	simm.s32 $_size_execute0_lowered;
	s3 =	sadd.s32 s3, s5;
	[dreg:$0x0] =	wrdreg $0x0  }
0xa8: {  	s5 =	sshll.u32 s28, $0x1;
	[dreg:$0x2] =	wrdreg s3  }
0xa9: {  	[dreg:$0x3] =	wrdreg s5  }
0xaa: {  	[dreg:$0x4] =	wrdreg $0xC0  }
0xab: {  	_ =	task [dreg:s7], $0x5FFFF  }
0xac: {  	[dreg:$0x1] =	wrdreg $0xFFFFFFFF  }
0xad: {  	[dreg:$0x0] =	wrdreg $0x60  }
0xae: {  	[dreg:$0x2] =	wrdreg s24  }
0xaf: {  	[dreg:$0x3] =	wrdreg s2  }
0xb0: {  	[dreg:$0x4] =	wrdreg $0x90000  }
0xb1: {  	[dreg:$0x5] =	wrdreg $0x9  }
0xb2: {  	_ =	task.clear_ibuf [dreg:s7], $0x6FFFF;
	_ =	strace $0x9000004C  }
0xb3: {  	s29 =	simm.s32 $0x9;
	_ =	strace $0x8000004E  }
0xb4: {  	_ =	swait.ge [sflag:s29], $0x1  }
0xb5: {  	[sflag:s29] =	ssyncadd.s32 $0xFFFFFFFF  }
0xb6: {  	_ =	strace $0x9000004E  }
0xb7: {  	_ =	sfence  }
0xb8: {  	s30 =	sld [smem:$0x0];
	_ =	sdelay $0x2  }
0xb9: {  	s31 =	sshll.u32 s1, $0xD;
	s1 =	sshrl.u32 s1, $0x2  }
0xba: {  	s3 =	sand.u32 $0x4000, s31;
	s1 =	sadd.s32 s1, s30  }
0xbb: {  	s0 =	sor.u32 s3, s0;
	s1 =	sshll.u32 s1, $0x11  }
0xbc: {  	s0 =	sor.u32 s1, s0  }
0xbd: {  	s0 =	sadd.s32 $0x8F2B, s0  }
0xbe: {  	[sflag:s0] =	ssyncadd.remote.s32 $0x1  }
0xbf: {  	_ =	sfence.sel $0xFFFF  }
0xc0: {  	[dreg:$0x0] =	wrdreg $0xFFFFFFFF;
	(pc) =	sbr.abs _section_cstart, $3  }
0xc1: {  	[dreg:$0x1] =	wrdreg $0xFFFFFFFF  }
0xc2: {  	_ =	task.clear_ibuf [dreg:s7], $0x2FFFF;
	_ =	strace $0x9FFFFFFF  }
0xc3: {  	(tm) =	ssettm $0x7FFFFFFF  }
tec
execute0_lowered:
.L_overlay_start_1:
0x0: {  	(tag) =	ssettag $0x1  }
0x1: {  	s0 =	rddreg [dreg:$0x0]  }
0x2: {  	s1 =	srdreg.scid;
	s5 =	rddreg [dreg:$0x1]  }
0x3: {  	s8 =	stileid.u32;
	s2 =	rddreg [dreg:$0x2];
	s3 =	simm.s32 $0x0  }
0x4: {  	s13 =	simm.s32 $0x880;
	s15 =	simm.s32 $0x100;
	s16 =	simm.s32 $0x900  }
0x5: {  	s17 =	simm.s32 $0x180;
	s18 =	simm.s32 $0x980;
	[smem:$0x7FF] =	sst s3  }
0x6: {  	s19 =	simm.s32 $0x200;
	_ =	strace $0x8000004D;
	[dreg:$0x6] =	wrdreg s13  }
0x7: {  	s20 =	simm.s32 $0xA00;
	s21 =	simm.s32 $0x280;
	[dreg:$0x7] =	wrdreg s15  }
0x8: {  	s22 =	simm.s32 $0xA80;
	s23 =	simm.s32 $0x300;
	[dreg:$0x8] =	wrdreg s16  }
0x9: {  	s28 =	simm.s32 $0xD80;
	s29 =	simm.s32 $0x600;
	[dreg:$0x9] =	wrdreg s17  }
0xa: {  	s30 =	simm.s32 $0xE00;
	s31 =	simm.s32 $0x680;
	[dreg:$0xa] =	wrdreg s18  }
0xb: {  	s1 =	sand.u32 $0x1, s1;
	s6 =	smul.u32 $0x2800, s8;
	[dreg:$0xb] =	wrdreg s19  }
0xc: {  	s4 =	smul.u32 $0x28000, s1;
	s7 =	sshll.u32 s1, $0x4;
	[dreg:$0xc] =	wrdreg s20  }
0xd: {  	s1 =	ssub.s32 $0x2, s1;
	s13 =	simm.s32 $0x4;
	[dreg:$0xd] =	wrdreg s21  }
0xe: {  	s15 =	simm.s32 $0x80;
	s16 =	simm.s32 $0x1;
	[dreg:$0xe] =	wrdreg s22  }
0xf: {  	s17 =	simm.s32 $0x5000;
	[dreg:$0xf] =	wrdreg s23;
	s18 =	simm.s32 $0x2  }
0x10: {  	s19 =	simm.s32 $0x3;
	s20 =	simm.s32 $0x400;
	s21 =	simm.s32 $0xC00  }
0x11: {  	s22 =	simm.s32 $0x480;
	s7 =	sor.u32 s8, s7;
	s8 =	smul.u32 $0x50000, s8  }
0x12: {  	s26 =	sshrl.u32 s1, $0x1;
	s4 =	sadd.s32 s6, s4;
	s24 =	smul.u32 $0x2800, s7  }
0x13: {  	s1 =	ssub.s32 s1, s26;
	s26 =	simm.s32 $0xB80;
	s25 =	sshrl.u32 s4, $0x3  }
0x14: {  	s4 =	sadd.s32 $0x5C800, s0;
	s1 =	smax.u32 s1, $0x1;
	[dreg:$0x12] =	wrdreg s26  }
0x15: {  	s8 =	sshrl.u32 s8, $0x2;
	s5 =	sadd.s32 s25, s5;
	[dreg:$0x19] =	wrdreg s1  }
0x16: {  	s9 =	sadd.s32 s25, s0;
	s8 =	sadd.s32 s8, s2;
	[dreg:$0x4] =	wrdreg s5  }
0x17: {  	s0 =	sadd.s32 s24, s0;
	s24 =	simm.s32 $0xB00;
	[dreg:$0x13] =	wrdreg s8  }
0x18: {  	s23 =	simm.s32 $0xC80;
	s25 =	simm.s32 $0x380;
	[dreg:$0x10] =	wrdreg s24  }
0x19: {  	s7 =	simm.s32 $0x780;
	s10 =	sadd.s32 $0x4000, s8;
	[dreg:$0x11] =	wrdreg s25  }
0x1a: {  	s26 =	simm.s32 $0x580;
	s12 =	sadd.s32 $0x8000, s8;
	[dreg:$0x14] =	wrdreg s10  }
0x1b: {  	s1 =	simm.s32 $0xE80;
	s11 =	sadd.s32 $0x52800, s9;
	[dreg:$0x15] =	wrdreg s12  }
0x1c: {  	s14 =	sadd.s32 $0xC000, s8;
	s6 =	sadd.s32 $0x10000, s8;
	[dreg:$0x5] =	wrdreg s11  }
0x1d: {  	s0 =	sadd.s32 $0x84800, s0;
	s24 =	simm.s32 $0x500;
	[dreg:$0x16] =	wrdreg s14  }
0x1e: {  	s25 =	simm.s32 $0xD00;
	s8 =	simm.s32 $0xF80;
	[dreg:$0x17] =	wrdreg s6  }
0x1f: {  	s9 =	simm.s32 $0x0;
	[dreg:$0x18] =	wrdreg s0;
	s12 =	simm.s32 $0x1000  }
0x20: {  	v0 =	vimm.f32 $0.0e+00;
	s14 =	simm.s32 $0x800;
	s0 =	simm.s32 $0x700;
	s6 =	simm.s32 $0xF00  }
.LBB2_1:
0x21: {  	s10 =	simm.s32 $0x0;
	s11 =	simm.s32 $0x200  }
.LBB2_2:
0x22: {  	p0 =	sne.s32 s11, $0xFE00;
	[tilespmem:s10+$0x1070] =	vst v0  }
0x23: {  	[tilespmem:s10+$0x1000] =	vst v0  }
0x24: {  	[tilespmem:s10+$0x1010] =	vst v0  }
.Ltmp0:
0x25: {  	[tilespmem:s10+$0x1020] =	vst v0;
	(pc) =	sbr.rel @p0 .LBB2_2-.Ltmp0, $4  }
0x26: {  	[tilespmem:s10+$0x1030] =	vst v0  }
0x27: {  	[tilespmem:s10+$0x1040] =	vst v0  }
0x28: {  	[tilespmem:s10+$0x1050] =	vst v0  }
0x29: {  	[tilespmem:s10+$0x1060] =	vst v0;
	s10 =	sshra.s32 s11, $0x2;
	s11 =	sadd.s32 $0x200, s11  }
0x2a: {  	[tilespmem:s10+$0x1070] =	vst v0  }
0x2b: {  	[tilespmem:s10+$0x1000] =	vst v0  }
0x2c: {  	[tilespmem:s10+$0x1010] =	vst v0  }
0x2d: {  	[tilespmem:s10+$0x1020] =	vst v0  }
0x2e: {  	[tilespmem:s10+$0x1030] =	vst v0  }
0x2f: {  	[tilespmem:s10+$0x1040] =	vst v0  }
0x30: {  	[dreg:$0x1a] =	wrdreg s9;
	[tilespmem:s10+$0x1050] =	vst v0  }
0x31: {  	[tilespmem:s10+$0x1060] =	vst v0;
	s5 =	rddreg [dreg:$0x13]  }
0x32: {  	[spmem:s5] =	stream.linear.scatter [tilespmem:s12], [sflag:$0x4], $0x4000, $0x38;
	[tilespmem:$0x1D000] =	vst v63  }
0x33: {  	_ =	swait.ge [sflag:s13], $0x4000  }
0x34: {  	[sflag:s13] =	ssyncset.done $0x0  }
0x35: {  	s11 =	rddreg [dreg:$0x14];
	[sflag:s13] =	ssyncadd.s32 $0xFFFFC000  }
0x36: {  	[spmem:s11] =	stream.linear.scatter [tilespmem:s12], [sflag:$0x4], $0x4000, $0x38;
	[tilespmem:$0x1D000] =	vst v63  }
0x37: {  	_ =	swait.ge [sflag:s13], $0x4000  }
0x38: {  	[sflag:s13] =	ssyncset.done $0x0  }
0x39: {  	s9 =	rddreg [dreg:$0x15];
	[sflag:s13] =	ssyncadd.s32 $0xFFFFC000  }
0x3a: {  	[spmem:s9] =	stream.linear.scatter [tilespmem:s12], [sflag:$0x4], $0x4000, $0x38;
	[tilespmem:$0x1D000] =	vst v63  }
0x3b: {  	_ =	swait.ge [sflag:s13], $0x4000  }
0x3c: {  	[sflag:s13] =	ssyncset.done $0x0  }
0x3d: {  	s10 =	rddreg [dreg:$0x16];
	[sflag:s13] =	ssyncadd.s32 $0xFFFFC000  }
0x3e: {  	[spmem:s10] =	stream.linear.scatter [tilespmem:s12], [sflag:$0x4], $0x4000, $0x38;
	[tilespmem:$0x1D000] =	vst v63  }
0x3f: {  	_ =	swait.ge [sflag:s13], $0x4000  }
0x40: {  	[sflag:s13] =	ssyncset.done $0x0  }
0x41: {  	s11 =	rddreg [dreg:$0x17];
	[sflag:s13] =	ssyncadd.s32 $0xFFFFC000  }
0x42: {  	[spmem:s11] =	stream.linear.scatter [tilespmem:s12], [sflag:$0x4], $0x4000, $0x38;
	[tilespmem:$0x1D000] =	vst v63  }
0x43: {  	_ =	swait.ge [sflag:s13], $0x4000  }
0x44: {  	[sflag:s13] =	ssyncset.done $0x0  }
0x45: {  	[sflag:s13] =	ssyncadd.s32 $0xFFFFC000  }
0x46: {  	[bflag:$0x0] =	sbarrier.arrive $0xFFFF  }
0x47: {  	s9 =	rddreg [dreg:$0x5]  }
0x48: {  	s5 =	sadd.s32 $0x0, s9  }
0x49: {  	[tilespmem:s3], [sflag:$0x4] =	stream.linear.gather [hbm4b:s5+s3], $0x800, $0x38;
	[tilespmem:$0x1D000] =	vst v63  }
0x4a: {  	_ =	swait.ge [sflag:s13], $0x800  }
0x4b: {  	s10 =	rddreg [dreg:$0x4];
	[sflag:s13] =	ssyncset.done $0x0  }
0x4c: {  	[sflag:s13] =	ssyncadd.s32 $0xFFFFF800;
	s5 =	sadd.s32 $0x0, s10  }
0x4d: {  	[tilespmem:s14], [sflag:$0x4] =	stream.linear.gather [hbm4b:s5+s3], $0x800, $0x38;
	[tilespmem:$0x1D000] =	vst v63  }
0x4e: {  	_ =	swait.ge [sflag:s13], $0x800  }
0x4f: {  	[sflag:s13] =	ssyncset.done $0x0  }
0x50: {  	[sflag:s13] =	ssyncadd.s32 $0xFFFFF800  }
0x51: {  	[tilespmem:s12], [sflag:$0x1] =	stream.indirect.gather [hbm4b:s4+s15], $0x80, s3, s15, $0xb8;
	[tilespmem:$0x1D000] =	vst v63  }
0x52: {  	_ =	swait.ge [sflag:s16], $0x4000  }
0x53: {  	[sflag:s16] =	ssyncset.done $0x0  }
0x54: {  	[sflag:s16] =	ssyncadd.s32 $0xFFFFC000  }
0x55: {  	[spmem:s2] =	stream.indirect.scatter.add.f32 [tilespmem:s12], [sflag:$0x2], $0x80, s14, s15, $0xb8;
	[tilespmem:$0x1D000] =	vst v63  }
0x56: {  	_ = 	snop  }
0x57: {  	[tilespmem:s17], [sflag:$0x1] =	stream.indirect.gather [hbm4b:s4+s15], $0x80, s15, s15, $0xb8;
	[tilespmem:$0x1D000] =	vst v63  }
0x58: {  	_ =	swait.ge [sflag:s16], $0x4000  }
0x59: {  	[sflag:s16] =	ssyncset.done $0x0  }
0x5a: {  	s11 =	rddreg [dreg:$0x6];
	[sflag:s16] =	ssyncadd.s32 $0xFFFFC000  }
0x5b: {  	[spmem:s2] =	stream.indirect.scatter.add.f32 [tilespmem:s17], [sflag:$0x3], $0x80, s11, s15, $0xb8;
	[tilespmem:$0x1D000] =	vst v63  }
0x5c: {  	_ =	swait.ge [sflag:s18], $0x4000  }
0x5d: {  	[sflag:s18] =	ssyncset.done $0x0  }
0x5e: {  	s9 =	rddreg [dreg:$0x7];
	[sflag:s18] =	ssyncadd.s32 $0xFFFFC000  }
0x5f: {  	[tilespmem:s12], [sflag:$0x1] =	stream.indirect.gather [hbm4b:s4+s15], $0x80, s9, s15, $0xb8;
	[tilespmem:$0x1D000] =	vst v63  }
0x60: {  	_ =	swait.ge [sflag:s16], $0x4000  }
0x61: {  	[sflag:s16] =	ssyncset.done $0x0  }
0x62: {  	s10 =	rddreg [dreg:$0x8];
	[sflag:s16] =	ssyncadd.s32 $0xFFFFC000  }
0x63: {  	[spmem:s2] =	stream.indirect.scatter.add.f32 [tilespmem:s12], [sflag:$0x2], $0x80, s10, s15, $0xb8;
	[tilespmem:$0x1D000] =	vst v63  }
0x64: {  	_ =	swait.ge [sflag:s19], $0x4000  }
0x65: {  	[sflag:s19] =	ssyncset.done $0x0  }
0x66: {  	s11 =	rddreg [dreg:$0x9];
	[sflag:s19] =	ssyncadd.s32 $0xFFFFC000  }
0x67: {  	[tilespmem:s17], [sflag:$0x1] =	stream.indirect.gather [hbm4b:s4+s15], $0x80, s11, s15, $0xb8;
	[tilespmem:$0x1D000] =	vst v63  }
0x68: {  	_ =	swait.ge [sflag:s16], $0x4000  }
0x69: {  	[sflag:s16] =	ssyncset.done $0x0  }
0x6a: {  	s9 =	rddreg [dreg:$0xa];
	[sflag:s16] =	ssyncadd.s32 $0xFFFFC000  }
0x6b: {  	[spmem:s2] =	stream.indirect.scatter.add.f32 [tilespmem:s17], [sflag:$0x3], $0x80, s9, s15, $0xb8;
	[tilespmem:$0x1D000] =	vst v63  }
0x6c: {  	_ =	swait.ge [sflag:s18], $0x4000  }
0x6d: {  	[sflag:s18] =	ssyncset.done $0x0  }
0x6e: {  	s10 =	rddreg [dreg:$0xb];
	[sflag:s18] =	ssyncadd.s32 $0xFFFFC000  }
0x6f: {  	[tilespmem:s12], [sflag:$0x1] =	stream.indirect.gather [hbm4b:s4+s15], $0x80, s10, s15, $0xb8;
	[tilespmem:$0x1D000] =	vst v63  }
0x70: {  	_ =	swait.ge [sflag:s16], $0x4000  }
0x71: {  	[sflag:s16] =	ssyncset.done $0x0  }
0x72: {  	s11 =	rddreg [dreg:$0xc];
	[sflag:s16] =	ssyncadd.s32 $0xFFFFC000  }
0x73: {  	[spmem:s2] =	stream.indirect.scatter.add.f32 [tilespmem:s12], [sflag:$0x2], $0x80, s11, s15, $0xb8;
	[tilespmem:$0x1D000] =	vst v63  }
0x74: {  	_ =	swait.ge [sflag:s19], $0x4000  }
0x75: {  	[sflag:s19] =	ssyncset.done $0x0  }
0x76: {  	s9 =	rddreg [dreg:$0xd];
	[sflag:s19] =	ssyncadd.s32 $0xFFFFC000  }
0x77: {  	[tilespmem:s17], [sflag:$0x1] =	stream.indirect.gather [hbm4b:s4+s15], $0x80, s9, s15, $0xb8;
	[tilespmem:$0x1D000] =	vst v63  }
0x78: {  	_ =	swait.ge [sflag:s16], $0x4000  }
0x79: {  	[sflag:s16] =	ssyncset.done $0x0  }
0x7a: {  	s10 =	rddreg [dreg:$0xe];
	[sflag:s16] =	ssyncadd.s32 $0xFFFFC000  }
0x7b: {  	[spmem:s2] =	stream.indirect.scatter.add.f32 [tilespmem:s17], [sflag:$0x3], $0x80, s10, s15, $0xb8;
	[tilespmem:$0x1D000] =	vst v63  }
0x7c: {  	_ =	swait.ge [sflag:s18], $0x4000  }
0x7d: {  	[sflag:s18] =	ssyncset.done $0x0  }
0x7e: {  	s11 =	rddreg [dreg:$0xf];
	[sflag:s18] =	ssyncadd.s32 $0xFFFFC000  }
0x7f: {  	[tilespmem:s12], [sflag:$0x1] =	stream.indirect.gather [hbm4b:s4+s15], $0x80, s11, s15, $0xb8;
	[tilespmem:$0x1D000] =	vst v63  }
0x80: {  	_ =	swait.ge [sflag:s16], $0x4000  }
0x81: {  	[sflag:s16] =	ssyncset.done $0x0  }
0x82: {  	s9 =	rddreg [dreg:$0x10];
	[sflag:s16] =	ssyncadd.s32 $0xFFFFC000  }
0x83: {  	[spmem:s2] =	stream.indirect.scatter.add.f32 [tilespmem:s12], [sflag:$0x2], $0x80, s9, s15, $0xb8;
	[tilespmem:$0x1D000] =	vst v63  }
0x84: {  	_ =	swait.ge [sflag:s19], $0x4000  }
0x85: {  	[sflag:s19] =	ssyncset.done $0x0  }
0x86: {  	s10 =	rddreg [dreg:$0x11];
	[sflag:s19] =	ssyncadd.s32 $0xFFFFC000  }
0x87: {  	[tilespmem:s17], [sflag:$0x1] =	stream.indirect.gather [hbm4b:s4+s15], $0x80, s10, s15, $0xb8;
	[tilespmem:$0x1D000] =	vst v63  }
0x88: {  	_ =	swait.ge [sflag:s16], $0x4000  }
0x89: {  	[sflag:s16] =	ssyncset.done $0x0  }
0x8a: {  	s11 =	rddreg [dreg:$0x12];
	[sflag:s16] =	ssyncadd.s32 $0xFFFFC000  }
0x8b: {  	[spmem:s2] =	stream.indirect.scatter.add.f32 [tilespmem:s17], [sflag:$0x3], $0x80, s11, s15, $0xb8;
	[tilespmem:$0x1D000] =	vst v63  }
0x8c: {  	_ =	swait.ge [sflag:s18], $0x4000  }
0x8d: {  	[sflag:s18] =	ssyncset.done $0x0  }
0x8e: {  	[sflag:s18] =	ssyncadd.s32 $0xFFFFC000  }
0x8f: {  	[tilespmem:s12], [sflag:$0x1] =	stream.indirect.gather [hbm4b:s4+s15], $0x80, s20, s15, $0xb8;
	[tilespmem:$0x1D000] =	vst v63  }
0x90: {  	_ =	swait.ge [sflag:s16], $0x4000  }
0x91: {  	[sflag:s16] =	ssyncset.done $0x0  }
0x92: {  	[sflag:s16] =	ssyncadd.s32 $0xFFFFC000  }
0x93: {  	[spmem:s2] =	stream.indirect.scatter.add.f32 [tilespmem:s12], [sflag:$0x2], $0x80, s21, s15, $0xb8;
	[tilespmem:$0x1D000] =	vst v63  }
0x94: {  	_ =	swait.ge [sflag:s19], $0x4000  }
0x95: {  	[sflag:s19] =	ssyncset.done $0x0  }
0x96: {  	[sflag:s19] =	ssyncadd.s32 $0xFFFFC000  }
0x97: {  	[tilespmem:s17], [sflag:$0x1] =	stream.indirect.gather [hbm4b:s4+s15], $0x80, s22, s15, $0xb8;
	[tilespmem:$0x1D000] =	vst v63  }
0x98: {  	_ =	swait.ge [sflag:s16], $0x4000  }
0x99: {  	[sflag:s16] =	ssyncset.done $0x0  }
0x9a: {  	[sflag:s16] =	ssyncadd.s32 $0xFFFFC000  }
0x9b: {  	[spmem:s2] =	stream.indirect.scatter.add.f32 [tilespmem:s17], [sflag:$0x3], $0x80, s23, s15, $0xb8;
	[tilespmem:$0x1D000] =	vst v63  }
0x9c: {  	_ =	swait.ge [sflag:s18], $0x4000  }
0x9d: {  	[sflag:s18] =	ssyncset.done $0x0  }
0x9e: {  	[sflag:s18] =	ssyncadd.s32 $0xFFFFC000  }
0x9f: {  	[tilespmem:s12], [sflag:$0x1] =	stream.indirect.gather [hbm4b:s4+s15], $0x80, s24, s15, $0xb8;
	[tilespmem:$0x1D000] =	vst v63  }
0xa0: {  	_ =	swait.ge [sflag:s16], $0x4000  }
0xa1: {  	[sflag:s16] =	ssyncset.done $0x0  }
0xa2: {  	[sflag:s16] =	ssyncadd.s32 $0xFFFFC000  }
0xa3: {  	[spmem:s2] =	stream.indirect.scatter.add.f32 [tilespmem:s12], [sflag:$0x2], $0x80, s25, s15, $0xb8;
	[tilespmem:$0x1D000] =	vst v63  }
0xa4: {  	_ =	swait.ge [sflag:s19], $0x4000  }
0xa5: {  	[sflag:s19] =	ssyncset.done $0x0  }
0xa6: {  	[sflag:s19] =	ssyncadd.s32 $0xFFFFC000  }
0xa7: {  	[tilespmem:s17], [sflag:$0x1] =	stream.indirect.gather [hbm4b:s4+s15], $0x80, s26, s15, $0xb8;
	[tilespmem:$0x1D000] =	vst v63  }
0xa8: {  	_ =	swait.ge [sflag:s16], $0x4000  }
0xa9: {  	[sflag:s16] =	ssyncset.done $0x0  }
0xaa: {  	[sflag:s16] =	ssyncadd.s32 $0xFFFFC000  }
0xab: {  	[spmem:s2] =	stream.indirect.scatter.add.f32 [tilespmem:s17], [sflag:$0x3], $0x80, s28, s15, $0xb8;
	[tilespmem:$0x1D000] =	vst v63  }
0xac: {  	_ =	swait.ge [sflag:s18], $0x4000  }
0xad: {  	[sflag:s18] =	ssyncset.done $0x0  }
0xae: {  	[sflag:s18] =	ssyncadd.s32 $0xFFFFC000  }
0xaf: {  	[tilespmem:s12], [sflag:$0x1] =	stream.indirect.gather [hbm4b:s4+s15], $0x80, s29, s15, $0xb8;
	[tilespmem:$0x1D000] =	vst v63  }
0xb0: {  	_ =	swait.ge [sflag:s16], $0x4000  }
0xb1: {  	[sflag:s16] =	ssyncset.done $0x0  }
0xb2: {  	[sflag:s16] =	ssyncadd.s32 $0xFFFFC000  }
0xb3: {  	[spmem:s2] =	stream.indirect.scatter.add.f32 [tilespmem:s12], [sflag:$0x2], $0x80, s30, s15, $0xb8;
	[tilespmem:$0x1D000] =	vst v63  }
0xb4: {  	_ =	swait.ge [sflag:s19], $0x4000  }
0xb5: {  	[sflag:s19] =	ssyncset.done $0x0  }
0xb6: {  	[sflag:s19] =	ssyncadd.s32 $0xFFFFC000  }
0xb7: {  	[tilespmem:s17], [sflag:$0x1] =	stream.indirect.gather [hbm4b:s4+s15], $0x80, s31, s15, $0xb8;
	[tilespmem:$0x1D000] =	vst v63  }
0xb8: {  	_ =	swait.ge [sflag:s16], $0x4000  }
0xb9: {  	[sflag:s16] =	ssyncset.done $0x0  }
0xba: {  	[sflag:s16] =	ssyncadd.s32 $0xFFFFC000  }
0xbb: {  	[spmem:s2] =	stream.indirect.scatter.add.f32 [tilespmem:s17], [sflag:$0x3], $0x80, s1, s15, $0xb8;
	[tilespmem:$0x1D000] =	vst v63  }
0xbc: {  	_ =	swait.ge [sflag:s18], $0x4000  }
0xbd: {  	[sflag:s18] =	ssyncset.done $0x0  }
0xbe: {  	[sflag:s18] =	ssyncadd.s32 $0xFFFFC000  }
0xbf: {  	[tilespmem:s12], [sflag:$0x1] =	stream.indirect.gather [hbm4b:s4+s15], $0x80, s0, s15, $0xb8;
	[tilespmem:$0x1D000] =	vst v63  }
0xc0: {  	_ =	swait.ge [sflag:s16], $0x4000  }
0xc1: {  	[sflag:s16] =	ssyncset.done $0x0  }
0xc2: {  	[sflag:s16] =	ssyncadd.s32 $0xFFFFC000  }
0xc3: {  	[spmem:s2] =	stream.indirect.scatter.add.f32 [tilespmem:s12], [sflag:$0x2], $0x80, s6, s15, $0xb8;
	[tilespmem:$0x1D000] =	vst v63  }
0xc4: {  	_ =	swait.ge [sflag:s19], $0x4000  }
0xc5: {  	[sflag:s19] =	ssyncset.done $0x0  }
0xc6: {  	[sflag:s19] =	ssyncadd.s32 $0xFFFFC000  }
0xc7: {  	[tilespmem:s17], [sflag:$0x1] =	stream.indirect.gather [hbm4b:s4+s15], $0x80, s7, s15, $0xb8;
	[tilespmem:$0x1D000] =	vst v63  }
0xc8: {  	_ =	swait.ge [sflag:s16], $0x4000  }
0xc9: {  	[sflag:s16] =	ssyncset.done $0x0  }
0xca: {  	[sflag:s16] =	ssyncadd.s32 $0xFFFFC000  }
0xcb: {  	[spmem:s2] =	stream.indirect.scatter.add.f32 [tilespmem:s17], [sflag:$0x3], $0x80, s8, s15, $0xb8;
	[tilespmem:$0x1D000] =	vst v63  }
0xcc: {  	_ =	swait.ge [sflag:s18], $0x4000  }
0xcd: {  	[sflag:s18] =	ssyncset.done $0x0  }
0xce: {  	[sflag:s18] =	ssyncadd.s32 $0xFFFFC000  }
0xcf: {  	[tilespmem:s12], [sflag:$0x1] =	stream.indirect.gather [hbm4b:s4+s15], $0x80, s7, s15, $0xb8;
	[tilespmem:$0x1D000] =	vst v63  }
0xd0: {  	_ =	swait.ge [sflag:s16], $0x4000  }
0xd1: {  	[sflag:s16] =	ssyncset.done $0x0  }
0xd2: {  	[sflag:s16] =	ssyncadd.s32 $0xFFFFC000  }
0xd3: {  	s10 =	simm.s32 $0x100;
	_ =	swait.ge [sflag:s19], $0x4000  }
0xd4: {  	s11 =	simm.s32 $0x200;
	s5 =	rddreg [dreg:$0x5];
	[sflag:s19] =	ssyncset.done $0x0  }
.LBB2_4:
0xd5: {  	[sflag:s19] =	ssyncadd.s32 $0xFFFFC000;
	s5 =	sadd.s32 s10, s5  }
0xd6: {  	[tilespmem:s3], [sflag:$0x4] =	stream.linear.gather [hbm4b:s5+s3], $0x800, $0x38;
	[tilespmem:$0x1D000] =	vst v63  }
0xd7: {  	_ =	swait.ge [sflag:s13], $0x800  }
0xd8: {  	s5 =	rddreg [dreg:$0x4];
	[sflag:s13] =	ssyncset.done $0x0  }
0xd9: {  	[sflag:s13] =	ssyncadd.s32 $0xFFFFF800;
	s5 =	sadd.s32 s10, s5  }
0xda: {  	[tilespmem:s14], [sflag:$0x4] =	stream.linear.gather [hbm4b:s5+s3], $0x800, $0x38;
	[tilespmem:$0x1D000] =	vst v63  }
0xdb: {  	_ =	swait.ge [sflag:s13], $0x800  }
0xdc: {  	[sflag:s13] =	ssyncset.done $0x0  }
0xdd: {  	[sflag:s13] =	ssyncadd.s32 $0xFFFFF800  }
0xde: {  	[tilespmem:s12], [sflag:$0x1] =	stream.indirect.gather [hbm4b:s4+s15], $0x80, s3, s15, $0xb8;
	[tilespmem:$0x1D000] =	vst v63  }
0xdf: {  	_ =	swait.ge [sflag:s16], $0x4000  }
0xe0: {  	[sflag:s16] =	ssyncset.done $0x0  }
0xe1: {  	[sflag:s16] =	ssyncadd.s32 $0xFFFFC000  }
0xe2: {  	[spmem:s2] =	stream.indirect.scatter.add.f32 [tilespmem:s12], [sflag:$0x2], $0x80, s14, s15, $0xb8;
	[tilespmem:$0x1D000] =	vst v63  }
0xe3: {  	_ = 	snop  }
0xe4: {  	[tilespmem:s17], [sflag:$0x1] =	stream.indirect.gather [hbm4b:s4+s15], $0x80, s15, s15, $0xb8;
	[tilespmem:$0x1D000] =	vst v63  }
0xe5: {  	_ =	swait.ge [sflag:s16], $0x4000  }
0xe6: {  	s9 =	smov.u32 s11;
	[sflag:s16] =	ssyncset.done $0x0  }
0xe7: {  	s10 =	smov.u32 s9;
	s9 =	rddreg [dreg:$0x6];
	[sflag:s16] =	ssyncadd.s32 $0xFFFFC000  }
0xe8: {  	[spmem:s2] =	stream.indirect.scatter.add.f32 [tilespmem:s17], [sflag:$0x3], $0x80, s9, s15, $0xb8;
	[tilespmem:$0x1D000] =	vst v63  }
0xe9: {  	_ =	swait.ge [sflag:s18], $0x4000  }
0xea: {  	[sflag:s18] =	ssyncset.done $0x0  }
0xeb: {  	s9 =	rddreg [dreg:$0x7];
	[sflag:s18] =	ssyncadd.s32 $0xFFFFC000  }
0xec: {  	[tilespmem:s12], [sflag:$0x1] =	stream.indirect.gather [hbm4b:s4+s15], $0x80, s9, s15, $0xb8;
	[tilespmem:$0x1D000] =	vst v63  }
0xed: {  	_ =	swait.ge [sflag:s16], $0x4000  }
0xee: {  	[sflag:s16] =	ssyncset.done $0x0  }
0xef: {  	s9 =	rddreg [dreg:$0x8];
	[sflag:s16] =	ssyncadd.s32 $0xFFFFC000  }
0xf0: {  	[spmem:s2] =	stream.indirect.scatter.add.f32 [tilespmem:s12], [sflag:$0x2], $0x80, s9, s15, $0xb8;
	[tilespmem:$0x1D000] =	vst v63  }
0xf1: {  	_ =	swait.ge [sflag:s19], $0x4000  }
0xf2: {  	[sflag:s19] =	ssyncset.done $0x0  }
0xf3: {  	s9 =	rddreg [dreg:$0x9];
	[sflag:s19] =	ssyncadd.s32 $0xFFFFC000  }
0xf4: {  	[tilespmem:s17], [sflag:$0x1] =	stream.indirect.gather [hbm4b:s4+s15], $0x80, s9, s15, $0xb8;
	[tilespmem:$0x1D000] =	vst v63  }
0xf5: {  	_ =	swait.ge [sflag:s16], $0x4000  }
0xf6: {  	[sflag:s16] =	ssyncset.done $0x0  }
0xf7: {  	s9 =	rddreg [dreg:$0xa];
	[sflag:s16] =	ssyncadd.s32 $0xFFFFC000  }
0xf8: {  	[spmem:s2] =	stream.indirect.scatter.add.f32 [tilespmem:s17], [sflag:$0x3], $0x80, s9, s15, $0xb8;
	[tilespmem:$0x1D000] =	vst v63  }
0xf9: {  	_ =	swait.ge [sflag:s18], $0x4000  }
0xfa: {  	[sflag:s18] =	ssyncset.done $0x0  }
0xfb: {  	s9 =	rddreg [dreg:$0xb];
	[sflag:s18] =	ssyncadd.s32 $0xFFFFC000  }
0xfc: {  	[tilespmem:s12], [sflag:$0x1] =	stream.indirect.gather [hbm4b:s4+s15], $0x80, s9, s15, $0xb8;
	[tilespmem:$0x1D000] =	vst v63  }
0xfd: {  	_ =	swait.ge [sflag:s16], $0x4000  }
0xfe: {  	[sflag:s16] =	ssyncset.done $0x0  }
0xff: {  	s9 =	rddreg [dreg:$0xc];
	[sflag:s16] =	ssyncadd.s32 $0xFFFFC000  }
0x100: {  	[spmem:s2] =	stream.indirect.scatter.add.f32 [tilespmem:s12], [sflag:$0x2], $0x80, s9, s15, $0xb8;
	[tilespmem:$0x1D000] =	vst v63  }
0x101: {  	_ =	swait.ge [sflag:s19], $0x4000  }
0x102: {  	[sflag:s19] =	ssyncset.done $0x0  }
0x103: {  	s9 =	rddreg [dreg:$0xd];
	[sflag:s19] =	ssyncadd.s32 $0xFFFFC000  }
0x104: {  	[tilespmem:s17], [sflag:$0x1] =	stream.indirect.gather [hbm4b:s4+s15], $0x80, s9, s15, $0xb8;
	[tilespmem:$0x1D000] =	vst v63  }
0x105: {  	_ =	swait.ge [sflag:s16], $0x4000  }
0x106: {  	[sflag:s16] =	ssyncset.done $0x0  }
0x107: {  	s9 =	rddreg [dreg:$0xe];
	[sflag:s16] =	ssyncadd.s32 $0xFFFFC000  }
0x108: {  	[spmem:s2] =	stream.indirect.scatter.add.f32 [tilespmem:s17], [sflag:$0x3], $0x80, s9, s15, $0xb8;
	[tilespmem:$0x1D000] =	vst v63  }
0x109: {  	_ =	swait.ge [sflag:s18], $0x4000  }
0x10a: {  	[sflag:s18] =	ssyncset.done $0x0  }
0x10b: {  	s9 =	rddreg [dreg:$0xf];
	[sflag:s18] =	ssyncadd.s32 $0xFFFFC000  }
0x10c: {  	[tilespmem:s12], [sflag:$0x1] =	stream.indirect.gather [hbm4b:s4+s15], $0x80, s9, s15, $0xb8;
	[tilespmem:$0x1D000] =	vst v63  }
0x10d: {  	_ =	swait.ge [sflag:s16], $0x4000  }
0x10e: {  	[sflag:s16] =	ssyncset.done $0x0  }
0x10f: {  	s9 =	rddreg [dreg:$0x10];
	[sflag:s16] =	ssyncadd.s32 $0xFFFFC000  }
0x110: {  	[spmem:s2] =	stream.indirect.scatter.add.f32 [tilespmem:s12], [sflag:$0x2], $0x80, s9, s15, $0xb8;
	[tilespmem:$0x1D000] =	vst v63  }
0x111: {  	_ =	swait.ge [sflag:s19], $0x4000  }
0x112: {  	[sflag:s19] =	ssyncset.done $0x0  }
0x113: {  	s9 =	rddreg [dreg:$0x11];
	[sflag:s19] =	ssyncadd.s32 $0xFFFFC000  }
0x114: {  	[tilespmem:s17], [sflag:$0x1] =	stream.indirect.gather [hbm4b:s4+s15], $0x80, s9, s15, $0xb8;
	[tilespmem:$0x1D000] =	vst v63  }
0x115: {  	_ =	swait.ge [sflag:s16], $0x4000  }
0x116: {  	[sflag:s16] =	ssyncset.done $0x0  }
0x117: {  	s9 =	rddreg [dreg:$0x12];
	[sflag:s16] =	ssyncadd.s32 $0xFFFFC000  }
0x118: {  	[spmem:s2] =	stream.indirect.scatter.add.f32 [tilespmem:s17], [sflag:$0x3], $0x80, s9, s15, $0xb8;
	[tilespmem:$0x1D000] =	vst v63  }
0x119: {  	_ =	swait.ge [sflag:s18], $0x4000  }
0x11a: {  	[sflag:s18] =	ssyncset.done $0x0  }
0x11b: {  	[sflag:s18] =	ssyncadd.s32 $0xFFFFC000  }
0x11c: {  	[tilespmem:s12], [sflag:$0x1] =	stream.indirect.gather [hbm4b:s4+s15], $0x80, s20, s15, $0xb8;
	[tilespmem:$0x1D000] =	vst v63  }
0x11d: {  	_ =	swait.ge [sflag:s16], $0x4000  }
0x11e: {  	[sflag:s16] =	ssyncset.done $0x0  }
0x11f: {  	[sflag:s16] =	ssyncadd.s32 $0xFFFFC000  }
0x120: {  	[spmem:s2] =	stream.indirect.scatter.add.f32 [tilespmem:s12], [sflag:$0x2], $0x80, s21, s15, $0xb8;
	[tilespmem:$0x1D000] =	vst v63  }
0x121: {  	_ =	swait.ge [sflag:s19], $0x4000  }
0x122: {  	[sflag:s19] =	ssyncset.done $0x0  }
0x123: {  	[sflag:s19] =	ssyncadd.s32 $0xFFFFC000  }
0x124: {  	[tilespmem:s17], [sflag:$0x1] =	stream.indirect.gather [hbm4b:s4+s15], $0x80, s22, s15, $0xb8;
	[tilespmem:$0x1D000] =	vst v63  }
0x125: {  	_ =	swait.ge [sflag:s16], $0x4000  }
0x126: {  	[sflag:s16] =	ssyncset.done $0x0  }
0x127: {  	[sflag:s16] =	ssyncadd.s32 $0xFFFFC000  }
0x128: {  	[spmem:s2] =	stream.indirect.scatter.add.f32 [tilespmem:s17], [sflag:$0x3], $0x80, s23, s15, $0xb8;
	[tilespmem:$0x1D000] =	vst v63  }
0x129: {  	_ =	swait.ge [sflag:s18], $0x4000  }
0x12a: {  	[sflag:s18] =	ssyncset.done $0x0  }
0x12b: {  	[sflag:s18] =	ssyncadd.s32 $0xFFFFC000  }
0x12c: {  	[tilespmem:s12], [sflag:$0x1] =	stream.indirect.gather [hbm4b:s4+s15], $0x80, s24, s15, $0xb8;
	[tilespmem:$0x1D000] =	vst v63  }
0x12d: {  	_ =	swait.ge [sflag:s16], $0x4000  }
0x12e: {  	[sflag:s16] =	ssyncset.done $0x0  }
0x12f: {  	[sflag:s16] =	ssyncadd.s32 $0xFFFFC000  }
0x130: {  	[spmem:s2] =	stream.indirect.scatter.add.f32 [tilespmem:s12], [sflag:$0x2], $0x80, s25, s15, $0xb8;
	[tilespmem:$0x1D000] =	vst v63  }
0x131: {  	_ =	swait.ge [sflag:s19], $0x4000  }
0x132: {  	[sflag:s19] =	ssyncset.done $0x0  }
0x133: {  	[sflag:s19] =	ssyncadd.s32 $0xFFFFC000  }
0x134: {  	[tilespmem:s17], [sflag:$0x1] =	stream.indirect.gather [hbm4b:s4+s15], $0x80, s26, s15, $0xb8;
	[tilespmem:$0x1D000] =	vst v63  }
0x135: {  	_ =	swait.ge [sflag:s16], $0x4000  }
0x136: {  	[sflag:s16] =	ssyncset.done $0x0  }
0x137: {  	[sflag:s16] =	ssyncadd.s32 $0xFFFFC000  }
0x138: {  	[spmem:s2] =	stream.indirect.scatter.add.f32 [tilespmem:s17], [sflag:$0x3], $0x80, s28, s15, $0xb8;
	[tilespmem:$0x1D000] =	vst v63  }
0x139: {  	_ =	swait.ge [sflag:s18], $0x4000  }
0x13a: {  	[sflag:s18] =	ssyncset.done $0x0  }
0x13b: {  	[sflag:s18] =	ssyncadd.s32 $0xFFFFC000  }
0x13c: {  	[tilespmem:s12], [sflag:$0x1] =	stream.indirect.gather [hbm4b:s4+s15], $0x80, s29, s15, $0xb8;
	[tilespmem:$0x1D000] =	vst v63  }
0x13d: {  	_ =	swait.ge [sflag:s16], $0x4000  }
0x13e: {  	[sflag:s16] =	ssyncset.done $0x0  }
0x13f: {  	[sflag:s16] =	ssyncadd.s32 $0xFFFFC000  }
0x140: {  	[spmem:s2] =	stream.indirect.scatter.add.f32 [tilespmem:s12], [sflag:$0x2], $0x80, s30, s15, $0xb8;
	[tilespmem:$0x1D000] =	vst v63  }
0x141: {  	_ =	swait.ge [sflag:s19], $0x4000  }
0x142: {  	[sflag:s19] =	ssyncset.done $0x0  }
0x143: {  	[sflag:s19] =	ssyncadd.s32 $0xFFFFC000  }
0x144: {  	[tilespmem:s17], [sflag:$0x1] =	stream.indirect.gather [hbm4b:s4+s15], $0x80, s31, s15, $0xb8;
	[tilespmem:$0x1D000] =	vst v63  }
0x145: {  	_ =	swait.ge [sflag:s16], $0x4000  }
0x146: {  	[sflag:s16] =	ssyncset.done $0x0  }
0x147: {  	[sflag:s16] =	ssyncadd.s32 $0xFFFFC000  }
0x148: {  	[spmem:s2] =	stream.indirect.scatter.add.f32 [tilespmem:s17], [sflag:$0x3], $0x80, s1, s15, $0xb8;
	[tilespmem:$0x1D000] =	vst v63  }
0x149: {  	_ =	swait.ge [sflag:s18], $0x4000  }
0x14a: {  	[sflag:s18] =	ssyncset.done $0x0  }
0x14b: {  	[sflag:s18] =	ssyncadd.s32 $0xFFFFC000  }
0x14c: {  	[tilespmem:s12], [sflag:$0x1] =	stream.indirect.gather [hbm4b:s4+s15], $0x80, s0, s15, $0xb8;
	[tilespmem:$0x1D000] =	vst v63  }
0x14d: {  	_ =	swait.ge [sflag:s16], $0x4000  }
0x14e: {  	[sflag:s16] =	ssyncset.done $0x0  }
0x14f: {  	[sflag:s16] =	ssyncadd.s32 $0xFFFFC000  }
0x150: {  	[spmem:s2] =	stream.indirect.scatter.add.f32 [tilespmem:s12], [sflag:$0x2], $0x80, s6, s15, $0xb8;
	[tilespmem:$0x1D000] =	vst v63  }
0x151: {  	_ =	swait.ge [sflag:s19], $0x4000  }
0x152: {  	[sflag:s19] =	ssyncset.done $0x0  }
0x153: {  	[sflag:s19] =	ssyncadd.s32 $0xFFFFC000  }
0x154: {  	[tilespmem:s17], [sflag:$0x1] =	stream.indirect.gather [hbm4b:s4+s15], $0x80, s7, s15, $0xb8;
	[tilespmem:$0x1D000] =	vst v63  }
0x155: {  	_ =	swait.ge [sflag:s16], $0x4000  }
0x156: {  	[sflag:s16] =	ssyncset.done $0x0  }
0x157: {  	[sflag:s16] =	ssyncadd.s32 $0xFFFFC000  }
0x158: {  	[spmem:s2] =	stream.indirect.scatter.add.f32 [tilespmem:s17], [sflag:$0x3], $0x80, s8, s15, $0xb8;
	[tilespmem:$0x1D000] =	vst v63  }
0x159: {  	_ =	swait.ge [sflag:s18], $0x4000  }
0x15a: {  	[sflag:s18] =	ssyncset.done $0x0  }
0x15b: {  	p0 =	sne.s32 s11, $0x400;
	[sflag:s18] =	ssyncadd.s32 $0xFFFFC000  }
0x15c: {  	[tilespmem:s12], [sflag:$0x1] =	stream.indirect.gather [hbm4b:s4+s15], $0x80, s7, s15, $0xb8;
	[tilespmem:$0x1D000] =	vst v63  }
.Ltmp1:
0x15d: {  	_ =	swait.ge [sflag:s16], $0x4000;
	(pc) =	sbr.rel @p0 .LBB2_4-.Ltmp1, $4  }
0x15e: {  	[sflag:s16] =	ssyncset.done $0x0  }
0x15f: {  	[sflag:s16] =	ssyncadd.s32 $0xFFFFC000  }
0x160: {  	_ =	swait.ge [sflag:s19], $0x4000  }
0x161: {  	s11 =	sadd.s32 $0x100, s11;
	s5 =	rddreg [dreg:$0x5];
	[sflag:s19] =	ssyncset.done $0x0  }
0x162: {  	[sflag:s19] =	ssyncadd.s32 $0xFFFFC000;
	s5 =	sadd.s32 s10, s5  }
0x163: {  	[tilespmem:s3], [sflag:$0x4] =	stream.linear.gather [hbm4b:s5+s3], $0x800, $0x38;
	[tilespmem:$0x1D000] =	vst v63  }
0x164: {  	_ =	swait.ge [sflag:s13], $0x800  }
0x165: {  	s11 =	rddreg [dreg:$0x4];
	[sflag:s13] =	ssyncset.done $0x0  }
0x166: {  	[sflag:s13] =	ssyncadd.s32 $0xFFFFF800;
	s5 =	sadd.s32 s10, s11  }
0x167: {  	[tilespmem:s14], [sflag:$0x4] =	stream.linear.gather [hbm4b:s5+s3], $0x800, $0x38;
	[tilespmem:$0x1D000] =	vst v63  }
0x168: {  	_ =	swait.ge [sflag:s13], $0x800  }
0x169: {  	[sflag:s13] =	ssyncset.done $0x0  }
0x16a: {  	[sflag:s13] =	ssyncadd.s32 $0xFFFFF800  }
0x16b: {  	[tilespmem:s12], [sflag:$0x1] =	stream.indirect.gather [hbm4b:s4+s15], $0x80, s3, s15, $0xb8;
	[tilespmem:$0x1D000] =	vst v63  }
0x16c: {  	_ =	swait.ge [sflag:s16], $0x4000  }
0x16d: {  	[sflag:s16] =	ssyncset.done $0x0  }
0x16e: {  	[sflag:s16] =	ssyncadd.s32 $0xFFFFC000  }
0x16f: {  	[spmem:s2] =	stream.indirect.scatter.add.f32 [tilespmem:s12], [sflag:$0x2], $0x80, s14, s15, $0xb8;
	[tilespmem:$0x1D000] =	vst v63  }
0x170: {  	_ = 	snop  }
0x171: {  	[tilespmem:s17], [sflag:$0x1] =	stream.indirect.gather [hbm4b:s4+s15], $0x80, s15, s15, $0xb8;
	[tilespmem:$0x1D000] =	vst v63  }
0x172: {  	_ =	swait.ge [sflag:s16], $0x4000  }
0x173: {  	[sflag:s16] =	ssyncset.done $0x0  }
0x174: {  	s9 =	rddreg [dreg:$0x6];
	[sflag:s16] =	ssyncadd.s32 $0xFFFFC000  }
0x175: {  	[spmem:s2] =	stream.indirect.scatter.add.f32 [tilespmem:s17], [sflag:$0x3], $0x80, s9, s15, $0xb8;
	[tilespmem:$0x1D000] =	vst v63  }
0x176: {  	_ =	swait.ge [sflag:s18], $0x4000  }
0x177: {  	[sflag:s18] =	ssyncset.done $0x0  }
0x178: {  	s10 =	rddreg [dreg:$0x7];
	[sflag:s18] =	ssyncadd.s32 $0xFFFFC000  }
0x179: {  	[tilespmem:s12], [sflag:$0x1] =	stream.indirect.gather [hbm4b:s4+s15], $0x80, s10, s15, $0xb8;
	[tilespmem:$0x1D000] =	vst v63  }
0x17a: {  	_ =	swait.ge [sflag:s16], $0x4000  }
0x17b: {  	[sflag:s16] =	ssyncset.done $0x0  }
0x17c: {  	s11 =	rddreg [dreg:$0x8];
	[sflag:s16] =	ssyncadd.s32 $0xFFFFC000  }
0x17d: {  	[spmem:s2] =	stream.indirect.scatter.add.f32 [tilespmem:s12], [sflag:$0x2], $0x80, s11, s15, $0xb8;
	[tilespmem:$0x1D000] =	vst v63  }
0x17e: {  	_ =	swait.ge [sflag:s19], $0x4000  }
0x17f: {  	[sflag:s19] =	ssyncset.done $0x0  }
0x180: {  	s9 =	rddreg [dreg:$0x9];
	[sflag:s19] =	ssyncadd.s32 $0xFFFFC000  }
0x181: {  	[tilespmem:s17], [sflag:$0x1] =	stream.indirect.gather [hbm4b:s4+s15], $0x80, s9, s15, $0xb8;
	[tilespmem:$0x1D000] =	vst v63  }
0x182: {  	_ =	swait.ge [sflag:s16], $0x4000  }
0x183: {  	[sflag:s16] =	ssyncset.done $0x0  }
0x184: {  	s10 =	rddreg [dreg:$0xa];
	[sflag:s16] =	ssyncadd.s32 $0xFFFFC000  }
0x185: {  	[spmem:s2] =	stream.indirect.scatter.add.f32 [tilespmem:s17], [sflag:$0x3], $0x80, s10, s15, $0xb8;
	[tilespmem:$0x1D000] =	vst v63  }
0x186: {  	_ =	swait.ge [sflag:s18], $0x4000  }
0x187: {  	[sflag:s18] =	ssyncset.done $0x0  }
0x188: {  	s11 =	rddreg [dreg:$0xb];
	[sflag:s18] =	ssyncadd.s32 $0xFFFFC000  }
0x189: {  	[tilespmem:s12], [sflag:$0x1] =	stream.indirect.gather [hbm4b:s4+s15], $0x80, s11, s15, $0xb8;
	[tilespmem:$0x1D000] =	vst v63  }
0x18a: {  	_ =	swait.ge [sflag:s16], $0x4000  }
0x18b: {  	[sflag:s16] =	ssyncset.done $0x0  }
0x18c: {  	s9 =	rddreg [dreg:$0xc];
	[sflag:s16] =	ssyncadd.s32 $0xFFFFC000  }
0x18d: {  	[spmem:s2] =	stream.indirect.scatter.add.f32 [tilespmem:s12], [sflag:$0x2], $0x80, s9, s15, $0xb8;
	[tilespmem:$0x1D000] =	vst v63  }
0x18e: {  	_ =	swait.ge [sflag:s19], $0x4000  }
0x18f: {  	[sflag:s19] =	ssyncset.done $0x0  }
0x190: {  	s10 =	rddreg [dreg:$0xd];
	[sflag:s19] =	ssyncadd.s32 $0xFFFFC000  }
0x191: {  	[tilespmem:s17], [sflag:$0x1] =	stream.indirect.gather [hbm4b:s4+s15], $0x80, s10, s15, $0xb8;
	[tilespmem:$0x1D000] =	vst v63  }
0x192: {  	_ =	swait.ge [sflag:s16], $0x4000  }
0x193: {  	[sflag:s16] =	ssyncset.done $0x0  }
0x194: {  	s11 =	rddreg [dreg:$0xe];
	[sflag:s16] =	ssyncadd.s32 $0xFFFFC000  }
0x195: {  	[spmem:s2] =	stream.indirect.scatter.add.f32 [tilespmem:s17], [sflag:$0x3], $0x80, s11, s15, $0xb8;
	[tilespmem:$0x1D000] =	vst v63  }
0x196: {  	_ =	swait.ge [sflag:s18], $0x4000  }
0x197: {  	[sflag:s18] =	ssyncset.done $0x0  }
0x198: {  	s9 =	rddreg [dreg:$0xf];
	[sflag:s18] =	ssyncadd.s32 $0xFFFFC000  }
0x199: {  	[tilespmem:s12], [sflag:$0x1] =	stream.indirect.gather [hbm4b:s4+s15], $0x80, s9, s15, $0xb8;
	[tilespmem:$0x1D000] =	vst v63  }
0x19a: {  	_ =	swait.ge [sflag:s16], $0x4000  }
0x19b: {  	[sflag:s16] =	ssyncset.done $0x0  }
0x19c: {  	s10 =	rddreg [dreg:$0x10];
	[sflag:s16] =	ssyncadd.s32 $0xFFFFC000  }
0x19d: {  	[spmem:s2] =	stream.indirect.scatter.add.f32 [tilespmem:s12], [sflag:$0x2], $0x80, s10, s15, $0xb8;
	[tilespmem:$0x1D000] =	vst v63  }
0x19e: {  	_ =	swait.ge [sflag:s19], $0x4000  }
0x19f: {  	[sflag:s19] =	ssyncset.done $0x0  }
0x1a0: {  	s11 =	rddreg [dreg:$0x11];
	[sflag:s19] =	ssyncadd.s32 $0xFFFFC000  }
0x1a1: {  	[tilespmem:s17], [sflag:$0x1] =	stream.indirect.gather [hbm4b:s4+s15], $0x80, s11, s15, $0xb8;
	[tilespmem:$0x1D000] =	vst v63  }
0x1a2: {  	_ =	swait.ge [sflag:s16], $0x4000  }
0x1a3: {  	[sflag:s16] =	ssyncset.done $0x0  }
0x1a4: {  	s9 =	rddreg [dreg:$0x12];
	[sflag:s16] =	ssyncadd.s32 $0xFFFFC000  }
0x1a5: {  	[spmem:s2] =	stream.indirect.scatter.add.f32 [tilespmem:s17], [sflag:$0x3], $0x80, s9, s15, $0xb8;
	[tilespmem:$0x1D000] =	vst v63  }
0x1a6: {  	_ =	swait.ge [sflag:s18], $0x4000  }
0x1a7: {  	[sflag:s18] =	ssyncset.done $0x0  }
0x1a8: {  	[sflag:s18] =	ssyncadd.s32 $0xFFFFC000  }
0x1a9: {  	[tilespmem:s12], [sflag:$0x1] =	stream.indirect.gather [hbm4b:s4+s15], $0x80, s20, s15, $0xb8;
	[tilespmem:$0x1D000] =	vst v63  }
0x1aa: {  	_ =	swait.ge [sflag:s16], $0x4000  }
0x1ab: {  	[sflag:s16] =	ssyncset.done $0x0  }
0x1ac: {  	[sflag:s16] =	ssyncadd.s32 $0xFFFFC000  }
0x1ad: {  	[spmem:s2] =	stream.indirect.scatter.add.f32 [tilespmem:s12], [sflag:$0x2], $0x80, s21, s15, $0xb8;
	[tilespmem:$0x1D000] =	vst v63  }
0x1ae: {  	_ =	swait.ge [sflag:s19], $0x4000  }
0x1af: {  	[sflag:s19] =	ssyncset.done $0x0  }
0x1b0: {  	[sflag:s19] =	ssyncadd.s32 $0xFFFFC000  }
0x1b1: {  	[tilespmem:s17], [sflag:$0x1] =	stream.indirect.gather [hbm4b:s4+s15], $0x80, s22, s15, $0xb8;
	[tilespmem:$0x1D000] =	vst v63  }
0x1b2: {  	_ =	swait.ge [sflag:s16], $0x4000  }
0x1b3: {  	[sflag:s16] =	ssyncset.done $0x0  }
0x1b4: {  	[sflag:s16] =	ssyncadd.s32 $0xFFFFC000  }
0x1b5: {  	[spmem:s2] =	stream.indirect.scatter.add.f32 [tilespmem:s17], [sflag:$0x3], $0x80, s23, s15, $0xb8;
	[tilespmem:$0x1D000] =	vst v63  }
0x1b6: {  	_ =	swait.ge [sflag:s18], $0x4000  }
0x1b7: {  	[sflag:s18] =	ssyncset.done $0x0  }
0x1b8: {  	[sflag:s18] =	ssyncadd.s32 $0xFFFFC000  }
0x1b9: {  	[tilespmem:s12], [sflag:$0x1] =	stream.indirect.gather [hbm4b:s4+s15], $0x80, s24, s15, $0xb8;
	[tilespmem:$0x1D000] =	vst v63  }
0x1ba: {  	_ =	swait.ge [sflag:s16], $0x4000  }
0x1bb: {  	[sflag:s16] =	ssyncset.done $0x0  }
0x1bc: {  	[sflag:s16] =	ssyncadd.s32 $0xFFFFC000  }
0x1bd: {  	[spmem:s2] =	stream.indirect.scatter.add.f32 [tilespmem:s12], [sflag:$0x2], $0x80, s25, s15, $0xb8;
	[tilespmem:$0x1D000] =	vst v63  }
0x1be: {  	_ =	swait.ge [sflag:s19], $0x4000  }
0x1bf: {  	[sflag:s19] =	ssyncset.done $0x0  }
0x1c0: {  	[sflag:s19] =	ssyncadd.s32 $0xFFFFC000  }
0x1c1: {  	[tilespmem:s17], [sflag:$0x1] =	stream.indirect.gather [hbm4b:s4+s15], $0x80, s26, s15, $0xb8;
	[tilespmem:$0x1D000] =	vst v63  }
0x1c2: {  	_ =	swait.ge [sflag:s16], $0x4000  }
0x1c3: {  	[sflag:s16] =	ssyncset.done $0x0  }
0x1c4: {  	[sflag:s16] =	ssyncadd.s32 $0xFFFFC000  }
0x1c5: {  	[spmem:s2] =	stream.indirect.scatter.add.f32 [tilespmem:s17], [sflag:$0x3], $0x80, s28, s15, $0xb8;
	[tilespmem:$0x1D000] =	vst v63  }
0x1c6: {  	_ =	swait.ge [sflag:s18], $0x4000  }
0x1c7: {  	[sflag:s18] =	ssyncset.done $0x0  }
0x1c8: {  	[sflag:s18] =	ssyncadd.s32 $0xFFFFC000  }
0x1c9: {  	[tilespmem:s12], [sflag:$0x1] =	stream.indirect.gather [hbm4b:s4+s15], $0x80, s29, s15, $0xb8;
	[tilespmem:$0x1D000] =	vst v63  }
0x1ca: {  	_ =	swait.ge [sflag:s16], $0x4000  }
0x1cb: {  	[sflag:s16] =	ssyncset.done $0x0  }
0x1cc: {  	[sflag:s16] =	ssyncadd.s32 $0xFFFFC000  }
0x1cd: {  	[spmem:s2] =	stream.indirect.scatter.add.f32 [tilespmem:s12], [sflag:$0x2], $0x80, s30, s15, $0xb8;
	[tilespmem:$0x1D000] =	vst v63  }
0x1ce: {  	_ =	swait.ge [sflag:s19], $0x4000  }
0x1cf: {  	[sflag:s19] =	ssyncset.done $0x0  }
0x1d0: {  	[sflag:s19] =	ssyncadd.s32 $0xFFFFC000  }
0x1d1: {  	[tilespmem:s17], [sflag:$0x1] =	stream.indirect.gather [hbm4b:s4+s15], $0x80, s31, s15, $0xb8;
	[tilespmem:$0x1D000] =	vst v63  }
0x1d2: {  	_ =	swait.ge [sflag:s16], $0x4000  }
0x1d3: {  	[sflag:s16] =	ssyncset.done $0x0  }
0x1d4: {  	[sflag:s16] =	ssyncadd.s32 $0xFFFFC000  }
0x1d5: {  	[spmem:s2] =	stream.indirect.scatter.add.f32 [tilespmem:s17], [sflag:$0x3], $0x80, s1, s15, $0xb8;
	[tilespmem:$0x1D000] =	vst v63  }
0x1d6: {  	_ =	swait.ge [sflag:s18], $0x4000  }
0x1d7: {  	[sflag:s18] =	ssyncset.done $0x0  }
0x1d8: {  	[sflag:s18] =	ssyncadd.s32 $0xFFFFC000  }
0x1d9: {  	[tilespmem:s12], [sflag:$0x1] =	stream.indirect.gather [hbm4b:s4+s15], $0x80, s0, s15, $0xb8;
	[tilespmem:$0x1D000] =	vst v63  }
0x1da: {  	_ =	swait.ge [sflag:s16], $0x4000  }
0x1db: {  	[sflag:s16] =	ssyncset.done $0x0  }
0x1dc: {  	[sflag:s16] =	ssyncadd.s32 $0xFFFFC000  }
0x1dd: {  	[spmem:s2] =	stream.indirect.scatter.add.f32 [tilespmem:s12], [sflag:$0x2], $0x80, s6, s15, $0xb8;
	[tilespmem:$0x1D000] =	vst v63  }
0x1de: {  	_ =	swait.ge [sflag:s19], $0x4000  }
0x1df: {  	[sflag:s19] =	ssyncset.done $0x0  }
0x1e0: {  	[sflag:s19] =	ssyncadd.s32 $0xFFFFC000  }
0x1e1: {  	[tilespmem:s17], [sflag:$0x1] =	stream.indirect.gather [hbm4b:s4+s15], $0x80, s7, s15, $0xb8;
	[tilespmem:$0x1D000] =	vst v63  }
0x1e2: {  	_ =	swait.ge [sflag:s16], $0x4000  }
0x1e3: {  	[sflag:s16] =	ssyncset.done $0x0  }
0x1e4: {  	[sflag:s16] =	ssyncadd.s32 $0xFFFFC000  }
0x1e5: {  	[spmem:s2] =	stream.indirect.scatter.add.f32 [tilespmem:s17], [sflag:$0x3], $0x80, s8, s15, $0xb8;
	[tilespmem:$0x1D000] =	vst v63  }
0x1e6: {  	_ =	swait.ge [sflag:s18], $0x4000  }
0x1e7: {  	[sflag:s18] =	ssyncset.done $0x0  }
0x1e8: {  	[sflag:s18] =	ssyncadd.s32 $0xFFFFC000  }
0x1e9: {  	[tilespmem:s12], [sflag:$0x1] =	stream.indirect.gather [hbm4b:s4+s15], $0x80, s7, s15, $0xb8;
	[tilespmem:$0x1D000] =	vst v63  }
0x1ea: {  	_ =	swait.ge [sflag:s16], $0x4000  }
0x1eb: {  	[sflag:s16] =	ssyncset.done $0x0  }
0x1ec: {  	[sflag:s16] =	ssyncadd.s32 $0xFFFFC000  }
0x1ed: {  	_ =	swait.ge [sflag:s19], $0x4000  }
0x1ee: {  	[sflag:s19] =	ssyncset.done $0x0  }
0x1ef: {  	[sflag:s19] =	ssyncadd.s32 $0xFFFFC000  }
0x1f0: {  	s10 =	stileid.u32;
	[bflag:$0x0] =	sbarrier.arrive $0xFFFF  }
0x1f1: {  	s5 =	sshll.u32 s10, $0x6;
	s9 =	rddreg [dreg:$0x13]  }
0x1f2: {  	s5 =	sor.u32 $0x1C04, s5;
	s11 =	rddreg [dreg:$0x18];
	s9 =	sshrl.u32 s9, $0x3  }
0x1f3: {  	[hbm:s11], [sflag:s5] =	dma.local [spmem:s9], $0x2800  }
0x1f4: {  	_ =	swait.ge [sflag:s13], $0x2800  }
0x1f5: {  	s10 =	rddreg [dreg:$0x1a]  }
0x1f6: {  	s11 =	rddreg [dreg:$0x19];
	s9 =	sadd.s32 $0x1, s10  }
0x1f7: {  	p0 =	sne.s32 s9, s11  }
.Ltmp2:
0x1f8: {  	_ = 	snop;
	(pc) =	sbr.rel @p0 .LBB2_1-.Ltmp2, $3  }
0x1f9: {  	_ =	sdelay $0x1  }
0x1fa: {  	[sflag:s13] =	ssyncset.done $0x0  }
0x1fb: {  	[sflag:s13] =	ssyncadd.s32 $0xFFFFD800  }
0x1fc: {  	_ =	sfence.sel $0x180000  }
0x1fd: {  	[bflag:$0x0] =	sbarrier.arrive $0xFFFF  }
0x1fe: {  	_ =	strace $0x9000004D  }
0x1ff: {  	s0 =	stileid.u32;
	[bflag:$0x2] =	sbarrier.arrive $0xFFFF  }
0x200: {  	p0 =	sne.s32 s0, $0x0;
	s0 =	rddreg [dreg:$0x3]  }
0x201: {  	s0 =	sadd.s32 @!p0 $0x100000, s0  }
0x202: {  	[sflag:s0] =	ssyncadd.tile.s32 @!p0 $0x1;
	_ =	shalt  }
.Lfunc_end2:
_tile_overlayer_lowered:
.L_overlay_start_2:
0x203: {  	(tag) =	ssettag $0x2  }
0x204: {  	s0 =	rddreg [dreg:$0x0];
	s2 =	stileid.u32  }
0x205: {  	s1 =	rddreg [dreg:$0x1];
	p0 =	sne.s32 s2, $0x0  }
0x206: {  	s3 =	rddreg [dreg:$0x2];
	[bflag:$0x3] =	sbarrier.arrive $0xFFFF;
	s2 =	simm.s32 @!p0 $0x1C04  }
0x207: {  	[timem:s3], [sflag:s2] =	dma.local @!p0 [hbm:s0], s1  }
0x208: {  	s0 =	simm.s32 @!p0 $0x4  }
0x209: {  	_ =	swait.ge @!p0 [sflag:s0], s1  }
0x20a: {  	s1 =	ssub.s32 @!p0 $0x0, s1;
	[sflag:s0] =	ssyncset.done @!p0 $0x0  }
0x20b: {  	[sflag:s0] =	ssyncadd.s32 @!p0 s1  }
0x20c: {  	[bflag:$0x3] =	sbarrier.arrive $0xFFFF  }
0x20d: {  	_ =	shalt  }

// kernel: kernel.8.cloned.1.call-start
scs
__scs_entry_jumppad:
0x0: {  	(pc) =	sbr.rel $0x88, $3  }
0x1: {  	(tag) =	ssettag $0x0;
	lr =	simm.s32 $0x1  }
0x2: {  	[smem:$0x3F9B] =	sst lr;
	_ =	strace $0xD0000000  }
0x3: {  	_ = 	snop  }
0x4: {  	_ = 	snop  }
0x5: {  	_ = 	snop  }
0x6: {  	_ = 	snop  }
0x7: {  	_ = 	snop  }
__scs_overlays_trampoline_lowered:
0x8: {  	[smem:$0x3FAA] =	sst s0  }
0x9: {  	[smem:$0x3FAB] =	sst s1  }
0xa: {  	[smem:$0x3FAC] =	sst s2  }
0xb: {  	[smem:$0x3FAD] =	sst s3  }
0xc: {  	[smem:$0x3FAE] =	sst s4  }
0xd: {  	[smem:$0x3FAF] =	sst s5  }
0xe: {  	[smem:$0x3FB0] =	sst s6  }
0xf: {  	[smem:$0x3FB1] =	sst s7  }
0x10: {  	[smem:$0x3FB2] =	sst s8  }
0x11: {  	[smem:$0x3FB3] =	sst s9;
	s0 =	simm.s32 @!p0 $0x0  }
0x12: {  	s1 =	sld [smem:$0x3F99];
	s0 =	simm.s32 @p0 $0x1  }
0x13: {  	[smem:$0x3FB4] =	sst s0;
	s0 =	simm.s32 @!p1 $0x0  }
0x14: {  	s2 =	sld [smem:$0x3F98];
	s0 =	simm.s32 @p1 $0x1  }
0x15: {  	[smem:$0x3FB5] =	sst s0;
	s0 =	simm.s32 @!p2 $0x0  }
0x16: {  	s3 =	sld [smem:$0x3FDB];
	s0 =	simm.s32 @p2 $0x1  }
0x17: {  	s4 =	simm.s32 $0x1BF5;
	[smem:$0x3FB7] =	sst s0  }
0x18: {  	s0 =	sld [smem:$0x3F9A];
	_ =	swait.ge [sflag:s4], $0x0  }
0x19: {  	s7 =	sld [smem:$0x3F9B]  }
0x1a: {  	s8 =	sadd.s32 $0xFFFFE003, lr  }
0x1b: {  	s9 =	sadd.s32 $0xFFFFFEF7, lr;
	s5 =	simm.s32 $0xFFFFFFFF;
	p2 =	slt.u32 s8, $0xFFFFF086  }
0x1c: {  	p1 =	slt.u32 s9, $0xF7A;
	s5 =	simm.s32 @!p2 $0x0  }
0x1d: {  	s5 =	simm.s32 @p1 $0x1;
	p0 =	seq.s32 s7, s2  }
0x1e: {  	s7 =	smul.u32 @!p0 $0xF7A, s2;
	p2 =	seq.s32 @!p0 s5, $0x0  }
0x1f: {  	s9 =	smul.u32 $0xF7A, s1;
	s8 =	simm.s32 @!p0 $0x1BF5;
	p2 =	por !p2, p0  }
0x20: {  	[sflag:s8] =	ssyncset.s32 @!p0 $0xFFFFF086;
	s6 =	sadd.s32 @!p0 s3, s7;
	s7 =	simm.s32 @!p0 $0x108  }
0x21: {  	s3 =	sadd.s32 s3, s9;
	s6 =	sadd.s32 @!p0 $0x88, s6;
	s7 =	simm.s32 @p2 $0x1082  }
0x22: {  	[simem:s7], [sflag:s8] =	dma.local @!p0 [hbm:s6], $0xF7A  }
0x23: {  	s9 =	sor.u32 $0xD0000000, s2;
	s6 =	simm.s32 $0x108;
	_ =	swait.ge @!p0 [sflag:s8], $0x0  }
0x24: {  	s3 =	sadd.s32 $0x88, s3;
	s6 =	simm.s32 @!p1 $0x1082;
	[sflag:s4] =	ssyncset.s32 $0xFFFFF086  }
0x25: {  	[simem:s6], [sflag:s4] =	dma.local [hbm:s3], $0xF7A  }
0x26: {  	[smem:$0x3F9B] =	sst s1;
	(tag) =	ssettag s2;
	_ =	strace s9  }
0x27: {  	s1 =	sld [smem:$0x3FAB]  }
0x28: {  	s2 =	sld [smem:$0x3FAC]  }
0x29: {  	s4 =	sld [smem:$0x3FAE]  }
0x2a: {  	p0 =	seq.s32 s5, $0x0;
	s5 =	sld [smem:$0x3FAF]  }
0x2b: {  	s6 =	sld [smem:$0x3FB0]  }
0x2c: {  	s7 =	sld [smem:$0x3FB1]  }
0x2d: {  	s3 =	simm.s32 $0x108;
	s8 =	sld [smem:$0x3FB2]  }
0x2e: {  	s3 =	simm.s32 @!p0 $0x1082;
	s9 =	sld [smem:$0x3FB3]  }
0x2f: {  	lr =	sadd.s32 s0, s3;
	s0 =	sld [smem:$0x3FAA]  }
0x30: {  	s3 =	sld [smem:$0x3FAD]  }
0x31: {  	[smem:$0x3FB6] =	sst s10  }
0x32: {  	s10 =	sld [smem:$0x3FB4];
	_ =	sdelay $0x3  }
0x33: {  	p0 =	seq.s32 s10, $0x1;
	s10 =	sld [smem:$0x3FB6];
	_ =	sdelay $0x3  }
0x34: {  	[smem:$0x3FB6] =	sst s10  }
0x35: {  	s10 =	sld [smem:$0x3FB5];
	_ =	sdelay $0x3  }
0x36: {  	p1 =	seq.s32 s10, $0x1;
	s10 =	sld [smem:$0x3FB6];
	_ =	sdelay $0x3  }
0x37: {  	[smem:$0x3FB6] =	sst s10  }
0x38: {  	s10 =	sld [smem:$0x3FB7]  }
0x39: {  	_ = 	snop;
	(pc) =	sbr.ind lr, $3  }
0x3a: {  	_ = 	snop  }
0x3b: {  	_ = 	snop  }
0x3c: {  	p2 =	seq.s32 s10, $0x1;
	s10 =	sld [smem:$0x3FB6]  }
0x3d: {  	_ =	shalt  }
0x3e: {  	_ =	shalt  }
0x3f: {  	_ =	shalt  }
0x40: {  	_ =	shalt  }
0x41: {  	_ =	shalt  }
0x42: {  	_ =	shalt  }
0x43: {  	_ =	shalt  }
0x44: {  	_ =	shalt  }
0x45: {  	_ =	shalt  }
0x46: {  	_ =	shalt  }
0x47: {  	_ =	shalt  }
0x48: {  	_ =	shalt  }
0x49: {  	_ =	shalt  }
0x4a: {  	_ =	shalt  }
0x4b: {  	_ =	shalt  }
0x4c: {  	_ =	shalt  }
0x4d: {  	_ =	shalt  }
0x4e: {  	_ =	shalt  }
0x4f: {  	_ =	shalt  }
0x50: {  	_ =	shalt  }
0x51: {  	_ =	shalt  }
0x52: {  	_ =	shalt  }
0x53: {  	_ =	shalt  }
0x54: {  	_ =	shalt  }
0x55: {  	_ =	shalt  }
0x56: {  	_ =	shalt  }
0x57: {  	_ =	shalt  }
0x58: {  	_ =	shalt  }
0x59: {  	_ =	shalt  }
0x5a: {  	_ =	shalt  }
0x5b: {  	_ =	shalt  }
0x5c: {  	_ =	shalt  }
0x5d: {  	_ =	shalt  }
0x5e: {  	_ =	shalt  }
0x5f: {  	_ =	shalt  }
0x60: {  	_ =	shalt  }
0x61: {  	_ =	shalt  }
0x62: {  	_ =	shalt  }
0x63: {  	_ =	shalt  }
0x64: {  	_ =	shalt  }
0x65: {  	_ =	shalt  }
0x66: {  	_ =	shalt  }
0x67: {  	_ =	shalt  }
0x68: {  	_ =	shalt  }
0x69: {  	_ =	shalt  }
0x6a: {  	_ =	shalt  }
0x6b: {  	_ =	shalt  }
0x6c: {  	_ =	shalt  }
0x6d: {  	_ =	shalt  }
0x6e: {  	_ =	shalt  }
0x6f: {  	_ =	shalt  }
0x70: {  	_ =	shalt  }
0x71: {  	_ =	shalt  }
0x72: {  	_ =	shalt  }
0x73: {  	_ =	shalt  }
0x74: {  	_ =	shalt  }
0x75: {  	_ =	shalt  }
0x76: {  	_ =	shalt  }
0x77: {  	_ =	shalt  }
0x78: {  	_ =	shalt  }
0x79: {  	_ =	shalt  }
0x7a: {  	_ =	shalt  }
0x7b: {  	_ =	shalt  }
0x7c: {  	_ =	shalt  }
0x7d: {  	_ =	shalt  }
0x7e: {  	_ =	shalt  }
0x7f: {  	_ =	shalt  }
0x80: {  	_ =	shalt  }
0x81: {  	_ =	shalt  }
0x82: {  	_ =	shalt  }
0x83: {  	_ =	shalt  }
0x84: {  	_ =	shalt  }
0x85: {  	_ =	shalt  }
0x86: {  	_ =	shalt  }
0x87: {  	_ =	shalt  }
.Lfunc_end0:
.L_simem_size_0:
called_computation_lowered:
.L_overlay_start_0:
0x88: {  	s2 =	sld [smem:$0x3FD9]  }
0x89: {  	s3 =	sld [smem:$0x3FFE];
	_ =	sdelay $0x1  }
0x8a: {  	s1 =	srdreg.scid  }
0x8b: {  	s0 =	sand.u32 $0x1, s1  }
0x8c: {  	s17 =	sshll.u32 s0, $0xA;
	s2 =	sadd.s32 s3, s2  }
0x8d: {  	s2 =	sadd.s32 s2, s17  }
0x8e: {  	[smem:$0x3FC2] =	sst s2  }
0x8f: {  	_ = 	snop  }
0x90: {  	s2 =	sld [smem:$0x3FD0];
	(tm) =	ssettm $0x1  }
0x91: {  	s18 =	sld [smem:$0x3FFB];
	_ =	sdelay $0x3  }
0x92: {  	_ =	strace s18  }
0x93: {  	s3 =	sld [smem:$0x3FFC];
	_ =	sdelay $0x3  }
0x94: {  	_ =	strace s3  }
0x95: {  	s3 =	sld [smem:$0x3FFD];
	_ =	sdelay $0x3  }
0x96: {  	_ =	strace s3  }
0x97: {  	_ =	strace $0x8FFFFFFF  }
0x98: {  	s19 =	sld [smem:$0x3FDB];
	_ =	sdelay $0x1  }
0x99: {  	s4 =	simm.s32 $_scs_section_size  }
0x9a: {  	s5 =	simm.s32 $_size__tile_overlayer_lowered;
	s6 =	simm.s32 $_tile_overlayer_lowered  }
0x9b: {  	s22 =	simm.s32 $0x1BFF;
	s21 =	sshll.u32 s6, $0x1;
	s3 =	sadd.s32 s4, s19  }
0x9c: {  	s7 =	simm.s32 $0x0;
	s20 =	sshll.u32 s5, $0x1;
	s5 =	sadd.s32 s21, s3  }
0x9d: {  	[timem:s7], [sflag:s22] =	dma.local [hbm:s5], s20  }
0x9e: {  	_ =	swait.ge [sflag:s22], s20  }
0x9f: {  	s4 =	ssub.s32 $0x0, s20;
	[sflag:s22] =	ssyncset.done $0x0  }
0xa0: {  	[sflag:s22] =	ssyncadd.s32 s4;
	_ =	sdelay $0x1  }
0xa1: {  	s23 =	simm.s32 $0x1B8B  }
0xa2: {  	_ =	swait.ge [sflag:s23], $0x1  }
0xa3: {  	[sflag:s23] =	ssyncset.done $0x0  }
0xa4: {  	s25 =	simm.s32 $0x1B8E;
	s24 =	sld [smem:$0x3FFE];
	[sflag:s23] =	ssyncadd.s32 $0xFFFFFFFF  }
0xa5: {  	s26 =	simm.s32 $execute0_lowered;
	[smem:$0x3FD2] =	sst s25  }
0xa6: {  	s5 =	sshll.u32 s26, $0x1;
	_ =	strace $0x80000046;
	[dreg:$0x1] =	wrdreg $0xFFFFFFFF  }
0xa7: {  	s28 =	simm.s32 $_size_execute0_lowered;
	s3 =	sadd.s32 s3, s5;
	[dreg:$0x0] =	wrdreg $0x0  }
0xa8: {  	s5 =	sshll.u32 s28, $0x1;
	[dreg:$0x2] =	wrdreg s3  }
0xa9: {  	[dreg:$0x3] =	wrdreg s5  }
0xaa: {  	[dreg:$0x4] =	wrdreg $0xC0  }
0xab: {  	_ =	task [dreg:s7], $0x5FFFF  }
0xac: {  	[dreg:$0x1] =	wrdreg $0xFFFFFFFF  }
0xad: {  	[dreg:$0x0] =	wrdreg $0x60  }
0xae: {  	[dreg:$0x2] =	wrdreg s2  }
0xaf: {  	[dreg:$0x3] =	wrdreg s24  }
0xb0: {  	[dreg:$0x4] =	wrdreg $0x68000  }
0xb1: {  	[dreg:$0x5] =	wrdreg $0x9  }
0xb2: {  	_ =	task.clear_ibuf [dreg:s7], $0x6FFFF;
	_ =	strace $0x90000046  }
0xb3: {  	s29 =	simm.s32 $0x9;
	_ =	strace $0x80000048  }
0xb4: {  	_ =	swait.ge [sflag:s29], $0x1  }
0xb5: {  	[sflag:s29] =	ssyncadd.s32 $0xFFFFFFFF  }
0xb6: {  	_ =	strace $0x90000048  }
0xb7: {  	_ =	sfence  }
0xb8: {  	s30 =	sld [smem:$0x0];
	_ =	sdelay $0x2  }
0xb9: {  	s31 =	sshll.u32 s1, $0xD;
	s1 =	sshrl.u32 s1, $0x2  }
0xba: {  	s3 =	sand.u32 $0x4000, s31;
	s1 =	sadd.s32 s1, s30  }
0xbb: {  	s0 =	sor.u32 s3, s0;
	s1 =	sshll.u32 s1, $0x11  }
0xbc: {  	s0 =	sor.u32 s1, s0  }
0xbd: {  	s0 =	sadd.s32 $0x8F2B, s0  }
0xbe: {  	[sflag:s0] =	ssyncadd.remote.s32 $0x1  }
0xbf: {  	_ =	sfence.sel $0xFFFF  }
0xc0: {  	[dreg:$0x0] =	wrdreg $0xFFFFFFFF;
	(pc) =	sbr.abs _section_cstart, $3  }
0xc1: {  	[dreg:$0x1] =	wrdreg $0xFFFFFFFF  }
0xc2: {  	_ =	task.clear_ibuf [dreg:s7], $0x2FFFF;
	_ =	strace $0x9FFFFFFF  }
0xc3: {  	(tm) =	ssettm $0x7FFFFFFF  }
tec
execute0_lowered:
.L_overlay_start_1:
0x0: {  	(tag) =	ssettag $0x1  }
0x1: {  	s5 =	rddreg [dreg:$0x0]  }
0x2: {  	s4 =	rddreg [dreg:$0x1]  }
0x3: {  	s1 =	rddreg [dreg:$0x2]  }
0x4: {  	s2 =	srdreg.scid;
	s0 =	rddreg [dreg:$0x3]  }
0x5: {  	s3 =	simm.s32 $0x0;
	s12 =	simm.s32 $0x1;
	s13 =	simm.s32 $0x2800  }
0x6: {  	s14 =	simm.s32 $0x80;
	s17 =	simm.s32 $0x0;
	s6 =	sand.u32 $0x1, s2  }
0x7: {  	s2 =	stileid.u32;
	[smem:$0x7FF] =	sst s3;
	s7 =	sshll.u32 s6, $0x4  }
0x8: {  	s8 =	smul.u32 $0x50000, s2;
	s6 =	ssub.s32 $0x2, s6;
	s7 =	sor.u32 s2, s7  }
0x9: {  	_ =	strace $0x80000047;
	s31 =	sshrl.u32 s6, $0x1;
	s9 =	smul.u32 $0x2800, s7  }
0xa: {  	s15 =	sshll.u32 s2, $0x6;
	s7 =	smul.u32 $0x500, s7;
	s11 =	ssub.s32 s6, s31  }
0xb: {  	s15 =	sor.u32 $0x1C01, s15;
	s8 =	sshrl.u32 s8, $0x2;
	s11 =	smax.u32 s11, $0x1  }
0xc: {  	s10 =	sadd.s32 s9, s4;
	s4 =	sadd.s32 s8, s1;
	s5 =	sadd.s32 s5, s7  }
0xd: {  	s6 =	sadd.s32 $0x4000, s4;
	s7 =	sadd.s32 $0x8000, s4;
	s8 =	sadd.s32 $0xC000, s4  }
0xe: {  	v0 =	vimm.f32 $0.0e+00;
	v1 =	vimm.f32 $1.000000000e+00;
	s9 =	sadd.s32 $0x10000, s4;
	s10 =	sadd.s32 $0x2800, s10;
	s16 =	sshrl.u32 s4, $0x3  }
.LBB2_1:
0xf: {  	[tilespmem:s3], [sflag:$0x1] =	stream.linear.gather [hbm4b:s5+s3], $0x2800, $0x38;
	[tilespmem:$0x1A800] =	vst v63  }
0x10: {  	_ =	swait.ge [sflag:s12], $0x2800  }
0x11: {  	[sflag:s12] =	ssyncset.done $0x0  }
0x12: {  	s18 =	simm.s32 $0x0;
	s19 =	simm.s32 $0x200;
	[sflag:s12] =	ssyncadd.s32 $0xFFFFD800  }
.LBB2_2:
0x13: {  	p0 =	sne.s32 s19, $0xFE00;
	[tilespmem:s18+$0x2870] =	vst v0  }
0x14: {  	[tilespmem:s18+$0x2800] =	vst v0  }
0x15: {  	[tilespmem:s18+$0x2810] =	vst v0  }
.Ltmp0:
0x16: {  	[tilespmem:s18+$0x2820] =	vst v0;
	(pc) =	sbr.rel @p0 .LBB2_2-.Ltmp0, $4  }
0x17: {  	[tilespmem:s18+$0x2830] =	vst v0  }
0x18: {  	[tilespmem:s18+$0x2840] =	vst v0  }
0x19: {  	[tilespmem:s18+$0x2850] =	vst v0  }
0x1a: {  	[tilespmem:s18+$0x2860] =	vst v0;
	s18 =	sshra.s32 s19, $0x2;
	s19 =	sadd.s32 $0x200, s19  }
0x1b: {  	[tilespmem:s18+$0x2870] =	vst v0  }
0x1c: {  	[tilespmem:s18+$0x2800] =	vst v0  }
0x1d: {  	[tilespmem:s18+$0x2810] =	vst v0  }
0x1e: {  	[tilespmem:s18+$0x2820] =	vst v0  }
0x1f: {  	[tilespmem:s18+$0x2830] =	vst v0  }
0x20: {  	[tilespmem:s18+$0x2840] =	vst v0  }
0x21: {  	[tilespmem:s18+$0x2850] =	vst v0  }
0x22: {  	[tilespmem:s18+$0x2860] =	vst v0  }
0x23: {  	[spmem:s4] =	stream.linear.scatter [tilespmem:s13], [sflag:$0x1], $0x4000, $0x38;
	[tilespmem:$0x1A800] =	vst v63  }
0x24: {  	_ =	swait.ge [sflag:s12], $0x4000  }
0x25: {  	[sflag:s12] =	ssyncset.done $0x0  }
0x26: {  	[sflag:s12] =	ssyncadd.s32 $0xFFFFC000  }
0x27: {  	[spmem:s6] =	stream.linear.scatter [tilespmem:s13], [sflag:$0x1], $0x4000, $0x38;
	[tilespmem:$0x1A800] =	vst v63  }
0x28: {  	_ =	swait.ge [sflag:s12], $0x4000  }
0x29: {  	[sflag:s12] =	ssyncset.done $0x0  }
0x2a: {  	[sflag:s12] =	ssyncadd.s32 $0xFFFFC000  }
0x2b: {  	[spmem:s7] =	stream.linear.scatter [tilespmem:s13], [sflag:$0x1], $0x4000, $0x38;
	[tilespmem:$0x1A800] =	vst v63  }
0x2c: {  	_ =	swait.ge [sflag:s12], $0x4000  }
0x2d: {  	[sflag:s12] =	ssyncset.done $0x0  }
0x2e: {  	[sflag:s12] =	ssyncadd.s32 $0xFFFFC000  }
0x2f: {  	[spmem:s8] =	stream.linear.scatter [tilespmem:s13], [sflag:$0x1], $0x4000, $0x38;
	[tilespmem:$0x1A800] =	vst v63  }
0x30: {  	_ =	swait.ge [sflag:s12], $0x4000  }
0x31: {  	[sflag:s12] =	ssyncset.done $0x0  }
0x32: {  	[sflag:s12] =	ssyncadd.s32 $0xFFFFC000  }
0x33: {  	[spmem:s9] =	stream.linear.scatter [tilespmem:s13], [sflag:$0x1], $0x4000, $0x38;
	[tilespmem:$0x1A800] =	vst v63  }
0x34: {  	_ =	swait.ge [sflag:s12], $0x4000  }
0x35: {  	[sflag:s12] =	ssyncset.done $0x0  }
0x36: {  	s18 =	simm.s32 $0x0;
	s19 =	simm.s32 $0x200;
	[sflag:s12] =	ssyncadd.s32 $0xFFFFC000  }
.LBB2_4:
0x37: {  	p0 =	sne.s32 s19, $0xFE00;
	[tilespmem:s18+$0x2870] =	vst v1  }
0x38: {  	[tilespmem:s18+$0x2800] =	vst v1  }
0x39: {  	[tilespmem:s18+$0x2810] =	vst v1  }
.Ltmp1:
0x3a: {  	[tilespmem:s18+$0x2820] =	vst v1;
	(pc) =	sbr.rel @p0 .LBB2_4-.Ltmp1, $4  }
0x3b: {  	[tilespmem:s18+$0x2830] =	vst v1  }
0x3c: {  	[tilespmem:s18+$0x2840] =	vst v1  }
0x3d: {  	[tilespmem:s18+$0x2850] =	vst v1  }
0x3e: {  	[tilespmem:s18+$0x2860] =	vst v1;
	s18 =	sshra.s32 s19, $0x2;
	s19 =	sadd.s32 $0x200, s19  }
0x3f: {  	[tilespmem:s18+$0x2870] =	vst v1  }
0x40: {  	[tilespmem:s18+$0x2800] =	vst v1  }
0x41: {  	[tilespmem:s18+$0x2810] =	vst v1  }
0x42: {  	[tilespmem:s18+$0x2820] =	vst v1  }
0x43: {  	[tilespmem:s18+$0x2830] =	vst v1  }
0x44: {  	[tilespmem:s18+$0x2840] =	vst v1  }
0x45: {  	[tilespmem:s18+$0x2850] =	vst v1  }
0x46: {  	[tilespmem:s18+$0x2860] =	vst v1  }
0x47: {  	s31 =	simm.s32 $0x0;
	[bflag:$0x0] =	sbarrier.arrive $0xFFFF  }
0x48: {  	[spmem:s1] =	stream.indirect.scatter.add.f32 [tilespmem:s13], [sflag:$0x1], $0x80, s31, s14, $0xb8;
	[tilespmem:$0x1A800] =	vst v63  }
0x49: {  	_ =	swait.ge [sflag:s12], $0x4000  }
0x4a: {  	s18 =	simm.s32 $0x200;
	[sflag:s12] =	ssyncset.done $0x0  }
.LBB2_6:
0x4b: {  	s19 =	sshra.s32 s18, $0x2;
	[sflag:s12] =	ssyncadd.s32 $0xFFFFC000;
	p0 =	sne.s32 s18, $0x9E00  }
0x4c: {  	[spmem:s1] =	stream.indirect.scatter.add.f32 [tilespmem:s13], [sflag:$0x1], $0x80, s19, s14, $0xb8;
	[tilespmem:$0x1A800] =	vst v63  }
.Ltmp2:
0x4d: {  	_ = 	snop;
	(pc) =	sbr.rel @p0 .LBB2_6-.Ltmp2, $4  }
0x4e: {  	_ = 	snop  }
0x4f: {  	s18 =	sadd.s32 $0x200, s18  }
0x50: {  	_ =	swait.ge [sflag:s12], $0x4000  }
0x51: {  	[sflag:s12] =	ssyncset.done $0x0  }
0x52: {  	s17 =	sadd.s32 $0x1, s17  }
0x53: {  	[sflag:s12] =	ssyncadd.s32 $0xFFFFC000;
	p0 =	sne.s32 s17, s11  }
.Ltmp3:
0x54: {  	[bflag:$0x0] =	sbarrier.arrive $0xFFFF;
	(pc) =	sbr.rel @p0 .LBB2_1-.Ltmp3, $4  }
0x55: {  	[hbm:s10], [sflag:s15] =	dma.local [spmem:s16], $0x2800  }
0x56: {  	_ =	swait.ge [sflag:s12], $0x2800  }
0x57: {  	[sflag:s12] =	ssyncset.done $0x0  }
0x58: {  	[sflag:s12] =	ssyncadd.s32 $0xFFFFD800  }
0x59: {  	_ =	sfence.sel $0x180000  }
0x5a: {  	[bflag:$0x0] =	sbarrier.arrive $0xFFFF  }
0x5b: {  	p0 =	sne.s32 s2, $0x0;
	_ =	strace $0x90000047  }
0x5c: {  	s0 =	sadd.s32 @!p0 $0x100000, s0;
	[bflag:$0x2] =	sbarrier.arrive $0xFFFF  }
0x5d: {  	[sflag:s0] =	ssyncadd.tile.s32 @!p0 $0x1;
	_ =	shalt  }
.Lfunc_end2:
_tile_overlayer_lowered:
.L_overlay_start_2:
0x5e: {  	(tag) =	ssettag $0x2  }
0x5f: {  	s0 =	rddreg [dreg:$0x0];
	s2 =	stileid.u32  }
0x60: {  	s1 =	rddreg [dreg:$0x1];
	p0 =	sne.s32 s2, $0x0  }
0x61: {  	s3 =	rddreg [dreg:$0x2];
	[bflag:$0x3] =	sbarrier.arrive $0xFFFF;
	s2 =	simm.s32 @!p0 $0x1C01  }
0x62: {  	[timem:s3], [sflag:s2] =	dma.local @!p0 [hbm:s0], s1  }
0x63: {  	s0 =	simm.s32 @!p0 $0x1  }
0x64: {  	_ =	swait.ge @!p0 [sflag:s0], s1  }
0x65: {  	s1 =	ssub.s32 @!p0 $0x0, s1;
	[sflag:s0] =	ssyncset.done @!p0 $0x0  }
0x66: {  	[sflag:s0] =	ssyncadd.s32 @!p0 s1  }
0x67: {  	[bflag:$0x3] =	sbarrier.arrive $0xFFFF  }
0x68: {  	_ =	shalt  }

</sc_bundles>
